<compile_context>
chip_gen: v7x
topology: tpu7x:2x2x1
jax: 0.10.2.dev20260603
libtpu: 0.0.44.dev20260713+nightly
codegen_flags: <defaults>
</compile_context>

<pallas_src>
import functools

import jax
import jax.numpy as jnp
from jax import lax
from jax.experimental import pallas as pl
from jax.experimental.pallas import tpu as pltpu
from jax.experimental.pallas import tpu_sc as plsc

NUM_EMBEDDINGS = 1000000
EMBEDDING_DIM = 32
BATCH = 16384
HIST = 50

_NC = 2
_NS = 16
_NW = _NC * _NS
_RPW = BATCH // _NW

_RC = 32
_NCH = _RPW // _RC
_NBUF = 2


@jax.jit
def _impl(x, embs):
    @functools.partial(
        pl.kernel,
        mesh=plsc.VectorSubcoreMesh(core_axis_name="c", subcore_axis_name="s"),
        out_type=jax.ShapeDtypeStruct((BATCH, HIST, EMBEDDING_DIM),
                                      jnp.float32),
        scratch_types=(
            [pltpu.VMEM((_RC, HIST), jnp.int32)] * _NBUF
            + [pltpu.VMEM((_RC, HIST, EMBEDDING_DIM), jnp.float32)] * _NBUF
            + [pltpu.SemaphoreType.DMA] * (3 * _NBUF)
        ),
        compiler_params=pltpu.CompilerParams(use_tc_tiling_on_sc=False),
    )
    def kg(x_hbm, table_hbm, out_hbm, i0, i1, r0, r1,
           si0, si1, sg0, sg1, sw0, sw1):
        idxv, rows = [i0, i1], [r0, r1]
        si, sg, sw = [si0, si1], [sg0, sg1], [sw0, sw1]
        w = lax.axis_index("s") * _NC + lax.axis_index("c")
        base = w * _RPW

        def idx_copy(t, b):
            return pltpu.make_async_copy(
                x_hbm.at[pl.ds(base + t * _RC, _RC), :], idxv[b], si[b])

        def gather_start(b):
            for i in range(_RC):
                pltpu.make_async_copy(
                    table_hbm.at[idxv[b].at[i]], rows[b].at[i], sg[b]).start()

        def gather_wait(b):
            for i in range(_RC):
                pltpu.make_async_copy(
                    table_hbm.at[idxv[b].at[i]], rows[b].at[i], sg[b]).wait()

        def wb_copy(t, b):
            return pltpu.make_async_copy(
                rows[b], out_hbm.at[pl.ds(base + t * _RC, _RC)], sw[b])

        for b in range(_NBUF):
            idx_copy(b, b).start()
        for b in range(_NBUF):
            idx_copy(b, b).wait()
            gather_start(b)

        def body(j, carry):
            for b in range(_NBUF):
                t = j * _NBUF + b
                gather_wait(b)
                wb_copy(t, b).start()
                idx_copy(t + _NBUF, b).start()
                idx_copy(t + _NBUF, b).wait()
                wb_copy(t, b).wait()
                gather_start(b)
            return carry

        lax.fori_loop(0, (_NCH - _NBUF) // _NBUF, body, 0)

        for b in range(_NBUF):
            t = _NCH - _NBUF + b
            gather_wait(b)
            wb_copy(t, b).start()
        for b in range(_NBUF):
            t = _NCH - _NBUF + b
            wb_copy(t, b).wait()

    return kg(x, embs)


def kernel(x, embs):
    return _impl(x, embs)

# --- scband reference (transcript-rebuilt; emitter-appended) ---
"""Pipeline reference for scband-embedding-10634339025519 (READ-ONLY COPY).

The authoritative reference and input builder live on the scoring server;
editing this copy changes nothing except your own understanding.
"""

import jax, jax.numpy as jnp
import numpy as np

NUM_EMBEDDINGS = 1000000
EMBEDDING_DIM = 32
BATCH = 16384
HIST = 50

def setup_inputs(seed: int = 0) -> dict:
    key = jax.random.key(seed)
    k_idx, k_emb = jax.random.split(key)
    x = jax.random.randint(k_idx, (BATCH, HIST), 0, NUM_EMBEDDINGS, dtype=jnp.int64 if jax.config.jax_enable_x64 else jnp.int32)
    # trunc_normal init (mean=0, std=1, a=-3, b=3) approximated via clipped normal
    embs = jnp.clip(jax.random.normal(k_emb, (NUM_EMBEDDINGS, EMBEDDING_DIM), dtype=jnp.float32), -3.0, 3.0)
    return {"x": x, "embs": embs}

def reference(x, embs):
    # embs[x] -> gather rows
    return jnp.take(embs, x, axis=0)

if __name__ == "__main__":
    import jax
    _d = setup_inputs()
    print(jax.jit(kernel)(*tuple(_d.values())))

</pallas_src>

<mosaic_0001>
#map = affine_map<(d0, d1) -> (0, 0)>
#map1 = affine_map<(d0, d1) -> (0, 0, 0)>
module attributes {stable_mosaic.version = 14 : i64} {
  func.func @kg(%arg0: i32, %arg1: i32, %arg2: memref<16384x50xi32, #tpu.memory_space<hbm>>, %arg3: memref<1000000x32xf32, #tpu.memory_space<hbm>>, %arg4: memref<16384x50x32xf32, #tpu.memory_space<hbm>>, %arg5: memref<32x50xi32, #tpu.memory_space<vmem>>, %arg6: memref<32x50xi32, #tpu.memory_space<vmem>>, %arg7: memref<32x50x32xf32, #tpu.memory_space<vmem>>, %arg8: memref<32x50x32xf32, #tpu.memory_space<vmem>>, %arg9: memref<!tpu.dma_semaphore, #tpu.memory_space<semaphore_mem>>, %arg10: memref<!tpu.dma_semaphore, #tpu.memory_space<semaphore_mem>>, %arg11: memref<!tpu.dma_semaphore, #tpu.memory_space<semaphore_mem>>, %arg12: memref<!tpu.dma_semaphore, #tpu.memory_space<semaphore_mem>>, %arg13: memref<!tpu.dma_semaphore, #tpu.memory_space<semaphore_mem>>, %arg14: memref<!tpu.dma_semaphore, #tpu.memory_space<semaphore_mem>>) attributes {dimension_semantics = [#tpu.dimension_semantics<core_parallel>, #tpu.dimension_semantics<subcore_parallel>], iteration_bounds = array<i64: 2, 16>, scalar_prefetch = 0 : i64, scratch_operands = 10 : i64, tpu.core_type = #tpu.core_type<sc_vector_subcore>, window_params = [{transform_indices = #map}, {transform_indices = #map}, {transform_indices = #map1}]} {
    %mul3A = arith.constant 2 : i32
    %mul3A_0 = arith.muli %arg1, %mul3A : i32
    %add3A = arith.addi %mul3A_0, %arg0 : i32
    %mul3A_1 = arith.constant 512 : i32
    %mul3A_2 = arith.muli %add3A, %mul3A_1 : i32
    %add3A_3 = arith.constant 0 : i32
    %add3A_4 = arith.addi %mul3A_2, %add3A_3 : i32
    %dma_start3A = arith.constant 0 : i32
    %dma_start3A_5 = tpu.memref_slice %arg2[%add3A_4, %dma_start3A] : memref<16384x50xi32, #tpu.memory_space<hbm>> -> memref<32x50xi32, #tpu.memory_space<hbm>>
    %dma_start3A_6 = arith.constant 0 : i32
    %dma_start3A_7 = tpu.memref_slice %arg2[%add3A_4, %dma_start3A_6] : memref<16384x50xi32, #tpu.memory_space<hbm>> -> memref<32x50xi32, #tpu.memory_space<hbm>>
    tpu.enqueue_dma source(%dma_start3A_7 : memref<32x50xi32, #tpu.memory_space<hbm>>) target(%arg5 : memref<32x50xi32, #tpu.memory_space<vmem>>) target_semaphore(%arg9 : memref<!tpu.dma_semaphore, #tpu.memory_space<semaphore_mem>>)
    %add3A_8 = arith.constant 32 : i32
    %add3A_9 = arith.addi %mul3A_2, %add3A_8 : i32
    %dma_start3A_10 = arith.constant 0 : i32
    %dma_start3A_11 = tpu.memref_slice %arg2[%add3A_9, %dma_start3A_10] : memref<16384x50xi32, #tpu.memory_space<hbm>> -> memref<32x50xi32, #tpu.memory_space<hbm>>
    %dma_start3A_12 = arith.constant 0 : i32
    %dma_start3A_13 = tpu.memref_slice %arg2[%add3A_9, %dma_start3A_12] : memref<16384x50xi32, #tpu.memory_space<hbm>> -> memref<32x50xi32, #tpu.memory_space<hbm>>
    tpu.enqueue_dma source(%dma_start3A_13 : memref<32x50xi32, #tpu.memory_space<hbm>>) target(%arg6 : memref<32x50xi32, #tpu.memory_space<vmem>>) target_semaphore(%arg10 : memref<!tpu.dma_semaphore, #tpu.memory_space<semaphore_mem>>)
    %add3A_14 = arith.constant 0 : i32
    %add3A_15 = arith.addi %mul3A_2, %add3A_14 : i32
    %dma_wait3A = arith.constant 0 : i32
    %dma_wait3A_16 = tpu.memref_slice %arg2[%add3A_15, %dma_wait3A] : memref<16384x50xi32, #tpu.memory_space<hbm>> -> memref<32x50xi32, #tpu.memory_space<hbm>>
    %dma_wait3A_17 = arith.constant 0 : i32
    %dma_wait3A_18 = tpu.memref_slice %arg2[%add3A_15, %dma_wait3A_17] : memref<16384x50xi32, #tpu.memory_space<hbm>> -> memref<32x50xi32, #tpu.memory_space<hbm>>
    tpu.wait_dma2 semaphore(%arg9 : memref<!tpu.dma_semaphore, #tpu.memory_space<semaphore_mem>>) src(%dma_wait3A_18 : memref<32x50xi32, #tpu.memory_space<hbm>>) dst(%arg5 : memref<32x50xi32, #tpu.memory_space<vmem>>)
    %dma_start3A_19 = arith.constant 0 : i32
    %dma_start3A_20 = arith.constant 0 : i32
    %dma_start3A_21 = arith.constant 0 : i32
    %dma_start3A_22 = arith.constant 0 : i32
    %dma_start3A_23 = tpu.memref_slice %arg7[%dma_start3A_20, %dma_start3A_21, %dma_start3A_22] : memref<32x50x32xf32, #tpu.memory_space<vmem>> -> memref<1x50x32xf32, #tpu.memory_space<vmem>>
    %dma_start3A_24 = tpu.memref_squeeze %dma_start3A_23 : memref<1x50x32xf32, #tpu.memory_space<vmem>> -> memref<50x32xf32, #tpu.memory_space<vmem>>
    %dma_start3A_25 = arith.constant 0 : i32
    %dma_start3A_26 = tpu.memref_slice %arg5[%dma_start3A_19, %dma_start3A_25] : memref<32x50xi32, #tpu.memory_space<vmem>> -> memref<1x50xi32, #tpu.memory_space<vmem>>
    %dma_start3A_27 = tpu.memref_squeeze %dma_start3A_26 : memref<1x50xi32, #tpu.memory_space<vmem>> -> memref<50xi32, #tpu.memory_space<vmem>>
    %dma_start3A_28 = arith.constant 0 : i32
    %dma_start3A_29 = arith.constant 0 : i32
    %dma_start3A_30 = tpu.memref_slice %arg3[%dma_start3A_28, %dma_start3A_29] : memref<1000000x32xf32, #tpu.memory_space<hbm>> -> memref<1000000x32xf32, #tpu.memory_space<hbm>>
    tpu.enqueue_indirect_dma source(%dma_start3A_30 : memref<1000000x32xf32, #tpu.memory_space<hbm>>) target(%dma_start3A_24 : memref<50x32xf32, #tpu.memory_space<vmem>>) offsets(%dma_start3A_27 : memref<50xi32, #tpu.memory_space<vmem>>) semaphore(%arg11 : memref<!tpu.dma_semaphore, #tpu.memory_space<semaphore_mem>>)
    %dma_start3A_31 = arith.constant 1 : i32
    %dma_start3A_32 = arith.constant 1 : i32
    %dma_start3A_33 = arith.constant 0 : i32
    %dma_start3A_34 = arith.constant 0 : i32
    %dma_start3A_35 = tpu.memref_slice %arg7[%dma_start3A_32, %dma_start3A_33, %dma_start3A_34] : memref<32x50x32xf32, #tpu.memory_space<vmem>> -> memref<1x50x32xf32, #tpu.memory_space<vmem>>
    %dma_start3A_36 = tpu.memref_squeeze %dma_start3A_35 : memref<1x50x32xf32, #tpu.memory_space<vmem>> -> memref<50x32xf32, #tpu.memory_space<vmem>>
    %dma_start3A_37 = arith.constant 0 : i32
    %dma_start3A_38 = tpu.memref_slice %arg5[%dma_start3A_31, %dma_start3A_37] : memref<32x50xi32, #tpu.memory_space<vmem>> -> memref<1x50xi32, #tpu.memory_space<vmem>>
    %dma_start3A_39 = tpu.memref_squeeze %dma_start3A_38 : memref<1x50xi32, #tpu.memory_space<vmem>> -> memref<50xi32, #tpu.memory_space<vmem>>
    %dma_start3A_40 = arith.constant 0 : i32
    %dma_start3A_41 = arith.constant 0 : i32
    %dma_start3A_42 = tpu.memref_slice %arg3[%dma_start3A_40, %dma_start3A_41] : memref<1000000x32xf32, #tpu.memory_space<hbm>> -> memref<1000000x32xf32, #tpu.memory_space<hbm>>
    tpu.enqueue_indirect_dma source(%dma_start3A_42 : memref<1000000x32xf32, #tpu.memory_space<hbm>>) target(%dma_start3A_36 : memref<50x32xf32, #tpu.memory_space<vmem>>) offsets(%dma_start3A_39 : memref<50xi32, #tpu.memory_space<vmem>>) semaphore(%arg11 : memref<!tpu.dma_semaphore, #tpu.memory_space<semaphore_mem>>)
    %dma_start3A_43 = arith.constant 2 : i32
    %dma_start3A_44 = arith.constant 2 : i32
    %dma_start3A_45 = arith.constant 0 : i32
    %dma_start3A_46 = arith.constant 0 : i32
    %dma_start3A_47 = tpu.memref_slice %arg7[%dma_start3A_44, %dma_start3A_45, %dma_start3A_46] : memref<32x50x32xf32, #tpu.memory_space<vmem>> -> memref<1x50x32xf32, #tpu.memory_space<vmem>>
    %dma_start3A_48 = tpu.memref_squeeze %dma_start3A_47 : memref<1x50x32xf32, #tpu.memory_space<vmem>> -> memref<50x32xf32, #tpu.memory_space<vmem>>
    %dma_start3A_49 = arith.constant 0 : i32
    %dma_start3A_50 = tpu.memref_slice %arg5[%dma_start3A_43, %dma_start3A_49] : memref<32x50xi32, #tpu.memory_space<vmem>> -> memref<1x50xi32, #tpu.memory_space<vmem>>
    %dma_start3A_51 = tpu.memref_squeeze %dma_start3A_50 : memref<1x50xi32, #tpu.memory_space<vmem>> -> memref<50xi32, #tpu.memory_space<vmem>>
    %dma_start3A_52 = arith.constant 0 : i32
    %dma_start3A_53 = arith.constant 0 : i32
    %dma_start3A_54 = tpu.memref_slice %arg3[%dma_start3A_52, %dma_start3A_53] : memref<1000000x32xf32, #tpu.memory_space<hbm>> -> memref<1000000x32xf32, #tpu.memory_space<hbm>>
    tpu.enqueue_indirect_dma source(%dma_start3A_54 : memref<1000000x32xf32, #tpu.memory_space<hbm>>) target(%dma_start3A_48 : memref<50x32xf32, #tpu.memory_space<vmem>>) offsets(%dma_start3A_51 : memref<50xi32, #tpu.memory_space<vmem>>) semaphore(%arg11 : memref<!tpu.dma_semaphore, #tpu.memory_space<semaphore_mem>>)
    %dma_start3A_55 = arith.constant 3 : i32
    %dma_start3A_56 = arith.constant 3 : i32
    %dma_start3A_57 = arith.constant 0 : i32
    %dma_start3A_58 = arith.constant 0 : i32
    %dma_start3A_59 = tpu.memref_slice %arg7[%dma_start3A_56, %dma_start3A_57, %dma_start3A_58] : memref<32x50x32xf32, #tpu.memory_space<vmem>> -> memref<1x50x32xf32, #tpu.memory_space<vmem>>
    %dma_start3A_60 = tpu.memref_squeeze %dma_start3A_59 : memref<1x50x32xf32, #tpu.memory_space<vmem>> -> memref<50x32xf32, #tpu.memory_space<vmem>>
    %dma_start3A_61 = arith.constant 0 : i32
    %dma_start3A_62 = tpu.memref_slice %arg5[%dma_start3A_55, %dma_start3A_61] : memref<32x50xi32, #tpu.memory_space<vmem>> -> memref<1x50xi32, #tpu.memory_space<vmem>>
    %dma_start3A_63 = tpu.memref_squeeze %dma_start3A_62 : memref<1x50xi32, #tpu.memory_space<vmem>> -> memref<50xi32, #tpu.memory_space<vmem>>
    %dma_start3A_64 = arith.constant 0 : i32
    %dma_start3A_65 = arith.constant 0 : i32
    %dma_start3A_66 = tpu.memref_slice %arg3[%dma_start3A_64, %dma_start3A_65] : memref<1000000x32xf32, #tpu.memory_space<hbm>> -> memref<1000000x32xf32, #tpu.memory_space<hbm>>
    tpu.enqueue_indirect_dma source(%dma_start3A_66 : memref<1000000x32xf32, #tpu.memory_space<hbm>>) target(%dma_start3A_60 : memref<50x32xf32, #tpu.memory_space<vmem>>) offsets(%dma_start3A_63 : memref<50xi32, #tpu.memory_space<vmem>>) semaphore(%arg11 : memref<!tpu.dma_semaphore, #tpu.memory_space<semaphore_mem>>)
    %dma_start3A_67 = arith.constant 4 : i32
    %dma_start3A_68 = arith.constant 4 : i32
    %dma_start3A_69 = arith.constant 0 : i32
    %dma_start3A_70 = arith.constant 0 : i32
    %dma_start3A_71 = tpu.memref_slice %arg7[%dma_start3A_68, %dma_start3A_69, %dma_start3A_70] : memref<32x50x32xf32, #tpu.memory_space<vmem>> -> memref<1x50x32xf32, #tpu.memory_space<vmem>>
    %dma_start3A_72 = tpu.memref_squeeze %dma_start3A_71 : memref<1x50x32xf32, #tpu.memory_space<vmem>> -> memref<50x32xf32, #tpu.memory_space<vmem>>
    %dma_start3A_73 = arith.constant 0 : i32
    %dma_start3A_74 = tpu.memref_slice %arg5[%dma_start3A_67, %dma_start3A_73] : memref<32x50xi32, #tpu.memory_space<vmem>> -> memref<1x50xi32, #tpu.memory_space<vmem>>
    %dma_start3A_75 = tpu.memref_squeeze %dma_start3A_74 : memref<1x50xi32, #tpu.memory_space<vmem>> -> memref<50xi32, #tpu.memory_space<vmem>>
    %dma_start3A_76 = arith.constant 0 : i32
    %dma_start3A_77 = arith.constant 0 : i32
    %dma_start3A_78 = tpu.memref_slice %arg3[%dma_start3A_76, %dma_start3A_77] : memref<1000000x32xf32, #tpu.memory_space<hbm>> -> memref<1000000x32xf32, #tpu.memory_space<hbm>>
    tpu.enqueue_indirect_dma source(%dma_start3A_78 : memref<1000000x32xf32, #tpu.memory_space<hbm>>) target(%dma_start3A_72 : memref<50x32xf32, #tpu.memory_space<vmem>>) offsets(%dma_start3A_75 : memref<50xi32, #tpu.memory_space<vmem>>) semaphore(%arg11 : memref<!tpu.dma_semaphore, #tpu.memory_space<semaphore_mem>>)
    %dma_start3A_79 = arith.constant 5 : i32
    %dma_start3A_80 = arith.constant 5 : i32
    %dma_start3A_81 = arith.constant 0 : i32
    %dma_start3A_82 = arith.constant 0 : i32
    %dma_start3A_83 = tpu.memref_slice %arg7[%dma_start3A_80, %dma_start3A_81, %dma_start3A_82] : memref<32x50x32xf32, #tpu.memory_space<vmem>> -> memref<1x50x32xf32, #tpu.memory_space<vmem>>
    %dma_start3A_84 = tpu.memref_squeeze %dma_start3A_83 : memref<1x50x32xf32, #tpu.memory_space<vmem>> -> memref<50x32xf32, #tpu.memory_space<vmem>>
    %dma_start3A_85 = arith.constant 0 : i32
    %dma_start3A_86 = tpu.memref_slice %arg5[%dma_start3A_79, %dma_start3A_85] : memref<32x50xi32, #tpu.memory_space<vmem>> -> memref<1x50xi32, #tpu.memory_space<vmem>>
    %dma_start3A_87 = tpu.memref_squeeze %dma_start3A_86 : memref<1x50xi32, #tpu.memory_space<vmem>> -> memref<50xi32, #tpu.memory_space<vmem>>
    %dma_start3A_88 = arith.constant 0 : i32
    %dma_start3A_89 = arith.constant 0 : i32
    %dma_start3A_90 = tpu.memref_slice %arg3[%dma_start3A_88, %dma_start3A_89] : memref<1000000x32xf32, #tpu.memory_space<hbm>> -> memref<1000000x32xf32, #tpu.memory_space<hbm>>
    tpu.enqueue_indirect_dma source(%dma_start3A_90 : memref<1000000x32xf32, #tpu.memory_space<hbm>>) target(%dma_start3A_84 : memref<50x32xf32, #tpu.memory_space<vmem>>) offsets(%dma_start3A_87 : memref<50xi32, #tpu.memory_space<vmem>>) semaphore(%arg11 : memref<!tpu.dma_semaphore, #tpu.memory_space<semaphore_mem>>)
    %dma_start3A_91 = arith.constant 6 : i32
    %dma_start3A_92 = arith.constant 6 : i32
    %dma_start3A_93 = arith.constant 0 : i32
    %dma_start3A_94 = arith.constant 0 : i32
    %dma_start3A_95 = tpu.memref_slice %arg7[%dma_start3A_92, %dma_start3A_93, %dma_start3A_94] : memref<32x50x32xf32, #tpu.memory_space<vmem>> -> memref<1x50x32xf32, #tpu.memory_space<vmem>>
    %dma_start3A_96 = tpu.memref_squeeze %dma_start3A_95 : memref<1x50x32xf32, #tpu.memory_space<vmem>> -> memref<50x32xf32, #tpu.memory_space<vmem>>
    %dma_start3A_97 = arith.constant 0 : i32
    %dma_start3A_98 = tpu.memref_slice %arg5[%dma_start3A_91, %dma_start3A_97] : memref<32x50xi32, #tpu.memory_space<vmem>> -> memref<1x50xi32, #tpu.memory_space<vmem>>
    %dma_start3A_99 = tpu.memref_squeeze %dma_start3A_98 : memref<1x50xi32, #tpu.memory_space<vmem>> -> memref<50xi32, #tpu.memory_space<vmem>>
    %dma_start3A_100 = arith.constant 0 : i32
    %dma_start3A_101 = arith.constant 0 : i32
    %dma_start3A_102 = tpu.memref_slice %arg3[%dma_start3A_100, %dma_start3A_101] : memref<1000000x32xf32, #tpu.memory_space<hbm>> -> memref<1000000x32xf32, #tpu.memory_space<hbm>>
    tpu.enqueue_indirect_dma source(%dma_start3A_102 : memref<1000000x32xf32, #tpu.memory_space<hbm>>) target(%dma_start3A_96 : memref<50x32xf32, #tpu.memory_space<vmem>>) offsets(%dma_start3A_99 : memref<50xi32, #tpu.memory_space<vmem>>) semaphore(%arg11 : memref<!tpu.dma_semaphore, #tpu.memory_space<semaphore_mem>>)
    %dma_start3A_103 = arith.constant 7 : i32
    %dma_start3A_104 = arith.constant 7 : i32
    %dma_start3A_105 = arith.constant 0 : i32
    %dma_start3A_106 = arith.constant 0 : i32
    %dma_start3A_107 = tpu.memref_slice %arg7[%dma_start3A_104, %dma_start3A_105, %dma_start3A_106] : memref<32x50x32xf32, #tpu.memory_space<vmem>> -> memref<1x50x32xf32, #tpu.memory_space<vmem>>
    %dma_start3A_108 = tpu.memref_squeeze %dma_start3A_107 : memref<1x50x32xf32, #tpu.memory_space<vmem>> -> memref<50x32xf32, #tpu.memory_space<vmem>>
    %dma_start3A_109 = arith.constant 0 : i32
    %dma_start3A_110 = tpu.memref_slice %arg5[%dma_start3A_103, %dma_start3A_109] : memref<32x50xi32, #tpu.memory_space<vmem>> -> memref<1x50xi32, #tpu.memory_space<vmem>>
    %dma_start3A_111 = tpu.memref_squeeze %dma_start3A_110 : memref<1x50xi32, #tpu.memory_space<vmem>> -> memref<50xi32, #tpu.memory_space<vmem>>
    %dma_start3A_112 = arith.constant 0 : i32
    %dma_start3A_113 = arith.constant 0 : i32
    %dma_start3A_114 = tpu.memref_slice %arg3[%dma_start3A_112, %dma_start3A_113] : memref<1000000x32xf32, #tpu.memory_space<hbm>> -> memref<1000000x32xf32, #tpu.memory_space<hbm>>
    tpu.enqueue_indirect_dma source(%dma_start3A_114 : memref<1000000x32xf32, #tpu.memory_space<hbm>>) target(%dma_start3A_108 : memref<50x32xf32, #tpu.memory_space<vmem>>) offsets(%dma_start3A_111 : memref<50xi32, #tpu.memory_space<vmem>>) semaphore(%arg11 : memref<!tpu.dma_semaphore, #tpu.memory_space<semaphore_mem>>)
    %dma_start3A_115 = arith.constant 8 : i32
    %dma_start3A_116 = arith.constant 8 : i32
    %dma_start3A_117 = arith.constant 0 : i32
    %dma_start3A_118 = arith.constant 0 : i32
    %dma_start3A_119 = tpu.memref_slice %arg7[%dma_start3A_116, %dma_start3A_117, %dma_start3A_118] : memref<32x50x32xf32, #tpu.memory_space<vmem>> -> memref<1x50x32xf32, #tpu.memory_space<vmem>>
    %dma_start3A_120 = tpu.memref_squeeze %dma_start3A_119 : memref<1x50x32xf32, #tpu.memory_space<vmem>> -> memref<50x32xf32, #tpu.memory_space<vmem>>
    %dma_start3A_121 = arith.constant 0 : i32
    %dma_start3A_122 = tpu.memref_slice %arg5[%dma_start3A_115, %dma_start3A_121] : memref<32x50xi32, #tpu.memory_space<vmem>> -> memref<1x50xi32, #tpu.memory_space<vmem>>
    %dma_start3A_123 = tpu.memref_squeeze %dma_start3A_122 : memref<1x50xi32, #tpu.memory_space<vmem>> -> memref<50xi32, #tpu.memory_space<vmem>>
    %dma_start3A_124 = arith.constant 0 : i32
    %dma_start3A_125 = arith.constant 0 : i32
    %dma_start3A_126 = tpu.memref_slice %arg3[%dma_start3A_124, %dma_start3A_125] : memref<1000000x32xf32, #tpu.memory_space<hbm>> -> memref<1000000x32xf32, #tpu.memory_space<hbm>>
    tpu.enqueue_indirect_dma source(%dma_start3A_126 : memref<1000000x32xf32, #tpu.memory_space<hbm>>) target(%dma_start3A_120 : memref<50x32xf32, #tpu.memory_space<vmem>>) offsets(%dma_start3A_123 : memref<50xi32, #tpu.memory_space<vmem>>) semaphore(%arg11 : memref<!tpu.dma_semaphore, #tpu.memory_space<semaphore_mem>>)
    %dma_start3A_127 = arith.constant 9 : i32
    %dma_start3A_128 = arith.constant 9 : i32
    %dma_start3A_129 = arith.constant 0 : i32
    %dma_start3A_130 = arith.constant 0 : i32
    %dma_start3A_131 = tpu.memref_slice %arg7[%dma_start3A_128, %dma_start3A_129, %dma_start3A_130] : memref<32x50x32xf32, #tpu.memory_space<vmem>> -> memref<1x50x32xf32, #tpu.memory_space<vmem>>
    %dma_start3A_132 = tpu.memref_squeeze %dma_start3A_131 : memref<1x50x32xf32, #tpu.memory_space<vmem>> -> memref<50x32xf32, #tpu.memory_space<vmem>>
    %dma_start3A_133 = arith.constant 0 : i32
    %dma_start3A_134 = tpu.memref_slice %arg5[%dma_start3A_127, %dma_start3A_133] : memref<32x50xi32, #tpu.memory_space<vmem>> -> memref<1x50xi32, #tpu.memory_space<vmem>>
    %dma_start3A_135 = tpu.memref_squeeze %dma_start3A_134 : memref<1x50xi32, #tpu.memory_space<vmem>> -> memref<50xi32, #tpu.memory_space<vmem>>
    %dma_start3A_136 = arith.constant 0 : i32
    %dma_start3A_137 = arith.constant 0 : i32
    %dma_start3A_138 = tpu.memref_slice %arg3[%dma_start3A_136, %dma_start3A_137] : memref<1000000x32xf32, #tpu.memory_space<hbm>> -> memref<1000000x32xf32, #tpu.memory_space<hbm>>
    tpu.enqueue_indirect_dma source(%dma_start3A_138 : memref<1000000x32xf32, #tpu.memory_space<hbm>>) target(%dma_start3A_132 : memref<50x32xf32, #tpu.memory_space<vmem>>) offsets(%dma_start3A_135 : memref<50xi32, #tpu.memory_space<vmem>>) semaphore(%arg11 : memref<!tpu.dma_semaphore, #tpu.memory_space<semaphore_mem>>)
    %dma_start3A_139 = arith.constant 10 : i32
    %dma_start3A_140 = arith.constant 10 : i32
    %dma_start3A_141 = arith.constant 0 : i32
    %dma_start3A_142 = arith.constant 0 : i32
    %dma_start3A_143 = tpu.memref_slice %arg7[%dma_start3A_140, %dma_start3A_141, %dma_start3A_142] : memref<32x50x32xf32, #tpu.memory_space<vmem>> -> memref<1x50x32xf32, #tpu.memory_space<vmem>>
    %dma_start3A_144 = tpu.memref_squeeze %dma_start3A_143 : memref<1x50x32xf32, #tpu.memory_space<vmem>> -> memref<50x32xf32, #tpu.memory_space<vmem>>
    %dma_start3A_145 = arith.constant 0 : i32
    %dma_start3A_146 = tpu.memref_slice %arg5[%dma_start3A_139, %dma_start3A_145] : memref<32x50xi32, #tpu.memory_space<vmem>> -> memref<1x50xi32, #tpu.memory_space<vmem>>
    %dma_start3A_147 = tpu.memref_squeeze %dma_start3A_146 : memref<1x50xi32, #tpu.memory_space<vmem>> -> memref<50xi32, #tpu.memory_space<vmem>>
    %dma_start3A_148 = arith.constant 0 : i32
    %dma_start3A_149 = arith.constant 0 : i32
    %dma_start3A_150 = tpu.memref_slice %arg3[%dma_start3A_148, %dma_start3A_149] : memref<1000000x32xf32, #tpu.memory_space<hbm>> -> memref<1000000x32xf32, #tpu.memory_space<hbm>>
    tpu.enqueue_indirect_dma source(%dma_start3A_150 : memref<1000000x32xf32, #tpu.memory_space<hbm>>) target(%dma_start3A_144 : memref<50x32xf32, #tpu.memory_space<vmem>>) offsets(%dma_start3A_147 : memref<50xi32, #tpu.memory_space<vmem>>) semaphore(%arg11 : memref<!tpu.dma_semaphore, #tpu.memory_space<semaphore_mem>>)
    %dma_start3A_151 = arith.constant 11 : i32
    %dma_start3A_152 = arith.constant 11 : i32
    %dma_start3A_153 = arith.constant 0 : i32
    %dma_start3A_154 = arith.constant 0 : i32
    %dma_start3A_155 = tpu.memref_slice %arg7[%dma_start3A_152, %dma_start3A_153, %dma_start3A_154] : memref<32x50x32xf32, #tpu.memory_space<vmem>> -> memref<1x50x32xf32, #tpu.memory_space<vmem>>
    %dma_start3A_156 = tpu.memref_squeeze %dma_start3A_155 : memref<1x50x32xf32, #tpu.memory_space<vmem>> -> memref<50x32xf32, #tpu.memory_space<vmem>>
    %dma_start3A_157 = arith.constant 0 : i32
    %dma_start3A_158 = tpu.memref_slice %arg5[%dma_start3A_151, %dma_start3A_157] : memref<32x50xi32, #tpu.memory_space<vmem>> -> memref<1x50xi32, #tpu.memory_space<vmem>>
    %dma_start3A_159 = tpu.memref_squeeze %dma_start3A_158 : memref<1x50xi32, #tpu.memory_space<vmem>> -> memref<50xi32, #tpu.memory_space<vmem>>
    %dma_start3A_160 = arith.constant 0 : i32
    %dma_start3A_161 = arith.constant 0 : i32
    %dma_start3A_162 = tpu.memref_slice %arg3[%dma_start3A_160, %dma_start3A_161] : memref<1000000x32xf32, #tpu.memory_space<hbm>> -> memref<1000000x32xf32, #tpu.memory_space<hbm>>
    tpu.enqueue_indirect_dma source(%dma_start3A_162 : memref<1000000x32xf32, #tpu.memory_space<hbm>>) target(%dma_start3A_156 : memref<50x32xf32, #tpu.memory_space<vmem>>) offsets(%dma_start3A_159 : memref<50xi32, #tpu.memory_space<vmem>>) semaphore(%arg11 : memref<!tpu.dma_semaphore, #tpu.memory_space<semaphore_mem>>)
    %dma_start3A_163 = arith.constant 12 : i32
    %dma_start3A_164 = arith.constant 12 : i32
    %dma_start3A_165 = arith.constant 0 : i32
    %dma_start3A_166 = arith.constant 0 : i32
    %dma_start3A_167 = tpu.memref_slice %arg7[%dma_start3A_164, %dma_start3A_165, %dma_start3A_166] : memref<32x50x32xf32, #tpu.memory_space<vmem>> -> memref<1x50x32xf32, #tpu.memory_space<vmem>>
    %dma_start3A_168 = tpu.memref_squeeze %dma_start3A_167 : memref<1x50x32xf32, #tpu.memory_space<vmem>> -> memref<50x32xf32, #tpu.memory_space<vmem>>
    %dma_start3A_169 = arith.constant 0 : i32
    %dma_start3A_170 = tpu.memref_slice %arg5[%dma_start3A_163, %dma_start3A_169] : memref<32x50xi32, #tpu.memory_space<vmem>> -> memref<1x50xi32, #tpu.memory_space<vmem>>
    %dma_start3A_171 = tpu.memref_squeeze %dma_start3A_170 : memref<1x50xi32, #tpu.memory_space<vmem>> -> memref<50xi32, #tpu.memory_space<vmem>>
    %dma_start3A_172 = arith.constant 0 : i32
    %dma_start3A_173 = arith.constant 0 : i32
    %dma_start3A_174 = tpu.memref_slice %arg3[%dma_start3A_172, %dma_start3A_173] : memref<1000000x32xf32, #tpu.memory_space<hbm>> -> memref<1000000x32xf32, #tpu.memory_space<hbm>>
    tpu.enqueue_indirect_dma source(%dma_start3A_174 : memref<1000000x32xf32, #tpu.memory_space<hbm>>) target(%dma_start3A_168 : memref<50x32xf32, #tpu.memory_space<vmem>>) offsets(%dma_start3A_171 : memref<50xi32, #tpu.memory_space<vmem>>) semaphore(%arg11 : memref<!tpu.dma_semaphore, #tpu.memory_space<semaphore_mem>>)
    %dma_start3A_175 = arith.constant 13 : i32
    %dma_start3A_176 = arith.constant 13 : i32
    %dma_start3A_177 = arith.constant 0 : i32
    %dma_start3A_178 = arith.constant 0 : i32
    %dma_start3A_179 = tpu.memref_slice %arg7[%dma_start3A_176, %dma_start3A_177, %dma_start3A_178] : memref<32x50x32xf32, #tpu.memory_space<vmem>> -> memref<1x50x32xf32, #tpu.memory_space<vmem>>
    %dma_start3A_180 = tpu.memref_squeeze %dma_start3A_179 : memref<1x50x32xf32, #tpu.memory_space<vmem>> -> memref<50x32xf32, #tpu.memory_space<vmem>>
    %dma_start3A_181 = arith.constant 0 : i32
    %dma_start3A_182 = tpu.memref_slice %arg5[%dma_start3A_175, %dma_start3A_181] : memref<32x50xi32, #tpu.memory_space<vmem>> -> memref<1x50xi32, #tpu.memory_space<vmem>>
    %dma_start3A_183 = tpu.memref_squeeze %dma_start3A_182 : memref<1x50xi32, #tpu.memory_space<vmem>> -> memref<50xi32, #tpu.memory_space<vmem>>
    %dma_start3A_184 = arith.constant 0 : i32
    %dma_start3A_185 = arith.constant 0 : i32
    %dma_start3A_186 = tpu.memref_slice %arg3[%dma_start3A_184, %dma_start3A_185] : memref<1000000x32xf32, #tpu.memory_space<hbm>> -> memref<1000000x32xf32, #tpu.memory_space<hbm>>
    tpu.enqueue_indirect_dma source(%dma_start3A_186 : memref<1000000x32xf32, #tpu.memory_space<hbm>>) target(%dma_start3A_180 : memref<50x32xf32, #tpu.memory_space<vmem>>) offsets(%dma_start3A_183 : memref<50xi32, #tpu.memory_space<vmem>>) semaphore(%arg11 : memref<!tpu.dma_semaphore, #tpu.memory_space<semaphore_mem>>)
    %dma_start3A_187 = arith.constant 14 : i32
    %dma_start3A_188 = arith.constant 14 : i32
    %dma_start3A_189 = arith.constant 0 : i32
    %dma_start3A_190 = arith.constant 0 : i32
    %dma_start3A_191 = tpu.memref_slice %arg7[%dma_start3A_188, %dma_start3A_189, %dma_start3A_190] : memref<32x50x32xf32, #tpu.memory_space<vmem>> -> memref<1x50x32xf32, #tpu.memory_space<vmem>>
    %dma_start3A_192 = tpu.memref_squeeze %dma_start3A_191 : memref<1x50x32xf32, #tpu.memory_space<vmem>> -> memref<50x32xf32, #tpu.memory_space<vmem>>
    %dma_start3A_193 = arith.constant 0 : i32
    %dma_start3A_194 = tpu.memref_slice %arg5[%dma_start3A_187, %dma_start3A_193] : memref<32x50xi32, #tpu.memory_space<vmem>> -> memref<1x50xi32, #tpu.memory_space<vmem>>
    %dma_start3A_195 = tpu.memref_squeeze %dma_start3A_194 : memref<1x50xi32, #tpu.memory_space<vmem>> -> memref<50xi32, #tpu.memory_space<vmem>>
    %dma_start3A_196 = arith.constant 0 : i32
    %dma_start3A_197 = arith.constant 0 : i32
    %dma_start3A_198 = tpu.memref_slice %arg3[%dma_start3A_196, %dma_start3A_197] : memref<1000000x32xf32, #tpu.memory_space<hbm>> -> memref<1000000x32xf32, #tpu.memory_space<hbm>>
    tpu.enqueue_indirect_dma source(%dma_start3A_198 : memref<1000000x32xf32, #tpu.memory_space<hbm>>) target(%dma_start3A_192 : memref<50x32xf32, #tpu.memory_space<vmem>>) offsets(%dma_start3A_195 : memref<50xi32, #tpu.memory_space<vmem>>) semaphore(%arg11 : memref<!tpu.dma_semaphore, #tpu.memory_space<semaphore_mem>>)
    %dma_start3A_199 = arith.constant 15 : i32
    %dma_start3A_200 = arith.constant 15 : i32
    %dma_start3A_201 = arith.constant 0 : i32
    %dma_start3A_202 = arith.constant 0 : i32
    %dma_start3A_203 = tpu.memref_slice %arg7[%dma_start3A_200, %dma_start3A_201, %dma_start3A_202] : memref<32x50x32xf32, #tpu.memory_space<vmem>> -> memref<1x50x32xf32, #tpu.memory_space<vmem>>
    %dma_start3A_204 = tpu.memref_squeeze %dma_start3A_203 : memref<1x50x32xf32, #tpu.memory_space<vmem>> -> memref<50x32xf32, #tpu.memory_space<vmem>>
    %dma_start3A_205 = arith.constant 0 : i32
    %dma_start3A_206 = tpu.memref_slice %arg5[%dma_start3A_199, %dma_start3A_205] : memref<32x50xi32, #tpu.memory_space<vmem>> -> memref<1x50xi32, #tpu.memory_space<vmem>>
    %dma_start3A_207 = tpu.memref_squeeze %dma_start3A_206 : memref<1x50xi32, #tpu.memory_space<vmem>> -> memref<50xi32, #tpu.memory_space<vmem>>
    %dma_start3A_208 = arith.constant 0 : i32
    %dma_start3A_209 = arith.constant 0 : i32
    %dma_start3A_210 = tpu.memref_slice %arg3[%dma_start3A_208, %dma_start3A_209] : memref<1000000x32xf32, #tpu.memory_space<hbm>> -> memref<1000000x32xf32, #tpu.memory_space<hbm>>
    tpu.enqueue_indirect_dma source(%dma_start3A_210 : memref<1000000x32xf32, #tpu.memory_space<hbm>>) target(%dma_start3A_204 : memref<50x32xf32, #tpu.memory_space<vmem>>) offsets(%dma_start3A_207 : memref<50xi32, #tpu.memory_space<vmem>>) semaphore(%arg11 : memref<!tpu.dma_semaphore, #tpu.memory_space<semaphore_mem>>)
    %dma_start3A_211 = arith.constant 16 : i32
    %dma_start3A_212 = arith.constant 16 : i32
    %dma_start3A_213 = arith.constant 0 : i32
    %dma_start3A_214 = arith.constant 0 : i32
    %dma_start3A_215 = tpu.memref_slice %arg7[%dma_start3A_212, %dma_start3A_213, %dma_start3A_214] : memref<32x50x32xf32, #tpu.memory_space<vmem>> -> memref<1x50x32xf32, #tpu.memory_space<vmem>>
    %dma_start3A_216 = tpu.memref_squeeze %dma_start3A_215 : memref<1x50x32xf32, #tpu.memory_space<vmem>> -> memref<50x32xf32, #tpu.memory_space<vmem>>
    %dma_start3A_217 = arith.constant 0 : i32
    %dma_start3A_218 = tpu.memref_slice %arg5[%dma_start3A_211, %dma_start3A_217] : memref<32x50xi32, #tpu.memory_space<vmem>> -> memref<1x50xi32, #tpu.memory_space<vmem>>
    %dma_start3A_219 = tpu.memref_squeeze %dma_start3A_218 : memref<1x50xi32, #tpu.memory_space<vmem>> -> memref<50xi32, #tpu.memory_space<vmem>>
    %dma_start3A_220 = arith.constant 0 : i32
    %dma_start3A_221 = arith.constant 0 : i32
    %dma_start3A_222 = tpu.memref_slice %arg3[%dma_start3A_220, %dma_start3A_221] : memref<1000000x32xf32, #tpu.memory_space<hbm>> -> memref<1000000x32xf32, #tpu.memory_space<hbm>>
    tpu.enqueue_indirect_dma source(%dma_start3A_222 : memref<1000000x32xf32, #tpu.memory_space<hbm>>) target(%dma_start3A_216 : memref<50x32xf32, #tpu.memory_space<vmem>>) offsets(%dma_start3A_219 : memref<50xi32, #tpu.memory_space<vmem>>) semaphore(%arg11 : memref<!tpu.dma_semaphore, #tpu.memory_space<semaphore_mem>>)
    %dma_start3A_223 = arith.constant 17 : i32
    %dma_start3A_224 = arith.constant 17 : i32
    %dma_start3A_225 = arith.constant 0 : i32
    %dma_start3A_226 = arith.constant 0 : i32
    %dma_start3A_227 = tpu.memref_slice %arg7[%dma_start3A_224, %dma_start3A_225, %dma_start3A_226] : memref<32x50x32xf32, #tpu.memory_space<vmem>> -> memref<1x50x32xf32, #tpu.memory_space<vmem>>
    %dma_start3A_228 = tpu.memref_squeeze %dma_start3A_227 : memref<1x50x32xf32, #tpu.memory_space<vmem>> -> memref<50x32xf32, #tpu.memory_space<vmem>>
    %dma_start3A_229 = arith.constant 0 : i32
    %dma_start3A_230 = tpu.memref_slice %arg5[%dma_start3A_223, %dma_start3A_229] : memref<32x50xi32, #tpu.memory_space<vmem>> -> memref<1x50xi32, #tpu.memory_space<vmem>>
    %dma_start3A_231 = tpu.memref_squeeze %dma_start3A_230 : memref<1x50xi32, #tpu.memory_space<vmem>> -> memref<50xi32, #tpu.memory_space<vmem>>
    %dma_start3A_232 = arith.constant 0 : i32
    %dma_start3A_233 = arith.constant 0 : i32
    %dma_start3A_234 = tpu.memref_slice %arg3[%dma_start3A_232, %dma_start3A_233] : memref<1000000x32xf32, #tpu.memory_space<hbm>> -> memref<1000000x32xf32, #tpu.memory_space<hbm>>
    tpu.enqueue_indirect_dma source(%dma_start3A_234 : memref<1000000x32xf32, #tpu.memory_space<hbm>>) target(%dma_start3A_228 : memref<50x32xf32, #tpu.memory_space<vmem>>) offsets(%dma_start3A_231 : memref<50xi32, #tpu.memory_space<vmem>>) semaphore(%arg11 : memref<!tpu.dma_semaphore, #tpu.memory_space<semaphore_mem>>)
    %dma_start3A_235 = arith.constant 18 : i32
    %dma_start3A_236 = arith.constant 18 : i32
    %dma_start3A_237 = arith.constant 0 : i32
    %dma_start3A_238 = arith.constant 0 : i32
    %dma_start3A_239 = tpu.memref_slice %arg7[%dma_start3A_236, %dma_start3A_237, %dma_start3A_238] : memref<32x50x32xf32, #tpu.memory_space<vmem>> -> memref<1x50x32xf32, #tpu.memory_space<vmem>>
    %dma_start3A_240 = tpu.memref_squeeze %dma_start3A_239 : memref<1x50x32xf32, #tpu.memory_space<vmem>> -> memref<50x32xf32, #tpu.memory_space<vmem>>
    %dma_start3A_241 = arith.constant 0 : i32
    %dma_start3A_242 = tpu.memref_slice %arg5[%dma_start3A_235, %dma_start3A_241] : memref<32x50xi32, #tpu.memory_space<vmem>> -> memref<1x50xi32, #tpu.memory_space<vmem>>
    %dma_start3A_243 = tpu.memref_squeeze %dma_start3A_242 : memref<1x50xi32, #tpu.memory_space<vmem>> -> memref<50xi32, #tpu.memory_space<vmem>>
    %dma_start3A_244 = arith.constant 0 : i32
    %dma_start3A_245 = arith.constant 0 : i32
    %dma_start3A_246 = tpu.memref_slice %arg3[%dma_start3A_244, %dma_start3A_245] : memref<1000000x32xf32, #tpu.memory_space<hbm>> -> memref<1000000x32xf32, #tpu.memory_space<hbm>>
    tpu.enqueue_indirect_dma source(%dma_start3A_246 : memref<1000000x32xf32, #tpu.memory_space<hbm>>) target(%dma_start3A_240 : memref<50x32xf32, #tpu.memory_space<vmem>>) offsets(%dma_start3A_243 : memref<50xi32, #tpu.memory_space<vmem>>) semaphore(%arg11 : memref<!tpu.dma_semaphore, #tpu.memory_space<semaphore_mem>>)
    %dma_start3A_247 = arith.constant 19 : i32
    %dma_start3A_248 = arith.constant 19 : i32
    %dma_start3A_249 = arith.constant 0 : i32
    %dma_start3A_250 = arith.constant 0 : i32
    %dma_start3A_251 = tpu.memref_slice %arg7[%dma_start3A_248, %dma_start3A_249, %dma_start3A_250] : memref<32x50x32xf32, #tpu.memory_space<vmem>> -> memref<1x50x32xf32, #tpu.memory_space<vmem>>
    %dma_start3A_252 = tpu.memref_squeeze %dma_start3A_251 : memref<1x50x32xf32, #tpu.memory_space<vmem>> -> memref<50x32xf32, #tpu.memory_space<vmem>>
    %dma_start3A_253 = arith.constant 0 : i32
    %dma_start3A_254 = tpu.memref_slice %arg5[%dma_start3A_247, %dma_start3A_253] : memref<32x50xi32, #tpu.memory_space<vmem>> -> memref<1x50xi32, #tpu.memory_space<vmem>>
    %dma_start3A_255 = tpu.memref_squeeze %dma_start3A_254 : memref<1x50xi32, #tpu.memory_space<vmem>> -> memref<50xi32, #tpu.memory_space<vmem>>
    %dma_start3A_256 = arith.constant 0 : i32
    %dma_start3A_257 = arith.constant 0 : i32
    %dma_start3A_258 = tpu.memref_slice %arg3[%dma_start3A_256, %dma_start3A_257] : memref<1000000x32xf32, #tpu.memory_space<hbm>> -> memref<1000000x32xf32, #tpu.memory_space<hbm>>
    tpu.enqueue_indirect_dma source(%dma_start3A_258 : memref<1000000x32xf32, #tpu.memory_space<hbm>>) target(%dma_start3A_252 : memref<50x32xf32, #tpu.memory_space<vmem>>) offsets(%dma_start3A_255 : memref<50xi32, #tpu.memory_space<vmem>>) semaphore(%arg11 : memref<!tpu.dma_semaphore, #tpu.memory_space<semaphore_mem>>)
    %dma_start3A_259 = arith.constant 20 : i32
    %dma_start3A_260 = arith.constant 20 : i32
    %dma_start3A_261 = arith.constant 0 : i32
    %dma_start3A_262 = arith.constant 0 : i32
    %dma_start3A_263 = tpu.memref_slice %arg7[%dma_start3A_260, %dma_start3A_261, %dma_start3A_262] : memref<32x50x32xf32, #tpu.memory_space<vmem>> -> memref<1x50x32xf32, #tpu.memory_space<vmem>>
    %dma_start3A_264 = tpu.memref_squeeze %dma_start3A_263 : memref<1x50x32xf32, #tpu.memory_space<vmem>> -> memref<50x32xf32, #tpu.memory_space<vmem>>
    %dma_start3A_265 = arith.constant 0 : i32
    %dma_start3A_266 = tpu.memref_slice %arg5[%dma_start3A_259, %dma_start3A_265] : memref<32x50xi32, #tpu.memory_space<vmem>> -> memref<1x50xi32, #tpu.memory_space<vmem>>
    %dma_start3A_267 = tpu.memref_squeeze %dma_start3A_266 : memref<1x50xi32, #tpu.memory_space<vmem>> -> memref<50xi32, #tpu.memory_space<vmem>>
    %dma_start3A_268 = arith.constant 0 : i32
    %dma_start3A_269 = arith.constant 0 : i32
    %dma_start3A_270 = tpu.memref_slice %arg3[%dma_start3A_268, %dma_start3A_269] : memref<1000000x32xf32, #tpu.memory_space<hbm>> -> memref<1000000x32xf32, #tpu.memory_space<hbm>>
    tpu.enqueue_indirect_dma source(%dma_start3A_270 : memref<1000000x32xf32, #tpu.memory_space<hbm>>) target(%dma_start3A_264 : memref<50x32xf32, #tpu.memory_space<vmem>>) offsets(%dma_start3A_267 : memref<50xi32, #tpu.memory_space<vmem>>) semaphore(%arg11 : memref<!tpu.dma_semaphore, #tpu.memory_space<semaphore_mem>>)
    %dma_start3A_271 = arith.constant 21 : i32
    %dma_start3A_272 = arith.constant 21 : i32
    %dma_start3A_273 = arith.constant 0 : i32
    %dma_start3A_274 = arith.constant 0 : i32
    %dma_start3A_275 = tpu.memref_slice %arg7[%dma_start3A_272, %dma_start3A_273, %dma_start3A_274] : memref<32x50x32xf32, #tpu.memory_space<vmem>> -> memref<1x50x32xf32, #tpu.memory_space<vmem>>
    %dma_start3A_276 = tpu.memref_squeeze %dma_start3A_275 : memref<1x50x32xf32, #tpu.memory_space<vmem>> -> memref<50x32xf32, #tpu.memory_space<vmem>>
    %dma_start3A_277 = arith.constant 0 : i32
    %dma_start3A_278 = tpu.memref_slice %arg5[%dma_start3A_271, %dma_start3A_277] : memref<32x50xi32, #tpu.memory_space<vmem>> -> memref<1x50xi32, #tpu.memory_space<vmem>>
    %dma_start3A_279 = tpu.memref_squeeze %dma_start3A_278 : memref<1x50xi32, #tpu.memory_space<vmem>> -> memref<50xi32, #tpu.memory_space<vmem>>
    %dma_start3A_280 = arith.constant 0 : i32
    %dma_start3A_281 = arith.constant 0 : i32
    %dma_start3A_282 = tpu.memref_slice %arg3[%dma_start3A_280, %dma_start3A_281] : memref<1000000x32xf32, #tpu.memory_space<hbm>> -> memref<1000000x32xf32, #tpu.memory_space<hbm>>
    tpu.enqueue_indirect_dma source(%dma_start3A_282 : memref<1000000x32xf32, #tpu.memory_space<hbm>>) target(%dma_start3A_276 : memref<50x32xf32, #tpu.memory_space<vmem>>) offsets(%dma_start3A_279 : memref<50xi32, #tpu.memory_space<vmem>>) semaphore(%arg11 : memref<!tpu.dma_semaphore, #tpu.memory_space<semaphore_mem>>)
    %dma_start3A_283 = arith.constant 22 : i32
    %dma_start3A_284 = arith.constant 22 : i32
    %dma_start3A_285 = arith.constant 0 : i32
    %dma_start3A_286 = arith.constant 0 : i32
    %dma_start3A_287 = tpu.memref_slice %arg7[%dma_start3A_284, %dma_start3A_285, %dma_start3A_286] : memref<32x50x32xf32, #tpu.memory_space<vmem>> -> memref<1x50x32xf32, #tpu.memory_space<vmem>>
    %dma_start3A_288 = tpu.memref_squeeze %dma_start3A_287 : memref<1x50x32xf32, #tpu.memory_space<vmem>> -> memref<50x32xf32, #tpu.memory_space<vmem>>
    %dma_start3A_289 = arith.constant 0 : i32
    %dma_start3A_290 = tpu.memref_slice %arg5[%dma_start3A_283, %dma_start3A_289] : memref<32x50xi32, #tpu.memory_space<vmem>> -> memref<1x50xi32, #tpu.memory_space<vmem>>
    %dma_start3A_291 = tpu.memref_squeeze %dma_start3A_290 : memref<1x50xi32, #tpu.memory_space<vmem>> -> memref<50xi32, #tpu.memory_space<vmem>>
    %dma_start3A_292 = arith.constant 0 : i32
    %dma_start3A_293 = arith.constant 0 : i32
    %dma_start3A_294 = tpu.memref_slice %arg3[%dma_start3A_292, %dma_start3A_293] : memref<1000000x32xf32, #tpu.memory_space<hbm>> -> memref<1000000x32xf32, #tpu.memory_space<hbm>>
    tpu.enqueue_indirect_dma source(%dma_start3A_294 : memref<1000000x32xf32, #tpu.memory_space<hbm>>) target(%dma_start3A_288 : memref<50x32xf32, #tpu.memory_space<vmem>>) offsets(%dma_start3A_291 : memref<50xi32, #tpu.memory_space<vmem>>) semaphore(%arg11 : memref<!tpu.dma_semaphore, #tpu.memory_space<semaphore_mem>>)
    %dma_start3A_295 = arith.constant 23 : i32
    %dma_start3A_296 = arith.constant 23 : i32
    %dma_start3A_297 = arith.constant 0 : i32
    %dma_start3A_298 = arith.constant 0 : i32
    %dma_start3A_299 = tpu.memref_slice %arg7[%dma_start3A_296, %dma_start3A_297, %dma_start3A_298] : memref<32x50x32xf32, #tpu.memory_space<vmem>> -> memref<1x50x32xf32, #tpu.memory_space<vmem>>
    %dma_start3A_300 = tpu.memref_squeeze %dma_start3A_299 : memref<1x50x32xf32, #tpu.memory_space<vmem>> -> memref<50x32xf32, #tpu.memory_space<vmem>>
    %dma_start3A_301 = arith.constant 0 : i32
    %dma_start3A_302 = tpu.memref_slice %arg5[%dma_start3A_295, %dma_start3A_301] : memref<32x50xi32, #tpu.memory_space<vmem>> -> memref<1x50xi32, #tpu.memory_space<vmem>>
    %dma_start3A_303 = tpu.memref_squeeze %dma_start3A_302 : memref<1x50xi32, #tpu.memory_space<vmem>> -> memref<50xi32, #tpu.memory_space<vmem>>
    %dma_start3A_304 = arith.constant 0 : i32
    %dma_start3A_305 = arith.constant 0 : i32
    %dma_start3A_306 = tpu.memref_slice %arg3[%dma_start3A_304, %dma_start3A_305] : memref<1000000x32xf32, #tpu.memory_space<hbm>> -> memref<1000000x32xf32, #tpu.memory_space<hbm>>
    tpu.enqueue_indirect_dma source(%dma_start3A_306 : memref<1000000x32xf32, #tpu.memory_space<hbm>>) target(%dma_start3A_300 : memref<50x32xf32, #tpu.memory_space<vmem>>) offsets(%dma_start3A_303 : memref<50xi32, #tpu.memory_space<vmem>>) semaphore(%arg11 : memref<!tpu.dma_semaphore, #tpu.memory_space<semaphore_mem>>)
    %dma_start3A_307 = arith.constant 24 : i32
    %dma_start3A_308 = arith.constant 24 : i32
    %dma_start3A_309 = arith.constant 0 : i32
    %dma_start3A_310 = arith.constant 0 : i32
    %dma_start3A_311 = tpu.memref_slice %arg7[%dma_start3A_308, %dma_start3A_309, %dma_start3A_310] : memref<32x50x32xf32, #tpu.memory_space<vmem>> -> memref<1x50x32xf32, #tpu.memory_space<vmem>>
    %dma_start3A_312 = tpu.memref_squeeze %dma_start3A_311 : memref<1x50x32xf32, #tpu.memory_space<vmem>> -> memref<50x32xf32, #tpu.memory_space<vmem>>
    %dma_start3A_313 = arith.constant 0 : i32
    %dma_start3A_314 = tpu.memref_slice %arg5[%dma_start3A_307, %dma_start3A_313] : memref<32x50xi32, #tpu.memory_space<vmem>> -> memref<1x50xi32, #tpu.memory_space<vmem>>
    %dma_start3A_315 = tpu.memref_squeeze %dma_start3A_314 : memref<1x50xi32, #tpu.memory_space<vmem>> -> memref<50xi32, #tpu.memory_space<vmem>>
    %dma_start3A_316 = arith.constant 0 : i32
    %dma_start3A_317 = arith.constant 0 : i32
    %dma_start3A_318 = tpu.memref_slice %arg3[%dma_start3A_316, %dma_start3A_317] : memref<1000000x32xf32, #tpu.memory_space<hbm>> -> memref<1000000x32xf32, #tpu.memory_space<hbm>>
    tpu.enqueue_indirect_dma source(%dma_start3A_318 : memref<1000000x32xf32, #tpu.memory_space<hbm>>) target(%dma_start3A_312 : memref<50x32xf32, #tpu.memory_space<vmem>>) offsets(%dma_start3A_315 : memref<50xi32, #tpu.memory_space<vmem>>) semaphore(%arg11 : memref<!tpu.dma_semaphore, #tpu.memory_space<semaphore_mem>>)
    %dma_start3A_319 = arith.constant 25 : i32
    %dma_start3A_320 = arith.constant 25 : i32
    %dma_start3A_321 = arith.constant 0 : i32
    %dma_start3A_322 = arith.constant 0 : i32
    %dma_start3A_323 = tpu.memref_slice %arg7[%dma_start3A_320, %dma_start3A_321, %dma_start3A_322] : memref<32x50x32xf32, #tpu.memory_space<vmem>> -> memref<1x50x32xf32, #tpu.memory_space<vmem>>
    %dma_start3A_324 = tpu.memref_squeeze %dma_start3A_323 : memref<1x50x32xf32, #tpu.memory_space<vmem>> -> memref<50x32xf32, #tpu.memory_space<vmem>>
    %dma_start3A_325 = arith.constant 0 : i32
    %dma_start3A_326 = tpu.memref_slice %arg5[%dma_start3A_319, %dma_start3A_325] : memref<32x50xi32, #tpu.memory_space<vmem>> -> memref<1x50xi32, #tpu.memory_space<vmem>>
    %dma_start3A_327 = tpu.memref_squeeze %dma_start3A_326 : memref<1x50xi32, #tpu.memory_space<vmem>> -> memref<50xi32, #tpu.memory_space<vmem>>
    %dma_start3A_328 = arith.constant 0 : i32
    %dma_start3A_329 = arith.constant 0 : i32
    %dma_start3A_330 = tpu.memref_slice %arg3[%dma_start3A_328, %dma_start3A_329] : memref<1000000x32xf32, #tpu.memory_space<hbm>> -> memref<1000000x32xf32, #tpu.memory_space<hbm>>
    tpu.enqueue_indirect_dma source(%dma_start3A_330 : memref<1000000x32xf32, #tpu.memory_space<hbm>>) target(%dma_start3A_324 : memref<50x32xf32, #tpu.memory_space<vmem>>) offsets(%dma_start3A_327 : memref<50xi32, #tpu.memory_space<vmem>>) semaphore(%arg11 : memref<!tpu.dma_semaphore, #tpu.memory_space<semaphore_mem>>)
    %dma_start3A_331 = arith.constant 26 : i32
    %dma_start3A_332 = arith.constant 26 : i32
    %dma_start3A_333 = arith.constant 0 : i32
    %dma_start3A_334 = arith.constant 0 : i32
    %dma_start3A_335 = tpu.memref_slice %arg7[%dma_start3A_332, %dma_start3A_333, %dma_start3A_334] : memref<32x50x32xf32, #tpu.memory_space<vmem>> -> memref<1x50x32xf32, #tpu.memory_space<vmem>>
    %dma_start3A_336 = tpu.memref_squeeze %dma_start3A_335 : memref<1x50x32xf32, #tpu.memory_space<vmem>> -> memref<50x32xf32, #tpu.memory_space<vmem>>
    %dma_start3A_337 = arith.constant 0 : i32
    %dma_start3A_338 = tpu.memref_slice %arg5[%dma_start3A_331, %dma_start3A_337] : memref<32x50xi32, #tpu.memory_space<vmem>> -> memref<1x50xi32, #tpu.memory_space<vmem>>
    %dma_start3A_339 = tpu.memref_squeeze %dma_start3A_338 : memref<1x50xi32, #tpu.memory_space<vmem>> -> memref<50xi32, #tpu.memory_space<vmem>>
    %dma_start3A_340 = arith.constant 0 : i32
    %dma_start3A_341 = arith.constant 0 : i32
    %dma_start3A_342 = tpu.memref_slice %arg3[%dma_start3A_340, %dma_start3A_341] : memref<1000000x32xf32, #tpu.memory_space<hbm>> -> memref<1000000x32xf32, #tpu.memory_space<hbm>>
    tpu.enqueue_indirect_dma source(%dma_start3A_342 : memref<1000000x32xf32, #tpu.memory_space<hbm>>) target(%dma_start3A_336 : memref<50x32xf32, #tpu.memory_space<vmem>>) offsets(%dma_start3A_339 : memref<50xi32, #tpu.memory_space<vmem>>) semaphore(%arg11 : memref<!tpu.dma_semaphore, #tpu.memory_space<semaphore_mem>>)
    %dma_start3A_343 = arith.constant 27 : i32
    %dma_start3A_344 = arith.constant 27 : i32
    %dma_start3A_345 = arith.constant 0 : i32
    %dma_start3A_346 = arith.constant 0 : i32
    %dma_start3A_347 = tpu.memref_slice %arg7[%dma_start3A_344, %dma_start3A_345, %dma_start3A_346] : memref<32x50x32xf32, #tpu.memory_space<vmem>> -> memref<1x50x32xf32, #tpu.memory_space<vmem>>
    %dma_start3A_348 = tpu.memref_squeeze %dma_start3A_347 : memref<1x50x32xf32, #tpu.memory_space<vmem>> -> memref<50x32xf32, #tpu.memory_space<vmem>>
    %dma_start3A_349 = arith.constant 0 : i32
    %dma_start3A_350 = tpu.memref_slice %arg5[%dma_start3A_343, %dma_start3A_349] : memref<32x50xi32, #tpu.memory_space<vmem>> -> memref<1x50xi32, #tpu.memory_space<vmem>>
    %dma_start3A_351 = tpu.memref_squeeze %dma_start3A_350 : memref<1x50xi32, #tpu.memory_space<vmem>> -> memref<50xi32, #tpu.memory_space<vmem>>
    %dma_start3A_352 = arith.constant 0 : i32
    %dma_start3A_353 = arith.constant 0 : i32
    %dma_start3A_354 = tpu.memref_slice %arg3[%dma_start3A_352, %dma_start3A_353] : memref<1000000x32xf32, #tpu.memory_space<hbm>> -> memref<1000000x32xf32, #tpu.memory_space<hbm>>
    tpu.enqueue_indirect_dma source(%dma_start3A_354 : memref<1000000x32xf32, #tpu.memory_space<hbm>>) target(%dma_start3A_348 : memref<50x32xf32, #tpu.memory_space<vmem>>) offsets(%dma_start3A_351 : memref<50xi32, #tpu.memory_space<vmem>>) semaphore(%arg11 : memref<!tpu.dma_semaphore, #tpu.memory_space<semaphore_mem>>)
    %dma_start3A_355 = arith.constant 28 : i32
    %dma_start3A_356 = arith.constant 28 : i32
    %dma_start3A_357 = arith.constant 0 : i32
    %dma_start3A_358 = arith.constant 0 : i32
    %dma_start3A_359 = tpu.memref_slice %arg7[%dma_start3A_356, %dma_start3A_357, %dma_start3A_358] : memref<32x50x32xf32, #tpu.memory_space<vmem>> -> memref<1x50x32xf32, #tpu.memory_space<vmem>>
    %dma_start3A_360 = tpu.memref_squeeze %dma_start3A_359 : memref<1x50x32xf32, #tpu.memory_space<vmem>> -> memref<50x32xf32, #tpu.memory_space<vmem>>
    %dma_start3A_361 = arith.constant 0 : i32
    %dma_start3A_362 = tpu.memref_slice %arg5[%dma_start3A_355, %dma_start3A_361] : memref<32x50xi32, #tpu.memory_space<vmem>> -> memref<1x50xi32, #tpu.memory_space<vmem>>
    %dma_start3A_363 = tpu.memref_squeeze %dma_start3A_362 : memref<1x50xi32, #tpu.memory_space<vmem>> -> memref<50xi32, #tpu.memory_space<vmem>>
    %dma_start3A_364 = arith.constant 0 : i32
    %dma_start3A_365 = arith.constant 0 : i32
    %dma_start3A_366 = tpu.memref_slice %arg3[%dma_start3A_364, %dma_start3A_365] : memref<1000000x32xf32, #tpu.memory_space<hbm>> -> memref<1000000x32xf32, #tpu.memory_space<hbm>>
    tpu.enqueue_indirect_dma source(%dma_start3A_366 : memref<1000000x32xf32, #tpu.memory_space<hbm>>) target(%dma_start3A_360 : memref<50x32xf32, #tpu.memory_space<vmem>>) offsets(%dma_start3A_363 : memref<50xi32, #tpu.memory_space<vmem>>) semaphore(%arg11 : memref<!tpu.dma_semaphore, #tpu.memory_space<semaphore_mem>>)
    %dma_start3A_367 = arith.constant 29 : i32
    %dma_start3A_368 = arith.constant 29 : i32
    %dma_start3A_369 = arith.constant 0 : i32
    %dma_start3A_370 = arith.constant 0 : i32
    %dma_start3A_371 = tpu.memref_slice %arg7[%dma_start3A_368, %dma_start3A_369, %dma_start3A_370] : memref<32x50x32xf32, #tpu.memory_space<vmem>> -> memref<1x50x32xf32, #tpu.memory_space<vmem>>
    %dma_start3A_372 = tpu.memref_squeeze %dma_start3A_371 : memref<1x50x32xf32, #tpu.memory_space<vmem>> -> memref<50x32xf32, #tpu.memory_space<vmem>>
    %dma_start3A_373 = arith.constant 0 : i32
    %dma_start3A_374 = tpu.memref_slice %arg5[%dma_start3A_367, %dma_start3A_373] : memref<32x50xi32, #tpu.memory_space<vmem>> -> memref<1x50xi32, #tpu.memory_space<vmem>>
    %dma_start3A_375 = tpu.memref_squeeze %dma_start3A_374 : memref<1x50xi32, #tpu.memory_space<vmem>> -> memref<50xi32, #tpu.memory_space<vmem>>
    %dma_start3A_376 = arith.constant 0 : i32
    %dma_start3A_377 = arith.constant 0 : i32
    %dma_start3A_378 = tpu.memref_slice %arg3[%dma_start3A_376, %dma_start3A_377] : memref<1000000x32xf32, #tpu.memory_space<hbm>> -> memref<1000000x32xf32, #tpu.memory_space<hbm>>
    tpu.enqueue_indirect_dma source(%dma_start3A_378 : memref<1000000x32xf32, #tpu.memory_space<hbm>>) target(%dma_start3A_372 : memref<50x32xf32, #tpu.memory_space<vmem>>) offsets(%dma_start3A_375 : memref<50xi32, #tpu.memory_space<vmem>>) semaphore(%arg11 : memref<!tpu.dma_semaphore, #tpu.memory_space<semaphore_mem>>)
    %dma_start3A_379 = arith.constant 30 : i32
    %dma_start3A_380 = arith.constant 30 : i32
    %dma_start3A_381 = arith.constant 0 : i32
    %dma_start3A_382 = arith.constant 0 : i32
    %dma_start3A_383 = tpu.memref_slice %arg7[%dma_start3A_380, %dma_start3A_381, %dma_start3A_382] : memref<32x50x32xf32, #tpu.memory_space<vmem>> -> memref<1x50x32xf32, #tpu.memory_space<vmem>>
    %dma_start3A_384 = tpu.memref_squeeze %dma_start3A_383 : memref<1x50x32xf32, #tpu.memory_space<vmem>> -> memref<50x32xf32, #tpu.memory_space<vmem>>
    %dma_start3A_385 = arith.constant 0 : i32
    %dma_start3A_386 = tpu.memref_slice %arg5[%dma_start3A_379, %dma_start3A_385] : memref<32x50xi32, #tpu.memory_space<vmem>> -> memref<1x50xi32, #tpu.memory_space<vmem>>
    %dma_start3A_387 = tpu.memref_squeeze %dma_start3A_386 : memref<1x50xi32, #tpu.memory_space<vmem>> -> memref<50xi32, #tpu.memory_space<vmem>>
    %dma_start3A_388 = arith.constant 0 : i32
    %dma_start3A_389 = arith.constant 0 : i32
    %dma_start3A_390 = tpu.memref_slice %arg3[%dma_start3A_388, %dma_start3A_389] : memref<1000000x32xf32, #tpu.memory_space<hbm>> -> memref<1000000x32xf32, #tpu.memory_space<hbm>>
    tpu.enqueue_indirect_dma source(%dma_start3A_390 : memref<1000000x32xf32, #tpu.memory_space<hbm>>) target(%dma_start3A_384 : memref<50x32xf32, #tpu.memory_space<vmem>>) offsets(%dma_start3A_387 : memref<50xi32, #tpu.memory_space<vmem>>) semaphore(%arg11 : memref<!tpu.dma_semaphore, #tpu.memory_space<semaphore_mem>>)
    %dma_start3A_391 = arith.constant 31 : i32
    %dma_start3A_392 = arith.constant 31 : i32
    %dma_start3A_393 = arith.constant 0 : i32
    %dma_start3A_394 = arith.constant 0 : i32
    %dma_start3A_395 = tpu.memref_slice %arg7[%dma_start3A_392, %dma_start3A_393, %dma_start3A_394] : memref<32x50x32xf32, #tpu.memory_space<vmem>> -> memref<1x50x32xf32, #tpu.memory_space<vmem>>
    %dma_start3A_396 = tpu.memref_squeeze %dma_start3A_395 : memref<1x50x32xf32, #tpu.memory_space<vmem>> -> memref<50x32xf32, #tpu.memory_space<vmem>>
    %dma_start3A_397 = arith.constant 0 : i32
    %dma_start3A_398 = tpu.memref_slice %arg5[%dma_start3A_391, %dma_start3A_397] : memref<32x50xi32, #tpu.memory_space<vmem>> -> memref<1x50xi32, #tpu.memory_space<vmem>>
    %dma_start3A_399 = tpu.memref_squeeze %dma_start3A_398 : memref<1x50xi32, #tpu.memory_space<vmem>> -> memref<50xi32, #tpu.memory_space<vmem>>
    %dma_start3A_400 = arith.constant 0 : i32
    %dma_start3A_401 = arith.constant 0 : i32
    %dma_start3A_402 = tpu.memref_slice %arg3[%dma_start3A_400, %dma_start3A_401] : memref<1000000x32xf32, #tpu.memory_space<hbm>> -> memref<1000000x32xf32, #tpu.memory_space<hbm>>
    tpu.enqueue_indirect_dma source(%dma_start3A_402 : memref<1000000x32xf32, #tpu.memory_space<hbm>>) target(%dma_start3A_396 : memref<50x32xf32, #tpu.memory_space<vmem>>) offsets(%dma_start3A_399 : memref<50xi32, #tpu.memory_space<vmem>>) semaphore(%arg11 : memref<!tpu.dma_semaphore, #tpu.memory_space<semaphore_mem>>)
    %add3A_403 = arith.constant 32 : i32
    %add3A_404 = arith.addi %mul3A_2, %add3A_403 : i32
    %dma_wait3A_405 = arith.constant 0 : i32
    %dma_wait3A_406 = tpu.memref_slice %arg2[%add3A_404, %dma_wait3A_405] : memref<16384x50xi32, #tpu.memory_space<hbm>> -> memref<32x50xi32, #tpu.memory_space<hbm>>
    %dma_wait3A_407 = arith.constant 0 : i32
    %dma_wait3A_408 = tpu.memref_slice %arg2[%add3A_404, %dma_wait3A_407] : memref<16384x50xi32, #tpu.memory_space<hbm>> -> memref<32x50xi32, #tpu.memory_space<hbm>>
    tpu.wait_dma2 semaphore(%arg10 : memref<!tpu.dma_semaphore, #tpu.memory_space<semaphore_mem>>) src(%dma_wait3A_408 : memref<32x50xi32, #tpu.memory_space<hbm>>) dst(%arg6 : memref<32x50xi32, #tpu.memory_space<vmem>>)
    %dma_start3A_409 = arith.constant 0 : i32
    %dma_start3A_410 = arith.constant 0 : i32
    %dma_start3A_411 = arith.constant 0 : i32
    %dma_start3A_412 = arith.constant 0 : i32
    %dma_start3A_413 = tpu.memref_slice %arg8[%dma_start3A_410, %dma_start3A_411, %dma_start3A_412] : memref<32x50x32xf32, #tpu.memory_space<vmem>> -> memref<1x50x32xf32, #tpu.memory_space<vmem>>
    %dma_start3A_414 = tpu.memref_squeeze %dma_start3A_413 : memref<1x50x32xf32, #tpu.memory_space<vmem>> -> memref<50x32xf32, #tpu.memory_space<vmem>>
    %dma_start3A_415 = arith.constant 0 : i32
    %dma_start3A_416 = tpu.memref_slice %arg6[%dma_start3A_409, %dma_start3A_415] : memref<32x50xi32, #tpu.memory_space<vmem>> -> memref<1x50xi32, #tpu.memory_space<vmem>>
    %dma_start3A_417 = tpu.memref_squeeze %dma_start3A_416 : memref<1x50xi32, #tpu.memory_space<vmem>> -> memref<50xi32, #tpu.memory_space<vmem>>
    %dma_start3A_418 = arith.constant 0 : i32
    %dma_start3A_419 = arith.constant 0 : i32
    %dma_start3A_420 = tpu.memref_slice %arg3[%dma_start3A_418, %dma_start3A_419] : memref<1000000x32xf32, #tpu.memory_space<hbm>> -> memref<1000000x32xf32, #tpu.memory_space<hbm>>
    tpu.enqueue_indirect_dma source(%dma_start3A_420 : memref<1000000x32xf32, #tpu.memory_space<hbm>>) target(%dma_start3A_414 : memref<50x32xf32, #tpu.memory_space<vmem>>) offsets(%dma_start3A_417 : memref<50xi32, #tpu.memory_space<vmem>>) semaphore(%arg12 : memref<!tpu.dma_semaphore, #tpu.memory_space<semaphore_mem>>)
    %dma_start3A_421 = arith.constant 1 : i32
    %dma_start3A_422 = arith.constant 1 : i32
    %dma_start3A_423 = arith.constant 0 : i32
    %dma_start3A_424 = arith.constant 0 : i32
    %dma_start3A_425 = tpu.memref_slice %arg8[%dma_start3A_422, %dma_start3A_423, %dma_start3A_424] : memref<32x50x32xf32, #tpu.memory_space<vmem>> -> memref<1x50x32xf32, #tpu.memory_space<vmem>>
    %dma_start3A_426 = tpu.memref_squeeze %dma_start3A_425 : memref<1x50x32xf32, #tpu.memory_space<vmem>> -> memref<50x32xf32, #tpu.memory_space<vmem>>
    %dma_start3A_427 = arith.constant 0 : i32
    %dma_start3A_428 = tpu.memref_slice %arg6[%dma_start3A_421, %dma_start3A_427] : memref<32x50xi32, #tpu.memory_space<vmem>> -> memref<1x50xi32, #tpu.memory_space<vmem>>
    %dma_start3A_429 = tpu.memref_squeeze %dma_start3A_428 : memref<1x50xi32, #tpu.memory_space<vmem>> -> memref<50xi32, #tpu.memory_space<vmem>>
    %dma_start3A_430 = arith.constant 0 : i32
    %dma_start3A_431 = arith.constant 0 : i32
    %dma_start3A_432 = tpu.memref_slice %arg3[%dma_start3A_430, %dma_start3A_431] : memref<1000000x32xf32, #tpu.memory_space<hbm>> -> memref<1000000x32xf32, #tpu.memory_space<hbm>>
    tpu.enqueue_indirect_dma source(%dma_start3A_432 : memref<1000000x32xf32, #tpu.memory_space<hbm>>) target(%dma_start3A_426 : memref<50x32xf32, #tpu.memory_space<vmem>>) offsets(%dma_start3A_429 : memref<50xi32, #tpu.memory_space<vmem>>) semaphore(%arg12 : memref<!tpu.dma_semaphore, #tpu.memory_space<semaphore_mem>>)
    %dma_start3A_433 = arith.constant 2 : i32
    %dma_start3A_434 = arith.constant 2 : i32
    %dma_start3A_435 = arith.constant 0 : i32
    %dma_start3A_436 = arith.constant 0 : i32
    %dma_start3A_437 = tpu.memref_slice %arg8[%dma_start3A_434, %dma_start3A_435, %dma_start3A_436] : memref<32x50x32xf32, #tpu.memory_space<vmem>> -> memref<1x50x32xf32, #tpu.memory_space<vmem>>
    %dma_start3A_438 = tpu.memref_squeeze %dma_start3A_437 : memref<1x50x32xf32, #tpu.memory_space<vmem>> -> memref<50x32xf32, #tpu.memory_space<vmem>>
    %dma_start3A_439 = arith.constant 0 : i32
    %dma_start3A_440 = tpu.memref_slice %arg6[%dma_start3A_433, %dma_start3A_439] : memref<32x50xi32, #tpu.memory_space<vmem>> -> memref<1x50xi32, #tpu.memory_space<vmem>>
    %dma_start3A_441 = tpu.memref_squeeze %dma_start3A_440 : memref<1x50xi32, #tpu.memory_space<vmem>> -> memref<50xi32, #tpu.memory_space<vmem>>
    %dma_start3A_442 = arith.constant 0 : i32
    %dma_start3A_443 = arith.constant 0 : i32
    %dma_start3A_444 = tpu.memref_slice %arg3[%dma_start3A_442, %dma_start3A_443] : memref<1000000x32xf32, #tpu.memory_space<hbm>> -> memref<1000000x32xf32, #tpu.memory_space<hbm>>
    tpu.enqueue_indirect_dma source(%dma_start3A_444 : memref<1000000x32xf32, #tpu.memory_space<hbm>>) target(%dma_start3A_438 : memref<50x32xf32, #tpu.memory_space<vmem>>) offsets(%dma_start3A_441 : memref<50xi32, #tpu.memory_space<vmem>>) semaphore(%arg12 : memref<!tpu.dma_semaphore, #tpu.memory_space<semaphore_mem>>)
    %dma_start3A_445 = arith.constant 3 : i32
    %dma_start3A_446 = arith.constant 3 : i32
    %dma_start3A_447 = arith.constant 0 : i32
    %dma_start3A_448 = arith.constant 0 : i32
    %dma_start3A_449 = tpu.memref_slice %arg8[%dma_start3A_446, %dma_start3A_447, %dma_start3A_448] : memref<32x50x32xf32, #tpu.memory_space<vmem>> -> memref<1x50x32xf32, #tpu.memory_space<vmem>>
    %dma_start3A_450 = tpu.memref_squeeze %dma_start3A_449 : memref<1x50x32xf32, #tpu.memory_space<vmem>> -> memref<50x32xf32, #tpu.memory_space<vmem>>
    %dma_start3A_451 = arith.constant 0 : i32
    %dma_start3A_452 = tpu.memref_slice %arg6[%dma_start3A_445, %dma_start3A_451] : memref<32x50xi32, #tpu.memory_space<vmem>> -> memref<1x50xi32, #tpu.memory_space<vmem>>
    %dma_start3A_453 = tpu.memref_squeeze %dma_start3A_452 : memref<1x50xi32, #tpu.memory_space<vmem>> -> memref<50xi32, #tpu.memory_space<vmem>>
    %dma_start3A_454 = arith.constant 0 : i32
    %dma_start3A_455 = arith.constant 0 : i32
    %dma_start3A_456 = tpu.memref_slice %arg3[%dma_start3A_454, %dma_start3A_455] : memref<1000000x32xf32, #tpu.memory_space<hbm>> -> memref<1000000x32xf32, #tpu.memory_space<hbm>>
    tpu.enqueue_indirect_dma source(%dma_start3A_456 : memref<1000000x32xf32, #tpu.memory_space<hbm>>) target(%dma_start3A_450 : memref<50x32xf32, #tpu.memory_space<vmem>>) offsets(%dma_start3A_453 : memref<50xi32, #tpu.memory_space<vmem>>) semaphore(%arg12 : memref<!tpu.dma_semaphore, #tpu.memory_space<semaphore_mem>>)
    %dma_start3A_457 = arith.constant 4 : i32
    %dma_start3A_458 = arith.constant 4 : i32
    %dma_start3A_459 = arith.constant 0 : i32
    %dma_start3A_460 = arith.constant 0 : i32
    %dma_start3A_461 = tpu.memref_slice %arg8[%dma_start3A_458, %dma_start3A_459, %dma_start3A_460] : memref<32x50x32xf32, #tpu.memory_space<vmem>> -> memref<1x50x32xf32, #tpu.memory_space<vmem>>
    %dma_start3A_462 = tpu.memref_squeeze %dma_start3A_461 : memref<1x50x32xf32, #tpu.memory_space<vmem>> -> memref<50x32xf32, #tpu.memory_space<vmem>>
    %dma_start3A_463 = arith.constant 0 : i32
    %dma_start3A_464 = tpu.memref_slice %arg6[%dma_start3A_457, %dma_start3A_463] : memref<32x50xi32, #tpu.memory_space<vmem>> -> memref<1x50xi32, #tpu.memory_space<vmem>>
    %dma_start3A_465 = tpu.memref_squeeze %dma_start3A_464 : memref<1x50xi32, #tpu.memory_space<vmem>> -> memref<50xi32, #tpu.memory_space<vmem>>
    %dma_start3A_466 = arith.constant 0 : i32
    %dma_start3A_467 = arith.constant 0 : i32
    %dma_start3A_468 = tpu.memref_slice %arg3[%dma_start3A_466, %dma_start3A_467] : memref<1000000x32xf32, #tpu.memory_space<hbm>> -> memref<1000000x32xf32, #tpu.memory_space<hbm>>
    tpu.enqueue_indirect_dma source(%dma_start3A_468 : memref<1000000x32xf32, #tpu.memory_space<hbm>>) target(%dma_start3A_462 : memref<50x32xf32, #tpu.memory_space<vmem>>) offsets(%dma_start3A_465 : memref<50xi32, #tpu.memory_space<vmem>>) semaphore(%arg12 : memref<!tpu.dma_semaphore, #tpu.memory_space<semaphore_mem>>)
    %dma_start3A_469 = arith.constant 5 : i32
    %dma_start3A_470 = arith.constant 5 : i32
    %dma_start3A_471 = arith.constant 0 : i32
    %dma_start3A_472 = arith.constant 0 : i32
    %dma_start3A_473 = tpu.memref_slice %arg8[%dma_start3A_470, %dma_start3A_471, %dma_start3A_472] : memref<32x50x32xf32, #tpu.memory_space<vmem>> -> memref<1x50x32xf32, #tpu.memory_space<vmem>>
    %dma_start3A_474 = tpu.memref_squeeze %dma_start3A_473 : memref<1x50x32xf32, #tpu.memory_space<vmem>> -> memref<50x32xf32, #tpu.memory_space<vmem>>
    %dma_start3A_475 = arith.constant 0 : i32
    %dma_start3A_476 = tpu.memref_slice %arg6[%dma_start3A_469, %dma_start3A_475] : memref<32x50xi32, #tpu.memory_space<vmem>> -> memref<1x50xi32, #tpu.memory_space<vmem>>
    %dma_start3A_477 = tpu.memref_squeeze %dma_start3A_476 : memref<1x50xi32, #tpu.memory_space<vmem>> -> memref<50xi32, #tpu.memory_space<vmem>>
    %dma_start3A_478 = arith.constant 0 : i32
    %dma_start3A_479 = arith.constant 0 : i32
    %dma_start3A_480 = tpu.memref_slice %arg3[%dma_start3A_478, %dma_start3A_479] : memref<1000000x32xf32, #tpu.memory_space<hbm>> -> memref<1000000x32xf32, #tpu.memory_space<hbm>>
    tpu.enqueue_indirect_dma source(%dma_start3A_480 : memref<1000000x32xf32, #tpu.memory_space<hbm>>) target(%dma_start3A_474 : memref<50x32xf32, #tpu.memory_space<vmem>>) offsets(%dma_start3A_477 : memref<50xi32, #tpu.memory_space<vmem>>) semaphore(%arg12 : memref<!tpu.dma_semaphore, #tpu.memory_space<semaphore_mem>>)
    %dma_start3A_481 = arith.constant 6 : i32
    %dma_start3A_482 = arith.constant 6 : i32
    %dma_start3A_483 = arith.constant 0 : i32
    %dma_start3A_484 = arith.constant 0 : i32
    %dma_start3A_485 = tpu.memref_slice %arg8[%dma_start3A_482, %dma_start3A_483, %dma_start3A_484] : memref<32x50x32xf32, #tpu.memory_space<vmem>> -> memref<1x50x32xf32, #tpu.memory_space<vmem>>
    %dma_start3A_486 = tpu.memref_squeeze %dma_start3A_485 : memref<1x50x32xf32, #tpu.memory_space<vmem>> -> memref<50x32xf32, #tpu.memory_space<vmem>>
    %dma_start3A_487 = arith.constant 0 : i32
    %dma_start3A_488 = tpu.memref_slice %arg6[%dma_start3A_481, %dma_start3A_487] : memref<32x50xi32, #tpu.memory_space<vmem>> -> memref<1x50xi32, #tpu.memory_space<vmem>>
    %dma_start3A_489 = tpu.memref_squeeze %dma_start3A_488 : memref<1x50xi32, #tpu.memory_space<vmem>> -> memref<50xi32, #tpu.memory_space<vmem>>
    %dma_start3A_490 = arith.constant 0 : i32
    %dma_start3A_491 = arith.constant 0 : i32
    %dma_start3A_492 = tpu.memref_slice %arg3[%dma_start3A_490, %dma_start3A_491] : memref<1000000x32xf32, #tpu.memory_space<hbm>> -> memref<1000000x32xf32, #tpu.memory_space<hbm>>
    tpu.enqueue_indirect_dma source(%dma_start3A_492 : memref<1000000x32xf32, #tpu.memory_space<hbm>>) target(%dma_start3A_486 : memref<50x32xf32, #tpu.memory_space<vmem>>) offsets(%dma_start3A_489 : memref<50xi32, #tpu.memory_space<vmem>>) semaphore(%arg12 : memref<!tpu.dma_semaphore, #tpu.memory_space<semaphore_mem>>)
    %dma_start3A_493 = arith.constant 7 : i32
    %dma_start3A_494 = arith.constant 7 : i32
    %dma_start3A_495 = arith.constant 0 : i32
    %dma_start3A_496 = arith.constant 0 : i32
    %dma_start3A_497 = tpu.memref_slice %arg8[%dma_start3A_494, %dma_start3A_495, %dma_start3A_496] : memref<32x50x32xf32, #tpu.memory_space<vmem>> -> memref<1x50x32xf32, #tpu.memory_space<vmem>>
    %dma_start3A_498 = tpu.memref_squeeze %dma_start3A_497 : memref<1x50x32xf32, #tpu.memory_space<vmem>> -> memref<50x32xf32, #tpu.memory_space<vmem>>
    %dma_start3A_499 = arith.constant 0 : i32
    %dma_start3A_500 = tpu.memref_slice %arg6[%dma_start3A_493, %dma_start3A_499] : memref<32x50xi32, #tpu.memory_space<vmem>> -> memref<1x50xi32, #tpu.memory_space<vmem>>
    %dma_start3A_501 = tpu.memref_squeeze %dma_start3A_500 : memref<1x50xi32, #tpu.memory_space<vmem>> -> memref<50xi32, #tpu.memory_space<vmem>>
    %dma_start3A_502 = arith.constant 0 : i32
    %dma_start3A_503 = arith.constant 0 : i32
    %dma_start3A_504 = tpu.memref_slice %arg3[%dma_start3A_502, %dma_start3A_503] : memref<1000000x32xf32, #tpu.memory_space<hbm>> -> memref<1000000x32xf32, #tpu.memory_space<hbm>>
    tpu.enqueue_indirect_dma source(%dma_start3A_504 : memref<1000000x32xf32, #tpu.memory_space<hbm>>) target(%dma_start3A_498 : memref<50x32xf32, #tpu.memory_space<vmem>>) offsets(%dma_start3A_501 : memref<50xi32, #tpu.memory_space<vmem>>) semaphore(%arg12 : memref<!tpu.dma_semaphore, #tpu.memory_space<semaphore_mem>>)
    %dma_start3A_505 = arith.constant 8 : i32
    %dma_start3A_506 = arith.constant 8 : i32
    %dma_start3A_507 = arith.constant 0 : i32
    %dma_start3A_508 = arith.constant 0 : i32
    %dma_start3A_509 = tpu.memref_slice %arg8[%dma_start3A_506, %dma_start3A_507, %dma_start3A_508] : memref<32x50x32xf32, #tpu.memory_space<vmem>> -> memref<1x50x32xf32, #tpu.memory_space<vmem>>
    %dma_start3A_510 = tpu.memref_squeeze %dma_start3A_509 : memref<1x50x32xf32, #tpu.memory_space<vmem>> -> memref<50x32xf32, #tpu.memory_space<vmem>>
    %dma_start3A_511 = arith.constant 0 : i32
    %dma_start3A_512 = tpu.memref_slice %arg6[%dma_start3A_505, %dma_start3A_511] : memref<32x50xi32, #tpu.memory_space<vmem>> -> memref<1x50xi32, #tpu.memory_space<vmem>>
    %dma_start3A_513 = tpu.memref_squeeze %dma_start3A_512 : memref<1x50xi32, #tpu.memory_space<vmem>> -> memref<50xi32, #tpu.memory_space<vmem>>
    %dma_start3A_514 = arith.constant 0 : i32
    %dma_start3A_515 = arith.constant 0 : i32
    %dma_start3A_516 = tpu.memref_slice %arg3[%dma_start3A_514, %dma_start3A_515] : memref<1000000x32xf32, #tpu.memory_space<hbm>> -> memref<1000000x32xf32, #tpu.memory_space<hbm>>
    tpu.enqueue_indirect_dma source(%dma_start3A_516 : memref<1000000x32xf32, #tpu.memory_space<hbm>>) target(%dma_start3A_510 : memref<50x32xf32, #tpu.memory_space<vmem>>) offsets(%dma_start3A_513 : memref<50xi32, #tpu.memory_space<vmem>>) semaphore(%arg12 : memref<!tpu.dma_semaphore, #tpu.memory_space<semaphore_mem>>)
    %dma_start3A_517 = arith.constant 9 : i32
    %dma_start3A_518 = arith.constant 9 : i32
    %dma_start3A_519 = arith.constant 0 : i32
    %dma_start3A_520 = arith.constant 0 : i32
    %dma_start3A_521 = tpu.memref_slice %arg8[%dma_start3A_518, %dma_start3A_519, %dma_start3A_520] : memref<32x50x32xf32, #tpu.memory_space<vmem>> -> memref<1x50x32xf32, #tpu.memory_space<vmem>>
    %dma_start3A_522 = tpu.memref_squeeze %dma_start3A_521 : memref<1x50x32xf32, #tpu.memory_space<vmem>> -> memref<50x32xf32, #tpu.memory_space<vmem>>
    %dma_start3A_523 = arith.constant 0 : i32
    %dma_start3A_524 = tpu.memref_slice %arg6[%dma_start3A_517, %dma_start3A_523] : memref<32x50xi32, #tpu.memory_space<vmem>> -> memref<1x50xi32, #tpu.memory_space<vmem>>
    %dma_start3A_525 = tpu.memref_squeeze %dma_start3A_524 : memref<1x50xi32, #tpu.memory_space<vmem>> -> memref<50xi32, #tpu.memory_space<vmem>>
    %dma_start3A_526 = arith.constant 0 : i32
    %dma_start3A_527 = arith.constant 0 : i32
    %dma_start3A_528 = tpu.memref_slice %arg3[%dma_start3A_526, %dma_start3A_527] : memref<1000000x32xf32, #tpu.memory_space<hbm>> -> memref<1000000x32xf32, #tpu.memory_space<hbm>>
    tpu.enqueue_indirect_dma source(%dma_start3A_528 : memref<1000000x32xf32, #tpu.memory_space<hbm>>) target(%dma_start3A_522 : memref<50x32xf32, #tpu.memory_space<vmem>>) offsets(%dma_start3A_525 : memref<50xi32, #tpu.memory_space<vmem>>) semaphore(%arg12 : memref<!tpu.dma_semaphore, #tpu.memory_space<semaphore_mem>>)
    %dma_start3A_529 = arith.constant 10 : i32
    %dma_start3A_530 = arith.constant 10 : i32
    %dma_start3A_531 = arith.constant 0 : i32
    %dma_start3A_532 = arith.constant 0 : i32
    %dma_start3A_533 = tpu.memref_slice %arg8[%dma_start3A_530, %dma_start3A_531, %dma_start3A_532] : memref<32x50x32xf32, #tpu.memory_space<vmem>> -> memref<1x50x32xf32, #tpu.memory_space<vmem>>
    %dma_start3A_534 = tpu.memref_squeeze %dma_start3A_533 : memref<1x50x32xf32, #tpu.memory_space<vmem>> -> memref<50x32xf32, #tpu.memory_space<vmem>>
    %dma_start3A_535 = arith.constant 0 : i32
    %dma_start3A_536 = tpu.memref_slice %arg6[%dma_start3A_529, %dma_start3A_535] : memref<32x50xi32, #tpu.memory_space<vmem>> -> memref<1x50xi32, #tpu.memory_space<vmem>>
    %dma_start3A_537 = tpu.memref_squeeze %dma_start3A_536 : memref<1x50xi32, #tpu.memory_space<vmem>> -> memref<50xi32, #tpu.memory_space<vmem>>
    %dma_start3A_538 = arith.constant 0 : i32
    %dma_start3A_539 = arith.constant 0 : i32
    %dma_start3A_540 = tpu.memref_slice %arg3[%dma_start3A_538, %dma_start3A_539] : memref<1000000x32xf32, #tpu.memory_space<hbm>> -> memref<1000000x32xf32, #tpu.memory_space<hbm>>
    tpu.enqueue_indirect_dma source(%dma_start3A_540 : memref<1000000x32xf32, #tpu.memory_space<hbm>>) target(%dma_start3A_534 : memref<50x32xf32, #tpu.memory_space<vmem>>) offsets(%dma_start3A_537 : memref<50xi32, #tpu.memory_space<vmem>>) semaphore(%arg12 : memref<!tpu.dma_semaphore, #tpu.memory_space<semaphore_mem>>)
    %dma_start3A_541 = arith.constant 11 : i32
    %dma_start3A_542 = arith.constant 11 : i32
    %dma_start3A_543 = arith.constant 0 : i32
    %dma_start3A_544 = arith.constant 0 : i32
    %dma_start3A_545 = tpu.memref_slice %arg8[%dma_start3A_542, %dma_start3A_543, %dma_start3A_544] : memref<32x50x32xf32, #tpu.memory_space<vmem>> -> memref<1x50x32xf32, #tpu.memory_space<vmem>>
    %dma_start3A_546 = tpu.memref_squeeze %dma_start3A_545 : memref<1x50x32xf32, #tpu.memory_space<vmem>> -> memref<50x32xf32, #tpu.memory_space<vmem>>
    %dma_start3A_547 = arith.constant 0 : i32
    %dma_start3A_548 = tpu.memref_slice %arg6[%dma_start3A_541, %dma_start3A_547] : memref<32x50xi32, #tpu.memory_space<vmem>> -> memref<1x50xi32, #tpu.memory_space<vmem>>
    %dma_start3A_549 = tpu.memref_squeeze %dma_start3A_548 : memref<1x50xi32, #tpu.memory_space<vmem>> -> memref<50xi32, #tpu.memory_space<vmem>>
    %dma_start3A_550 = arith.constant 0 : i32
    %dma_start3A_551 = arith.constant 0 : i32
    %dma_start3A_552 = tpu.memref_slice %arg3[%dma_start3A_550, %dma_start3A_551] : memref<1000000x32xf32, #tpu.memory_space<hbm>> -> memref<1000000x32xf32, #tpu.memory_space<hbm>>
    tpu.enqueue_indirect_dma source(%dma_start3A_552 : memref<1000000x32xf32, #tpu.memory_space<hbm>>) target(%dma_start3A_546 : memref<50x32xf32, #tpu.memory_space<vmem>>) offsets(%dma_start3A_549 : memref<50xi32, #tpu.memory_space<vmem>>) semaphore(%arg12 : memref<!tpu.dma_semaphore, #tpu.memory_space<semaphore_mem>>)
    %dma_start3A_553 = arith.constant 12 : i32
    %dma_start3A_554 = arith.constant 12 : i32
    %dma_start3A_555 = arith.constant 0 : i32
    %dma_start3A_556 = arith.constant 0 : i32
    %dma_start3A_557 = tpu.memref_slice %arg8[%dma_start3A_554, %dma_start3A_555, %dma_start3A_556] : memref<32x50x32xf32, #tpu.memory_space<vmem>> -> memref<1x50x32xf32, #tpu.memory_space<vmem>>
    %dma_start3A_558 = tpu.memref_squeeze %dma_start3A_557 : memref<1x50x32xf32, #tpu.memory_space<vmem>> -> memref<50x32xf32, #tpu.memory_space<vmem>>
    %dma_start3A_559 = arith.constant 0 : i32
    %dma_start3A_560 = tpu.memref_slice %arg6[%dma_start3A_553, %dma_start3A_559] : memref<32x50xi32, #tpu.memory_space<vmem>> -> memref<1x50xi32, #tpu.memory_space<vmem>>
    %dma_start3A_561 = tpu.memref_squeeze %dma_start3A_560 : memref<1x50xi32, #tpu.memory_space<vmem>> -> memref<50xi32, #tpu.memory_space<vmem>>
    %dma_start3A_562 = arith.constant 0 : i32
    %dma_start3A_563 = arith.constant 0 : i32
    %dma_start3A_564 = tpu.memref_slice %arg3[%dma_start3A_562, %dma_start3A_563] : memref<1000000x32xf32, #tpu.memory_space<hbm>> -> memref<1000000x32xf32, #tpu.memory_space<hbm>>
    tpu.enqueue_indirect_dma source(%dma_start3A_564 : memref<1000000x32xf32, #tpu.memory_space<hbm>>) target(%dma_start3A_558 : memref<50x32xf32, #tpu.memory_space<vmem>>) offsets(%dma_start3A_561 : memref<50xi32, #tpu.memory_space<vmem>>) semaphore(%arg12 : memref<!tpu.dma_semaphore, #tpu.memory_space<semaphore_mem>>)
    %dma_start3A_565 = arith.constant 13 : i32
    %dma_start3A_566 = arith.constant 13 : i32
    %dma_start3A_567 = arith.constant 0 : i32
    %dma_start3A_568 = arith.constant 0 : i32
    %dma_start3A_569 = tpu.memref_slice %arg8[%dma_start3A_566, %dma_start3A_567, %dma_start3A_568] : memref<32x50x32xf32, #tpu.memory_space<vmem>> -> memref<1x50x32xf32, #tpu.memory_space<vmem>>
    %dma_start3A_570 = tpu.memref_squeeze %dma_start3A_569 : memref<1x50x32xf32, #tpu.memory_space<vmem>> -> memref<50x32xf32, #tpu.memory_space<vmem>>
    %dma_start3A_571 = arith.constant 0 : i32
    %dma_start3A_572 = tpu.memref_slice %arg6[%dma_start3A_565, %dma_start3A_571] : memref<32x50xi32, #tpu.memory_space<vmem>> -> memref<1x50xi32, #tpu.memory_space<vmem>>
    %dma_start3A_573 = tpu.memref_squeeze %dma_start3A_572 : memref<1x50xi32, #tpu.memory_space<vmem>> -> memref<50xi32, #tpu.memory_space<vmem>>
    %dma_start3A_574 = arith.constant 0 : i32
    %dma_start3A_575 = arith.constant 0 : i32
    %dma_start3A_576 = tpu.memref_slice %arg3[%dma_start3A_574, %dma_start3A_575] : memref<1000000x32xf32, #tpu.memory_space<hbm>> -> memref<1000000x32xf32, #tpu.memory_space<hbm>>
    tpu.enqueue_indirect_dma source(%dma_start3A_576 : memref<1000000x32xf32, #tpu.memory_space<hbm>>) target(%dma_start3A_570 : memref<50x32xf32, #tpu.memory_space<vmem>>) offsets(%dma_start3A_573 : memref<50xi32, #tpu.memory_space<vmem>>) semaphore(%arg12 : memref<!tpu.dma_semaphore, #tpu.memory_space<semaphore_mem>>)
    %dma_start3A_577 = arith.constant 14 : i32
    %dma_start3A_578 = arith.constant 14 : i32
    %dma_start3A_579 = arith.constant 0 : i32
    %dma_start3A_580 = arith.constant 0 : i32
    %dma_start3A_581 = tpu.memref_slice %arg8[%dma_start3A_578, %dma_start3A_579, %dma_start3A_580] : memref<32x50x32xf32, #tpu.memory_space<vmem>> -> memref<1x50x32xf32, #tpu.memory_space<vmem>>
    %dma_start3A_582 = tpu.memref_squeeze %dma_start3A_581 : memref<1x50x32xf32, #tpu.memory_space<vmem>> -> memref<50x32xf32, #tpu.memory_space<vmem>>
    %dma_start3A_583 = arith.constant 0 : i32
    %dma_start3A_584 = tpu.memref_slice %arg6[%dma_start3A_577, %dma_start3A_583] : memref<32x50xi32, #tpu.memory_space<vmem>> -> memref<1x50xi32, #tpu.memory_space<vmem>>
    %dma_start3A_585 = tpu.memref_squeeze %dma_start3A_584 : memref<1x50xi32, #tpu.memory_space<vmem>> -> memref<50xi32, #tpu.memory_space<vmem>>
    %dma_start3A_586 = arith.constant 0 : i32
    %dma_start3A_587 = arith.constant 0 : i32
    %dma_start3A_588 = tpu.memref_slice %arg3[%dma_start3A_586, %dma_start3A_587] : memref<1000000x32xf32, #tpu.memory_space<hbm>> -> memref<1000000x32xf32, #tpu.memory_space<hbm>>
    tpu.enqueue_indirect_dma source(%dma_start3A_588 : memref<1000000x32xf32, #tpu.memory_space<hbm>>) target(%dma_start3A_582 : memref<50x32xf32, #tpu.memory_space<vmem>>) offsets(%dma_start3A_585 : memref<50xi32, #tpu.memory_space<vmem>>) semaphore(%arg12 : memref<!tpu.dma_semaphore, #tpu.memory_space<semaphore_mem>>)
    %dma_start3A_589 = arith.constant 15 : i32
    %dma_start3A_590 = arith.constant 15 : i32
    %dma_start3A_591 = arith.constant 0 : i32
    %dma_start3A_592 = arith.constant 0 : i32
    %dma_start3A_593 = tpu.memref_slice %arg8[%dma_start3A_590, %dma_start3A_591, %dma_start3A_592] : memref<32x50x32xf32, #tpu.memory_space<vmem>> -> memref<1x50x32xf32, #tpu.memory_space<vmem>>
    %dma_start3A_594 = tpu.memref_squeeze %dma_start3A_593 : memref<1x50x32xf32, #tpu.memory_space<vmem>> -> memref<50x32xf32, #tpu.memory_space<vmem>>
    %dma_start3A_595 = arith.constant 0 : i32
    %dma_start3A_596 = tpu.memref_slice %arg6[%dma_start3A_589, %dma_start3A_595] : memref<32x50xi32, #tpu.memory_space<vmem>> -> memref<1x50xi32, #tpu.memory_space<vmem>>
    %dma_start3A_597 = tpu.memref_squeeze %dma_start3A_596 : memref<1x50xi32, #tpu.memory_space<vmem>> -> memref<50xi32, #tpu.memory_space<vmem>>
    %dma_start3A_598 = arith.constant 0 : i32
    %dma_start3A_599 = arith.constant 0 : i32
    %dma_start3A_600 = tpu.memref_slice %arg3[%dma_start3A_598, %dma_start3A_599] : memref<1000000x32xf32, #tpu.memory_space<hbm>> -> memref<1000000x32xf32, #tpu.memory_space<hbm>>
    tpu.enqueue_indirect_dma source(%dma_start3A_600 : memref<1000000x32xf32, #tpu.memory_space<hbm>>) target(%dma_start3A_594 : memref<50x32xf32, #tpu.memory_space<vmem>>) offsets(%dma_start3A_597 : memref<50xi32, #tpu.memory_space<vmem>>) semaphore(%arg12 : memref<!tpu.dma_semaphore, #tpu.memory_space<semaphore_mem>>)
    %dma_start3A_601 = arith.constant 16 : i32
    %dma_start3A_602 = arith.constant 16 : i32
    %dma_start3A_603 = arith.constant 0 : i32
    %dma_start3A_604 = arith.constant 0 : i32
    %dma_start3A_605 = tpu.memref_slice %arg8[%dma_start3A_602, %dma_start3A_603, %dma_start3A_604] : memref<32x50x32xf32, #tpu.memory_space<vmem>> -> memref<1x50x32xf32, #tpu.memory_space<vmem>>
    %dma_start3A_606 = tpu.memref_squeeze %dma_start3A_605 : memref<1x50x32xf32, #tpu.memory_space<vmem>> -> memref<50x32xf32, #tpu.memory_space<vmem>>
    %dma_start3A_607 = arith.constant 0 : i32
    %dma_start3A_608 = tpu.memref_slice %arg6[%dma_start3A_601, %dma_start3A_607] : memref<32x50xi32, #tpu.memory_space<vmem>> -> memref<1x50xi32, #tpu.memory_space<vmem>>
    %dma_start3A_609 = tpu.memref_squeeze %dma_start3A_608 : memref<1x50xi32, #tpu.memory_space<vmem>> -> memref<50xi32, #tpu.memory_space<vmem>>
    %dma_start3A_610 = arith.constant 0 : i32
    %dma_start3A_611 = arith.constant 0 : i32
    %dma_start3A_612 = tpu.memref_slice %arg3[%dma_start3A_610, %dma_start3A_611] : memref<1000000x32xf32, #tpu.memory_space<hbm>> -> memref<1000000x32xf32, #tpu.memory_space<hbm>>
    tpu.enqueue_indirect_dma source(%dma_start3A_612 : memref<1000000x32xf32, #tpu.memory_space<hbm>>) target(%dma_start3A_606 : memref<50x32xf32, #tpu.memory_space<vmem>>) offsets(%dma_start3A_609 : memref<50xi32, #tpu.memory_space<vmem>>) semaphore(%arg12 : memref<!tpu.dma_semaphore, #tpu.memory_space<semaphore_mem>>)
    %dma_start3A_613 = arith.constant 17 : i32
    %dma_start3A_614 = arith.constant 17 : i32
    %dma_start3A_615 = arith.constant 0 : i32
    %dma_start3A_616 = arith.constant 0 : i32
    %dma_start3A_617 = tpu.memref_slice %arg8[%dma_start3A_614, %dma_start3A_615, %dma_start3A_616] : memref<32x50x32xf32, #tpu.memory_space<vmem>> -> memref<1x50x32xf32, #tpu.memory_space<vmem>>
    %dma_start3A_618 = tpu.memref_squeeze %dma_start3A_617 : memref<1x50x32xf32, #tpu.memory_space<vmem>> -> memref<50x32xf32, #tpu.memory_space<vmem>>
    %dma_start3A_619 = arith.constant 0 : i32
    %dma_start3A_620 = tpu.memref_slice %arg6[%dma_start3A_613, %dma_start3A_619] : memref<32x50xi32, #tpu.memory_space<vmem>> -> memref<1x50xi32, #tpu.memory_space<vmem>>
    %dma_start3A_621 = tpu.memref_squeeze %dma_start3A_620 : memref<1x50xi32, #tpu.memory_space<vmem>> -> memref<50xi32, #tpu.memory_space<vmem>>
    %dma_start3A_622 = arith.constant 0 : i32
    %dma_start3A_623 = arith.constant 0 : i32
    %dma_start3A_624 = tpu.memref_slice %arg3[%dma_start3A_622, %dma_start3A_623] : memref<1000000x32xf32, #tpu.memory_space<hbm>> -> memref<1000000x32xf32, #tpu.memory_space<hbm>>
    tpu.enqueue_indirect_dma source(%dma_start3A_624 : memref<1000000x32xf32, #tpu.memory_space<hbm>>) target(%dma_start3A_618 : memref<50x32xf32, #tpu.memory_space<vmem>>) offsets(%dma_start3A_621 : memref<50xi32, #tpu.memory_space<vmem>>) semaphore(%arg12 : memref<!tpu.dma_semaphore, #tpu.memory_space<semaphore_mem>>)
    %dma_start3A_625 = arith.constant 18 : i32
    %dma_start3A_626 = arith.constant 18 : i32
    %dma_start3A_627 = arith.constant 0 : i32
    %dma_start3A_628 = arith.constant 0 : i32
    %dma_start3A_629 = tpu.memref_slice %arg8[%dma_start3A_626, %dma_start3A_627, %dma_start3A_628] : memref<32x50x32xf32, #tpu.memory_space<vmem>> -> memref<1x50x32xf32, #tpu.memory_space<vmem>>
    %dma_start3A_630 = tpu.memref_squeeze %dma_start3A_629 : memref<1x50x32xf32, #tpu.memory_space<vmem>> -> memref<50x32xf32, #tpu.memory_space<vmem>>
    %dma_start3A_631 = arith.constant 0 : i32
    %dma_start3A_632 = tpu.memref_slice %arg6[%dma_start3A_625, %dma_start3A_631] : memref<32x50xi32, #tpu.memory_space<vmem>> -> memref<1x50xi32, #tpu.memory_space<vmem>>
    %dma_start3A_633 = tpu.memref_squeeze %dma_start3A_632 : memref<1x50xi32, #tpu.memory_space<vmem>> -> memref<50xi32, #tpu.memory_space<vmem>>
    %dma_start3A_634 = arith.constant 0 : i32
    %dma_start3A_635 = arith.constant 0 : i32
    %dma_start3A_636 = tpu.memref_slice %arg3[%dma_start3A_634, %dma_start3A_635] : memref<1000000x32xf32, #tpu.memory_space<hbm>> -> memref<1000000x32xf32, #tpu.memory_space<hbm>>
    tpu.enqueue_indirect_dma source(%dma_start3A_636 : memref<1000000x32xf32, #tpu.memory_space<hbm>>) target(%dma_start3A_630 : memref<50x32xf32, #tpu.memory_space<vmem>>) offsets(%dma_start3A_633 : memref<50xi32, #tpu.memory_space<vmem>>) semaphore(%arg12 : memref<!tpu.dma_semaphore, #tpu.memory_space<semaphore_mem>>)
    %dma_start3A_637 = arith.constant 19 : i32
    %dma_start3A_638 = arith.constant 19 : i32
    %dma_start3A_639 = arith.constant 0 : i32
    %dma_start3A_640 = arith.constant 0 : i32
    %dma_start3A_641 = tpu.memref_slice %arg8[%dma_start3A_638, %dma_start3A_639, %dma_start3A_640] : memref<32x50x32xf32, #tpu.memory_space<vmem>> -> memref<1x50x32xf32, #tpu.memory_space<vmem>>
    %dma_start3A_642 = tpu.memref_squeeze %dma_start3A_641 : memref<1x50x32xf32, #tpu.memory_space<vmem>> -> memref<50x32xf32, #tpu.memory_space<vmem>>
    %dma_start3A_643 = arith.constant 0 : i32
    %dma_start3A_644 = tpu.memref_slice %arg6[%dma_start3A_637, %dma_start3A_643] : memref<32x50xi32, #tpu.memory_space<vmem>> -> memref<1x50xi32, #tpu.memory_space<vmem>>
    %dma_start3A_645 = tpu.memref_squeeze %dma_start3A_644 : memref<1x50xi32, #tpu.memory_space<vmem>> -> memref<50xi32, #tpu.memory_space<vmem>>
    %dma_start3A_646 = arith.constant 0 : i32
    %dma_start3A_647 = arith.constant 0 : i32
    %dma_start3A_648 = tpu.memref_slice %arg3[%dma_start3A_646, %dma_start3A_647] : memref<1000000x32xf32, #tpu.memory_space<hbm>> -> memref<1000000x32xf32, #tpu.memory_space<hbm>>
    tpu.enqueue_indirect_dma source(%dma_start3A_648 : memref<1000000x32xf32, #tpu.memory_space<hbm>>) target(%dma_start3A_642 : memref<50x32xf32, #tpu.memory_space<vmem>>) offsets(%dma_start3A_645 : memref<50xi32, #tpu.memory_space<vmem>>) semaphore(%arg12 : memref<!tpu.dma_semaphore, #tpu.memory_space<semaphore_mem>>)
    %dma_start3A_649 = arith.constant 20 : i32
    %dma_start3A_650 = arith.constant 20 : i32
    %dma_start3A_651 = arith.constant 0 : i32
    %dma_start3A_652 = arith.constant 0 : i32
    %dma_start3A_653 = tpu.memref_slice %arg8[%dma_start3A_650, %dma_start3A_651, %dma_start3A_652] : memref<32x50x32xf32, #tpu.memory_space<vmem>> -> memref<1x50x32xf32, #tpu.memory_space<vmem>>
    %dma_start3A_654 = tpu.memref_squeeze %dma_start3A_653 : memref<1x50x32xf32, #tpu.memory_space<vmem>> -> memref<50x32xf32, #tpu.memory_space<vmem>>
    %dma_start3A_655 = arith.constant 0 : i32
    %dma_start3A_656 = tpu.memref_slice %arg6[%dma_start3A_649, %dma_start3A_655] : memref<32x50xi32, #tpu.memory_space<vmem>> -> memref<1x50xi32, #tpu.memory_space<vmem>>
    %dma_start3A_657 = tpu.memref_squeeze %dma_start3A_656 : memref<1x50xi32, #tpu.memory_space<vmem>> -> memref<50xi32, #tpu.memory_space<vmem>>
    %dma_start3A_658 = arith.constant 0 : i32
    %dma_start3A_659 = arith.constant 0 : i32
    %dma_start3A_660 = tpu.memref_slice %arg3[%dma_start3A_658, %dma_start3A_659] : memref<1000000x32xf32, #tpu.memory_space<hbm>> -> memref<1000000x32xf32, #tpu.memory_space<hbm>>
    tpu.enqueue_indirect_dma source(%dma_start3A_660 : memref<1000000x32xf32, #tpu.memory_space<hbm>>) target(%dma_start3A_654 : memref<50x32xf32, #tpu.memory_space<vmem>>) offsets(%dma_start3A_657 : memref<50xi32, #tpu.memory_space<vmem>>) semaphore(%arg12 : memref<!tpu.dma_semaphore, #tpu.memory_space<semaphore_mem>>)
    %dma_start3A_661 = arith.constant 21 : i32
    %dma_start3A_662 = arith.constant 21 : i32
    %dma_start3A_663 = arith.constant 0 : i32
    %dma_start3A_664 = arith.constant 0 : i32
    %dma_start3A_665 = tpu.memref_slice %arg8[%dma_start3A_662, %dma_start3A_663, %dma_start3A_664] : memref<32x50x32xf32, #tpu.memory_space<vmem>> -> memref<1x50x32xf32, #tpu.memory_space<vmem>>
    %dma_start3A_666 = tpu.memref_squeeze %dma_start3A_665 : memref<1x50x32xf32, #tpu.memory_space<vmem>> -> memref<50x32xf32, #tpu.memory_space<vmem>>
    %dma_start3A_667 = arith.constant 0 : i32
    %dma_start3A_668 = tpu.memref_slice %arg6[%dma_start3A_661, %dma_start3A_667] : memref<32x50xi32, #tpu.memory_space<vmem>> -> memref<1x50xi32, #tpu.memory_space<vmem>>
    %dma_start3A_669 = tpu.memref_squeeze %dma_start3A_668 : memref<1x50xi32, #tpu.memory_space<vmem>> -> memref<50xi32, #tpu.memory_space<vmem>>
    %dma_start3A_670 = arith.constant 0 : i32
    %dma_start3A_671 = arith.constant 0 : i32
    %dma_start3A_672 = tpu.memref_slice %arg3[%dma_start3A_670, %dma_start3A_671] : memref<1000000x32xf32, #tpu.memory_space<hbm>> -> memref<1000000x32xf32, #tpu.memory_space<hbm>>
    tpu.enqueue_indirect_dma source(%dma_start3A_672 : memref<1000000x32xf32, #tpu.memory_space<hbm>>) target(%dma_start3A_666 : memref<50x32xf32, #tpu.memory_space<vmem>>) offsets(%dma_start3A_669 : memref<50xi32, #tpu.memory_space<vmem>>) semaphore(%arg12 : memref<!tpu.dma_semaphore, #tpu.memory_space<semaphore_mem>>)
    %dma_start3A_673 = arith.constant 22 : i32
    %dma_start3A_674 = arith.constant 22 : i32
    %dma_start3A_675 = arith.constant 0 : i32
    %dma_start3A_676 = arith.constant 0 : i32
    %dma_start3A_677 = tpu.memref_slice %arg8[%dma_start3A_674, %dma_start3A_675, %dma_start3A_676] : memref<32x50x32xf32, #tpu.memory_space<vmem>> -> memref<1x50x32xf32, #tpu.memory_space<vmem>>
    %dma_start3A_678 = tpu.memref_squeeze %dma_start3A_677 : memref<1x50x32xf32, #tpu.memory_space<vmem>> -> memref<50x32xf32, #tpu.memory_space<vmem>>
    %dma_start3A_679 = arith.constant 0 : i32
    %dma_start3A_680 = tpu.memref_slice %arg6[%dma_start3A_673, %dma_start3A_679] : memref<32x50xi32, #tpu.memory_space<vmem>> -> memref<1x50xi32, #tpu.memory_space<vmem>>
    %dma_start3A_681 = tpu.memref_squeeze %dma_start3A_680 : memref<1x50xi32, #tpu.memory_space<vmem>> -> memref<50xi32, #tpu.memory_space<vmem>>
    %dma_start3A_682 = arith.constant 0 : i32
    %dma_start3A_683 = arith.constant 0 : i32
    %dma_start3A_684 = tpu.memref_slice %arg3[%dma_start3A_682, %dma_start3A_683] : memref<1000000x32xf32, #tpu.memory_space<hbm>> -> memref<1000000x32xf32, #tpu.memory_space<hbm>>
    tpu.enqueue_indirect_dma source(%dma_start3A_684 : memref<1000000x32xf32, #tpu.memory_space<hbm>>) target(%dma_start3A_678 : memref<50x32xf32, #tpu.memory_space<vmem>>) offsets(%dma_start3A_681 : memref<50xi32, #tpu.memory_space<vmem>>) semaphore(%arg12 : memref<!tpu.dma_semaphore, #tpu.memory_space<semaphore_mem>>)
    %dma_start3A_685 = arith.constant 23 : i32
    %dma_start3A_686 = arith.constant 23 : i32
    %dma_start3A_687 = arith.constant 0 : i32
    %dma_start3A_688 = arith.constant 0 : i32
    %dma_start3A_689 = tpu.memref_slice %arg8[%dma_start3A_686, %dma_start3A_687, %dma_start3A_688] : memref<32x50x32xf32, #tpu.memory_space<vmem>> -> memref<1x50x32xf32, #tpu.memory_space<vmem>>
    %dma_start3A_690 = tpu.memref_squeeze %dma_start3A_689 : memref<1x50x32xf32, #tpu.memory_space<vmem>> -> memref<50x32xf32, #tpu.memory_space<vmem>>
    %dma_start3A_691 = arith.constant 0 : i32
    %dma_start3A_692 = tpu.memref_slice %arg6[%dma_start3A_685, %dma_start3A_691] : memref<32x50xi32, #tpu.memory_space<vmem>> -> memref<1x50xi32, #tpu.memory_space<vmem>>
    %dma_start3A_693 = tpu.memref_squeeze %dma_start3A_692 : memref<1x50xi32, #tpu.memory_space<vmem>> -> memref<50xi32, #tpu.memory_space<vmem>>
    %dma_start3A_694 = arith.constant 0 : i32
    %dma_start3A_695 = arith.constant 0 : i32
    %dma_start3A_696 = tpu.memref_slice %arg3[%dma_start3A_694, %dma_start3A_695] : memref<1000000x32xf32, #tpu.memory_space<hbm>> -> memref<1000000x32xf32, #tpu.memory_space<hbm>>
    tpu.enqueue_indirect_dma source(%dma_start3A_696 : memref<1000000x32xf32, #tpu.memory_space<hbm>>) target(%dma_start3A_690 : memref<50x32xf32, #tpu.memory_space<vmem>>) offsets(%dma_start3A_693 : memref<50xi32, #tpu.memory_space<vmem>>) semaphore(%arg12 : memref<!tpu.dma_semaphore, #tpu.memory_space<semaphore_mem>>)
    %dma_start3A_697 = arith.constant 24 : i32
    %dma_start3A_698 = arith.constant 24 : i32
    %dma_start3A_699 = arith.constant 0 : i32
    %dma_start3A_700 = arith.constant 0 : i32
    %dma_start3A_701 = tpu.memref_slice %arg8[%dma_start3A_698, %dma_start3A_699, %dma_start3A_700] : memref<32x50x32xf32, #tpu.memory_space<vmem>> -> memref<1x50x32xf32, #tpu.memory_space<vmem>>
    %dma_start3A_702 = tpu.memref_squeeze %dma_start3A_701 : memref<1x50x32xf32, #tpu.memory_space<vmem>> -> memref<50x32xf32, #tpu.memory_space<vmem>>
    %dma_start3A_703 = arith.constant 0 : i32
    %dma_start3A_704 = tpu.memref_slice %arg6[%dma_start3A_697, %dma_start3A_703] : memref<32x50xi32, #tpu.memory_space<vmem>> -> memref<1x50xi32, #tpu.memory_space<vmem>>
    %dma_start3A_705 = tpu.memref_squeeze %dma_start3A_704 : memref<1x50xi32, #tpu.memory_space<vmem>> -> memref<50xi32, #tpu.memory_space<vmem>>
    %dma_start3A_706 = arith.constant 0 : i32
    %dma_start3A_707 = arith.constant 0 : i32
    %dma_start3A_708 = tpu.memref_slice %arg3[%dma_start3A_706, %dma_start3A_707] : memref<1000000x32xf32, #tpu.memory_space<hbm>> -> memref<1000000x32xf32, #tpu.memory_space<hbm>>
    tpu.enqueue_indirect_dma source(%dma_start3A_708 : memref<1000000x32xf32, #tpu.memory_space<hbm>>) target(%dma_start3A_702 : memref<50x32xf32, #tpu.memory_space<vmem>>) offsets(%dma_start3A_705 : memref<50xi32, #tpu.memory_space<vmem>>) semaphore(%arg12 : memref<!tpu.dma_semaphore, #tpu.memory_space<semaphore_mem>>)
    %dma_start3A_709 = arith.constant 25 : i32
    %dma_start3A_710 = arith.constant 25 : i32
    %dma_start3A_711 = arith.constant 0 : i32
    %dma_start3A_712 = arith.constant 0 : i32
    %dma_start3A_713 = tpu.memref_slice %arg8[%dma_start3A_710, %dma_start3A_711, %dma_start3A_712] : memref<32x50x32xf32, #tpu.memory_space<vmem>> -> memref<1x50x32xf32, #tpu.memory_space<vmem>>
    %dma_start3A_714 = tpu.memref_squeeze %dma_start3A_713 : memref<1x50x32xf32, #tpu.memory_space<vmem>> -> memref<50x32xf32, #tpu.memory_space<vmem>>
    %dma_start3A_715 = arith.constant 0 : i32
    %dma_start3A_716 = tpu.memref_slice %arg6[%dma_start3A_709, %dma_start3A_715] : memref<32x50xi32, #tpu.memory_space<vmem>> -> memref<1x50xi32, #tpu.memory_space<vmem>>
    %dma_start3A_717 = tpu.memref_squeeze %dma_start3A_716 : memref<1x50xi32, #tpu.memory_space<vmem>> -> memref<50xi32, #tpu.memory_space<vmem>>
    %dma_start3A_718 = arith.constant 0 : i32
    %dma_start3A_719 = arith.constant 0 : i32
    %dma_start3A_720 = tpu.memref_slice %arg3[%dma_start3A_718, %dma_start3A_719] : memref<1000000x32xf32, #tpu.memory_space<hbm>> -> memref<1000000x32xf32, #tpu.memory_space<hbm>>
    tpu.enqueue_indirect_dma source(%dma_start3A_720 : memref<1000000x32xf32, #tpu.memory_space<hbm>>) target(%dma_start3A_714 : memref<50x32xf32, #tpu.memory_space<vmem>>) offsets(%dma_start3A_717 : memref<50xi32, #tpu.memory_space<vmem>>) semaphore(%arg12 : memref<!tpu.dma_semaphore, #tpu.memory_space<semaphore_mem>>)
    %dma_start3A_721 = arith.constant 26 : i32
    %dma_start3A_722 = arith.constant 26 : i32
    %dma_start3A_723 = arith.constant 0 : i32
    %dma_start3A_724 = arith.constant 0 : i32
    %dma_start3A_725 = tpu.memref_slice %arg8[%dma_start3A_722, %dma_start3A_723, %dma_start3A_724] : memref<32x50x32xf32, #tpu.memory_space<vmem>> -> memref<1x50x32xf32, #tpu.memory_space<vmem>>
    %dma_start3A_726 = tpu.memref_squeeze %dma_start3A_725 : memref<1x50x32xf32, #tpu.memory_space<vmem>> -> memref<50x32xf32, #tpu.memory_space<vmem>>
    %dma_start3A_727 = arith.constant 0 : i32
    %dma_start3A_728 = tpu.memref_slice %arg6[%dma_start3A_721, %dma_start3A_727] : memref<32x50xi32, #tpu.memory_space<vmem>> -> memref<1x50xi32, #tpu.memory_space<vmem>>
    %dma_start3A_729 = tpu.memref_squeeze %dma_start3A_728 : memref<1x50xi32, #tpu.memory_space<vmem>> -> memref<50xi32, #tpu.memory_space<vmem>>
    %dma_start3A_730 = arith.constant 0 : i32
    %dma_start3A_731 = arith.constant 0 : i32
    %dma_start3A_732 = tpu.memref_slice %arg3[%dma_start3A_730, %dma_start3A_731] : memref<1000000x32xf32, #tpu.memory_space<hbm>> -> memref<1000000x32xf32, #tpu.memory_space<hbm>>
    tpu.enqueue_indirect_dma source(%dma_start3A_732 : memref<1000000x32xf32, #tpu.memory_space<hbm>>) target(%dma_start3A_726 : memref<50x32xf32, #tpu.memory_space<vmem>>) offsets(%dma_start3A_729 : memref<50xi32, #tpu.memory_space<vmem>>) semaphore(%arg12 : memref<!tpu.dma_semaphore, #tpu.memory_space<semaphore_mem>>)
    %dma_start3A_733 = arith.constant 27 : i32
    %dma_start3A_734 = arith.constant 27 : i32
    %dma_start3A_735 = arith.constant 0 : i32
    %dma_start3A_736 = arith.constant 0 : i32
    %dma_start3A_737 = tpu.memref_slice %arg8[%dma_start3A_734, %dma_start3A_735, %dma_start3A_736] : memref<32x50x32xf32, #tpu.memory_space<vmem>> -> memref<1x50x32xf32, #tpu.memory_space<vmem>>
    %dma_start3A_738 = tpu.memref_squeeze %dma_start3A_737 : memref<1x50x32xf32, #tpu.memory_space<vmem>> -> memref<50x32xf32, #tpu.memory_space<vmem>>
    %dma_start3A_739 = arith.constant 0 : i32
    %dma_start3A_740 = tpu.memref_slice %arg6[%dma_start3A_733, %dma_start3A_739] : memref<32x50xi32, #tpu.memory_space<vmem>> -> memref<1x50xi32, #tpu.memory_space<vmem>>
    %dma_start3A_741 = tpu.memref_squeeze %dma_start3A_740 : memref<1x50xi32, #tpu.memory_space<vmem>> -> memref<50xi32, #tpu.memory_space<vmem>>
    %dma_start3A_742 = arith.constant 0 : i32
    %dma_start3A_743 = arith.constant 0 : i32
    %dma_start3A_744 = tpu.memref_slice %arg3[%dma_start3A_742, %dma_start3A_743] : memref<1000000x32xf32, #tpu.memory_space<hbm>> -> memref<1000000x32xf32, #tpu.memory_space<hbm>>
    tpu.enqueue_indirect_dma source(%dma_start3A_744 : memref<1000000x32xf32, #tpu.memory_space<hbm>>) target(%dma_start3A_738 : memref<50x32xf32, #tpu.memory_space<vmem>>) offsets(%dma_start3A_741 : memref<50xi32, #tpu.memory_space<vmem>>) semaphore(%arg12 : memref<!tpu.dma_semaphore, #tpu.memory_space<semaphore_mem>>)
    %dma_start3A_745 = arith.constant 28 : i32
    %dma_start3A_746 = arith.constant 28 : i32
    %dma_start3A_747 = arith.constant 0 : i32
    %dma_start3A_748 = arith.constant 0 : i32
    %dma_start3A_749 = tpu.memref_slice %arg8[%dma_start3A_746, %dma_start3A_747, %dma_start3A_748] : memref<32x50x32xf32, #tpu.memory_space<vmem>> -> memref<1x50x32xf32, #tpu.memory_space<vmem>>
    %dma_start3A_750 = tpu.memref_squeeze %dma_start3A_749 : memref<1x50x32xf32, #tpu.memory_space<vmem>> -> memref<50x32xf32, #tpu.memory_space<vmem>>
    %dma_start3A_751 = arith.constant 0 : i32
    %dma_start3A_752 = tpu.memref_slice %arg6[%dma_start3A_745, %dma_start3A_751] : memref<32x50xi32, #tpu.memory_space<vmem>> -> memref<1x50xi32, #tpu.memory_space<vmem>>
    %dma_start3A_753 = tpu.memref_squeeze %dma_start3A_752 : memref<1x50xi32, #tpu.memory_space<vmem>> -> memref<50xi32, #tpu.memory_space<vmem>>
    %dma_start3A_754 = arith.constant 0 : i32
    %dma_start3A_755 = arith.constant 0 : i32
    %dma_start3A_756 = tpu.memref_slice %arg3[%dma_start3A_754, %dma_start3A_755] : memref<1000000x32xf32, #tpu.memory_space<hbm>> -> memref<1000000x32xf32, #tpu.memory_space<hbm>>
    tpu.enqueue_indirect_dma source(%dma_start3A_756 : memref<1000000x32xf32, #tpu.memory_space<hbm>>) target(%dma_start3A_750 : memref<50x32xf32, #tpu.memory_space<vmem>>) offsets(%dma_start3A_753 : memref<50xi32, #tpu.memory_space<vmem>>) semaphore(%arg12 : memref<!tpu.dma_semaphore, #tpu.memory_space<semaphore_mem>>)
    %dma_start3A_757 = arith.constant 29 : i32
    %dma_start3A_758 = arith.constant 29 : i32
    %dma_start3A_759 = arith.constant 0 : i32
    %dma_start3A_760 = arith.constant 0 : i32
    %dma_start3A_761 = tpu.memref_slice %arg8[%dma_start3A_758, %dma_start3A_759, %dma_start3A_760] : memref<32x50x32xf32, #tpu.memory_space<vmem>> -> memref<1x50x32xf32, #tpu.memory_space<vmem>>
    %dma_start3A_762 = tpu.memref_squeeze %dma_start3A_761 : memref<1x50x32xf32, #tpu.memory_space<vmem>> -> memref<50x32xf32, #tpu.memory_space<vmem>>
    %dma_start3A_763 = arith.constant 0 : i32
    %dma_start3A_764 = tpu.memref_slice %arg6[%dma_start3A_757, %dma_start3A_763] : memref<32x50xi32, #tpu.memory_space<vmem>> -> memref<1x50xi32, #tpu.memory_space<vmem>>
    %dma_start3A_765 = tpu.memref_squeeze %dma_start3A_764 : memref<1x50xi32, #tpu.memory_space<vmem>> -> memref<50xi32, #tpu.memory_space<vmem>>
    %dma_start3A_766 = arith.constant 0 : i32
    %dma_start3A_767 = arith.constant 0 : i32
    %dma_start3A_768 = tpu.memref_slice %arg3[%dma_start3A_766, %dma_start3A_767] : memref<1000000x32xf32, #tpu.memory_space<hbm>> -> memref<1000000x32xf32, #tpu.memory_space<hbm>>
    tpu.enqueue_indirect_dma source(%dma_start3A_768 : memref<1000000x32xf32, #tpu.memory_space<hbm>>) target(%dma_start3A_762 : memref<50x32xf32, #tpu.memory_space<vmem>>) offsets(%dma_start3A_765 : memref<50xi32, #tpu.memory_space<vmem>>) semaphore(%arg12 : memref<!tpu.dma_semaphore, #tpu.memory_space<semaphore_mem>>)
    %dma_start3A_769 = arith.constant 30 : i32
    %dma_start3A_770 = arith.constant 30 : i32
    %dma_start3A_771 = arith.constant 0 : i32
    %dma_start3A_772 = arith.constant 0 : i32
    %dma_start3A_773 = tpu.memref_slice %arg8[%dma_start3A_770, %dma_start3A_771, %dma_start3A_772] : memref<32x50x32xf32, #tpu.memory_space<vmem>> -> memref<1x50x32xf32, #tpu.memory_space<vmem>>
    %dma_start3A_774 = tpu.memref_squeeze %dma_start3A_773 : memref<1x50x32xf32, #tpu.memory_space<vmem>> -> memref<50x32xf32, #tpu.memory_space<vmem>>
    %dma_start3A_775 = arith.constant 0 : i32
    %dma_start3A_776 = tpu.memref_slice %arg6[%dma_start3A_769, %dma_start3A_775] : memref<32x50xi32, #tpu.memory_space<vmem>> -> memref<1x50xi32, #tpu.memory_space<vmem>>
    %dma_start3A_777 = tpu.memref_squeeze %dma_start3A_776 : memref<1x50xi32, #tpu.memory_space<vmem>> -> memref<50xi32, #tpu.memory_space<vmem>>
    %dma_start3A_778 = arith.constant 0 : i32
    %dma_start3A_779 = arith.constant 0 : i32
    %dma_start3A_780 = tpu.memref_slice %arg3[%dma_start3A_778, %dma_start3A_779] : memref<1000000x32xf32, #tpu.memory_space<hbm>> -> memref<1000000x32xf32, #tpu.memory_space<hbm>>
    tpu.enqueue_indirect_dma source(%dma_start3A_780 : memref<1000000x32xf32, #tpu.memory_space<hbm>>) target(%dma_start3A_774 : memref<50x32xf32, #tpu.memory_space<vmem>>) offsets(%dma_start3A_777 : memref<50xi32, #tpu.memory_space<vmem>>) semaphore(%arg12 : memref<!tpu.dma_semaphore, #tpu.memory_space<semaphore_mem>>)
    %dma_start3A_781 = arith.constant 31 : i32
    %dma_start3A_782 = arith.constant 31 : i32
    %dma_start3A_783 = arith.constant 0 : i32
    %dma_start3A_784 = arith.constant 0 : i32
    %dma_start3A_785 = tpu.memref_slice %arg8[%dma_start3A_782, %dma_start3A_783, %dma_start3A_784] : memref<32x50x32xf32, #tpu.memory_space<vmem>> -> memref<1x50x32xf32, #tpu.memory_space<vmem>>
    %dma_start3A_786 = tpu.memref_squeeze %dma_start3A_785 : memref<1x50x32xf32, #tpu.memory_space<vmem>> -> memref<50x32xf32, #tpu.memory_space<vmem>>
    %dma_start3A_787 = arith.constant 0 : i32
    %dma_start3A_788 = tpu.memref_slice %arg6[%dma_start3A_781, %dma_start3A_787] : memref<32x50xi32, #tpu.memory_space<vmem>> -> memref<1x50xi32, #tpu.memory_space<vmem>>
    %dma_start3A_789 = tpu.memref_squeeze %dma_start3A_788 : memref<1x50xi32, #tpu.memory_space<vmem>> -> memref<50xi32, #tpu.memory_space<vmem>>
    %dma_start3A_790 = arith.constant 0 : i32
    %dma_start3A_791 = arith.constant 0 : i32
    %dma_start3A_792 = tpu.memref_slice %arg3[%dma_start3A_790, %dma_start3A_791] : memref<1000000x32xf32, #tpu.memory_space<hbm>> -> memref<1000000x32xf32, #tpu.memory_space<hbm>>
    tpu.enqueue_indirect_dma source(%dma_start3A_792 : memref<1000000x32xf32, #tpu.memory_space<hbm>>) target(%dma_start3A_786 : memref<50x32xf32, #tpu.memory_space<vmem>>) offsets(%dma_start3A_789 : memref<50xi32, #tpu.memory_space<vmem>>) semaphore(%arg12 : memref<!tpu.dma_semaphore, #tpu.memory_space<semaphore_mem>>)
    %scan3A = arith.constant 0 : i32
    %scan3A_793 = arith.constant 0 : i32
    %scan3A_794 = arith.constant 7 : i32
    %scan3A_795 = arith.addi %scan3A_793, %scan3A_794 : i32
    %scan3A_796 = arith.constant 1 : i32
    scf.for %scan3A_1598 = %scan3A_793 to %scan3A_795 step %scan3A_796  : i32 {
      %mul3A_1599 = arith.constant 2 : i32
      %mul3A_1600 = arith.muli %scan3A_1598, %mul3A_1599 : i32
      %add3A_1601 = arith.constant 0 : i32
      %add3A_1602 = arith.addi %mul3A_1600, %add3A_1601 : i32
      %dma_wait3A_1603 = arith.constant 0 : i32
      %dma_wait3A_1604 = arith.constant 0 : i32
      %dma_wait3A_1605 = arith.constant 0 : i32
      %dma_wait3A_1606 = arith.constant 0 : i32
      %dma_wait3A_1607 = tpu.memref_slice %arg7[%dma_wait3A_1604, %dma_wait3A_1605, %dma_wait3A_1606] : memref<32x50x32xf32, #tpu.memory_space<vmem>> -> memref<1x50x32xf32, #tpu.memory_space<vmem>>
      %dma_wait3A_1608 = tpu.memref_squeeze %dma_wait3A_1607 : memref<1x50x32xf32, #tpu.memory_space<vmem>> -> memref<50x32xf32, #tpu.memory_space<vmem>>
      %dma_wait3A_1609 = arith.constant 0 : i32
      %dma_wait3A_1610 = tpu.memref_slice %arg5[%dma_wait3A_1603, %dma_wait3A_1609] : memref<32x50xi32, #tpu.memory_space<vmem>> -> memref<1x50xi32, #tpu.memory_space<vmem>>
      %dma_wait3A_1611 = tpu.memref_squeeze %dma_wait3A_1610 : memref<1x50xi32, #tpu.memory_space<vmem>> -> memref<50xi32, #tpu.memory_space<vmem>>
      %dma_wait3A_1612 = arith.constant 0 : i32
      %dma_wait3A_1613 = arith.constant 0 : i32
      %dma_wait3A_1614 = tpu.memref_slice %arg3[%dma_wait3A_1612, %dma_wait3A_1613] : memref<1000000x32xf32, #tpu.memory_space<hbm>> -> memref<1000000x32xf32, #tpu.memory_space<hbm>>
      tpu.wait_indirect_dma semaphore(%arg11 : memref<!tpu.dma_semaphore, #tpu.memory_space<semaphore_mem>>) src(%dma_wait3A_1614 : memref<1000000x32xf32, #tpu.memory_space<hbm>>) dst(%dma_wait3A_1608 : memref<50x32xf32, #tpu.memory_space<vmem>>)
      %dma_wait3A_1615 = arith.constant 1 : i32
      %dma_wait3A_1616 = arith.constant 1 : i32
      %dma_wait3A_1617 = arith.constant 0 : i32
      %dma_wait3A_1618 = arith.constant 0 : i32
      %dma_wait3A_1619 = tpu.memref_slice %arg7[%dma_wait3A_1616, %dma_wait3A_1617, %dma_wait3A_1618] : memref<32x50x32xf32, #tpu.memory_space<vmem>> -> memref<1x50x32xf32, #tpu.memory_space<vmem>>
      %dma_wait3A_1620 = tpu.memref_squeeze %dma_wait3A_1619 : memref<1x50x32xf32, #tpu.memory_space<vmem>> -> memref<50x32xf32, #tpu.memory_space<vmem>>
      %dma_wait3A_1621 = arith.constant 0 : i32
      %dma_wait3A_1622 = tpu.memref_slice %arg5[%dma_wait3A_1615, %dma_wait3A_1621] : memref<32x50xi32, #tpu.memory_space<vmem>> -> memref<1x50xi32, #tpu.memory_space<vmem>>
      %dma_wait3A_1623 = tpu.memref_squeeze %dma_wait3A_1622 : memref<1x50xi32, #tpu.memory_space<vmem>> -> memref<50xi32, #tpu.memory_space<vmem>>
      %dma_wait3A_1624 = arith.constant 0 : i32
      %dma_wait3A_1625 = arith.constant 0 : i32
      %dma_wait3A_1626 = tpu.memref_slice %arg3[%dma_wait3A_1624, %dma_wait3A_1625] : memref<1000000x32xf32, #tpu.memory_space<hbm>> -> memref<1000000x32xf32, #tpu.memory_space<hbm>>
      tpu.wait_indirect_dma semaphore(%arg11 : memref<!tpu.dma_semaphore, #tpu.memory_space<semaphore_mem>>) src(%dma_wait3A_1626 : memref<1000000x32xf32, #tpu.memory_space<hbm>>) dst(%dma_wait3A_1620 : memref<50x32xf32, #tpu.memory_space<vmem>>)
      %dma_wait3A_1627 = arith.constant 2 : i32
      %dma_wait3A_1628 = arith.constant 2 : i32
      %dma_wait3A_1629 = arith.constant 0 : i32
      %dma_wait3A_1630 = arith.constant 0 : i32
      %dma_wait3A_1631 = tpu.memref_slice %arg7[%dma_wait3A_1628, %dma_wait3A_1629, %dma_wait3A_1630] : memref<32x50x32xf32, #tpu.memory_space<vmem>> -> memref<1x50x32xf32, #tpu.memory_space<vmem>>
      %dma_wait3A_1632 = tpu.memref_squeeze %dma_wait3A_1631 : memref<1x50x32xf32, #tpu.memory_space<vmem>> -> memref<50x32xf32, #tpu.memory_space<vmem>>
      %dma_wait3A_1633 = arith.constant 0 : i32
      %dma_wait3A_1634 = tpu.memref_slice %arg5[%dma_wait3A_1627, %dma_wait3A_1633] : memref<32x50xi32, #tpu.memory_space<vmem>> -> memref<1x50xi32, #tpu.memory_space<vmem>>
      %dma_wait3A_1635 = tpu.memref_squeeze %dma_wait3A_1634 : memref<1x50xi32, #tpu.memory_space<vmem>> -> memref<50xi32, #tpu.memory_space<vmem>>
      %dma_wait3A_1636 = arith.constant 0 : i32
      %dma_wait3A_1637 = arith.constant 0 : i32
      %dma_wait3A_1638 = tpu.memref_slice %arg3[%dma_wait3A_1636, %dma_wait3A_1637] : memref<1000000x32xf32, #tpu.memory_space<hbm>> -> memref<1000000x32xf32, #tpu.memory_space<hbm>>
      tpu.wait_indirect_dma semaphore(%arg11 : memref<!tpu.dma_semaphore, #tpu.memory_space<semaphore_mem>>) src(%dma_wait3A_1638 : memref<1000000x32xf32, #tpu.memory_space<hbm>>) dst(%dma_wait3A_1632 : memref<50x32xf32, #tpu.memory_space<vmem>>)
      %dma_wait3A_1639 = arith.constant 3 : i32
      %dma_wait3A_1640 = arith.constant 3 : i32
      %dma_wait3A_1641 = arith.constant 0 : i32
      %dma_wait3A_1642 = arith.constant 0 : i32
      %dma_wait3A_1643 = tpu.memref_slice %arg7[%dma_wait3A_1640, %dma_wait3A_1641, %dma_wait3A_1642] : memref<32x50x32xf32, #tpu.memory_space<vmem>> -> memref<1x50x32xf32, #tpu.memory_space<vmem>>
      %dma_wait3A_1644 = tpu.memref_squeeze %dma_wait3A_1643 : memref<1x50x32xf32, #tpu.memory_space<vmem>> -> memref<50x32xf32, #tpu.memory_space<vmem>>
      %dma_wait3A_1645 = arith.constant 0 : i32
      %dma_wait3A_1646 = tpu.memref_slice %arg5[%dma_wait3A_1639, %dma_wait3A_1645] : memref<32x50xi32, #tpu.memory_space<vmem>> -> memref<1x50xi32, #tpu.memory_space<vmem>>
      %dma_wait3A_1647 = tpu.memref_squeeze %dma_wait3A_1646 : memref<1x50xi32, #tpu.memory_space<vmem>> -> memref<50xi32, #tpu.memory_space<vmem>>
      %dma_wait3A_1648 = arith.constant 0 : i32
      %dma_wait3A_1649 = arith.constant 0 : i32
      %dma_wait3A_1650 = tpu.memref_slice %arg3[%dma_wait3A_1648, %dma_wait3A_1649] : memref<1000000x32xf32, #tpu.memory_space<hbm>> -> memref<1000000x32xf32, #tpu.memory_space<hbm>>
      tpu.wait_indirect_dma semaphore(%arg11 : memref<!tpu.dma_semaphore, #tpu.memory_space<semaphore_mem>>) src(%dma_wait3A_1650 : memref<1000000x32xf32, #tpu.memory_space<hbm>>) dst(%dma_wait3A_1644 : memref<50x32xf32, #tpu.memory_space<vmem>>)
      %dma_wait3A_1651 = arith.constant 4 : i32
      %dma_wait3A_1652 = arith.constant 4 : i32
      %dma_wait3A_1653 = arith.constant 0 : i32
      %dma_wait3A_1654 = arith.constant 0 : i32
      %dma_wait3A_1655 = tpu.memref_slice %arg7[%dma_wait3A_1652, %dma_wait3A_1653, %dma_wait3A_1654] : memref<32x50x32xf32, #tpu.memory_space<vmem>> -> memref<1x50x32xf32, #tpu.memory_space<vmem>>
      %dma_wait3A_1656 = tpu.memref_squeeze %dma_wait3A_1655 : memref<1x50x32xf32, #tpu.memory_space<vmem>> -> memref<50x32xf32, #tpu.memory_space<vmem>>
      %dma_wait3A_1657 = arith.constant 0 : i32
      %dma_wait3A_1658 = tpu.memref_slice %arg5[%dma_wait3A_1651, %dma_wait3A_1657] : memref<32x50xi32, #tpu.memory_space<vmem>> -> memref<1x50xi32, #tpu.memory_space<vmem>>
      %dma_wait3A_1659 = tpu.memref_squeeze %dma_wait3A_1658 : memref<1x50xi32, #tpu.memory_space<vmem>> -> memref<50xi32, #tpu.memory_space<vmem>>
      %dma_wait3A_1660 = arith.constant 0 : i32
      %dma_wait3A_1661 = arith.constant 0 : i32
      %dma_wait3A_1662 = tpu.memref_slice %arg3[%dma_wait3A_1660, %dma_wait3A_1661] : memref<1000000x32xf32, #tpu.memory_space<hbm>> -> memref<1000000x32xf32, #tpu.memory_space<hbm>>
      tpu.wait_indirect_dma semaphore(%arg11 : memref<!tpu.dma_semaphore, #tpu.memory_space<semaphore_mem>>) src(%dma_wait3A_1662 : memref<1000000x32xf32, #tpu.memory_space<hbm>>) dst(%dma_wait3A_1656 : memref<50x32xf32, #tpu.memory_space<vmem>>)
      %dma_wait3A_1663 = arith.constant 5 : i32
      %dma_wait3A_1664 = arith.constant 5 : i32
      %dma_wait3A_1665 = arith.constant 0 : i32
      %dma_wait3A_1666 = arith.constant 0 : i32
      %dma_wait3A_1667 = tpu.memref_slice %arg7[%dma_wait3A_1664, %dma_wait3A_1665, %dma_wait3A_1666] : memref<32x50x32xf32, #tpu.memory_space<vmem>> -> memref<1x50x32xf32, #tpu.memory_space<vmem>>
      %dma_wait3A_1668 = tpu.memref_squeeze %dma_wait3A_1667 : memref<1x50x32xf32, #tpu.memory_space<vmem>> -> memref<50x32xf32, #tpu.memory_space<vmem>>
      %dma_wait3A_1669 = arith.constant 0 : i32
      %dma_wait3A_1670 = tpu.memref_slice %arg5[%dma_wait3A_1663, %dma_wait3A_1669] : memref<32x50xi32, #tpu.memory_space<vmem>> -> memref<1x50xi32, #tpu.memory_space<vmem>>
      %dma_wait3A_1671 = tpu.memref_squeeze %dma_wait3A_1670 : memref<1x50xi32, #tpu.memory_space<vmem>> -> memref<50xi32, #tpu.memory_space<vmem>>
      %dma_wait3A_1672 = arith.constant 0 : i32
      %dma_wait3A_1673 = arith.constant 0 : i32
      %dma_wait3A_1674 = tpu.memref_slice %arg3[%dma_wait3A_1672, %dma_wait3A_1673] : memref<1000000x32xf32, #tpu.memory_space<hbm>> -> memref<1000000x32xf32, #tpu.memory_space<hbm>>
      tpu.wait_indirect_dma semaphore(%arg11 : memref<!tpu.dma_semaphore, #tpu.memory_space<semaphore_mem>>) src(%dma_wait3A_1674 : memref<1000000x32xf32, #tpu.memory_space<hbm>>) dst(%dma_wait3A_1668 : memref<50x32xf32, #tpu.memory_space<vmem>>)
      %dma_wait3A_1675 = arith.constant 6 : i32
      %dma_wait3A_1676 = arith.constant 6 : i32
      %dma_wait3A_1677 = arith.constant 0 : i32
      %dma_wait3A_1678 = arith.constant 0 : i32
      %dma_wait3A_1679 = tpu.memref_slice %arg7[%dma_wait3A_1676, %dma_wait3A_1677, %dma_wait3A_1678] : memref<32x50x32xf32, #tpu.memory_space<vmem>> -> memref<1x50x32xf32, #tpu.memory_space<vmem>>
      %dma_wait3A_1680 = tpu.memref_squeeze %dma_wait3A_1679 : memref<1x50x32xf32, #tpu.memory_space<vmem>> -> memref<50x32xf32, #tpu.memory_space<vmem>>
      %dma_wait3A_1681 = arith.constant 0 : i32
      %dma_wait3A_1682 = tpu.memref_slice %arg5[%dma_wait3A_1675, %dma_wait3A_1681] : memref<32x50xi32, #tpu.memory_space<vmem>> -> memref<1x50xi32, #tpu.memory_space<vmem>>
      %dma_wait3A_1683 = tpu.memref_squeeze %dma_wait3A_1682 : memref<1x50xi32, #tpu.memory_space<vmem>> -> memref<50xi32, #tpu.memory_space<vmem>>
      %dma_wait3A_1684 = arith.constant 0 : i32
      %dma_wait3A_1685 = arith.constant 0 : i32
      %dma_wait3A_1686 = tpu.memref_slice %arg3[%dma_wait3A_1684, %dma_wait3A_1685] : memref<1000000x32xf32, #tpu.memory_space<hbm>> -> memref<1000000x32xf32, #tpu.memory_space<hbm>>
      tpu.wait_indirect_dma semaphore(%arg11 : memref<!tpu.dma_semaphore, #tpu.memory_space<semaphore_mem>>) src(%dma_wait3A_1686 : memref<1000000x32xf32, #tpu.memory_space<hbm>>) dst(%dma_wait3A_1680 : memref<50x32xf32, #tpu.memory_space<vmem>>)
      %dma_wait3A_1687 = arith.constant 7 : i32
      %dma_wait3A_1688 = arith.constant 7 : i32
      %dma_wait3A_1689 = arith.constant 0 : i32
      %dma_wait3A_1690 = arith.constant 0 : i32
      %dma_wait3A_1691 = tpu.memref_slice %arg7[%dma_wait3A_1688, %dma_wait3A_1689, %dma_wait3A_1690] : memref<32x50x32xf32, #tpu.memory_space<vmem>> -> memref<1x50x32xf32, #tpu.memory_space<vmem>>
      %dma_wait3A_1692 = tpu.memref_squeeze %dma_wait3A_1691 : memref<1x50x32xf32, #tpu.memory_space<vmem>> -> memref<50x32xf32, #tpu.memory_space<vmem>>
      %dma_wait3A_1693 = arith.constant 0 : i32
      %dma_wait3A_1694 = tpu.memref_slice %arg5[%dma_wait3A_1687, %dma_wait3A_1693] : memref<32x50xi32, #tpu.memory_space<vmem>> -> memref<1x50xi32, #tpu.memory_space<vmem>>
      %dma_wait3A_1695 = tpu.memref_squeeze %dma_wait3A_1694 : memref<1x50xi32, #tpu.memory_space<vmem>> -> memref<50xi32, #tpu.memory_space<vmem>>
      %dma_wait3A_1696 = arith.constant 0 : i32
      %dma_wait3A_1697 = arith.constant 0 : i32
      %dma_wait3A_1698 = tpu.memref_slice %arg3[%dma_wait3A_1696, %dma_wait3A_1697] : memref<1000000x32xf32, #tpu.memory_space<hbm>> -> memref<1000000x32xf32, #tpu.memory_space<hbm>>
      tpu.wait_indirect_dma semaphore(%arg11 : memref<!tpu.dma_semaphore, #tpu.memory_space<semaphore_mem>>) src(%dma_wait3A_1698 : memref<1000000x32xf32, #tpu.memory_space<hbm>>) dst(%dma_wait3A_1692 : memref<50x32xf32, #tpu.memory_space<vmem>>)
      %dma_wait3A_1699 = arith.constant 8 : i32
      %dma_wait3A_1700 = arith.constant 8 : i32
      %dma_wait3A_1701 = arith.constant 0 : i32
      %dma_wait3A_1702 = arith.constant 0 : i32
      %dma_wait3A_1703 = tpu.memref_slice %arg7[%dma_wait3A_1700, %dma_wait3A_1701, %dma_wait3A_1702] : memref<32x50x32xf32, #tpu.memory_space<vmem>> -> memref<1x50x32xf32, #tpu.memory_space<vmem>>
      %dma_wait3A_1704 = tpu.memref_squeeze %dma_wait3A_1703 : memref<1x50x32xf32, #tpu.memory_space<vmem>> -> memref<50x32xf32, #tpu.memory_space<vmem>>
      %dma_wait3A_1705 = arith.constant 0 : i32
      %dma_wait3A_1706 = tpu.memref_slice %arg5[%dma_wait3A_1699, %dma_wait3A_1705] : memref<32x50xi32, #tpu.memory_space<vmem>> -> memref<1x50xi32, #tpu.memory_space<vmem>>
      %dma_wait3A_1707 = tpu.memref_squeeze %dma_wait3A_1706 : memref<1x50xi32, #tpu.memory_space<vmem>> -> memref<50xi32, #tpu.memory_space<vmem>>
      %dma_wait3A_1708 = arith.constant 0 : i32
      %dma_wait3A_1709 = arith.constant 0 : i32
      %dma_wait3A_1710 = tpu.memref_slice %arg3[%dma_wait3A_1708, %dma_wait3A_1709] : memref<1000000x32xf32, #tpu.memory_space<hbm>> -> memref<1000000x32xf32, #tpu.memory_space<hbm>>
      tpu.wait_indirect_dma semaphore(%arg11 : memref<!tpu.dma_semaphore, #tpu.memory_space<semaphore_mem>>) src(%dma_wait3A_1710 : memref<1000000x32xf32, #tpu.memory_space<hbm>>) dst(%dma_wait3A_1704 : memref<50x32xf32, #tpu.memory_space<vmem>>)
      %dma_wait3A_1711 = arith.constant 9 : i32
      %dma_wait3A_1712 = arith.constant 9 : i32
      %dma_wait3A_1713 = arith.constant 0 : i32
      %dma_wait3A_1714 = arith.constant 0 : i32
      %dma_wait3A_1715 = tpu.memref_slice %arg7[%dma_wait3A_1712, %dma_wait3A_1713, %dma_wait3A_1714] : memref<32x50x32xf32, #tpu.memory_space<vmem>> -> memref<1x50x32xf32, #tpu.memory_space<vmem>>
      %dma_wait3A_1716 = tpu.memref_squeeze %dma_wait3A_1715 : memref<1x50x32xf32, #tpu.memory_space<vmem>> -> memref<50x32xf32, #tpu.memory_space<vmem>>
      %dma_wait3A_1717 = arith.constant 0 : i32
      %dma_wait3A_1718 = tpu.memref_slice %arg5[%dma_wait3A_1711, %dma_wait3A_1717] : memref<32x50xi32, #tpu.memory_space<vmem>> -> memref<1x50xi32, #tpu.memory_space<vmem>>
      %dma_wait3A_1719 = tpu.memref_squeeze %dma_wait3A_1718 : memref<1x50xi32, #tpu.memory_space<vmem>> -> memref<50xi32, #tpu.memory_space<vmem>>
      %dma_wait3A_1720 = arith.constant 0 : i32
      %dma_wait3A_1721 = arith.constant 0 : i32
      %dma_wait3A_1722 = tpu.memref_slice %arg3[%dma_wait3A_1720, %dma_wait3A_1721] : memref<1000000x32xf32, #tpu.memory_space<hbm>> -> memref<1000000x32xf32, #tpu.memory_space<hbm>>
      tpu.wait_indirect_dma semaphore(%arg11 : memref<!tpu.dma_semaphore, #tpu.memory_space<semaphore_mem>>) src(%dma_wait3A_1722 : memref<1000000x32xf32, #tpu.memory_space<hbm>>) dst(%dma_wait3A_1716 : memref<50x32xf32, #tpu.memory_space<vmem>>)
      %dma_wait3A_1723 = arith.constant 10 : i32
      %dma_wait3A_1724 = arith.constant 10 : i32
      %dma_wait3A_1725 = arith.constant 0 : i32
      %dma_wait3A_1726 = arith.constant 0 : i32
      %dma_wait3A_1727 = tpu.memref_slice %arg7[%dma_wait3A_1724, %dma_wait3A_1725, %dma_wait3A_1726] : memref<32x50x32xf32, #tpu.memory_space<vmem>> -> memref<1x50x32xf32, #tpu.memory_space<vmem>>
      %dma_wait3A_1728 = tpu.memref_squeeze %dma_wait3A_1727 : memref<1x50x32xf32, #tpu.memory_space<vmem>> -> memref<50x32xf32, #tpu.memory_space<vmem>>
      %dma_wait3A_1729 = arith.constant 0 : i32
      %dma_wait3A_1730 = tpu.memref_slice %arg5[%dma_wait3A_1723, %dma_wait3A_1729] : memref<32x50xi32, #tpu.memory_space<vmem>> -> memref<1x50xi32, #tpu.memory_space<vmem>>
      %dma_wait3A_1731 = tpu.memref_squeeze %dma_wait3A_1730 : memref<1x50xi32, #tpu.memory_space<vmem>> -> memref<50xi32, #tpu.memory_space<vmem>>
      %dma_wait3A_1732 = arith.constant 0 : i32
      %dma_wait3A_1733 = arith.constant 0 : i32
      %dma_wait3A_1734 = tpu.memref_slice %arg3[%dma_wait3A_1732, %dma_wait3A_1733] : memref<1000000x32xf32, #tpu.memory_space<hbm>> -> memref<1000000x32xf32, #tpu.memory_space<hbm>>
      tpu.wait_indirect_dma semaphore(%arg11 : memref<!tpu.dma_semaphore, #tpu.memory_space<semaphore_mem>>) src(%dma_wait3A_1734 : memref<1000000x32xf32, #tpu.memory_space<hbm>>) dst(%dma_wait3A_1728 : memref<50x32xf32, #tpu.memory_space<vmem>>)
      %dma_wait3A_1735 = arith.constant 11 : i32
      %dma_wait3A_1736 = arith.constant 11 : i32
      %dma_wait3A_1737 = arith.constant 0 : i32
      %dma_wait3A_1738 = arith.constant 0 : i32
      %dma_wait3A_1739 = tpu.memref_slice %arg7[%dma_wait3A_1736, %dma_wait3A_1737, %dma_wait3A_1738] : memref<32x50x32xf32, #tpu.memory_space<vmem>> -> memref<1x50x32xf32, #tpu.memory_space<vmem>>
      %dma_wait3A_1740 = tpu.memref_squeeze %dma_wait3A_1739 : memref<1x50x32xf32, #tpu.memory_space<vmem>> -> memref<50x32xf32, #tpu.memory_space<vmem>>
      %dma_wait3A_1741 = arith.constant 0 : i32
      %dma_wait3A_1742 = tpu.memref_slice %arg5[%dma_wait3A_1735, %dma_wait3A_1741] : memref<32x50xi32, #tpu.memory_space<vmem>> -> memref<1x50xi32, #tpu.memory_space<vmem>>
      %dma_wait3A_1743 = tpu.memref_squeeze %dma_wait3A_1742 : memref<1x50xi32, #tpu.memory_space<vmem>> -> memref<50xi32, #tpu.memory_space<vmem>>
      %dma_wait3A_1744 = arith.constant 0 : i32
      %dma_wait3A_1745 = arith.constant 0 : i32
      %dma_wait3A_1746 = tpu.memref_slice %arg3[%dma_wait3A_1744, %dma_wait3A_1745] : memref<1000000x32xf32, #tpu.memory_space<hbm>> -> memref<1000000x32xf32, #tpu.memory_space<hbm>>
      tpu.wait_indirect_dma semaphore(%arg11 : memref<!tpu.dma_semaphore, #tpu.memory_space<semaphore_mem>>) src(%dma_wait3A_1746 : memref<1000000x32xf32, #tpu.memory_space<hbm>>) dst(%dma_wait3A_1740 : memref<50x32xf32, #tpu.memory_space<vmem>>)
      %dma_wait3A_1747 = arith.constant 12 : i32
      %dma_wait3A_1748 = arith.constant 12 : i32
      %dma_wait3A_1749 = arith.constant 0 : i32
      %dma_wait3A_1750 = arith.constant 0 : i32
      %dma_wait3A_1751 = tpu.memref_slice %arg7[%dma_wait3A_1748, %dma_wait3A_1749, %dma_wait3A_1750] : memref<32x50x32xf32, #tpu.memory_space<vmem>> -> memref<1x50x32xf32, #tpu.memory_space<vmem>>
      %dma_wait3A_1752 = tpu.memref_squeeze %dma_wait3A_1751 : memref<1x50x32xf32, #tpu.memory_space<vmem>> -> memref<50x32xf32, #tpu.memory_space<vmem>>
      %dma_wait3A_1753 = arith.constant 0 : i32
      %dma_wait3A_1754 = tpu.memref_slice %arg5[%dma_wait3A_1747, %dma_wait3A_1753] : memref<32x50xi32, #tpu.memory_space<vmem>> -> memref<1x50xi32, #tpu.memory_space<vmem>>
      %dma_wait3A_1755 = tpu.memref_squeeze %dma_wait3A_1754 : memref<1x50xi32, #tpu.memory_space<vmem>> -> memref<50xi32, #tpu.memory_space<vmem>>
      %dma_wait3A_1756 = arith.constant 0 : i32
      %dma_wait3A_1757 = arith.constant 0 : i32
      %dma_wait3A_1758 = tpu.memref_slice %arg3[%dma_wait3A_1756, %dma_wait3A_1757] : memref<1000000x32xf32, #tpu.memory_space<hbm>> -> memref<1000000x32xf32, #tpu.memory_space<hbm>>
      tpu.wait_indirect_dma semaphore(%arg11 : memref<!tpu.dma_semaphore, #tpu.memory_space<semaphore_mem>>) src(%dma_wait3A_1758 : memref<1000000x32xf32, #tpu.memory_space<hbm>>) dst(%dma_wait3A_1752 : memref<50x32xf32, #tpu.memory_space<vmem>>)
      %dma_wait3A_1759 = arith.constant 13 : i32
      %dma_wait3A_1760 = arith.constant 13 : i32
      %dma_wait3A_1761 = arith.constant 0 : i32
      %dma_wait3A_1762 = arith.constant 0 : i32
      %dma_wait3A_1763 = tpu.memref_slice %arg7[%dma_wait3A_1760, %dma_wait3A_1761, %dma_wait3A_1762] : memref<32x50x32xf32, #tpu.memory_space<vmem>> -> memref<1x50x32xf32, #tpu.memory_space<vmem>>
      %dma_wait3A_1764 = tpu.memref_squeeze %dma_wait3A_1763 : memref<1x50x32xf32, #tpu.memory_space<vmem>> -> memref<50x32xf32, #tpu.memory_space<vmem>>
      %dma_wait3A_1765 = arith.constant 0 : i32
      %dma_wait3A_1766 = tpu.memref_slice %arg5[%dma_wait3A_1759, %dma_wait3A_1765] : memref<32x50xi32, #tpu.memory_space<vmem>> -> memref<1x50xi32, #tpu.memory_space<vmem>>
      %dma_wait3A_1767 = tpu.memref_squeeze %dma_wait3A_1766 : memref<1x50xi32, #tpu.memory_space<vmem>> -> memref<50xi32, #tpu.memory_space<vmem>>
      %dma_wait3A_1768 = arith.constant 0 : i32
      %dma_wait3A_1769 = arith.constant 0 : i32
      %dma_wait3A_1770 = tpu.memref_slice %arg3[%dma_wait3A_1768, %dma_wait3A_1769] : memref<1000000x32xf32, #tpu.memory_space<hbm>> -> memref<1000000x32xf32, #tpu.memory_space<hbm>>
      tpu.wait_indirect_dma semaphore(%arg11 : memref<!tpu.dma_semaphore, #tpu.memory_space<semaphore_mem>>) src(%dma_wait3A_1770 : memref<1000000x32xf32, #tpu.memory_space<hbm>>) dst(%dma_wait3A_1764 : memref<50x32xf32, #tpu.memory_space<vmem>>)
      %dma_wait3A_1771 = arith.constant 14 : i32
      %dma_wait3A_1772 = arith.constant 14 : i32
      %dma_wait3A_1773 = arith.constant 0 : i32
      %dma_wait3A_1774 = arith.constant 0 : i32
      %dma_wait3A_1775 = tpu.memref_slice %arg7[%dma_wait3A_1772, %dma_wait3A_1773, %dma_wait3A_1774] : memref<32x50x32xf32, #tpu.memory_space<vmem>> -> memref<1x50x32xf32, #tpu.memory_space<vmem>>
      %dma_wait3A_1776 = tpu.memref_squeeze %dma_wait3A_1775 : memref<1x50x32xf32, #tpu.memory_space<vmem>> -> memref<50x32xf32, #tpu.memory_space<vmem>>
      %dma_wait3A_1777 = arith.constant 0 : i32
      %dma_wait3A_1778 = tpu.memref_slice %arg5[%dma_wait3A_1771, %dma_wait3A_1777] : memref<32x50xi32, #tpu.memory_space<vmem>> -> memref<1x50xi32, #tpu.memory_space<vmem>>
      %dma_wait3A_1779 = tpu.memref_squeeze %dma_wait3A_1778 : memref<1x50xi32, #tpu.memory_space<vmem>> -> memref<50xi32, #tpu.memory_space<vmem>>
      %dma_wait3A_1780 = arith.constant 0 : i32
      %dma_wait3A_1781 = arith.constant 0 : i32
      %dma_wait3A_1782 = tpu.memref_slice %arg3[%dma_wait3A_1780, %dma_wait3A_1781] : memref<1000000x32xf32, #tpu.memory_space<hbm>> -> memref<1000000x32xf32, #tpu.memory_space<hbm>>
      tpu.wait_indirect_dma semaphore(%arg11 : memref<!tpu.dma_semaphore, #tpu.memory_space<semaphore_mem>>) src(%dma_wait3A_1782 : memref<1000000x32xf32, #tpu.memory_space<hbm>>) dst(%dma_wait3A_1776 : memref<50x32xf32, #tpu.memory_space<vmem>>)
      %dma_wait3A_1783 = arith.constant 15 : i32
      %dma_wait3A_1784 = arith.constant 15 : i32
      %dma_wait3A_1785 = arith.constant 0 : i32
      %dma_wait3A_1786 = arith.constant 0 : i32
      %dma_wait3A_1787 = tpu.memref_slice %arg7[%dma_wait3A_1784, %dma_wait3A_1785, %dma_wait3A_1786] : memref<32x50x32xf32, #tpu.memory_space<vmem>> -> memref<1x50x32xf32, #tpu.memory_space<vmem>>
      %dma_wait3A_1788 = tpu.memref_squeeze %dma_wait3A_1787 : memref<1x50x32xf32, #tpu.memory_space<vmem>> -> memref<50x32xf32, #tpu.memory_space<vmem>>
      %dma_wait3A_1789 = arith.constant 0 : i32
      %dma_wait3A_1790 = tpu.memref_slice %arg5[%dma_wait3A_1783, %dma_wait3A_1789] : memref<32x50xi32, #tpu.memory_space<vmem>> -> memref<1x50xi32, #tpu.memory_space<vmem>>
      %dma_wait3A_1791 = tpu.memref_squeeze %dma_wait3A_1790 : memref<1x50xi32, #tpu.memory_space<vmem>> -> memref<50xi32, #tpu.memory_space<vmem>>
      %dma_wait3A_1792 = arith.constant 0 : i32
      %dma_wait3A_1793 = arith.constant 0 : i32
      %dma_wait3A_1794 = tpu.memref_slice %arg3[%dma_wait3A_1792, %dma_wait3A_1793] : memref<1000000x32xf32, #tpu.memory_space<hbm>> -> memref<1000000x32xf32, #tpu.memory_space<hbm>>
      tpu.wait_indirect_dma semaphore(%arg11 : memref<!tpu.dma_semaphore, #tpu.memory_space<semaphore_mem>>) src(%dma_wait3A_1794 : memref<1000000x32xf32, #tpu.memory_space<hbm>>) dst(%dma_wait3A_1788 : memref<50x32xf32, #tpu.memory_space<vmem>>)
      %dma_wait3A_1795 = arith.constant 16 : i32
      %dma_wait3A_1796 = arith.constant 16 : i32
      %dma_wait3A_1797 = arith.constant 0 : i32
      %dma_wait3A_1798 = arith.constant 0 : i32
      %dma_wait3A_1799 = tpu.memref_slice %arg7[%dma_wait3A_1796, %dma_wait3A_1797, %dma_wait3A_1798] : memref<32x50x32xf32, #tpu.memory_space<vmem>> -> memref<1x50x32xf32, #tpu.memory_space<vmem>>
      %dma_wait3A_1800 = tpu.memref_squeeze %dma_wait3A_1799 : memref<1x50x32xf32, #tpu.memory_space<vmem>> -> memref<50x32xf32, #tpu.memory_space<vmem>>
      %dma_wait3A_1801 = arith.constant 0 : i32
      %dma_wait3A_1802 = tpu.memref_slice %arg5[%dma_wait3A_1795, %dma_wait3A_1801] : memref<32x50xi32, #tpu.memory_space<vmem>> -> memref<1x50xi32, #tpu.memory_space<vmem>>
      %dma_wait3A_1803 = tpu.memref_squeeze %dma_wait3A_1802 : memref<1x50xi32, #tpu.memory_space<vmem>> -> memref<50xi32, #tpu.memory_space<vmem>>
      %dma_wait3A_1804 = arith.constant 0 : i32
      %dma_wait3A_1805 = arith.constant 0 : i32
      %dma_wait3A_1806 = tpu.memref_slice %arg3[%dma_wait3A_1804, %dma_wait3A_1805] : memref<1000000x32xf32, #tpu.memory_space<hbm>> -> memref<1000000x32xf32, #tpu.memory_space<hbm>>
      tpu.wait_indirect_dma semaphore(%arg11 : memref<!tpu.dma_semaphore, #tpu.memory_space<semaphore_mem>>) src(%dma_wait3A_1806 : memref<1000000x32xf32, #tpu.memory_space<hbm>>) dst(%dma_wait3A_1800 : memref<50x32xf32, #tpu.memory_space<vmem>>)
      %dma_wait3A_1807 = arith.constant 17 : i32
      %dma_wait3A_1808 = arith.constant 17 : i32
      %dma_wait3A_1809 = arith.constant 0 : i32
      %dma_wait3A_1810 = arith.constant 0 : i32
      %dma_wait3A_1811 = tpu.memref_slice %arg7[%dma_wait3A_1808, %dma_wait3A_1809, %dma_wait3A_1810] : memref<32x50x32xf32, #tpu.memory_space<vmem>> -> memref<1x50x32xf32, #tpu.memory_space<vmem>>
      %dma_wait3A_1812 = tpu.memref_squeeze %dma_wait3A_1811 : memref<1x50x32xf32, #tpu.memory_space<vmem>> -> memref<50x32xf32, #tpu.memory_space<vmem>>
      %dma_wait3A_1813 = arith.constant 0 : i32
      %dma_wait3A_1814 = tpu.memref_slice %arg5[%dma_wait3A_1807, %dma_wait3A_1813] : memref<32x50xi32, #tpu.memory_space<vmem>> -> memref<1x50xi32, #tpu.memory_space<vmem>>
      %dma_wait3A_1815 = tpu.memref_squeeze %dma_wait3A_1814 : memref<1x50xi32, #tpu.memory_space<vmem>> -> memref<50xi32, #tpu.memory_space<vmem>>
      %dma_wait3A_1816 = arith.constant 0 : i32
      %dma_wait3A_1817 = arith.constant 0 : i32
      %dma_wait3A_1818 = tpu.memref_slice %arg3[%dma_wait3A_1816, %dma_wait3A_1817] : memref<1000000x32xf32, #tpu.memory_space<hbm>> -> memref<1000000x32xf32, #tpu.memory_space<hbm>>
      tpu.wait_indirect_dma semaphore(%arg11 : memref<!tpu.dma_semaphore, #tpu.memory_space<semaphore_mem>>) src(%dma_wait3A_1818 : memref<1000000x32xf32, #tpu.memory_space<hbm>>) dst(%dma_wait3A_1812 : memref<50x32xf32, #tpu.memory_space<vmem>>)
      %dma_wait3A_1819 = arith.constant 18 : i32
      %dma_wait3A_1820 = arith.constant 18 : i32
      %dma_wait3A_1821 = arith.constant 0 : i32
      %dma_wait3A_1822 = arith.constant 0 : i32
      %dma_wait3A_1823 = tpu.memref_slice %arg7[%dma_wait3A_1820, %dma_wait3A_1821, %dma_wait3A_1822] : memref<32x50x32xf32, #tpu.memory_space<vmem>> -> memref<1x50x32xf32, #tpu.memory_space<vmem>>
      %dma_wait3A_1824 = tpu.memref_squeeze %dma_wait3A_1823 : memref<1x50x32xf32, #tpu.memory_space<vmem>> -> memref<50x32xf32, #tpu.memory_space<vmem>>
      %dma_wait3A_1825 = arith.constant 0 : i32
      %dma_wait3A_1826 = tpu.memref_slice %arg5[%dma_wait3A_1819, %dma_wait3A_1825] : memref<32x50xi32, #tpu.memory_space<vmem>> -> memref<1x50xi32, #tpu.memory_space<vmem>>
      %dma_wait3A_1827 = tpu.memref_squeeze %dma_wait3A_1826 : memref<1x50xi32, #tpu.memory_space<vmem>> -> memref<50xi32, #tpu.memory_space<vmem>>
      %dma_wait3A_1828 = arith.constant 0 : i32
      %dma_wait3A_1829 = arith.constant 0 : i32
      %dma_wait3A_1830 = tpu.memref_slice %arg3[%dma_wait3A_1828, %dma_wait3A_1829] : memref<1000000x32xf32, #tpu.memory_space<hbm>> -> memref<1000000x32xf32, #tpu.memory_space<hbm>>
      tpu.wait_indirect_dma semaphore(%arg11 : memref<!tpu.dma_semaphore, #tpu.memory_space<semaphore_mem>>) src(%dma_wait3A_1830 : memref<1000000x32xf32, #tpu.memory_space<hbm>>) dst(%dma_wait3A_1824 : memref<50x32xf32, #tpu.memory_space<vmem>>)
      %dma_wait3A_1831 = arith.constant 19 : i32
      %dma_wait3A_1832 = arith.constant 19 : i32
      %dma_wait3A_1833 = arith.constant 0 : i32
      %dma_wait3A_1834 = arith.constant 0 : i32
      %dma_wait3A_1835 = tpu.memref_slice %arg7[%dma_wait3A_1832, %dma_wait3A_1833, %dma_wait3A_1834] : memref<32x50x32xf32, #tpu.memory_space<vmem>> -> memref<1x50x32xf32, #tpu.memory_space<vmem>>
      %dma_wait3A_1836 = tpu.memref_squeeze %dma_wait3A_1835 : memref<1x50x32xf32, #tpu.memory_space<vmem>> -> memref<50x32xf32, #tpu.memory_space<vmem>>
      %dma_wait3A_1837 = arith.constant 0 : i32
      %dma_wait3A_1838 = tpu.memref_slice %arg5[%dma_wait3A_1831, %dma_wait3A_1837] : memref<32x50xi32, #tpu.memory_space<vmem>> -> memref<1x50xi32, #tpu.memory_space<vmem>>
      %dma_wait3A_1839 = tpu.memref_squeeze %dma_wait3A_1838 : memref<1x50xi32, #tpu.memory_space<vmem>> -> memref<50xi32, #tpu.memory_space<vmem>>
      %dma_wait3A_1840 = arith.constant 0 : i32
      %dma_wait3A_1841 = arith.constant 0 : i32
      %dma_wait3A_1842 = tpu.memref_slice %arg3[%dma_wait3A_1840, %dma_wait3A_1841] : memref<1000000x32xf32, #tpu.memory_space<hbm>> -> memref<1000000x32xf32, #tpu.memory_space<hbm>>
      tpu.wait_indirect_dma semaphore(%arg11 : memref<!tpu.dma_semaphore, #tpu.memory_space<semaphore_mem>>) src(%dma_wait3A_1842 : memref<1000000x32xf32, #tpu.memory_space<hbm>>) dst(%dma_wait3A_1836 : memref<50x32xf32, #tpu.memory_space<vmem>>)
      %dma_wait3A_1843 = arith.constant 20 : i32
      %dma_wait3A_1844 = arith.constant 20 : i32
      %dma_wait3A_1845 = arith.constant 0 : i32
      %dma_wait3A_1846 = arith.constant 0 : i32
      %dma_wait3A_1847 = tpu.memref_slice %arg7[%dma_wait3A_1844, %dma_wait3A_1845, %dma_wait3A_1846] : memref<32x50x32xf32, #tpu.memory_space<vmem>> -> memref<1x50x32xf32, #tpu.memory_space<vmem>>
      %dma_wait3A_1848 = tpu.memref_squeeze %dma_wait3A_1847 : memref<1x50x32xf32, #tpu.memory_space<vmem>> -> memref<50x32xf32, #tpu.memory_space<vmem>>
      %dma_wait3A_1849 = arith.constant 0 : i32
      %dma_wait3A_1850 = tpu.memref_slice %arg5[%dma_wait3A_1843, %dma_wait3A_1849] : memref<32x50xi32, #tpu.memory_space<vmem>> -> memref<1x50xi32, #tpu.memory_space<vmem>>
      %dma_wait3A_1851 = tpu.memref_squeeze %dma_wait3A_1850 : memref<1x50xi32, #tpu.memory_space<vmem>> -> memref<50xi32, #tpu.memory_space<vmem>>
      %dma_wait3A_1852 = arith.constant 0 : i32
      %dma_wait3A_1853 = arith.constant 0 : i32
      %dma_wait3A_1854 = tpu.memref_slice %arg3[%dma_wait3A_1852, %dma_wait3A_1853] : memref<1000000x32xf32, #tpu.memory_space<hbm>> -> memref<1000000x32xf32, #tpu.memory_space<hbm>>
      tpu.wait_indirect_dma semaphore(%arg11 : memref<!tpu.dma_semaphore, #tpu.memory_space<semaphore_mem>>) src(%dma_wait3A_1854 : memref<1000000x32xf32, #tpu.memory_space<hbm>>) dst(%dma_wait3A_1848 : memref<50x32xf32, #tpu.memory_space<vmem>>)
      %dma_wait3A_1855 = arith.constant 21 : i32
      %dma_wait3A_1856 = arith.constant 21 : i32
      %dma_wait3A_1857 = arith.constant 0 : i32
      %dma_wait3A_1858 = arith.constant 0 : i32
      %dma_wait3A_1859 = tpu.memref_slice %arg7[%dma_wait3A_1856, %dma_wait3A_1857, %dma_wait3A_1858] : memref<32x50x32xf32, #tpu.memory_space<vmem>> -> memref<1x50x32xf32, #tpu.memory_space<vmem>>
      %dma_wait3A_1860 = tpu.memref_squeeze %dma_wait3A_1859 : memref<1x50x32xf32, #tpu.memory_space<vmem>> -> memref<50x32xf32, #tpu.memory_space<vmem>>
      %dma_wait3A_1861 = arith.constant 0 : i32
      %dma_wait3A_1862 = tpu.memref_slice %arg5[%dma_wait3A_1855, %dma_wait3A_1861] : memref<32x50xi32, #tpu.memory_space<vmem>> -> memref<1x50xi32, #tpu.memory_space<vmem>>
      %dma_wait3A_1863 = tpu.memref_squeeze %dma_wait3A_1862 : memref<1x50xi32, #tpu.memory_space<vmem>> -> memref<50xi32, #tpu.memory_space<vmem>>
      %dma_wait3A_1864 = arith.constant 0 : i32
      %dma_wait3A_1865 = arith.constant 0 : i32
      %dma_wait3A_1866 = tpu.memref_slice %arg3[%dma_wait3A_1864, %dma_wait3A_1865] : memref<1000000x32xf32, #tpu.memory_space<hbm>> -> memref<1000000x32xf32, #tpu.memory_space<hbm>>
      tpu.wait_indirect_dma semaphore(%arg11 : memref<!tpu.dma_semaphore, #tpu.memory_space<semaphore_mem>>) src(%dma_wait3A_1866 : memref<1000000x32xf32, #tpu.memory_space<hbm>>) dst(%dma_wait3A_1860 : memref<50x32xf32, #tpu.memory_space<vmem>>)
      %dma_wait3A_1867 = arith.constant 22 : i32
      %dma_wait3A_1868 = arith.constant 22 : i32
      %dma_wait3A_1869 = arith.constant 0 : i32
      %dma_wait3A_1870 = arith.constant 0 : i32
      %dma_wait3A_1871 = tpu.memref_slice %arg7[%dma_wait3A_1868, %dma_wait3A_1869, %dma_wait3A_1870] : memref<32x50x32xf32, #tpu.memory_space<vmem>> -> memref<1x50x32xf32, #tpu.memory_space<vmem>>
      %dma_wait3A_1872 = tpu.memref_squeeze %dma_wait3A_1871 : memref<1x50x32xf32, #tpu.memory_space<vmem>> -> memref<50x32xf32, #tpu.memory_space<vmem>>
      %dma_wait3A_1873 = arith.constant 0 : i32
      %dma_wait3A_1874 = tpu.memref_slice %arg5[%dma_wait3A_1867, %dma_wait3A_1873] : memref<32x50xi32, #tpu.memory_space<vmem>> -> memref<1x50xi32, #tpu.memory_space<vmem>>
      %dma_wait3A_1875 = tpu.memref_squeeze %dma_wait3A_1874 : memref<1x50xi32, #tpu.memory_space<vmem>> -> memref<50xi32, #tpu.memory_space<vmem>>
      %dma_wait3A_1876 = arith.constant 0 : i32
      %dma_wait3A_1877 = arith.constant 0 : i32
      %dma_wait3A_1878 = tpu.memref_slice %arg3[%dma_wait3A_1876, %dma_wait3A_1877] : memref<1000000x32xf32, #tpu.memory_space<hbm>> -> memref<1000000x32xf32, #tpu.memory_space<hbm>>
      tpu.wait_indirect_dma semaphore(%arg11 : memref<!tpu.dma_semaphore, #tpu.memory_space<semaphore_mem>>) src(%dma_wait3A_1878 : memref<1000000x32xf32, #tpu.memory_space<hbm>>) dst(%dma_wait3A_1872 : memref<50x32xf32, #tpu.memory_space<vmem>>)
      %dma_wait3A_1879 = arith.constant 23 : i32
      %dma_wait3A_1880 = arith.constant 23 : i32
      %dma_wait3A_1881 = arith.constant 0 : i32
      %dma_wait3A_1882 = arith.constant 0 : i32
      %dma_wait3A_1883 = tpu.memref_slice %arg7[%dma_wait3A_1880, %dma_wait3A_1881, %dma_wait3A_1882] : memref<32x50x32xf32, #tpu.memory_space<vmem>> -> memref<1x50x32xf32, #tpu.memory_space<vmem>>
      %dma_wait3A_1884 = tpu.memref_squeeze %dma_wait3A_1883 : memref<1x50x32xf32, #tpu.memory_space<vmem>> -> memref<50x32xf32, #tpu.memory_space<vmem>>
      %dma_wait3A_1885 = arith.constant 0 : i32
      %dma_wait3A_1886 = tpu.memref_slice %arg5[%dma_wait3A_1879, %dma_wait3A_1885] : memref<32x50xi32, #tpu.memory_space<vmem>> -> memref<1x50xi32, #tpu.memory_space<vmem>>
      %dma_wait3A_1887 = tpu.memref_squeeze %dma_wait3A_1886 : memref<1x50xi32, #tpu.memory_space<vmem>> -> memref<50xi32, #tpu.memory_space<vmem>>
      %dma_wait3A_1888 = arith.constant 0 : i32
      %dma_wait3A_1889 = arith.constant 0 : i32
      %dma_wait3A_1890 = tpu.memref_slice %arg3[%dma_wait3A_1888, %dma_wait3A_1889] : memref<1000000x32xf32, #tpu.memory_space<hbm>> -> memref<1000000x32xf32, #tpu.memory_space<hbm>>
      tpu.wait_indirect_dma semaphore(%arg11 : memref<!tpu.dma_semaphore, #tpu.memory_space<semaphore_mem>>) src(%dma_wait3A_1890 : memref<1000000x32xf32, #tpu.memory_space<hbm>>) dst(%dma_wait3A_1884 : memref<50x32xf32, #tpu.memory_space<vmem>>)
      %dma_wait3A_1891 = arith.constant 24 : i32
      %dma_wait3A_1892 = arith.constant 24 : i32
      %dma_wait3A_1893 = arith.constant 0 : i32
      %dma_wait3A_1894 = arith.constant 0 : i32
      %dma_wait3A_1895 = tpu.memref_slice %arg7[%dma_wait3A_1892, %dma_wait3A_1893, %dma_wait3A_1894] : memref<32x50x32xf32, #tpu.memory_space<vmem>> -> memref<1x50x32xf32, #tpu.memory_space<vmem>>
      %dma_wait3A_1896 = tpu.memref_squeeze %dma_wait3A_1895 : memref<1x50x32xf32, #tpu.memory_space<vmem>> -> memref<50x32xf32, #tpu.memory_space<vmem>>
      %dma_wait3A_1897 = arith.constant 0 : i32
      %dma_wait3A_1898 = tpu.memref_slice %arg5[%dma_wait3A_1891, %dma_wait3A_1897] : memref<32x50xi32, #tpu.memory_space<vmem>> -> memref<1x50xi32, #tpu.memory_space<vmem>>
      %dma_wait3A_1899 = tpu.memref_squeeze %dma_wait3A_1898 : memref<1x50xi32, #tpu.memory_space<vmem>> -> memref<50xi32, #tpu.memory_space<vmem>>
      %dma_wait3A_1900 = arith.constant 0 : i32
      %dma_wait3A_1901 = arith.constant 0 : i32
      %dma_wait3A_1902 = tpu.memref_slice %arg3[%dma_wait3A_1900, %dma_wait3A_1901] : memref<1000000x32xf32, #tpu.memory_space<hbm>> -> memref<1000000x32xf32, #tpu.memory_space<hbm>>
      tpu.wait_indirect_dma semaphore(%arg11 : memref<!tpu.dma_semaphore, #tpu.memory_space<semaphore_mem>>) src(%dma_wait3A_1902 : memref<1000000x32xf32, #tpu.memory_space<hbm>>) dst(%dma_wait3A_1896 : memref<50x32xf32, #tpu.memory_space<vmem>>)
      %dma_wait3A_1903 = arith.constant 25 : i32
      %dma_wait3A_1904 = arith.constant 25 : i32
      %dma_wait3A_1905 = arith.constant 0 : i32
      %dma_wait3A_1906 = arith.constant 0 : i32
      %dma_wait3A_1907 = tpu.memref_slice %arg7[%dma_wait3A_1904, %dma_wait3A_1905, %dma_wait3A_1906] : memref<32x50x32xf32, #tpu.memory_space<vmem>> -> memref<1x50x32xf32, #tpu.memory_space<vmem>>
      %dma_wait3A_1908 = tpu.memref_squeeze %dma_wait3A_1907 : memref<1x50x32xf32, #tpu.memory_space<vmem>> -> memref<50x32xf32, #tpu.memory_space<vmem>>
      %dma_wait3A_1909 = arith.constant 0 : i32
      %dma_wait3A_1910 = tpu.memref_slice %arg5[%dma_wait3A_1903, %dma_wait3A_1909] : memref<32x50xi32, #tpu.memory_space<vmem>> -> memref<1x50xi32, #tpu.memory_space<vmem>>
      %dma_wait3A_1911 = tpu.memref_squeeze %dma_wait3A_1910 : memref<1x50xi32, #tpu.memory_space<vmem>> -> memref<50xi32, #tpu.memory_space<vmem>>
      %dma_wait3A_1912 = arith.constant 0 : i32
      %dma_wait3A_1913 = arith.constant 0 : i32
      %dma_wait3A_1914 = tpu.memref_slice %arg3[%dma_wait3A_1912, %dma_wait3A_1913] : memref<1000000x32xf32, #tpu.memory_space<hbm>> -> memref<1000000x32xf32, #tpu.memory_space<hbm>>
      tpu.wait_indirect_dma semaphore(%arg11 : memref<!tpu.dma_semaphore, #tpu.memory_space<semaphore_mem>>) src(%dma_wait3A_1914 : memref<1000000x32xf32, #tpu.memory_space<hbm>>) dst(%dma_wait3A_1908 : memref<50x32xf32, #tpu.memory_space<vmem>>)
      %dma_wait3A_1915 = arith.constant 26 : i32
      %dma_wait3A_1916 = arith.constant 26 : i32
      %dma_wait3A_1917 = arith.constant 0 : i32
      %dma_wait3A_1918 = arith.constant 0 : i32
      %dma_wait3A_1919 = tpu.memref_slice %arg7[%dma_wait3A_1916, %dma_wait3A_1917, %dma_wait3A_1918] : memref<32x50x32xf32, #tpu.memory_space<vmem>> -> memref<1x50x32xf32, #tpu.memory_space<vmem>>
      %dma_wait3A_1920 = tpu.memref_squeeze %dma_wait3A_1919 : memref<1x50x32xf32, #tpu.memory_space<vmem>> -> memref<50x32xf32, #tpu.memory_space<vmem>>
      %dma_wait3A_1921 = arith.constant 0 : i32
      %dma_wait3A_1922 = tpu.memref_slice %arg5[%dma_wait3A_1915, %dma_wait3A_1921] : memref<32x50xi32, #tpu.memory_space<vmem>> -> memref<1x50xi32, #tpu.memory_space<vmem>>
      %dma_wait3A_1923 = tpu.memref_squeeze %dma_wait3A_1922 : memref<1x50xi32, #tpu.memory_space<vmem>> -> memref<50xi32, #tpu.memory_space<vmem>>
      %dma_wait3A_1924 = arith.constant 0 : i32
      %dma_wait3A_1925 = arith.constant 0 : i32
      %dma_wait3A_1926 = tpu.memref_slice %arg3[%dma_wait3A_1924, %dma_wait3A_1925] : memref<1000000x32xf32, #tpu.memory_space<hbm>> -> memref<1000000x32xf32, #tpu.memory_space<hbm>>
      tpu.wait_indirect_dma semaphore(%arg11 : memref<!tpu.dma_semaphore, #tpu.memory_space<semaphore_mem>>) src(%dma_wait3A_1926 : memref<1000000x32xf32, #tpu.memory_space<hbm>>) dst(%dma_wait3A_1920 : memref<50x32xf32, #tpu.memory_space<vmem>>)
      %dma_wait3A_1927 = arith.constant 27 : i32
      %dma_wait3A_1928 = arith.constant 27 : i32
      %dma_wait3A_1929 = arith.constant 0 : i32
      %dma_wait3A_1930 = arith.constant 0 : i32
      %dma_wait3A_1931 = tpu.memref_slice %arg7[%dma_wait3A_1928, %dma_wait3A_1929, %dma_wait3A_1930] : memref<32x50x32xf32, #tpu.memory_space<vmem>> -> memref<1x50x32xf32, #tpu.memory_space<vmem>>
      %dma_wait3A_1932 = tpu.memref_squeeze %dma_wait3A_1931 : memref<1x50x32xf32, #tpu.memory_space<vmem>> -> memref<50x32xf32, #tpu.memory_space<vmem>>
      %dma_wait3A_1933 = arith.constant 0 : i32
      %dma_wait3A_1934 = tpu.memref_slice %arg5[%dma_wait3A_1927, %dma_wait3A_1933] : memref<32x50xi32, #tpu.memory_space<vmem>> -> memref<1x50xi32, #tpu.memory_space<vmem>>
      %dma_wait3A_1935 = tpu.memref_squeeze %dma_wait3A_1934 : memref<1x50xi32, #tpu.memory_space<vmem>> -> memref<50xi32, #tpu.memory_space<vmem>>
      %dma_wait3A_1936 = arith.constant 0 : i32
      %dma_wait3A_1937 = arith.constant 0 : i32
      %dma_wait3A_1938 = tpu.memref_slice %arg3[%dma_wait3A_1936, %dma_wait3A_1937] : memref<1000000x32xf32, #tpu.memory_space<hbm>> -> memref<1000000x32xf32, #tpu.memory_space<hbm>>
      tpu.wait_indirect_dma semaphore(%arg11 : memref<!tpu.dma_semaphore, #tpu.memory_space<semaphore_mem>>) src(%dma_wait3A_1938 : memref<1000000x32xf32, #tpu.memory_space<hbm>>) dst(%dma_wait3A_1932 : memref<50x32xf32, #tpu.memory_space<vmem>>)
      %dma_wait3A_1939 = arith.constant 28 : i32
      %dma_wait3A_1940 = arith.constant 28 : i32
      %dma_wait3A_1941 = arith.constant 0 : i32
      %dma_wait3A_1942 = arith.constant 0 : i32
      %dma_wait3A_1943 = tpu.memref_slice %arg7[%dma_wait3A_1940, %dma_wait3A_1941, %dma_wait3A_1942] : memref<32x50x32xf32, #tpu.memory_space<vmem>> -> memref<1x50x32xf32, #tpu.memory_space<vmem>>
      %dma_wait3A_1944 = tpu.memref_squeeze %dma_wait3A_1943 : memref<1x50x32xf32, #tpu.memory_space<vmem>> -> memref<50x32xf32, #tpu.memory_space<vmem>>
      %dma_wait3A_1945 = arith.constant 0 : i32
      %dma_wait3A_1946 = tpu.memref_slice %arg5[%dma_wait3A_1939, %dma_wait3A_1945] : memref<32x50xi32, #tpu.memory_space<vmem>> -> memref<1x50xi32, #tpu.memory_space<vmem>>
      %dma_wait3A_1947 = tpu.memref_squeeze %dma_wait3A_1946 : memref<1x50xi32, #tpu.memory_space<vmem>> -> memref<50xi32, #tpu.memory_space<vmem>>
      %dma_wait3A_1948 = arith.constant 0 : i32
      %dma_wait3A_1949 = arith.constant 0 : i32
      %dma_wait3A_1950 = tpu.memref_slice %arg3[%dma_wait3A_1948, %dma_wait3A_1949] : memref<1000000x32xf32, #tpu.memory_space<hbm>> -> memref<1000000x32xf32, #tpu.memory_space<hbm>>
      tpu.wait_indirect_dma semaphore(%arg11 : memref<!tpu.dma_semaphore, #tpu.memory_space<semaphore_mem>>) src(%dma_wait3A_1950 : memref<1000000x32xf32, #tpu.memory_space<hbm>>) dst(%dma_wait3A_1944 : memref<50x32xf32, #tpu.memory_space<vmem>>)
      %dma_wait3A_1951 = arith.constant 29 : i32
      %dma_wait3A_1952 = arith.constant 29 : i32
      %dma_wait3A_1953 = arith.constant 0 : i32
      %dma_wait3A_1954 = arith.constant 0 : i32
      %dma_wait3A_1955 = tpu.memref_slice %arg7[%dma_wait3A_1952, %dma_wait3A_1953, %dma_wait3A_1954] : memref<32x50x32xf32, #tpu.memory_space<vmem>> -> memref<1x50x32xf32, #tpu.memory_space<vmem>>
      %dma_wait3A_1956 = tpu.memref_squeeze %dma_wait3A_1955 : memref<1x50x32xf32, #tpu.memory_space<vmem>> -> memref<50x32xf32, #tpu.memory_space<vmem>>
      %dma_wait3A_1957 = arith.constant 0 : i32
      %dma_wait3A_1958 = tpu.memref_slice %arg5[%dma_wait3A_1951, %dma_wait3A_1957] : memref<32x50xi32, #tpu.memory_space<vmem>> -> memref<1x50xi32, #tpu.memory_space<vmem>>
      %dma_wait3A_1959 = tpu.memref_squeeze %dma_wait3A_1958 : memref<1x50xi32, #tpu.memory_space<vmem>> -> memref<50xi32, #tpu.memory_space<vmem>>
      %dma_wait3A_1960 = arith.constant 0 : i32
      %dma_wait3A_1961 = arith.constant 0 : i32
      %dma_wait3A_1962 = tpu.memref_slice %arg3[%dma_wait3A_1960, %dma_wait3A_1961] : memref<1000000x32xf32, #tpu.memory_space<hbm>> -> memref<1000000x32xf32, #tpu.memory_space<hbm>>
      tpu.wait_indirect_dma semaphore(%arg11 : memref<!tpu.dma_semaphore, #tpu.memory_space<semaphore_mem>>) src(%dma_wait3A_1962 : memref<1000000x32xf32, #tpu.memory_space<hbm>>) dst(%dma_wait3A_1956 : memref<50x32xf32, #tpu.memory_space<vmem>>)
      %dma_wait3A_1963 = arith.constant 30 : i32
      %dma_wait3A_1964 = arith.constant 30 : i32
      %dma_wait3A_1965 = arith.constant 0 : i32
      %dma_wait3A_1966 = arith.constant 0 : i32
      %dma_wait3A_1967 = tpu.memref_slice %arg7[%dma_wait3A_1964, %dma_wait3A_1965, %dma_wait3A_1966] : memref<32x50x32xf32, #tpu.memory_space<vmem>> -> memref<1x50x32xf32, #tpu.memory_space<vmem>>
      %dma_wait3A_1968 = tpu.memref_squeeze %dma_wait3A_1967 : memref<1x50x32xf32, #tpu.memory_space<vmem>> -> memref<50x32xf32, #tpu.memory_space<vmem>>
      %dma_wait3A_1969 = arith.constant 0 : i32
      %dma_wait3A_1970 = tpu.memref_slice %arg5[%dma_wait3A_1963, %dma_wait3A_1969] : memref<32x50xi32, #tpu.memory_space<vmem>> -> memref<1x50xi32, #tpu.memory_space<vmem>>
      %dma_wait3A_1971 = tpu.memref_squeeze %dma_wait3A_1970 : memref<1x50xi32, #tpu.memory_space<vmem>> -> memref<50xi32, #tpu.memory_space<vmem>>
      %dma_wait3A_1972 = arith.constant 0 : i32
      %dma_wait3A_1973 = arith.constant 0 : i32
      %dma_wait3A_1974 = tpu.memref_slice %arg3[%dma_wait3A_1972, %dma_wait3A_1973] : memref<1000000x32xf32, #tpu.memory_space<hbm>> -> memref<1000000x32xf32, #tpu.memory_space<hbm>>
      tpu.wait_indirect_dma semaphore(%arg11 : memref<!tpu.dma_semaphore, #tpu.memory_space<semaphore_mem>>) src(%dma_wait3A_1974 : memref<1000000x32xf32, #tpu.memory_space<hbm>>) dst(%dma_wait3A_1968 : memref<50x32xf32, #tpu.memory_space<vmem>>)
      %dma_wait3A_1975 = arith.constant 31 : i32
      %dma_wait3A_1976 = arith.constant 31 : i32
      %dma_wait3A_1977 = arith.constant 0 : i32
      %dma_wait3A_1978 = arith.constant 0 : i32
      %dma_wait3A_1979 = tpu.memref_slice %arg7[%dma_wait3A_1976, %dma_wait3A_1977, %dma_wait3A_1978] : memref<32x50x32xf32, #tpu.memory_space<vmem>> -> memref<1x50x32xf32, #tpu.memory_space<vmem>>
      %dma_wait3A_1980 = tpu.memref_squeeze %dma_wait3A_1979 : memref<1x50x32xf32, #tpu.memory_space<vmem>> -> memref<50x32xf32, #tpu.memory_space<vmem>>
      %dma_wait3A_1981 = arith.constant 0 : i32
      %dma_wait3A_1982 = tpu.memref_slice %arg5[%dma_wait3A_1975, %dma_wait3A_1981] : memref<32x50xi32, #tpu.memory_space<vmem>> -> memref<1x50xi32, #tpu.memory_space<vmem>>
      %dma_wait3A_1983 = tpu.memref_squeeze %dma_wait3A_1982 : memref<1x50xi32, #tpu.memory_space<vmem>> -> memref<50xi32, #tpu.memory_space<vmem>>
      %dma_wait3A_1984 = arith.constant 0 : i32
      %dma_wait3A_1985 = arith.constant 0 : i32
      %dma_wait3A_1986 = tpu.memref_slice %arg3[%dma_wait3A_1984, %dma_wait3A_1985] : memref<1000000x32xf32, #tpu.memory_space<hbm>> -> memref<1000000x32xf32, #tpu.memory_space<hbm>>
      tpu.wait_indirect_dma semaphore(%arg11 : memref<!tpu.dma_semaphore, #tpu.memory_space<semaphore_mem>>) src(%dma_wait3A_1986 : memref<1000000x32xf32, #tpu.memory_space<hbm>>) dst(%dma_wait3A_1980 : memref<50x32xf32, #tpu.memory_space<vmem>>)
      %mul3A_1987 = arith.constant 32 : i32
      %mul3A_1988 = arith.muli %add3A_1602, %mul3A_1987 : i32
      %add3A_1989 = arith.addi %mul3A_2, %mul3A_1988 : i32
      %dma_start3A_1990 = arith.constant 0 : i32
      %dma_start3A_1991 = arith.constant 0 : i32
      %dma_start3A_1992 = tpu.memref_slice %arg4[%add3A_1989, %dma_start3A_1990, %dma_start3A_1991] : memref<16384x50x32xf32, #tpu.memory_space<hbm>> -> memref<32x50x32xf32, #tpu.memory_space<hbm>>
      %dma_start3A_1993 = arith.constant 0 : i32
      %dma_start3A_1994 = arith.constant 0 : i32
      %dma_start3A_1995 = tpu.memref_slice %arg4[%add3A_1989, %dma_start3A_1993, %dma_start3A_1994] : memref<16384x50x32xf32, #tpu.memory_space<hbm>> -> memref<32x50x32xf32, #tpu.memory_space<hbm>>
      tpu.enqueue_dma source(%arg7 : memref<32x50x32xf32, #tpu.memory_space<vmem>>) target(%dma_start3A_1995 : memref<32x50x32xf32, #tpu.memory_space<hbm>>) target_semaphore(%arg13 : memref<!tpu.dma_semaphore, #tpu.memory_space<semaphore_mem>>)
      %add3A_1996 = arith.constant 2 : i32
      %add3A_1997 = arith.addi %add3A_1602, %add3A_1996 : i32
      %mul3A_1998 = arith.constant 32 : i32
      %mul3A_1999 = arith.muli %add3A_1997, %mul3A_1998 : i32
      %add3A_2000 = arith.addi %mul3A_2, %mul3A_1999 : i32
      %dma_start3A_2001 = arith.constant 0 : i32
      %dma_start3A_2002 = tpu.memref_slice %arg2[%add3A_2000, %dma_start3A_2001] : memref<16384x50xi32, #tpu.memory_space<hbm>> -> memref<32x50xi32, #tpu.memory_space<hbm>>
      %dma_start3A_2003 = arith.constant 0 : i32
      %dma_start3A_2004 = tpu.memref_slice %arg2[%add3A_2000, %dma_start3A_2003] : memref<16384x50xi32, #tpu.memory_space<hbm>> -> memref<32x50xi32, #tpu.memory_space<hbm>>
      tpu.enqueue_dma source(%dma_start3A_2004 : memref<32x50xi32, #tpu.memory_space<hbm>>) target(%arg5 : memref<32x50xi32, #tpu.memory_space<vmem>>) target_semaphore(%arg9 : memref<!tpu.dma_semaphore, #tpu.memory_space<semaphore_mem>>)
      %add3A_2005 = arith.constant 2 : i32
      %add3A_2006 = arith.addi %add3A_1602, %add3A_2005 : i32
      %mul3A_2007 = arith.constant 32 : i32
      %mul3A_2008 = arith.muli %add3A_2006, %mul3A_2007 : i32
      %add3A_2009 = arith.addi %mul3A_2, %mul3A_2008 : i32
      %dma_wait3A_2010 = arith.constant 0 : i32
      %dma_wait3A_2011 = tpu.memref_slice %arg2[%add3A_2009, %dma_wait3A_2010] : memref<16384x50xi32, #tpu.memory_space<hbm>> -> memref<32x50xi32, #tpu.memory_space<hbm>>
      %dma_wait3A_2012 = arith.constant 0 : i32
      %dma_wait3A_2013 = tpu.memref_slice %arg2[%add3A_2009, %dma_wait3A_2012] : memref<16384x50xi32, #tpu.memory_space<hbm>> -> memref<32x50xi32, #tpu.memory_space<hbm>>
      tpu.wait_dma2 semaphore(%arg9 : memref<!tpu.dma_semaphore, #tpu.memory_space<semaphore_mem>>) src(%dma_wait3A_2013 : memref<32x50xi32, #tpu.memory_space<hbm>>) dst(%arg5 : memref<32x50xi32, #tpu.memory_space<vmem>>)
      %mul3A_2014 = arith.constant 32 : i32
      %mul3A_2015 = arith.muli %add3A_1602, %mul3A_2014 : i32
      %add3A_2016 = arith.addi %mul3A_2, %mul3A_2015 : i32
      %dma_wait3A_2017 = arith.constant 0 : i32
      %dma_wait3A_2018 = arith.constant 0 : i32
      %dma_wait3A_2019 = tpu.memref_slice %arg4[%add3A_2016, %dma_wait3A_2017, %dma_wait3A_2018] : memref<16384x50x32xf32, #tpu.memory_space<hbm>> -> memref<32x50x32xf32, #tpu.memory_space<hbm>>
      %dma_wait3A_2020 = arith.constant 0 : i32
      %dma_wait3A_2021 = arith.constant 0 : i32
      %dma_wait3A_2022 = tpu.memref_slice %arg4[%add3A_2016, %dma_wait3A_2020, %dma_wait3A_2021] : memref<16384x50x32xf32, #tpu.memory_space<hbm>> -> memref<32x50x32xf32, #tpu.memory_space<hbm>>
      tpu.wait_dma2 semaphore(%arg13 : memref<!tpu.dma_semaphore, #tpu.memory_space<semaphore_mem>>) src(%arg7 : memref<32x50x32xf32, #tpu.memory_space<vmem>>) dst(%dma_wait3A_2022 : memref<32x50x32xf32, #tpu.memory_space<hbm>>)
      %dma_start3A_2023 = arith.constant 0 : i32
      %dma_start3A_2024 = arith.constant 0 : i32
      %dma_start3A_2025 = arith.constant 0 : i32
      %dma_start3A_2026 = arith.constant 0 : i32
      %dma_start3A_2027 = tpu.memref_slice %arg7[%dma_start3A_2024, %dma_start3A_2025, %dma_start3A_2026] : memref<32x50x32xf32, #tpu.memory_space<vmem>> -> memref<1x50x32xf32, #tpu.memory_space<vmem>>
      %dma_start3A_2028 = tpu.memref_squeeze %dma_start3A_2027 : memref<1x50x32xf32, #tpu.memory_space<vmem>> -> memref<50x32xf32, #tpu.memory_space<vmem>>
      %dma_start3A_2029 = arith.constant 0 : i32
      %dma_start3A_2030 = tpu.memref_slice %arg5[%dma_start3A_2023, %dma_start3A_2029] : memref<32x50xi32, #tpu.memory_space<vmem>> -> memref<1x50xi32, #tpu.memory_space<vmem>>
      %dma_start3A_2031 = tpu.memref_squeeze %dma_start3A_2030 : memref<1x50xi32, #tpu.memory_space<vmem>> -> memref<50xi32, #tpu.memory_space<vmem>>
      %dma_start3A_2032 = arith.constant 0 : i32
      %dma_start3A_2033 = arith.constant 0 : i32
      %dma_start3A_2034 = tpu.memref_slice %arg3[%dma_start3A_2032, %dma_start3A_2033] : memref<1000000x32xf32, #tpu.memory_space<hbm>> -> memref<1000000x32xf32, #tpu.memory_space<hbm>>
      tpu.enqueue_indirect_dma source(%dma_start3A_2034 : memref<1000000x32xf32, #tpu.memory_space<hbm>>) target(%dma_start3A_2028 : memref<50x32xf32, #tpu.memory_space<vmem>>) offsets(%dma_start3A_2031 : memref<50xi32, #tpu.memory_space<vmem>>) semaphore(%arg11 : memref<!tpu.dma_semaphore, #tpu.memory_space<semaphore_mem>>)
      %dma_start3A_2035 = arith.constant 1 : i32
      %dma_start3A_2036 = arith.constant 1 : i32
      %dma_start3A_2037 = arith.constant 0 : i32
      %dma_start3A_2038 = arith.constant 0 : i32
      %dma_start3A_2039 = tpu.memref_slice %arg7[%dma_start3A_2036, %dma_start3A_2037, %dma_start3A_2038] : memref<32x50x32xf32, #tpu.memory_space<vmem>> -> memref<1x50x32xf32, #tpu.memory_space<vmem>>
      %dma_start3A_2040 = tpu.memref_squeeze %dma_start3A_2039 : memref<1x50x32xf32, #tpu.memory_space<vmem>> -> memref<50x32xf32, #tpu.memory_space<vmem>>
      %dma_start3A_2041 = arith.constant 0 : i32
      %dma_start3A_2042 = tpu.memref_slice %arg5[%dma_start3A_2035, %dma_start3A_2041] : memref<32x50xi32, #tpu.memory_space<vmem>> -> memref<1x50xi32, #tpu.memory_space<vmem>>
      %dma_start3A_2043 = tpu.memref_squeeze %dma_start3A_2042 : memref<1x50xi32, #tpu.memory_space<vmem>> -> memref<50xi32, #tpu.memory_space<vmem>>
      %dma_start3A_2044 = arith.constant 0 : i32
      %dma_start3A_2045 = arith.constant 0 : i32
      %dma_start3A_2046 = tpu.memref_slice %arg3[%dma_start3A_2044, %dma_start3A_2045] : memref<1000000x32xf32, #tpu.memory_space<hbm>> -> memref<1000000x32xf32, #tpu.memory_space<hbm>>
      tpu.enqueue_indirect_dma source(%dma_start3A_2046 : memref<1000000x32xf32, #tpu.memory_space<hbm>>) target(%dma_start3A_2040 : memref<50x32xf32, #tpu.memory_space<vmem>>) offsets(%dma_start3A_2043 : memref<50xi32, #tpu.memory_space<vmem>>) semaphore(%arg11 : memref<!tpu.dma_semaphore, #tpu.memory_space<semaphore_mem>>)
      %dma_start3A_2047 = arith.constant 2 : i32
      %dma_start3A_2048 = arith.constant 2 : i32
      %dma_start3A_2049 = arith.constant 0 : i32
      %dma_start3A_2050 = arith.constant 0 : i32
      %dma_start3A_2051 = tpu.memref_slice %arg7[%dma_start3A_2048, %dma_start3A_2049, %dma_start3A_2050] : memref<32x50x32xf32, #tpu.memory_space<vmem>> -> memref<1x50x32xf32, #tpu.memory_space<vmem>>
      %dma_start3A_2052 = tpu.memref_squeeze %dma_start3A_2051 : memref<1x50x32xf32, #tpu.memory_space<vmem>> -> memref<50x32xf32, #tpu.memory_space<vmem>>
      %dma_start3A_2053 = arith.constant 0 : i32
      %dma_start3A_2054 = tpu.memref_slice %arg5[%dma_start3A_2047, %dma_start3A_2053] : memref<32x50xi32, #tpu.memory_space<vmem>> -> memref<1x50xi32, #tpu.memory_space<vmem>>
      %dma_start3A_2055 = tpu.memref_squeeze %dma_start3A_2054 : memref<1x50xi32, #tpu.memory_space<vmem>> -> memref<50xi32, #tpu.memory_space<vmem>>
      %dma_start3A_2056 = arith.constant 0 : i32
      %dma_start3A_2057 = arith.constant 0 : i32
      %dma_start3A_2058 = tpu.memref_slice %arg3[%dma_start3A_2056, %dma_start3A_2057] : memref<1000000x32xf32, #tpu.memory_space<hbm>> -> memref<1000000x32xf32, #tpu.memory_space<hbm>>
      tpu.enqueue_indirect_dma source(%dma_start3A_2058 : memref<1000000x32xf32, #tpu.memory_space<hbm>>) target(%dma_start3A_2052 : memref<50x32xf32, #tpu.memory_space<vmem>>) offsets(%dma_start3A_2055 : memref<50xi32, #tpu.memory_space<vmem>>) semaphore(%arg11 : memref<!tpu.dma_semaphore, #tpu.memory_space<semaphore_mem>>)
      %dma_start3A_2059 = arith.constant 3 : i32
      %dma_start3A_2060 = arith.constant 3 : i32
      %dma_start3A_2061 = arith.constant 0 : i32
      %dma_start3A_2062 = arith.constant 0 : i32
      %dma_start3A_2063 = tpu.memref_slice %arg7[%dma_start3A_2060, %dma_start3A_2061, %dma_start3A_2062] : memref<32x50x32xf32, #tpu.memory_space<vmem>> -> memref<1x50x32xf32, #tpu.memory_space<vmem>>
      %dma_start3A_2064 = tpu.memref_squeeze %dma_start3A_2063 : memref<1x50x32xf32, #tpu.memory_space<vmem>> -> memref<50x32xf32, #tpu.memory_space<vmem>>
      %dma_start3A_2065 = arith.constant 0 : i32
      %dma_start3A_2066 = tpu.memref_slice %arg5[%dma_start3A_2059, %dma_start3A_2065] : memref<32x50xi32, #tpu.memory_space<vmem>> -> memref<1x50xi32, #tpu.memory_space<vmem>>
      %dma_start3A_2067 = tpu.memref_squeeze %dma_start3A_2066 : memref<1x50xi32, #tpu.memory_space<vmem>> -> memref<50xi32, #tpu.memory_space<vmem>>
      %dma_start3A_2068 = arith.constant 0 : i32
      %dma_start3A_2069 = arith.constant 0 : i32
      %dma_start3A_2070 = tpu.memref_slice %arg3[%dma_start3A_2068, %dma_start3A_2069] : memref<1000000x32xf32, #tpu.memory_space<hbm>> -> memref<1000000x32xf32, #tpu.memory_space<hbm>>
      tpu.enqueue_indirect_dma source(%dma_start3A_2070 : memref<1000000x32xf32, #tpu.memory_space<hbm>>) target(%dma_start3A_2064 : memref<50x32xf32, #tpu.memory_space<vmem>>) offsets(%dma_start3A_2067 : memref<50xi32, #tpu.memory_space<vmem>>) semaphore(%arg11 : memref<!tpu.dma_semaphore, #tpu.memory_space<semaphore_mem>>)
      %dma_start3A_2071 = arith.constant 4 : i32
      %dma_start3A_2072 = arith.constant 4 : i32
      %dma_start3A_2073 = arith.constant 0 : i32
      %dma_start3A_2074 = arith.constant 0 : i32
      %dma_start3A_2075 = tpu.memref_slice %arg7[%dma_start3A_2072, %dma_start3A_2073, %dma_start3A_2074] : memref<32x50x32xf32, #tpu.memory_space<vmem>> -> memref<1x50x32xf32, #tpu.memory_space<vmem>>
      %dma_start3A_2076 = tpu.memref_squeeze %dma_start3A_2075 : memref<1x50x32xf32, #tpu.memory_space<vmem>> -> memref<50x32xf32, #tpu.memory_space<vmem>>
      %dma_start3A_2077 = arith.constant 0 : i32
      %dma_start3A_2078 = tpu.memref_slice %arg5[%dma_start3A_2071, %dma_start3A_2077] : memref<32x50xi32, #tpu.memory_space<vmem>> -> memref<1x50xi32, #tpu.memory_space<vmem>>
      %dma_start3A_2079 = tpu.memref_squeeze %dma_start3A_2078 : memref<1x50xi32, #tpu.memory_space<vmem>> -> memref<50xi32, #tpu.memory_space<vmem>>
      %dma_start3A_2080 = arith.constant 0 : i32
      %dma_start3A_2081 = arith.constant 0 : i32
      %dma_start3A_2082 = tpu.memref_slice %arg3[%dma_start3A_2080, %dma_start3A_2081] : memref<1000000x32xf32, #tpu.memory_space<hbm>> -> memref<1000000x32xf32, #tpu.memory_space<hbm>>
      tpu.enqueue_indirect_dma source(%dma_start3A_2082 : memref<1000000x32xf32, #tpu.memory_space<hbm>>) target(%dma_start3A_2076 : memref<50x32xf32, #tpu.memory_space<vmem>>) offsets(%dma_start3A_2079 : memref<50xi32, #tpu.memory_space<vmem>>) semaphore(%arg11 : memref<!tpu.dma_semaphore, #tpu.memory_space<semaphore_mem>>)
      %dma_start3A_2083 = arith.constant 5 : i32
      %dma_start3A_2084 = arith.constant 5 : i32
      %dma_start3A_2085 = arith.constant 0 : i32
      %dma_start3A_2086 = arith.constant 0 : i32
      %dma_start3A_2087 = tpu.memref_slice %arg7[%dma_start3A_2084, %dma_start3A_2085, %dma_start3A_2086] : memref<32x50x32xf32, #tpu.memory_space<vmem>> -> memref<1x50x32xf32, #tpu.memory_space<vmem>>
      %dma_start3A_2088 = tpu.memref_squeeze %dma_start3A_2087 : memref<1x50x32xf32, #tpu.memory_space<vmem>> -> memref<50x32xf32, #tpu.memory_space<vmem>>
      %dma_start3A_2089 = arith.constant 0 : i32
      %dma_start3A_2090 = tpu.memref_slice %arg5[%dma_start3A_2083, %dma_start3A_2089] : memref<32x50xi32, #tpu.memory_space<vmem>> -> memref<1x50xi32, #tpu.memory_space<vmem>>
      %dma_start3A_2091 = tpu.memref_squeeze %dma_start3A_2090 : memref<1x50xi32, #tpu.memory_space<vmem>> -> memref<50xi32, #tpu.memory_space<vmem>>
      %dma_start3A_2092 = arith.constant 0 : i32
      %dma_start3A_2093 = arith.constant 0 : i32
      %dma_start3A_2094 = tpu.memref_slice %arg3[%dma_start3A_2092, %dma_start3A_2093] : memref<1000000x32xf32, #tpu.memory_space<hbm>> -> memref<1000000x32xf32, #tpu.memory_space<hbm>>
      tpu.enqueue_indirect_dma source(%dma_start3A_2094 : memref<1000000x32xf32, #tpu.memory_space<hbm>>) target(%dma_start3A_2088 : memref<50x32xf32, #tpu.memory_space<vmem>>) offsets(%dma_start3A_2091 : memref<50xi32, #tpu.memory_space<vmem>>) semaphore(%arg11 : memref<!tpu.dma_semaphore, #tpu.memory_space<semaphore_mem>>)
      %dma_start3A_2095 = arith.constant 6 : i32
      %dma_start3A_2096 = arith.constant 6 : i32
      %dma_start3A_2097 = arith.constant 0 : i32
      %dma_start3A_2098 = arith.constant 0 : i32
      %dma_start3A_2099 = tpu.memref_slice %arg7[%dma_start3A_2096, %dma_start3A_2097, %dma_start3A_2098] : memref<32x50x32xf32, #tpu.memory_space<vmem>> -> memref<1x50x32xf32, #tpu.memory_space<vmem>>
      %dma_start3A_2100 = tpu.memref_squeeze %dma_start3A_2099 : memref<1x50x32xf32, #tpu.memory_space<vmem>> -> memref<50x32xf32, #tpu.memory_space<vmem>>
      %dma_start3A_2101 = arith.constant 0 : i32
      %dma_start3A_2102 = tpu.memref_slice %arg5[%dma_start3A_2095, %dma_start3A_2101] : memref<32x50xi32, #tpu.memory_space<vmem>> -> memref<1x50xi32, #tpu.memory_space<vmem>>
      %dma_start3A_2103 = tpu.memref_squeeze %dma_start3A_2102 : memref<1x50xi32, #tpu.memory_space<vmem>> -> memref<50xi32, #tpu.memory_space<vmem>>
      %dma_start3A_2104 = arith.constant 0 : i32
      %dma_start3A_2105 = arith.constant 0 : i32
      %dma_start3A_2106 = tpu.memref_slice %arg3[%dma_start3A_2104, %dma_start3A_2105] : memref<1000000x32xf32, #tpu.memory_space<hbm>> -> memref<1000000x32xf32, #tpu.memory_space<hbm>>
      tpu.enqueue_indirect_dma source(%dma_start3A_2106 : memref<1000000x32xf32, #tpu.memory_space<hbm>>) target(%dma_start3A_2100 : memref<50x32xf32, #tpu.memory_space<vmem>>) offsets(%dma_start3A_2103 : memref<50xi32, #tpu.memory_space<vmem>>) semaphore(%arg11 : memref<!tpu.dma_semaphore, #tpu.memory_space<semaphore_mem>>)
      %dma_start3A_2107 = arith.constant 7 : i32
      %dma_start3A_2108 = arith.constant 7 : i32
      %dma_start3A_2109 = arith.constant 0 : i32
      %dma_start3A_2110 = arith.constant 0 : i32
      %dma_start3A_2111 = tpu.memref_slice %arg7[%dma_start3A_2108, %dma_start3A_2109, %dma_start3A_2110] : memref<32x50x32xf32, #tpu.memory_space<vmem>> -> memref<1x50x32xf32, #tpu.memory_space<vmem>>
      %dma_start3A_2112 = tpu.memref_squeeze %dma_start3A_2111 : memref<1x50x32xf32, #tpu.memory_space<vmem>> -> memref<50x32xf32, #tpu.memory_space<vmem>>
      %dma_start3A_2113 = arith.constant 0 : i32
      %dma_start3A_2114 = tpu.memref_slice %arg5[%dma_start3A_2107, %dma_start3A_2113] : memref<32x50xi32, #tpu.memory_space<vmem>> -> memref<1x50xi32, #tpu.memory_space<vmem>>
      %dma_start3A_2115 = tpu.memref_squeeze %dma_start3A_2114 : memref<1x50xi32, #tpu.memory_space<vmem>> -> memref<50xi32, #tpu.memory_space<vmem>>
      %dma_start3A_2116 = arith.constant 0 : i32
      %dma_start3A_2117 = arith.constant 0 : i32
      %dma_start3A_2118 = tpu.memref_slice %arg3[%dma_start3A_2116, %dma_start3A_2117] : memref<1000000x32xf32, #tpu.memory_space<hbm>> -> memref<1000000x32xf32, #tpu.memory_space<hbm>>
      tpu.enqueue_indirect_dma source(%dma_start3A_2118 : memref<1000000x32xf32, #tpu.memory_space<hbm>>) target(%dma_start3A_2112 : memref<50x32xf32, #tpu.memory_space<vmem>>) offsets(%dma_start3A_2115 : memref<50xi32, #tpu.memory_space<vmem>>) semaphore(%arg11 : memref<!tpu.dma_semaphore, #tpu.memory_space<semaphore_mem>>)
      %dma_start3A_2119 = arith.constant 8 : i32
      %dma_start3A_2120 = arith.constant 8 : i32
      %dma_start3A_2121 = arith.constant 0 : i32
      %dma_start3A_2122 = arith.constant 0 : i32
      %dma_start3A_2123 = tpu.memref_slice %arg7[%dma_start3A_2120, %dma_start3A_2121, %dma_start3A_2122] : memref<32x50x32xf32, #tpu.memory_space<vmem>> -> memref<1x50x32xf32, #tpu.memory_space<vmem>>
      %dma_start3A_2124 = tpu.memref_squeeze %dma_start3A_2123 : memref<1x50x32xf32, #tpu.memory_space<vmem>> -> memref<50x32xf32, #tpu.memory_space<vmem>>
      %dma_start3A_2125 = arith.constant 0 : i32
      %dma_start3A_2126 = tpu.memref_slice %arg5[%dma_start3A_2119, %dma_start3A_2125] : memref<32x50xi32, #tpu.memory_space<vmem>> -> memref<1x50xi32, #tpu.memory_space<vmem>>
      %dma_start3A_2127 = tpu.memref_squeeze %dma_start3A_2126 : memref<1x50xi32, #tpu.memory_space<vmem>> -> memref<50xi32, #tpu.memory_space<vmem>>
      %dma_start3A_2128 = arith.constant 0 : i32
      %dma_start3A_2129 = arith.constant 0 : i32
      %dma_start3A_2130 = tpu.memref_slice %arg3[%dma_start3A_2128, %dma_start3A_2129] : memref<1000000x32xf32, #tpu.memory_space<hbm>> -> memref<1000000x32xf32, #tpu.memory_space<hbm>>
      tpu.enqueue_indirect_dma source(%dma_start3A_2130 : memref<1000000x32xf32, #tpu.memory_space<hbm>>) target(%dma_start3A_2124 : memref<50x32xf32, #tpu.memory_space<vmem>>) offsets(%dma_start3A_2127 : memref<50xi32, #tpu.memory_space<vmem>>) semaphore(%arg11 : memref<!tpu.dma_semaphore, #tpu.memory_space<semaphore_mem>>)
      %dma_start3A_2131 = arith.constant 9 : i32
      %dma_start3A_2132 = arith.constant 9 : i32
      %dma_start3A_2133 = arith.constant 0 : i32
      %dma_start3A_2134 = arith.constant 0 : i32
      %dma_start3A_2135 = tpu.memref_slice %arg7[%dma_start3A_2132, %dma_start3A_2133, %dma_start3A_2134] : memref<32x50x32xf32, #tpu.memory_space<vmem>> -> memref<1x50x32xf32, #tpu.memory_space<vmem>>
      %dma_start3A_2136 = tpu.memref_squeeze %dma_start3A_2135 : memref<1x50x32xf32, #tpu.memory_space<vmem>> -> memref<50x32xf32, #tpu.memory_space<vmem>>
      %dma_start3A_2137 = arith.constant 0 : i32
      %dma_start3A_2138 = tpu.memref_slice %arg5[%dma_start3A_2131, %dma_start3A_2137] : memref<32x50xi32, #tpu.memory_space<vmem>> -> memref<1x50xi32, #tpu.memory_space<vmem>>
      %dma_start3A_2139 = tpu.memref_squeeze %dma_start3A_2138 : memref<1x50xi32, #tpu.memory_space<vmem>> -> memref<50xi32, #tpu.memory_space<vmem>>
      %dma_start3A_2140 = arith.constant 0 : i32
      %dma_start3A_2141 = arith.constant 0 : i32
      %dma_start3A_2142 = tpu.memref_slice %arg3[%dma_start3A_2140, %dma_start3A_2141] : memref<1000000x32xf32, #tpu.memory_space<hbm>> -> memref<1000000x32xf32, #tpu.memory_space<hbm>>
      tpu.enqueue_indirect_dma source(%dma_start3A_2142 : memref<1000000x32xf32, #tpu.memory_space<hbm>>) target(%dma_start3A_2136 : memref<50x32xf32, #tpu.memory_space<vmem>>) offsets(%dma_start3A_2139 : memref<50xi32, #tpu.memory_space<vmem>>) semaphore(%arg11 : memref<!tpu.dma_semaphore, #tpu.memory_space<semaphore_mem>>)
      %dma_start3A_2143 = arith.constant 10 : i32
      %dma_start3A_2144 = arith.constant 10 : i32
      %dma_start3A_2145 = arith.constant 0 : i32
      %dma_start3A_2146 = arith.constant 0 : i32
      %dma_start3A_2147 = tpu.memref_slice %arg7[%dma_start3A_2144, %dma_start3A_2145, %dma_start3A_2146] : memref<32x50x32xf32, #tpu.memory_space<vmem>> -> memref<1x50x32xf32, #tpu.memory_space<vmem>>
      %dma_start3A_2148 = tpu.memref_squeeze %dma_start3A_2147 : memref<1x50x32xf32, #tpu.memory_space<vmem>> -> memref<50x32xf32, #tpu.memory_space<vmem>>
      %dma_start3A_2149 = arith.constant 0 : i32
      %dma_start3A_2150 = tpu.memref_slice %arg5[%dma_start3A_2143, %dma_start3A_2149] : memref<32x50xi32, #tpu.memory_space<vmem>> -> memref<1x50xi32, #tpu.memory_space<vmem>>
      %dma_start3A_2151 = tpu.memref_squeeze %dma_start3A_2150 : memref<1x50xi32, #tpu.memory_space<vmem>> -> memref<50xi32, #tpu.memory_space<vmem>>
      %dma_start3A_2152 = arith.constant 0 : i32
      %dma_start3A_2153 = arith.constant 0 : i32
      %dma_start3A_2154 = tpu.memref_slice %arg3[%dma_start3A_2152, %dma_start3A_2153] : memref<1000000x32xf32, #tpu.memory_space<hbm>> -> memref<1000000x32xf32, #tpu.memory_space<hbm>>
      tpu.enqueue_indirect_dma source(%dma_start3A_2154 : memref<1000000x32xf32, #tpu.memory_space<hbm>>) target(%dma_start3A_2148 : memref<50x32xf32, #tpu.memory_space<vmem>>) offsets(%dma_start3A_2151 : memref<50xi32, #tpu.memory_space<vmem>>) semaphore(%arg11 : memref<!tpu.dma_semaphore, #tpu.memory_space<semaphore_mem>>)
      %dma_start3A_2155 = arith.constant 11 : i32
      %dma_start3A_2156 = arith.constant 11 : i32
      %dma_start3A_2157 = arith.constant 0 : i32
      %dma_start3A_2158 = arith.constant 0 : i32
      %dma_start3A_2159 = tpu.memref_slice %arg7[%dma_start3A_2156, %dma_start3A_2157, %dma_start3A_2158] : memref<32x50x32xf32, #tpu.memory_space<vmem>> -> memref<1x50x32xf32, #tpu.memory_space<vmem>>
      %dma_start3A_2160 = tpu.memref_squeeze %dma_start3A_2159 : memref<1x50x32xf32, #tpu.memory_space<vmem>> -> memref<50x32xf32, #tpu.memory_space<vmem>>
      %dma_start3A_2161 = arith.constant 0 : i32
      %dma_start3A_2162 = tpu.memref_slice %arg5[%dma_start3A_2155, %dma_start3A_2161] : memref<32x50xi32, #tpu.memory_space<vmem>> -> memref<1x50xi32, #tpu.memory_space<vmem>>
      %dma_start3A_2163 = tpu.memref_squeeze %dma_start3A_2162 : memref<1x50xi32, #tpu.memory_space<vmem>> -> memref<50xi32, #tpu.memory_space<vmem>>
      %dma_start3A_2164 = arith.constant 0 : i32
      %dma_start3A_2165 = arith.constant 0 : i32
      %dma_start3A_2166 = tpu.memref_slice %arg3[%dma_start3A_2164, %dma_start3A_2165] : memref<1000000x32xf32, #tpu.memory_space<hbm>> -> memref<1000000x32xf32, #tpu.memory_space<hbm>>
      tpu.enqueue_indirect_dma source(%dma_start3A_2166 : memref<1000000x32xf32, #tpu.memory_space<hbm>>) target(%dma_start3A_2160 : memref<50x32xf32, #tpu.memory_space<vmem>>) offsets(%dma_start3A_2163 : memref<50xi32, #tpu.memory_space<vmem>>) semaphore(%arg11 : memref<!tpu.dma_semaphore, #tpu.memory_space<semaphore_mem>>)
      %dma_start3A_2167 = arith.constant 12 : i32
      %dma_start3A_2168 = arith.constant 12 : i32
      %dma_start3A_2169 = arith.constant 0 : i32
      %dma_start3A_2170 = arith.constant 0 : i32
      %dma_start3A_2171 = tpu.memref_slice %arg7[%dma_start3A_2168, %dma_start3A_2169, %dma_start3A_2170] : memref<32x50x32xf32, #tpu.memory_space<vmem>> -> memref<1x50x32xf32, #tpu.memory_space<vmem>>
      %dma_start3A_2172 = tpu.memref_squeeze %dma_start3A_2171 : memref<1x50x32xf32, #tpu.memory_space<vmem>> -> memref<50x32xf32, #tpu.memory_space<vmem>>
      %dma_start3A_2173 = arith.constant 0 : i32
      %dma_start3A_2174 = tpu.memref_slice %arg5[%dma_start3A_2167, %dma_start3A_2173] : memref<32x50xi32, #tpu.memory_space<vmem>> -> memref<1x50xi32, #tpu.memory_space<vmem>>
      %dma_start3A_2175 = tpu.memref_squeeze %dma_start3A_2174 : memref<1x50xi32, #tpu.memory_space<vmem>> -> memref<50xi32, #tpu.memory_space<vmem>>
      %dma_start3A_2176 = arith.constant 0 : i32
      %dma_start3A_2177 = arith.constant 0 : i32
      %dma_start3A_2178 = tpu.memref_slice %arg3[%dma_start3A_2176, %dma_start3A_2177] : memref<1000000x32xf32, #tpu.memory_space<hbm>> -> memref<1000000x32xf32, #tpu.memory_space<hbm>>
      tpu.enqueue_indirect_dma source(%dma_start3A_2178 : memref<1000000x32xf32, #tpu.memory_space<hbm>>) target(%dma_start3A_2172 : memref<50x32xf32, #tpu.memory_space<vmem>>) offsets(%dma_start3A_2175 : memref<50xi32, #tpu.memory_space<vmem>>) semaphore(%arg11 : memref<!tpu.dma_semaphore, #tpu.memory_space<semaphore_mem>>)
      %dma_start3A_2179 = arith.constant 13 : i32
      %dma_start3A_2180 = arith.constant 13 : i32
      %dma_start3A_2181 = arith.constant 0 : i32
      %dma_start3A_2182 = arith.constant 0 : i32
      %dma_start3A_2183 = tpu.memref_slice %arg7[%dma_start3A_2180, %dma_start3A_2181, %dma_start3A_2182] : memref<32x50x32xf32, #tpu.memory_space<vmem>> -> memref<1x50x32xf32, #tpu.memory_space<vmem>>
      %dma_start3A_2184 = tpu.memref_squeeze %dma_start3A_2183 : memref<1x50x32xf32, #tpu.memory_space<vmem>> -> memref<50x32xf32, #tpu.memory_space<vmem>>
      %dma_start3A_2185 = arith.constant 0 : i32
      %dma_start3A_2186 = tpu.memref_slice %arg5[%dma_start3A_2179, %dma_start3A_2185] : memref<32x50xi32, #tpu.memory_space<vmem>> -> memref<1x50xi32, #tpu.memory_space<vmem>>
      %dma_start3A_2187 = tpu.memref_squeeze %dma_start3A_2186 : memref<1x50xi32, #tpu.memory_space<vmem>> -> memref<50xi32, #tpu.memory_space<vmem>>
      %dma_start3A_2188 = arith.constant 0 : i32
      %dma_start3A_2189 = arith.constant 0 : i32
      %dma_start3A_2190 = tpu.memref_slice %arg3[%dma_start3A_2188, %dma_start3A_2189] : memref<1000000x32xf32, #tpu.memory_space<hbm>> -> memref<1000000x32xf32, #tpu.memory_space<hbm>>
      tpu.enqueue_indirect_dma source(%dma_start3A_2190 : memref<1000000x32xf32, #tpu.memory_space<hbm>>) target(%dma_start3A_2184 : memref<50x32xf32, #tpu.memory_space<vmem>>) offsets(%dma_start3A_2187 : memref<50xi32, #tpu.memory_space<vmem>>) semaphore(%arg11 : memref<!tpu.dma_semaphore, #tpu.memory_space<semaphore_mem>>)
      %dma_start3A_2191 = arith.constant 14 : i32
      %dma_start3A_2192 = arith.constant 14 : i32
      %dma_start3A_2193 = arith.constant 0 : i32
      %dma_start3A_2194 = arith.constant 0 : i32
      %dma_start3A_2195 = tpu.memref_slice %arg7[%dma_start3A_2192, %dma_start3A_2193, %dma_start3A_2194] : memref<32x50x32xf32, #tpu.memory_space<vmem>> -> memref<1x50x32xf32, #tpu.memory_space<vmem>>
      %dma_start3A_2196 = tpu.memref_squeeze %dma_start3A_2195 : memref<1x50x32xf32, #tpu.memory_space<vmem>> -> memref<50x32xf32, #tpu.memory_space<vmem>>
      %dma_start3A_2197 = arith.constant 0 : i32
      %dma_start3A_2198 = tpu.memref_slice %arg5[%dma_start3A_2191, %dma_start3A_2197] : memref<32x50xi32, #tpu.memory_space<vmem>> -> memref<1x50xi32, #tpu.memory_space<vmem>>
      %dma_start3A_2199 = tpu.memref_squeeze %dma_start3A_2198 : memref<1x50xi32, #tpu.memory_space<vmem>> -> memref<50xi32, #tpu.memory_space<vmem>>
      %dma_start3A_2200 = arith.constant 0 : i32
      %dma_start3A_2201 = arith.constant 0 : i32
      %dma_start3A_2202 = tpu.memref_slice %arg3[%dma_start3A_2200, %dma_start3A_2201] : memref<1000000x32xf32, #tpu.memory_space<hbm>> -> memref<1000000x32xf32, #tpu.memory_space<hbm>>
      tpu.enqueue_indirect_dma source(%dma_start3A_2202 : memref<1000000x32xf32, #tpu.memory_space<hbm>>) target(%dma_start3A_2196 : memref<50x32xf32, #tpu.memory_space<vmem>>) offsets(%dma_start3A_2199 : memref<50xi32, #tpu.memory_space<vmem>>) semaphore(%arg11 : memref<!tpu.dma_semaphore, #tpu.memory_space<semaphore_mem>>)
      %dma_start3A_2203 = arith.constant 15 : i32
      %dma_start3A_2204 = arith.constant 15 : i32
      %dma_start3A_2205 = arith.constant 0 : i32
      %dma_start3A_2206 = arith.constant 0 : i32
      %dma_start3A_2207 = tpu.memref_slice %arg7[%dma_start3A_2204, %dma_start3A_2205, %dma_start3A_2206] : memref<32x50x32xf32, #tpu.memory_space<vmem>> -> memref<1x50x32xf32, #tpu.memory_space<vmem>>
      %dma_start3A_2208 = tpu.memref_squeeze %dma_start3A_2207 : memref<1x50x32xf32, #tpu.memory_space<vmem>> -> memref<50x32xf32, #tpu.memory_space<vmem>>
      %dma_start3A_2209 = arith.constant 0 : i32
      %dma_start3A_2210 = tpu.memref_slice %arg5[%dma_start3A_2203, %dma_start3A_2209] : memref<32x50xi32, #tpu.memory_space<vmem>> -> memref<1x50xi32, #tpu.memory_space<vmem>>
      %dma_start3A_2211 = tpu.memref_squeeze %dma_start3A_2210 : memref<1x50xi32, #tpu.memory_space<vmem>> -> memref<50xi32, #tpu.memory_space<vmem>>
      %dma_start3A_2212 = arith.constant 0 : i32
      %dma_start3A_2213 = arith.constant 0 : i32
      %dma_start3A_2214 = tpu.memref_slice %arg3[%dma_start3A_2212, %dma_start3A_2213] : memref<1000000x32xf32, #tpu.memory_space<hbm>> -> memref<1000000x32xf32, #tpu.memory_space<hbm>>
      tpu.enqueue_indirect_dma source(%dma_start3A_2214 : memref<1000000x32xf32, #tpu.memory_space<hbm>>) target(%dma_start3A_2208 : memref<50x32xf32, #tpu.memory_space<vmem>>) offsets(%dma_start3A_2211 : memref<50xi32, #tpu.memory_space<vmem>>) semaphore(%arg11 : memref<!tpu.dma_semaphore, #tpu.memory_space<semaphore_mem>>)
      %dma_start3A_2215 = arith.constant 16 : i32
      %dma_start3A_2216 = arith.constant 16 : i32
      %dma_start3A_2217 = arith.constant 0 : i32
      %dma_start3A_2218 = arith.constant 0 : i32
      %dma_start3A_2219 = tpu.memref_slice %arg7[%dma_start3A_2216, %dma_start3A_2217, %dma_start3A_2218] : memref<32x50x32xf32, #tpu.memory_space<vmem>> -> memref<1x50x32xf32, #tpu.memory_space<vmem>>
      %dma_start3A_2220 = tpu.memref_squeeze %dma_start3A_2219 : memref<1x50x32xf32, #tpu.memory_space<vmem>> -> memref<50x32xf32, #tpu.memory_space<vmem>>
      %dma_start3A_2221 = arith.constant 0 : i32
      %dma_start3A_2222 = tpu.memref_slice %arg5[%dma_start3A_2215, %dma_start3A_2221] : memref<32x50xi32, #tpu.memory_space<vmem>> -> memref<1x50xi32, #tpu.memory_space<vmem>>
      %dma_start3A_2223 = tpu.memref_squeeze %dma_start3A_2222 : memref<1x50xi32, #tpu.memory_space<vmem>> -> memref<50xi32, #tpu.memory_space<vmem>>
      %dma_start3A_2224 = arith.constant 0 : i32
      %dma_start3A_2225 = arith.constant 0 : i32
      %dma_start3A_2226 = tpu.memref_slice %arg3[%dma_start3A_2224, %dma_start3A_2225] : memref<1000000x32xf32, #tpu.memory_space<hbm>> -> memref<1000000x32xf32, #tpu.memory_space<hbm>>
      tpu.enqueue_indirect_dma source(%dma_start3A_2226 : memref<1000000x32xf32, #tpu.memory_space<hbm>>) target(%dma_start3A_2220 : memref<50x32xf32, #tpu.memory_space<vmem>>) offsets(%dma_start3A_2223 : memref<50xi32, #tpu.memory_space<vmem>>) semaphore(%arg11 : memref<!tpu.dma_semaphore, #tpu.memory_space<semaphore_mem>>)
      %dma_start3A_2227 = arith.constant 17 : i32
      %dma_start3A_2228 = arith.constant 17 : i32
      %dma_start3A_2229 = arith.constant 0 : i32
      %dma_start3A_2230 = arith.constant 0 : i32
      %dma_start3A_2231 = tpu.memref_slice %arg7[%dma_start3A_2228, %dma_start3A_2229, %dma_start3A_2230] : memref<32x50x32xf32, #tpu.memory_space<vmem>> -> memref<1x50x32xf32, #tpu.memory_space<vmem>>
      %dma_start3A_2232 = tpu.memref_squeeze %dma_start3A_2231 : memref<1x50x32xf32, #tpu.memory_space<vmem>> -> memref<50x32xf32, #tpu.memory_space<vmem>>
      %dma_start3A_2233 = arith.constant 0 : i32
      %dma_start3A_2234 = tpu.memref_slice %arg5[%dma_start3A_2227, %dma_start3A_2233] : memref<32x50xi32, #tpu.memory_space<vmem>> -> memref<1x50xi32, #tpu.memory_space<vmem>>
      %dma_start3A_2235 = tpu.memref_squeeze %dma_start3A_2234 : memref<1x50xi32, #tpu.memory_space<vmem>> -> memref<50xi32, #tpu.memory_space<vmem>>
      %dma_start3A_2236 = arith.constant 0 : i32
      %dma_start3A_2237 = arith.constant 0 : i32
      %dma_start3A_2238 = tpu.memref_slice %arg3[%dma_start3A_2236, %dma_start3A_2237] : memref<1000000x32xf32, #tpu.memory_space<hbm>> -> memref<1000000x32xf32, #tpu.memory_space<hbm>>
      tpu.enqueue_indirect_dma source(%dma_start3A_2238 : memref<1000000x32xf32, #tpu.memory_space<hbm>>) target(%dma_start3A_2232 : memref<50x32xf32, #tpu.memory_space<vmem>>) offsets(%dma_start3A_2235 : memref<50xi32, #tpu.memory_space<vmem>>) semaphore(%arg11 : memref<!tpu.dma_semaphore, #tpu.memory_space<semaphore_mem>>)
      %dma_start3A_2239 = arith.constant 18 : i32
      %dma_start3A_2240 = arith.constant 18 : i32
      %dma_start3A_2241 = arith.constant 0 : i32
      %dma_start3A_2242 = arith.constant 0 : i32
      %dma_start3A_2243 = tpu.memref_slice %arg7[%dma_start3A_2240, %dma_start3A_2241, %dma_start3A_2242] : memref<32x50x32xf32, #tpu.memory_space<vmem>> -> memref<1x50x32xf32, #tpu.memory_space<vmem>>
      %dma_start3A_2244 = tpu.memref_squeeze %dma_start3A_2243 : memref<1x50x32xf32, #tpu.memory_space<vmem>> -> memref<50x32xf32, #tpu.memory_space<vmem>>
      %dma_start3A_2245 = arith.constant 0 : i32
      %dma_start3A_2246 = tpu.memref_slice %arg5[%dma_start3A_2239, %dma_start3A_2245] : memref<32x50xi32, #tpu.memory_space<vmem>> -> memref<1x50xi32, #tpu.memory_space<vmem>>
      %dma_start3A_2247 = tpu.memref_squeeze %dma_start3A_2246 : memref<1x50xi32, #tpu.memory_space<vmem>> -> memref<50xi32, #tpu.memory_space<vmem>>
      %dma_start3A_2248 = arith.constant 0 : i32
      %dma_start3A_2249 = arith.constant 0 : i32
      %dma_start3A_2250 = tpu.memref_slice %arg3[%dma_start3A_2248, %dma_start3A_2249] : memref<1000000x32xf32, #tpu.memory_space<hbm>> -> memref<1000000x32xf32, #tpu.memory_space<hbm>>
      tpu.enqueue_indirect_dma source(%dma_start3A_2250 : memref<1000000x32xf32, #tpu.memory_space<hbm>>) target(%dma_start3A_2244 : memref<50x32xf32, #tpu.memory_space<vmem>>) offsets(%dma_start3A_2247 : memref<50xi32, #tpu.memory_space<vmem>>) semaphore(%arg11 : memref<!tpu.dma_semaphore, #tpu.memory_space<semaphore_mem>>)
      %dma_start3A_2251 = arith.constant 19 : i32
      %dma_start3A_2252 = arith.constant 19 : i32
      %dma_start3A_2253 = arith.constant 0 : i32
      %dma_start3A_2254 = arith.constant 0 : i32
      %dma_start3A_2255 = tpu.memref_slice %arg7[%dma_start3A_2252, %dma_start3A_2253, %dma_start3A_2254] : memref<32x50x32xf32, #tpu.memory_space<vmem>> -> memref<1x50x32xf32, #tpu.memory_space<vmem>>
      %dma_start3A_2256 = tpu.memref_squeeze %dma_start3A_2255 : memref<1x50x32xf32, #tpu.memory_space<vmem>> -> memref<50x32xf32, #tpu.memory_space<vmem>>
      %dma_start3A_2257 = arith.constant 0 : i32
      %dma_start3A_2258 = tpu.memref_slice %arg5[%dma_start3A_2251, %dma_start3A_2257] : memref<32x50xi32, #tpu.memory_space<vmem>> -> memref<1x50xi32, #tpu.memory_space<vmem>>
      %dma_start3A_2259 = tpu.memref_squeeze %dma_start3A_2258 : memref<1x50xi32, #tpu.memory_space<vmem>> -> memref<50xi32, #tpu.memory_space<vmem>>
      %dma_start3A_2260 = arith.constant 0 : i32
      %dma_start3A_2261 = arith.constant 0 : i32
      %dma_start3A_2262 = tpu.memref_slice %arg3[%dma_start3A_2260, %dma_start3A_2261] : memref<1000000x32xf32, #tpu.memory_space<hbm>> -> memref<1000000x32xf32, #tpu.memory_space<hbm>>
      tpu.enqueue_indirect_dma source(%dma_start3A_2262 : memref<1000000x32xf32, #tpu.memory_space<hbm>>) target(%dma_start3A_2256 : memref<50x32xf32, #tpu.memory_space<vmem>>) offsets(%dma_start3A_2259 : memref<50xi32, #tpu.memory_space<vmem>>) semaphore(%arg11 : memref<!tpu.dma_semaphore, #tpu.memory_space<semaphore_mem>>)
      %dma_start3A_2263 = arith.constant 20 : i32
      %dma_start3A_2264 = arith.constant 20 : i32
      %dma_start3A_2265 = arith.constant 0 : i32
      %dma_start3A_2266 = arith.constant 0 : i32
      %dma_start3A_2267 = tpu.memref_slice %arg7[%dma_start3A_2264, %dma_start3A_2265, %dma_start3A_2266] : memref<32x50x32xf32, #tpu.memory_space<vmem>> -> memref<1x50x32xf32, #tpu.memory_space<vmem>>
      %dma_start3A_2268 = tpu.memref_squeeze %dma_start3A_2267 : memref<1x50x32xf32, #tpu.memory_space<vmem>> -> memref<50x32xf32, #tpu.memory_space<vmem>>
      %dma_start3A_2269 = arith.constant 0 : i32
      %dma_start3A_2270 = tpu.memref_slice %arg5[%dma_start3A_2263, %dma_start3A_2269] : memref<32x50xi32, #tpu.memory_space<vmem>> -> memref<1x50xi32, #tpu.memory_space<vmem>>
      %dma_start3A_2271 = tpu.memref_squeeze %dma_start3A_2270 : memref<1x50xi32, #tpu.memory_space<vmem>> -> memref<50xi32, #tpu.memory_space<vmem>>
      %dma_start3A_2272 = arith.constant 0 : i32
      %dma_start3A_2273 = arith.constant 0 : i32
      %dma_start3A_2274 = tpu.memref_slice %arg3[%dma_start3A_2272, %dma_start3A_2273] : memref<1000000x32xf32, #tpu.memory_space<hbm>> -> memref<1000000x32xf32, #tpu.memory_space<hbm>>
      tpu.enqueue_indirect_dma source(%dma_start3A_2274 : memref<1000000x32xf32, #tpu.memory_space<hbm>>) target(%dma_start3A_2268 : memref<50x32xf32, #tpu.memory_space<vmem>>) offsets(%dma_start3A_2271 : memref<50xi32, #tpu.memory_space<vmem>>) semaphore(%arg11 : memref<!tpu.dma_semaphore, #tpu.memory_space<semaphore_mem>>)
      %dma_start3A_2275 = arith.constant 21 : i32
      %dma_start3A_2276 = arith.constant 21 : i32
      %dma_start3A_2277 = arith.constant 0 : i32
      %dma_start3A_2278 = arith.constant 0 : i32
      %dma_start3A_2279 = tpu.memref_slice %arg7[%dma_start3A_2276, %dma_start3A_2277, %dma_start3A_2278] : memref<32x50x32xf32, #tpu.memory_space<vmem>> -> memref<1x50x32xf32, #tpu.memory_space<vmem>>
      %dma_start3A_2280 = tpu.memref_squeeze %dma_start3A_2279 : memref<1x50x32xf32, #tpu.memory_space<vmem>> -> memref<50x32xf32, #tpu.memory_space<vmem>>
      %dma_start3A_2281 = arith.constant 0 : i32
      %dma_start3A_2282 = tpu.memref_slice %arg5[%dma_start3A_2275, %dma_start3A_2281] : memref<32x50xi32, #tpu.memory_space<vmem>> -> memref<1x50xi32, #tpu.memory_space<vmem>>
      %dma_start3A_2283 = tpu.memref_squeeze %dma_start3A_2282 : memref<1x50xi32, #tpu.memory_space<vmem>> -> memref<50xi32, #tpu.memory_space<vmem>>
      %dma_start3A_2284 = arith.constant 0 : i32
      %dma_start3A_2285 = arith.constant 0 : i32
      %dma_start3A_2286 = tpu.memref_slice %arg3[%dma_start3A_2284, %dma_start3A_2285] : memref<1000000x32xf32, #tpu.memory_space<hbm>> -> memref<1000000x32xf32, #tpu.memory_space<hbm>>
      tpu.enqueue_indirect_dma source(%dma_start3A_2286 : memref<1000000x32xf32, #tpu.memory_space<hbm>>) target(%dma_start3A_2280 : memref<50x32xf32, #tpu.memory_space<vmem>>) offsets(%dma_start3A_2283 : memref<50xi32, #tpu.memory_space<vmem>>) semaphore(%arg11 : memref<!tpu.dma_semaphore, #tpu.memory_space<semaphore_mem>>)
      %dma_start3A_2287 = arith.constant 22 : i32
      %dma_start3A_2288 = arith.constant 22 : i32
      %dma_start3A_2289 = arith.constant 0 : i32
      %dma_start3A_2290 = arith.constant 0 : i32
      %dma_start3A_2291 = tpu.memref_slice %arg7[%dma_start3A_2288, %dma_start3A_2289, %dma_start3A_2290] : memref<32x50x32xf32, #tpu.memory_space<vmem>> -> memref<1x50x32xf32, #tpu.memory_space<vmem>>
      %dma_start3A_2292 = tpu.memref_squeeze %dma_start3A_2291 : memref<1x50x32xf32, #tpu.memory_space<vmem>> -> memref<50x32xf32, #tpu.memory_space<vmem>>
      %dma_start3A_2293 = arith.constant 0 : i32
      %dma_start3A_2294 = tpu.memref_slice %arg5[%dma_start3A_2287, %dma_start3A_2293] : memref<32x50xi32, #tpu.memory_space<vmem>> -> memref<1x50xi32, #tpu.memory_space<vmem>>
      %dma_start3A_2295 = tpu.memref_squeeze %dma_start3A_2294 : memref<1x50xi32, #tpu.memory_space<vmem>> -> memref<50xi32, #tpu.memory_space<vmem>>
      %dma_start3A_2296 = arith.constant 0 : i32
      %dma_start3A_2297 = arith.constant 0 : i32
      %dma_start3A_2298 = tpu.memref_slice %arg3[%dma_start3A_2296, %dma_start3A_2297] : memref<1000000x32xf32, #tpu.memory_space<hbm>> -> memref<1000000x32xf32, #tpu.memory_space<hbm>>
      tpu.enqueue_indirect_dma source(%dma_start3A_2298 : memref<1000000x32xf32, #tpu.memory_space<hbm>>) target(%dma_start3A_2292 : memref<50x32xf32, #tpu.memory_space<vmem>>) offsets(%dma_start3A_2295 : memref<50xi32, #tpu.memory_space<vmem>>) semaphore(%arg11 : memref<!tpu.dma_semaphore, #tpu.memory_space<semaphore_mem>>)
      %dma_start3A_2299 = arith.constant 23 : i32
      %dma_start3A_2300 = arith.constant 23 : i32
      %dma_start3A_2301 = arith.constant 0 : i32
      %dma_start3A_2302 = arith.constant 0 : i32
      %dma_start3A_2303 = tpu.memref_slice %arg7[%dma_start3A_2300, %dma_start3A_2301, %dma_start3A_2302] : memref<32x50x32xf32, #tpu.memory_space<vmem>> -> memref<1x50x32xf32, #tpu.memory_space<vmem>>
      %dma_start3A_2304 = tpu.memref_squeeze %dma_start3A_2303 : memref<1x50x32xf32, #tpu.memory_space<vmem>> -> memref<50x32xf32, #tpu.memory_space<vmem>>
      %dma_start3A_2305 = arith.constant 0 : i32
      %dma_start3A_2306 = tpu.memref_slice %arg5[%dma_start3A_2299, %dma_start3A_2305] : memref<32x50xi32, #tpu.memory_space<vmem>> -> memref<1x50xi32, #tpu.memory_space<vmem>>
      %dma_start3A_2307 = tpu.memref_squeeze %dma_start3A_2306 : memref<1x50xi32, #tpu.memory_space<vmem>> -> memref<50xi32, #tpu.memory_space<vmem>>
      %dma_start3A_2308 = arith.constant 0 : i32
      %dma_start3A_2309 = arith.constant 0 : i32
      %dma_start3A_2310 = tpu.memref_slice %arg3[%dma_start3A_2308, %dma_start3A_2309] : memref<1000000x32xf32, #tpu.memory_space<hbm>> -> memref<1000000x32xf32, #tpu.memory_space<hbm>>
      tpu.enqueue_indirect_dma source(%dma_start3A_2310 : memref<1000000x32xf32, #tpu.memory_space<hbm>>) target(%dma_start3A_2304 : memref<50x32xf32, #tpu.memory_space<vmem>>) offsets(%dma_start3A_2307 : memref<50xi32, #tpu.memory_space<vmem>>) semaphore(%arg11 : memref<!tpu.dma_semaphore, #tpu.memory_space<semaphore_mem>>)
      %dma_start3A_2311 = arith.constant 24 : i32
      %dma_start3A_2312 = arith.constant 24 : i32
      %dma_start3A_2313 = arith.constant 0 : i32
      %dma_start3A_2314 = arith.constant 0 : i32
      %dma_start3A_2315 = tpu.memref_slice %arg7[%dma_start3A_2312, %dma_start3A_2313, %dma_start3A_2314] : memref<32x50x32xf32, #tpu.memory_space<vmem>> -> memref<1x50x32xf32, #tpu.memory_space<vmem>>
      %dma_start3A_2316 = tpu.memref_squeeze %dma_start3A_2315 : memref<1x50x32xf32, #tpu.memory_space<vmem>> -> memref<50x32xf32, #tpu.memory_space<vmem>>
      %dma_start3A_2317 = arith.constant 0 : i32
      %dma_start3A_2318 = tpu.memref_slice %arg5[%dma_start3A_2311, %dma_start3A_2317] : memref<32x50xi32, #tpu.memory_space<vmem>> -> memref<1x50xi32, #tpu.memory_space<vmem>>
      %dma_start3A_2319 = tpu.memref_squeeze %dma_start3A_2318 : memref<1x50xi32, #tpu.memory_space<vmem>> -> memref<50xi32, #tpu.memory_space<vmem>>
      %dma_start3A_2320 = arith.constant 0 : i32
      %dma_start3A_2321 = arith.constant 0 : i32
      %dma_start3A_2322 = tpu.memref_slice %arg3[%dma_start3A_2320, %dma_start3A_2321] : memref<1000000x32xf32, #tpu.memory_space<hbm>> -> memref<1000000x32xf32, #tpu.memory_space<hbm>>
      tpu.enqueue_indirect_dma source(%dma_start3A_2322 : memref<1000000x32xf32, #tpu.memory_space<hbm>>) target(%dma_start3A_2316 : memref<50x32xf32, #tpu.memory_space<vmem>>) offsets(%dma_start3A_2319 : memref<50xi32, #tpu.memory_space<vmem>>) semaphore(%arg11 : memref<!tpu.dma_semaphore, #tpu.memory_space<semaphore_mem>>)
      %dma_start3A_2323 = arith.constant 25 : i32
      %dma_start3A_2324 = arith.constant 25 : i32
      %dma_start3A_2325 = arith.constant 0 : i32
      %dma_start3A_2326 = arith.constant 0 : i32
      %dma_start3A_2327 = tpu.memref_slice %arg7[%dma_start3A_2324, %dma_start3A_2325, %dma_start3A_2326] : memref<32x50x32xf32, #tpu.memory_space<vmem>> -> memref<1x50x32xf32, #tpu.memory_space<vmem>>
      %dma_start3A_2328 = tpu.memref_squeeze %dma_start3A_2327 : memref<1x50x32xf32, #tpu.memory_space<vmem>> -> memref<50x32xf32, #tpu.memory_space<vmem>>
      %dma_start3A_2329 = arith.constant 0 : i32
      %dma_start3A_2330 = tpu.memref_slice %arg5[%dma_start3A_2323, %dma_start3A_2329] : memref<32x50xi32, #tpu.memory_space<vmem>> -> memref<1x50xi32, #tpu.memory_space<vmem>>
      %dma_start3A_2331 = tpu.memref_squeeze %dma_start3A_2330 : memref<1x50xi32, #tpu.memory_space<vmem>> -> memref<50xi32, #tpu.memory_space<vmem>>
      %dma_start3A_2332 = arith.constant 0 : i32
      %dma_start3A_2333 = arith.constant 0 : i32
      %dma_start3A_2334 = tpu.memref_slice %arg3[%dma_start3A_2332, %dma_start3A_2333] : memref<1000000x32xf32, #tpu.memory_space<hbm>> -> memref<1000000x32xf32, #tpu.memory_space<hbm>>
      tpu.enqueue_indirect_dma source(%dma_start3A_2334 : memref<1000000x32xf32, #tpu.memory_space<hbm>>) target(%dma_start3A_2328 : memref<50x32xf32, #tpu.memory_space<vmem>>) offsets(%dma_start3A_2331 : memref<50xi32, #tpu.memory_space<vmem>>) semaphore(%arg11 : memref<!tpu.dma_semaphore, #tpu.memory_space<semaphore_mem>>)
      %dma_start3A_2335 = arith.constant 26 : i32
      %dma_start3A_2336 = arith.constant 26 : i32
      %dma_start3A_2337 = arith.constant 0 : i32
      %dma_start3A_2338 = arith.constant 0 : i32
      %dma_start3A_2339 = tpu.memref_slice %arg7[%dma_start3A_2336, %dma_start3A_2337, %dma_start3A_2338] : memref<32x50x32xf32, #tpu.memory_space<vmem>> -> memref<1x50x32xf32, #tpu.memory_space<vmem>>
      %dma_start3A_2340 = tpu.memref_squeeze %dma_start3A_2339 : memref<1x50x32xf32, #tpu.memory_space<vmem>> -> memref<50x32xf32, #tpu.memory_space<vmem>>
      %dma_start3A_2341 = arith.constant 0 : i32
      %dma_start3A_2342 = tpu.memref_slice %arg5[%dma_start3A_2335, %dma_start3A_2341] : memref<32x50xi32, #tpu.memory_space<vmem>> -> memref<1x50xi32, #tpu.memory_space<vmem>>
      %dma_start3A_2343 = tpu.memref_squeeze %dma_start3A_2342 : memref<1x50xi32, #tpu.memory_space<vmem>> -> memref<50xi32, #tpu.memory_space<vmem>>
      %dma_start3A_2344 = arith.constant 0 : i32
      %dma_start3A_2345 = arith.constant 0 : i32
      %dma_start3A_2346 = tpu.memref_slice %arg3[%dma_start3A_2344, %dma_start3A_2345] : memref<1000000x32xf32, #tpu.memory_space<hbm>> -> memref<1000000x32xf32, #tpu.memory_space<hbm>>
      tpu.enqueue_indirect_dma source(%dma_start3A_2346 : memref<1000000x32xf32, #tpu.memory_space<hbm>>) target(%dma_start3A_2340 : memref<50x32xf32, #tpu.memory_space<vmem>>) offsets(%dma_start3A_2343 : memref<50xi32, #tpu.memory_space<vmem>>) semaphore(%arg11 : memref<!tpu.dma_semaphore, #tpu.memory_space<semaphore_mem>>)
      %dma_start3A_2347 = arith.constant 27 : i32
      %dma_start3A_2348 = arith.constant 27 : i32
      %dma_start3A_2349 = arith.constant 0 : i32
      %dma_start3A_2350 = arith.constant 0 : i32
      %dma_start3A_2351 = tpu.memref_slice %arg7[%dma_start3A_2348, %dma_start3A_2349, %dma_start3A_2350] : memref<32x50x32xf32, #tpu.memory_space<vmem>> -> memref<1x50x32xf32, #tpu.memory_space<vmem>>
      %dma_start3A_2352 = tpu.memref_squeeze %dma_start3A_2351 : memref<1x50x32xf32, #tpu.memory_space<vmem>> -> memref<50x32xf32, #tpu.memory_space<vmem>>
      %dma_start3A_2353 = arith.constant 0 : i32
      %dma_start3A_2354 = tpu.memref_slice %arg5[%dma_start3A_2347, %dma_start3A_2353] : memref<32x50xi32, #tpu.memory_space<vmem>> -> memref<1x50xi32, #tpu.memory_space<vmem>>
      %dma_start3A_2355 = tpu.memref_squeeze %dma_start3A_2354 : memref<1x50xi32, #tpu.memory_space<vmem>> -> memref<50xi32, #tpu.memory_space<vmem>>
      %dma_start3A_2356 = arith.constant 0 : i32
      %dma_start3A_2357 = arith.constant 0 : i32
      %dma_start3A_2358 = tpu.memref_slice %arg3[%dma_start3A_2356, %dma_start3A_2357] : memref<1000000x32xf32, #tpu.memory_space<hbm>> -> memref<1000000x32xf32, #tpu.memory_space<hbm>>
      tpu.enqueue_indirect_dma source(%dma_start3A_2358 : memref<1000000x32xf32, #tpu.memory_space<hbm>>) target(%dma_start3A_2352 : memref<50x32xf32, #tpu.memory_space<vmem>>) offsets(%dma_start3A_2355 : memref<50xi32, #tpu.memory_space<vmem>>) semaphore(%arg11 : memref<!tpu.dma_semaphore, #tpu.memory_space<semaphore_mem>>)
      %dma_start3A_2359 = arith.constant 28 : i32
      %dma_start3A_2360 = arith.constant 28 : i32
      %dma_start3A_2361 = arith.constant 0 : i32
      %dma_start3A_2362 = arith.constant 0 : i32
      %dma_start3A_2363 = tpu.memref_slice %arg7[%dma_start3A_2360, %dma_start3A_2361, %dma_start3A_2362] : memref<32x50x32xf32, #tpu.memory_space<vmem>> -> memref<1x50x32xf32, #tpu.memory_space<vmem>>
      %dma_start3A_2364 = tpu.memref_squeeze %dma_start3A_2363 : memref<1x50x32xf32, #tpu.memory_space<vmem>> -> memref<50x32xf32, #tpu.memory_space<vmem>>
      %dma_start3A_2365 = arith.constant 0 : i32
      %dma_start3A_2366 = tpu.memref_slice %arg5[%dma_start3A_2359, %dma_start3A_2365] : memref<32x50xi32, #tpu.memory_space<vmem>> -> memref<1x50xi32, #tpu.memory_space<vmem>>
      %dma_start3A_2367 = tpu.memref_squeeze %dma_start3A_2366 : memref<1x50xi32, #tpu.memory_space<vmem>> -> memref<50xi32, #tpu.memory_space<vmem>>
      %dma_start3A_2368 = arith.constant 0 : i32
      %dma_start3A_2369 = arith.constant 0 : i32
      %dma_start3A_2370 = tpu.memref_slice %arg3[%dma_start3A_2368, %dma_start3A_2369] : memref<1000000x32xf32, #tpu.memory_space<hbm>> -> memref<1000000x32xf32, #tpu.memory_space<hbm>>
      tpu.enqueue_indirect_dma source(%dma_start3A_2370 : memref<1000000x32xf32, #tpu.memory_space<hbm>>) target(%dma_start3A_2364 : memref<50x32xf32, #tpu.memory_space<vmem>>) offsets(%dma_start3A_2367 : memref<50xi32, #tpu.memory_space<vmem>>) semaphore(%arg11 : memref<!tpu.dma_semaphore, #tpu.memory_space<semaphore_mem>>)
      %dma_start3A_2371 = arith.constant 29 : i32
      %dma_start3A_2372 = arith.constant 29 : i32
      %dma_start3A_2373 = arith.constant 0 : i32
      %dma_start3A_2374 = arith.constant 0 : i32
      %dma_start3A_2375 = tpu.memref_slice %arg7[%dma_start3A_2372, %dma_start3A_2373, %dma_start3A_2374] : memref<32x50x32xf32, #tpu.memory_space<vmem>> -> memref<1x50x32xf32, #tpu.memory_space<vmem>>
      %dma_start3A_2376 = tpu.memref_squeeze %dma_start3A_2375 : memref<1x50x32xf32, #tpu.memory_space<vmem>> -> memref<50x32xf32, #tpu.memory_space<vmem>>
      %dma_start3A_2377 = arith.constant 0 : i32
      %dma_start3A_2378 = tpu.memref_slice %arg5[%dma_start3A_2371, %dma_start3A_2377] : memref<32x50xi32, #tpu.memory_space<vmem>> -> memref<1x50xi32, #tpu.memory_space<vmem>>
      %dma_start3A_2379 = tpu.memref_squeeze %dma_start3A_2378 : memref<1x50xi32, #tpu.memory_space<vmem>> -> memref<50xi32, #tpu.memory_space<vmem>>
      %dma_start3A_2380 = arith.constant 0 : i32
      %dma_start3A_2381 = arith.constant 0 : i32
      %dma_start3A_2382 = tpu.memref_slice %arg3[%dma_start3A_2380, %dma_start3A_2381] : memref<1000000x32xf32, #tpu.memory_space<hbm>> -> memref<1000000x32xf32, #tpu.memory_space<hbm>>
      tpu.enqueue_indirect_dma source(%dma_start3A_2382 : memref<1000000x32xf32, #tpu.memory_space<hbm>>) target(%dma_start3A_2376 : memref<50x32xf32, #tpu.memory_space<vmem>>) offsets(%dma_start3A_2379 : memref<50xi32, #tpu.memory_space<vmem>>) semaphore(%arg11 : memref<!tpu.dma_semaphore, #tpu.memory_space<semaphore_mem>>)
      %dma_start3A_2383 = arith.constant 30 : i32
      %dma_start3A_2384 = arith.constant 30 : i32
      %dma_start3A_2385 = arith.constant 0 : i32
      %dma_start3A_2386 = arith.constant 0 : i32
      %dma_start3A_2387 = tpu.memref_slice %arg7[%dma_start3A_2384, %dma_start3A_2385, %dma_start3A_2386] : memref<32x50x32xf32, #tpu.memory_space<vmem>> -> memref<1x50x32xf32, #tpu.memory_space<vmem>>
      %dma_start3A_2388 = tpu.memref_squeeze %dma_start3A_2387 : memref<1x50x32xf32, #tpu.memory_space<vmem>> -> memref<50x32xf32, #tpu.memory_space<vmem>>
      %dma_start3A_2389 = arith.constant 0 : i32
      %dma_start3A_2390 = tpu.memref_slice %arg5[%dma_start3A_2383, %dma_start3A_2389] : memref<32x50xi32, #tpu.memory_space<vmem>> -> memref<1x50xi32, #tpu.memory_space<vmem>>
      %dma_start3A_2391 = tpu.memref_squeeze %dma_start3A_2390 : memref<1x50xi32, #tpu.memory_space<vmem>> -> memref<50xi32, #tpu.memory_space<vmem>>
      %dma_start3A_2392 = arith.constant 0 : i32
      %dma_start3A_2393 = arith.constant 0 : i32
      %dma_start3A_2394 = tpu.memref_slice %arg3[%dma_start3A_2392, %dma_start3A_2393] : memref<1000000x32xf32, #tpu.memory_space<hbm>> -> memref<1000000x32xf32, #tpu.memory_space<hbm>>
      tpu.enqueue_indirect_dma source(%dma_start3A_2394 : memref<1000000x32xf32, #tpu.memory_space<hbm>>) target(%dma_start3A_2388 : memref<50x32xf32, #tpu.memory_space<vmem>>) offsets(%dma_start3A_2391 : memref<50xi32, #tpu.memory_space<vmem>>) semaphore(%arg11 : memref<!tpu.dma_semaphore, #tpu.memory_space<semaphore_mem>>)
      %dma_start3A_2395 = arith.constant 31 : i32
      %dma_start3A_2396 = arith.constant 31 : i32
      %dma_start3A_2397 = arith.constant 0 : i32
      %dma_start3A_2398 = arith.constant 0 : i32
      %dma_start3A_2399 = tpu.memref_slice %arg7[%dma_start3A_2396, %dma_start3A_2397, %dma_start3A_2398] : memref<32x50x32xf32, #tpu.memory_space<vmem>> -> memref<1x50x32xf32, #tpu.memory_space<vmem>>
      %dma_start3A_2400 = tpu.memref_squeeze %dma_start3A_2399 : memref<1x50x32xf32, #tpu.memory_space<vmem>> -> memref<50x32xf32, #tpu.memory_space<vmem>>
      %dma_start3A_2401 = arith.constant 0 : i32
      %dma_start3A_2402 = tpu.memref_slice %arg5[%dma_start3A_2395, %dma_start3A_2401] : memref<32x50xi32, #tpu.memory_space<vmem>> -> memref<1x50xi32, #tpu.memory_space<vmem>>
      %dma_start3A_2403 = tpu.memref_squeeze %dma_start3A_2402 : memref<1x50xi32, #tpu.memory_space<vmem>> -> memref<50xi32, #tpu.memory_space<vmem>>
      %dma_start3A_2404 = arith.constant 0 : i32
      %dma_start3A_2405 = arith.constant 0 : i32
      %dma_start3A_2406 = tpu.memref_slice %arg3[%dma_start3A_2404, %dma_start3A_2405] : memref<1000000x32xf32, #tpu.memory_space<hbm>> -> memref<1000000x32xf32, #tpu.memory_space<hbm>>
      tpu.enqueue_indirect_dma source(%dma_start3A_2406 : memref<1000000x32xf32, #tpu.memory_space<hbm>>) target(%dma_start3A_2400 : memref<50x32xf32, #tpu.memory_space<vmem>>) offsets(%dma_start3A_2403 : memref<50xi32, #tpu.memory_space<vmem>>) semaphore(%arg11 : memref<!tpu.dma_semaphore, #tpu.memory_space<semaphore_mem>>)
      %mul3A_2407 = arith.constant 2 : i32
      %mul3A_2408 = arith.muli %scan3A_1598, %mul3A_2407 : i32
      %add3A_2409 = arith.constant 1 : i32
      %add3A_2410 = arith.addi %mul3A_2408, %add3A_2409 : i32
      %dma_wait3A_2411 = arith.constant 0 : i32
      %dma_wait3A_2412 = arith.constant 0 : i32
      %dma_wait3A_2413 = arith.constant 0 : i32
      %dma_wait3A_2414 = arith.constant 0 : i32
      %dma_wait3A_2415 = tpu.memref_slice %arg8[%dma_wait3A_2412, %dma_wait3A_2413, %dma_wait3A_2414] : memref<32x50x32xf32, #tpu.memory_space<vmem>> -> memref<1x50x32xf32, #tpu.memory_space<vmem>>
      %dma_wait3A_2416 = tpu.memref_squeeze %dma_wait3A_2415 : memref<1x50x32xf32, #tpu.memory_space<vmem>> -> memref<50x32xf32, #tpu.memory_space<vmem>>
      %dma_wait3A_2417 = arith.constant 0 : i32
      %dma_wait3A_2418 = tpu.memref_slice %arg6[%dma_wait3A_2411, %dma_wait3A_2417] : memref<32x50xi32, #tpu.memory_space<vmem>> -> memref<1x50xi32, #tpu.memory_space<vmem>>
      %dma_wait3A_2419 = tpu.memref_squeeze %dma_wait3A_2418 : memref<1x50xi32, #tpu.memory_space<vmem>> -> memref<50xi32, #tpu.memory_space<vmem>>
      %dma_wait3A_2420 = arith.constant 0 : i32
      %dma_wait3A_2421 = arith.constant 0 : i32
      %dma_wait3A_2422 = tpu.memref_slice %arg3[%dma_wait3A_2420, %dma_wait3A_2421] : memref<1000000x32xf32, #tpu.memory_space<hbm>> -> memref<1000000x32xf32, #tpu.memory_space<hbm>>
      tpu.wait_indirect_dma semaphore(%arg12 : memref<!tpu.dma_semaphore, #tpu.memory_space<semaphore_mem>>) src(%dma_wait3A_2422 : memref<1000000x32xf32, #tpu.memory_space<hbm>>) dst(%dma_wait3A_2416 : memref<50x32xf32, #tpu.memory_space<vmem>>)
      %dma_wait3A_2423 = arith.constant 1 : i32
      %dma_wait3A_2424 = arith.constant 1 : i32
      %dma_wait3A_2425 = arith.constant 0 : i32
      %dma_wait3A_2426 = arith.constant 0 : i32
      %dma_wait3A_2427 = tpu.memref_slice %arg8[%dma_wait3A_2424, %dma_wait3A_2425, %dma_wait3A_2426] : memref<32x50x32xf32, #tpu.memory_space<vmem>> -> memref<1x50x32xf32, #tpu.memory_space<vmem>>
      %dma_wait3A_2428 = tpu.memref_squeeze %dma_wait3A_2427 : memref<1x50x32xf32, #tpu.memory_space<vmem>> -> memref<50x32xf32, #tpu.memory_space<vmem>>
      %dma_wait3A_2429 = arith.constant 0 : i32
      %dma_wait3A_2430 = tpu.memref_slice %arg6[%dma_wait3A_2423, %dma_wait3A_2429] : memref<32x50xi32, #tpu.memory_space<vmem>> -> memref<1x50xi32, #tpu.memory_space<vmem>>
      %dma_wait3A_2431 = tpu.memref_squeeze %dma_wait3A_2430 : memref<1x50xi32, #tpu.memory_space<vmem>> -> memref<50xi32, #tpu.memory_space<vmem>>
      %dma_wait3A_2432 = arith.constant 0 : i32
      %dma_wait3A_2433 = arith.constant 0 : i32
      %dma_wait3A_2434 = tpu.memref_slice %arg3[%dma_wait3A_2432, %dma_wait3A_2433] : memref<1000000x32xf32, #tpu.memory_space<hbm>> -> memref<1000000x32xf32, #tpu.memory_space<hbm>>
      tpu.wait_indirect_dma semaphore(%arg12 : memref<!tpu.dma_semaphore, #tpu.memory_space<semaphore_mem>>) src(%dma_wait3A_2434 : memref<1000000x32xf32, #tpu.memory_space<hbm>>) dst(%dma_wait3A_2428 : memref<50x32xf32, #tpu.memory_space<vmem>>)
      %dma_wait3A_2435 = arith.constant 2 : i32
      %dma_wait3A_2436 = arith.constant 2 : i32
      %dma_wait3A_2437 = arith.constant 0 : i32
      %dma_wait3A_2438 = arith.constant 0 : i32
      %dma_wait3A_2439 = tpu.memref_slice %arg8[%dma_wait3A_2436, %dma_wait3A_2437, %dma_wait3A_2438] : memref<32x50x32xf32, #tpu.memory_space<vmem>> -> memref<1x50x32xf32, #tpu.memory_space<vmem>>
      %dma_wait3A_2440 = tpu.memref_squeeze %dma_wait3A_2439 : memref<1x50x32xf32, #tpu.memory_space<vmem>> -> memref<50x32xf32, #tpu.memory_space<vmem>>
      %dma_wait3A_2441 = arith.constant 0 : i32
      %dma_wait3A_2442 = tpu.memref_slice %arg6[%dma_wait3A_2435, %dma_wait3A_2441] : memref<32x50xi32, #tpu.memory_space<vmem>> -> memref<1x50xi32, #tpu.memory_space<vmem>>
      %dma_wait3A_2443 = tpu.memref_squeeze %dma_wait3A_2442 : memref<1x50xi32, #tpu.memory_space<vmem>> -> memref<50xi32, #tpu.memory_space<vmem>>
      %dma_wait3A_2444 = arith.constant 0 : i32
      %dma_wait3A_2445 = arith.constant 0 : i32
      %dma_wait3A_2446 = tpu.memref_slice %arg3[%dma_wait3A_2444, %dma_wait3A_2445] : memref<1000000x32xf32, #tpu.memory_space<hbm>> -> memref<1000000x32xf32, #tpu.memory_space<hbm>>
      tpu.wait_indirect_dma semaphore(%arg12 : memref<!tpu.dma_semaphore, #tpu.memory_space<semaphore_mem>>) src(%dma_wait3A_2446 : memref<1000000x32xf32, #tpu.memory_space<hbm>>) dst(%dma_wait3A_2440 : memref<50x32xf32, #tpu.memory_space<vmem>>)
      %dma_wait3A_2447 = arith.constant 3 : i32
      %dma_wait3A_2448 = arith.constant 3 : i32
      %dma_wait3A_2449 = arith.constant 0 : i32
      %dma_wait3A_2450 = arith.constant 0 : i32
      %dma_wait3A_2451 = tpu.memref_slice %arg8[%dma_wait3A_2448, %dma_wait3A_2449, %dma_wait3A_2450] : memref<32x50x32xf32, #tpu.memory_space<vmem>> -> memref<1x50x32xf32, #tpu.memory_space<vmem>>
      %dma_wait3A_2452 = tpu.memref_squeeze %dma_wait3A_2451 : memref<1x50x32xf32, #tpu.memory_space<vmem>> -> memref<50x32xf32, #tpu.memory_space<vmem>>
      %dma_wait3A_2453 = arith.constant 0 : i32
      %dma_wait3A_2454 = tpu.memref_slice %arg6[%dma_wait3A_2447, %dma_wait3A_2453] : memref<32x50xi32, #tpu.memory_space<vmem>> -> memref<1x50xi32, #tpu.memory_space<vmem>>
      %dma_wait3A_2455 = tpu.memref_squeeze %dma_wait3A_2454 : memref<1x50xi32, #tpu.memory_space<vmem>> -> memref<50xi32, #tpu.memory_space<vmem>>
      %dma_wait3A_2456 = arith.constant 0 : i32
      %dma_wait3A_2457 = arith.constant 0 : i32
      %dma_wait3A_2458 = tpu.memref_slice %arg3[%dma_wait3A_2456, %dma_wait3A_2457] : memref<1000000x32xf32, #tpu.memory_space<hbm>> -> memref<1000000x32xf32, #tpu.memory_space<hbm>>
      tpu.wait_indirect_dma semaphore(%arg12 : memref<!tpu.dma_semaphore, #tpu.memory_space<semaphore_mem>>) src(%dma_wait3A_2458 : memref<1000000x32xf32, #tpu.memory_space<hbm>>) dst(%dma_wait3A_2452 : memref<50x32xf32, #tpu.memory_space<vmem>>)
      %dma_wait3A_2459 = arith.constant 4 : i32
      %dma_wait3A_2460 = arith.constant 4 : i32
      %dma_wait3A_2461 = arith.constant 0 : i32
      %dma_wait3A_2462 = arith.constant 0 : i32
      %dma_wait3A_2463 = tpu.memref_slice %arg8[%dma_wait3A_2460, %dma_wait3A_2461, %dma_wait3A_2462] : memref<32x50x32xf32, #tpu.memory_space<vmem>> -> memref<1x50x32xf32, #tpu.memory_space<vmem>>
      %dma_wait3A_2464 = tpu.memref_squeeze %dma_wait3A_2463 : memref<1x50x32xf32, #tpu.memory_space<vmem>> -> memref<50x32xf32, #tpu.memory_space<vmem>>
      %dma_wait3A_2465 = arith.constant 0 : i32
      %dma_wait3A_2466 = tpu.memref_slice %arg6[%dma_wait3A_2459, %dma_wait3A_2465] : memref<32x50xi32, #tpu.memory_space<vmem>> -> memref<1x50xi32, #tpu.memory_space<vmem>>
      %dma_wait3A_2467 = tpu.memref_squeeze %dma_wait3A_2466 : memref<1x50xi32, #tpu.memory_space<vmem>> -> memref<50xi32, #tpu.memory_space<vmem>>
      %dma_wait3A_2468 = arith.constant 0 : i32
      %dma_wait3A_2469 = arith.constant 0 : i32
      %dma_wait3A_2470 = tpu.memref_slice %arg3[%dma_wait3A_2468, %dma_wait3A_2469] : memref<1000000x32xf32, #tpu.memory_space<hbm>> -> memref<1000000x32xf32, #tpu.memory_space<hbm>>
      tpu.wait_indirect_dma semaphore(%arg12 : memref<!tpu.dma_semaphore, #tpu.memory_space<semaphore_mem>>) src(%dma_wait3A_2470 : memref<1000000x32xf32, #tpu.memory_space<hbm>>) dst(%dma_wait3A_2464 : memref<50x32xf32, #tpu.memory_space<vmem>>)
      %dma_wait3A_2471 = arith.constant 5 : i32
      %dma_wait3A_2472 = arith.constant 5 : i32
      %dma_wait3A_2473 = arith.constant 0 : i32
      %dma_wait3A_2474 = arith.constant 0 : i32
      %dma_wait3A_2475 = tpu.memref_slice %arg8[%dma_wait3A_2472, %dma_wait3A_2473, %dma_wait3A_2474] : memref<32x50x32xf32, #tpu.memory_space<vmem>> -> memref<1x50x32xf32, #tpu.memory_space<vmem>>
      %dma_wait3A_2476 = tpu.memref_squeeze %dma_wait3A_2475 : memref<1x50x32xf32, #tpu.memory_space<vmem>> -> memref<50x32xf32, #tpu.memory_space<vmem>>
      %dma_wait3A_2477 = arith.constant 0 : i32
      %dma_wait3A_2478 = tpu.memref_slice %arg6[%dma_wait3A_2471, %dma_wait3A_2477] : memref<32x50xi32, #tpu.memory_space<vmem>> -> memref<1x50xi32, #tpu.memory_space<vmem>>
      %dma_wait3A_2479 = tpu.memref_squeeze %dma_wait3A_2478 : memref<1x50xi32, #tpu.memory_space<vmem>> -> memref<50xi32, #tpu.memory_space<vmem>>
      %dma_wait3A_2480 = arith.constant 0 : i32
      %dma_wait3A_2481 = arith.constant 0 : i32
      %dma_wait3A_2482 = tpu.memref_slice %arg3[%dma_wait3A_2480, %dma_wait3A_2481] : memref<1000000x32xf32, #tpu.memory_space<hbm>> -> memref<1000000x32xf32, #tpu.memory_space<hbm>>
      tpu.wait_indirect_dma semaphore(%arg12 : memref<!tpu.dma_semaphore, #tpu.memory_space<semaphore_mem>>) src(%dma_wait3A_2482 : memref<1000000x32xf32, #tpu.memory_space<hbm>>) dst(%dma_wait3A_2476 : memref<50x32xf32, #tpu.memory_space<vmem>>)
      %dma_wait3A_2483 = arith.constant 6 : i32
      %dma_wait3A_2484 = arith.constant 6 : i32
      %dma_wait3A_2485 = arith.constant 0 : i32
      %dma_wait3A_2486 = arith.constant 0 : i32
      %dma_wait3A_2487 = tpu.memref_slice %arg8[%dma_wait3A_2484, %dma_wait3A_2485, %dma_wait3A_2486] : memref<32x50x32xf32, #tpu.memory_space<vmem>> -> memref<1x50x32xf32, #tpu.memory_space<vmem>>
      %dma_wait3A_2488 = tpu.memref_squeeze %dma_wait3A_2487 : memref<1x50x32xf32, #tpu.memory_space<vmem>> -> memref<50x32xf32, #tpu.memory_space<vmem>>
      %dma_wait3A_2489 = arith.constant 0 : i32
      %dma_wait3A_2490 = tpu.memref_slice %arg6[%dma_wait3A_2483, %dma_wait3A_2489] : memref<32x50xi32, #tpu.memory_space<vmem>> -> memref<1x50xi32, #tpu.memory_space<vmem>>
      %dma_wait3A_2491 = tpu.memref_squeeze %dma_wait3A_2490 : memref<1x50xi32, #tpu.memory_space<vmem>> -> memref<50xi32, #tpu.memory_space<vmem>>
      %dma_wait3A_2492 = arith.constant 0 : i32
      %dma_wait3A_2493 = arith.constant 0 : i32
      %dma_wait3A_2494 = tpu.memref_slice %arg3[%dma_wait3A_2492, %dma_wait3A_2493] : memref<1000000x32xf32, #tpu.memory_space<hbm>> -> memref<1000000x32xf32, #tpu.memory_space<hbm>>
      tpu.wait_indirect_dma semaphore(%arg12 : memref<!tpu.dma_semaphore, #tpu.memory_space<semaphore_mem>>) src(%dma_wait3A_2494 : memref<1000000x32xf32, #tpu.memory_space<hbm>>) dst(%dma_wait3A_2488 : memref<50x32xf32, #tpu.memory_space<vmem>>)
      %dma_wait3A_2495 = arith.constant 7 : i32
      %dma_wait3A_2496 = arith.constant 7 : i32
      %dma_wait3A_2497 = arith.constant 0 : i32
      %dma_wait3A_2498 = arith.constant 0 : i32
      %dma_wait3A_2499 = tpu.memref_slice %arg8[%dma_wait3A_2496, %dma_wait3A_2497, %dma_wait3A_2498] : memref<32x50x32xf32, #tpu.memory_space<vmem>> -> memref<1x50x32xf32, #tpu.memory_space<vmem>>
      %dma_wait3A_2500 = tpu.memref_squeeze %dma_wait3A_2499 : memref<1x50x32xf32, #tpu.memory_space<vmem>> -> memref<50x32xf32, #tpu.memory_space<vmem>>
      %dma_wait3A_2501 = arith.constant 0 : i32
      %dma_wait3A_2502 = tpu.memref_slice %arg6[%dma_wait3A_2495, %dma_wait3A_2501] : memref<32x50xi32, #tpu.memory_space<vmem>> -> memref<1x50xi32, #tpu.memory_space<vmem>>
      %dma_wait3A_2503 = tpu.memref_squeeze %dma_wait3A_2502 : memref<1x50xi32, #tpu.memory_space<vmem>> -> memref<50xi32, #tpu.memory_space<vmem>>
      %dma_wait3A_2504 = arith.constant 0 : i32
      %dma_wait3A_2505 = arith.constant 0 : i32
      %dma_wait3A_2506 = tpu.memref_slice %arg3[%dma_wait3A_2504, %dma_wait3A_2505] : memref<1000000x32xf32, #tpu.memory_space<hbm>> -> memref<1000000x32xf32, #tpu.memory_space<hbm>>
      tpu.wait_indirect_dma semaphore(%arg12 : memref<!tpu.dma_semaphore, #tpu.memory_space<semaphore_mem>>) src(%dma_wait3A_2506 : memref<1000000x32xf32, #tpu.memory_space<hbm>>) dst(%dma_wait3A_2500 : memref<50x32xf32, #tpu.memory_space<vmem>>)
      %dma_wait3A_2507 = arith.constant 8 : i32
      %dma_wait3A_2508 = arith.constant 8 : i32
      %dma_wait3A_2509 = arith.constant 0 : i32
      %dma_wait3A_2510 = arith.constant 0 : i32
      %dma_wait3A_2511 = tpu.memref_slice %arg8[%dma_wait3A_2508, %dma_wait3A_2509, %dma_wait3A_2510] : memref<32x50x32xf32, #tpu.memory_space<vmem>> -> memref<1x50x32xf32, #tpu.memory_space<vmem>>
      %dma_wait3A_2512 = tpu.memref_squeeze %dma_wait3A_2511 : memref<1x50x32xf32, #tpu.memory_space<vmem>> -> memref<50x32xf32, #tpu.memory_space<vmem>>
      %dma_wait3A_2513 = arith.constant 0 : i32
      %dma_wait3A_2514 = tpu.memref_slice %arg6[%dma_wait3A_2507, %dma_wait3A_2513] : memref<32x50xi32, #tpu.memory_space<vmem>> -> memref<1x50xi32, #tpu.memory_space<vmem>>
      %dma_wait3A_2515 = tpu.memref_squeeze %dma_wait3A_2514 : memref<1x50xi32, #tpu.memory_space<vmem>> -> memref<50xi32, #tpu.memory_space<vmem>>
      %dma_wait3A_2516 = arith.constant 0 : i32
      %dma_wait3A_2517 = arith.constant 0 : i32
      %dma_wait3A_2518 = tpu.memref_slice %arg3[%dma_wait3A_2516, %dma_wait3A_2517] : memref<1000000x32xf32, #tpu.memory_space<hbm>> -> memref<1000000x32xf32, #tpu.memory_space<hbm>>
      tpu.wait_indirect_dma semaphore(%arg12 : memref<!tpu.dma_semaphore, #tpu.memory_space<semaphore_mem>>) src(%dma_wait3A_2518 : memref<1000000x32xf32, #tpu.memory_space<hbm>>) dst(%dma_wait3A_2512 : memref<50x32xf32, #tpu.memory_space<vmem>>)
      %dma_wait3A_2519 = arith.constant 9 : i32
      %dma_wait3A_2520 = arith.constant 9 : i32
      %dma_wait3A_2521 = arith.constant 0 : i32
      %dma_wait3A_2522 = arith.constant 0 : i32
      %dma_wait3A_2523 = tpu.memref_slice %arg8[%dma_wait3A_2520, %dma_wait3A_2521, %dma_wait3A_2522] : memref<32x50x32xf32, #tpu.memory_space<vmem>> -> memref<1x50x32xf32, #tpu.memory_space<vmem>>
      %dma_wait3A_2524 = tpu.memref_squeeze %dma_wait3A_2523 : memref<1x50x32xf32, #tpu.memory_space<vmem>> -> memref<50x32xf32, #tpu.memory_space<vmem>>
      %dma_wait3A_2525 = arith.constant 0 : i32
      %dma_wait3A_2526 = tpu.memref_slice %arg6[%dma_wait3A_2519, %dma_wait3A_2525] : memref<32x50xi32, #tpu.memory_space<vmem>> -> memref<1x50xi32, #tpu.memory_space<vmem>>
      %dma_wait3A_2527 = tpu.memref_squeeze %dma_wait3A_2526 : memref<1x50xi32, #tpu.memory_space<vmem>> -> memref<50xi32, #tpu.memory_space<vmem>>
      %dma_wait3A_2528 = arith.constant 0 : i32
      %dma_wait3A_2529 = arith.constant 0 : i32
      %dma_wait3A_2530 = tpu.memref_slice %arg3[%dma_wait3A_2528, %dma_wait3A_2529] : memref<1000000x32xf32, #tpu.memory_space<hbm>> -> memref<1000000x32xf32, #tpu.memory_space<hbm>>
      tpu.wait_indirect_dma semaphore(%arg12 : memref<!tpu.dma_semaphore, #tpu.memory_space<semaphore_mem>>) src(%dma_wait3A_2530 : memref<1000000x32xf32, #tpu.memory_space<hbm>>) dst(%dma_wait3A_2524 : memref<50x32xf32, #tpu.memory_space<vmem>>)
      %dma_wait3A_2531 = arith.constant 10 : i32
      %dma_wait3A_2532 = arith.constant 10 : i32
      %dma_wait3A_2533 = arith.constant 0 : i32
      %dma_wait3A_2534 = arith.constant 0 : i32
      %dma_wait3A_2535 = tpu.memref_slice %arg8[%dma_wait3A_2532, %dma_wait3A_2533, %dma_wait3A_2534] : memref<32x50x32xf32, #tpu.memory_space<vmem>> -> memref<1x50x32xf32, #tpu.memory_space<vmem>>
      %dma_wait3A_2536 = tpu.memref_squeeze %dma_wait3A_2535 : memref<1x50x32xf32, #tpu.memory_space<vmem>> -> memref<50x32xf32, #tpu.memory_space<vmem>>
      %dma_wait3A_2537 = arith.constant 0 : i32
      %dma_wait3A_2538 = tpu.memref_slice %arg6[%dma_wait3A_2531, %dma_wait3A_2537] : memref<32x50xi32, #tpu.memory_space<vmem>> -> memref<1x50xi32, #tpu.memory_space<vmem>>
      %dma_wait3A_2539 = tpu.memref_squeeze %dma_wait3A_2538 : memref<1x50xi32, #tpu.memory_space<vmem>> -> memref<50xi32, #tpu.memory_space<vmem>>
      %dma_wait3A_2540 = arith.constant 0 : i32
      %dma_wait3A_2541 = arith.constant 0 : i32
      %dma_wait3A_2542 = tpu.memref_slice %arg3[%dma_wait3A_2540, %dma_wait3A_2541] : memref<1000000x32xf32, #tpu.memory_space<hbm>> -> memref<1000000x32xf32, #tpu.memory_space<hbm>>
      tpu.wait_indirect_dma semaphore(%arg12 : memref<!tpu.dma_semaphore, #tpu.memory_space<semaphore_mem>>) src(%dma_wait3A_2542 : memref<1000000x32xf32, #tpu.memory_space<hbm>>) dst(%dma_wait3A_2536 : memref<50x32xf32, #tpu.memory_space<vmem>>)
      %dma_wait3A_2543 = arith.constant 11 : i32
      %dma_wait3A_2544 = arith.constant 11 : i32
      %dma_wait3A_2545 = arith.constant 0 : i32
      %dma_wait3A_2546 = arith.constant 0 : i32
      %dma_wait3A_2547 = tpu.memref_slice %arg8[%dma_wait3A_2544, %dma_wait3A_2545, %dma_wait3A_2546] : memref<32x50x32xf32, #tpu.memory_space<vmem>> -> memref<1x50x32xf32, #tpu.memory_space<vmem>>
      %dma_wait3A_2548 = tpu.memref_squeeze %dma_wait3A_2547 : memref<1x50x32xf32, #tpu.memory_space<vmem>> -> memref<50x32xf32, #tpu.memory_space<vmem>>
      %dma_wait3A_2549 = arith.constant 0 : i32
      %dma_wait3A_2550 = tpu.memref_slice %arg6[%dma_wait3A_2543, %dma_wait3A_2549] : memref<32x50xi32, #tpu.memory_space<vmem>> -> memref<1x50xi32, #tpu.memory_space<vmem>>
      %dma_wait3A_2551 = tpu.memref_squeeze %dma_wait3A_2550 : memref<1x50xi32, #tpu.memory_space<vmem>> -> memref<50xi32, #tpu.memory_space<vmem>>
      %dma_wait3A_2552 = arith.constant 0 : i32
      %dma_wait3A_2553 = arith.constant 0 : i32
      %dma_wait3A_2554 = tpu.memref_slice %arg3[%dma_wait3A_2552, %dma_wait3A_2553] : memref<1000000x32xf32, #tpu.memory_space<hbm>> -> memref<1000000x32xf32, #tpu.memory_space<hbm>>
      tpu.wait_indirect_dma semaphore(%arg12 : memref<!tpu.dma_semaphore, #tpu.memory_space<semaphore_mem>>) src(%dma_wait3A_2554 : memref<1000000x32xf32, #tpu.memory_space<hbm>>) dst(%dma_wait3A_2548 : memref<50x32xf32, #tpu.memory_space<vmem>>)
      %dma_wait3A_2555 = arith.constant 12 : i32
      %dma_wait3A_2556 = arith.constant 12 : i32
      %dma_wait3A_2557 = arith.constant 0 : i32
      %dma_wait3A_2558 = arith.constant 0 : i32
      %dma_wait3A_2559 = tpu.memref_slice %arg8[%dma_wait3A_2556, %dma_wait3A_2557, %dma_wait3A_2558] : memref<32x50x32xf32, #tpu.memory_space<vmem>> -> memref<1x50x32xf32, #tpu.memory_space<vmem>>
      %dma_wait3A_2560 = tpu.memref_squeeze %dma_wait3A_2559 : memref<1x50x32xf32, #tpu.memory_space<vmem>> -> memref<50x32xf32, #tpu.memory_space<vmem>>
      %dma_wait3A_2561 = arith.constant 0 : i32
      %dma_wait3A_2562 = tpu.memref_slice %arg6[%dma_wait3A_2555, %dma_wait3A_2561] : memref<32x50xi32, #tpu.memory_space<vmem>> -> memref<1x50xi32, #tpu.memory_space<vmem>>
      %dma_wait3A_2563 = tpu.memref_squeeze %dma_wait3A_2562 : memref<1x50xi32, #tpu.memory_space<vmem>> -> memref<50xi32, #tpu.memory_space<vmem>>
      %dma_wait3A_2564 = arith.constant 0 : i32
      %dma_wait3A_2565 = arith.constant 0 : i32
      %dma_wait3A_2566 = tpu.memref_slice %arg3[%dma_wait3A_2564, %dma_wait3A_2565] : memref<1000000x32xf32, #tpu.memory_space<hbm>> -> memref<1000000x32xf32, #tpu.memory_space<hbm>>
      tpu.wait_indirect_dma semaphore(%arg12 : memref<!tpu.dma_semaphore, #tpu.memory_space<semaphore_mem>>) src(%dma_wait3A_2566 : memref<1000000x32xf32, #tpu.memory_space<hbm>>) dst(%dma_wait3A_2560 : memref<50x32xf32, #tpu.memory_space<vmem>>)
      %dma_wait3A_2567 = arith.constant 13 : i32
      %dma_wait3A_2568 = arith.constant 13 : i32
      %dma_wait3A_2569 = arith.constant 0 : i32
      %dma_wait3A_2570 = arith.constant 0 : i32
      %dma_wait3A_2571 = tpu.memref_slice %arg8[%dma_wait3A_2568, %dma_wait3A_2569, %dma_wait3A_2570] : memref<32x50x32xf32, #tpu.memory_space<vmem>> -> memref<1x50x32xf32, #tpu.memory_space<vmem>>
      %dma_wait3A_2572 = tpu.memref_squeeze %dma_wait3A_2571 : memref<1x50x32xf32, #tpu.memory_space<vmem>> -> memref<50x32xf32, #tpu.memory_space<vmem>>
      %dma_wait3A_2573 = arith.constant 0 : i32
      %dma_wait3A_2574 = tpu.memref_slice %arg6[%dma_wait3A_2567, %dma_wait3A_2573] : memref<32x50xi32, #tpu.memory_space<vmem>> -> memref<1x50xi32, #tpu.memory_space<vmem>>
      %dma_wait3A_2575 = tpu.memref_squeeze %dma_wait3A_2574 : memref<1x50xi32, #tpu.memory_space<vmem>> -> memref<50xi32, #tpu.memory_space<vmem>>
      %dma_wait3A_2576 = arith.constant 0 : i32
      %dma_wait3A_2577 = arith.constant 0 : i32
      %dma_wait3A_2578 = tpu.memref_slice %arg3[%dma_wait3A_2576, %dma_wait3A_2577] : memref<1000000x32xf32, #tpu.memory_space<hbm>> -> memref<1000000x32xf32, #tpu.memory_space<hbm>>
      tpu.wait_indirect_dma semaphore(%arg12 : memref<!tpu.dma_semaphore, #tpu.memory_space<semaphore_mem>>) src(%dma_wait3A_2578 : memref<1000000x32xf32, #tpu.memory_space<hbm>>) dst(%dma_wait3A_2572 : memref<50x32xf32, #tpu.memory_space<vmem>>)
      %dma_wait3A_2579 = arith.constant 14 : i32
      %dma_wait3A_2580 = arith.constant 14 : i32
      %dma_wait3A_2581 = arith.constant 0 : i32
      %dma_wait3A_2582 = arith.constant 0 : i32
      %dma_wait3A_2583 = tpu.memref_slice %arg8[%dma_wait3A_2580, %dma_wait3A_2581, %dma_wait3A_2582] : memref<32x50x32xf32, #tpu.memory_space<vmem>> -> memref<1x50x32xf32, #tpu.memory_space<vmem>>
      %dma_wait3A_2584 = tpu.memref_squeeze %dma_wait3A_2583 : memref<1x50x32xf32, #tpu.memory_space<vmem>> -> memref<50x32xf32, #tpu.memory_space<vmem>>
      %dma_wait3A_2585 = arith.constant 0 : i32
      %dma_wait3A_2586 = tpu.memref_slice %arg6[%dma_wait3A_2579, %dma_wait3A_2585] : memref<32x50xi32, #tpu.memory_space<vmem>> -> memref<1x50xi32, #tpu.memory_space<vmem>>
      %dma_wait3A_2587 = tpu.memref_squeeze %dma_wait3A_2586 : memref<1x50xi32, #tpu.memory_space<vmem>> -> memref<50xi32, #tpu.memory_space<vmem>>
      %dma_wait3A_2588 = arith.constant 0 : i32
      %dma_wait3A_2589 = arith.constant 0 : i32
      %dma_wait3A_2590 = tpu.memref_slice %arg3[%dma_wait3A_2588, %dma_wait3A_2589] : memref<1000000x32xf32, #tpu.memory_space<hbm>> -> memref<1000000x32xf32, #tpu.memory_space<hbm>>
      tpu.wait_indirect_dma semaphore(%arg12 : memref<!tpu.dma_semaphore, #tpu.memory_space<semaphore_mem>>) src(%dma_wait3A_2590 : memref<1000000x32xf32, #tpu.memory_space<hbm>>) dst(%dma_wait3A_2584 : memref<50x32xf32, #tpu.memory_space<vmem>>)
      %dma_wait3A_2591 = arith.constant 15 : i32
      %dma_wait3A_2592 = arith.constant 15 : i32
      %dma_wait3A_2593 = arith.constant 0 : i32
      %dma_wait3A_2594 = arith.constant 0 : i32
      %dma_wait3A_2595 = tpu.memref_slice %arg8[%dma_wait3A_2592, %dma_wait3A_2593, %dma_wait3A_2594] : memref<32x50x32xf32, #tpu.memory_space<vmem>> -> memref<1x50x32xf32, #tpu.memory_space<vmem>>
      %dma_wait3A_2596 = tpu.memref_squeeze %dma_wait3A_2595 : memref<1x50x32xf32, #tpu.memory_space<vmem>> -> memref<50x32xf32, #tpu.memory_space<vmem>>
      %dma_wait3A_2597 = arith.constant 0 : i32
      %dma_wait3A_2598 = tpu.memref_slice %arg6[%dma_wait3A_2591, %dma_wait3A_2597] : memref<32x50xi32, #tpu.memory_space<vmem>> -> memref<1x50xi32, #tpu.memory_space<vmem>>
      %dma_wait3A_2599 = tpu.memref_squeeze %dma_wait3A_2598 : memref<1x50xi32, #tpu.memory_space<vmem>> -> memref<50xi32, #tpu.memory_space<vmem>>
      %dma_wait3A_2600 = arith.constant 0 : i32
      %dma_wait3A_2601 = arith.constant 0 : i32
      %dma_wait3A_2602 = tpu.memref_slice %arg3[%dma_wait3A_2600, %dma_wait3A_2601] : memref<1000000x32xf32, #tpu.memory_space<hbm>> -> memref<1000000x32xf32, #tpu.memory_space<hbm>>
      tpu.wait_indirect_dma semaphore(%arg12 : memref<!tpu.dma_semaphore, #tpu.memory_space<semaphore_mem>>) src(%dma_wait3A_2602 : memref<1000000x32xf32, #tpu.memory_space<hbm>>) dst(%dma_wait3A_2596 : memref<50x32xf32, #tpu.memory_space<vmem>>)
      %dma_wait3A_2603 = arith.constant 16 : i32
      %dma_wait3A_2604 = arith.constant 16 : i32
      %dma_wait3A_2605 = arith.constant 0 : i32
      %dma_wait3A_2606 = arith.constant 0 : i32
      %dma_wait3A_2607 = tpu.memref_slice %arg8[%dma_wait3A_2604, %dma_wait3A_2605, %dma_wait3A_2606] : memref<32x50x32xf32, #tpu.memory_space<vmem>> -> memref<1x50x32xf32, #tpu.memory_space<vmem>>
      %dma_wait3A_2608 = tpu.memref_squeeze %dma_wait3A_2607 : memref<1x50x32xf32, #tpu.memory_space<vmem>> -> memref<50x32xf32, #tpu.memory_space<vmem>>
      %dma_wait3A_2609 = arith.constant 0 : i32
      %dma_wait3A_2610 = tpu.memref_slice %arg6[%dma_wait3A_2603, %dma_wait3A_2609] : memref<32x50xi32, #tpu.memory_space<vmem>> -> memref<1x50xi32, #tpu.memory_space<vmem>>
      %dma_wait3A_2611 = tpu.memref_squeeze %dma_wait3A_2610 : memref<1x50xi32, #tpu.memory_space<vmem>> -> memref<50xi32, #tpu.memory_space<vmem>>
      %dma_wait3A_2612 = arith.constant 0 : i32
      %dma_wait3A_2613 = arith.constant 0 : i32
      %dma_wait3A_2614 = tpu.memref_slice %arg3[%dma_wait3A_2612, %dma_wait3A_2613] : memref<1000000x32xf32, #tpu.memory_space<hbm>> -> memref<1000000x32xf32, #tpu.memory_space<hbm>>
      tpu.wait_indirect_dma semaphore(%arg12 : memref<!tpu.dma_semaphore, #tpu.memory_space<semaphore_mem>>) src(%dma_wait3A_2614 : memref<1000000x32xf32, #tpu.memory_space<hbm>>) dst(%dma_wait3A_2608 : memref<50x32xf32, #tpu.memory_space<vmem>>)
      %dma_wait3A_2615 = arith.constant 17 : i32
      %dma_wait3A_2616 = arith.constant 17 : i32
      %dma_wait3A_2617 = arith.constant 0 : i32
      %dma_wait3A_2618 = arith.constant 0 : i32
      %dma_wait3A_2619 = tpu.memref_slice %arg8[%dma_wait3A_2616, %dma_wait3A_2617, %dma_wait3A_2618] : memref<32x50x32xf32, #tpu.memory_space<vmem>> -> memref<1x50x32xf32, #tpu.memory_space<vmem>>
      %dma_wait3A_2620 = tpu.memref_squeeze %dma_wait3A_2619 : memref<1x50x32xf32, #tpu.memory_space<vmem>> -> memref<50x32xf32, #tpu.memory_space<vmem>>
      %dma_wait3A_2621 = arith.constant 0 : i32
      %dma_wait3A_2622 = tpu.memref_slice %arg6[%dma_wait3A_2615, %dma_wait3A_2621] : memref<32x50xi32, #tpu.memory_space<vmem>> -> memref<1x50xi32, #tpu.memory_space<vmem>>
      %dma_wait3A_2623 = tpu.memref_squeeze %dma_wait3A_2622 : memref<1x50xi32, #tpu.memory_space<vmem>> -> memref<50xi32, #tpu.memory_space<vmem>>
      %dma_wait3A_2624 = arith.constant 0 : i32
      %dma_wait3A_2625 = arith.constant 0 : i32
      %dma_wait3A_2626 = tpu.memref_slice %arg3[%dma_wait3A_2624, %dma_wait3A_2625] : memref<1000000x32xf32, #tpu.memory_space<hbm>> -> memref<1000000x32xf32, #tpu.memory_space<hbm>>
      tpu.wait_indirect_dma semaphore(%arg12 : memref<!tpu.dma_semaphore, #tpu.memory_space<semaphore_mem>>) src(%dma_wait3A_2626 : memref<1000000x32xf32, #tpu.memory_space<hbm>>) dst(%dma_wait3A_2620 : memref<50x32xf32, #tpu.memory_space<vmem>>)
      %dma_wait3A_2627 = arith.constant 18 : i32
      %dma_wait3A_2628 = arith.constant 18 : i32
      %dma_wait3A_2629 = arith.constant 0 : i32
      %dma_wait3A_2630 = arith.constant 0 : i32
      %dma_wait3A_2631 = tpu.memref_slice %arg8[%dma_wait3A_2628, %dma_wait3A_2629, %dma_wait3A_2630] : memref<32x50x32xf32, #tpu.memory_space<vmem>> -> memref<1x50x32xf32, #tpu.memory_space<vmem>>
      %dma_wait3A_2632 = tpu.memref_squeeze %dma_wait3A_2631 : memref<1x50x32xf32, #tpu.memory_space<vmem>> -> memref<50x32xf32, #tpu.memory_space<vmem>>
      %dma_wait3A_2633 = arith.constant 0 : i32
      %dma_wait3A_2634 = tpu.memref_slice %arg6[%dma_wait3A_2627, %dma_wait3A_2633] : memref<32x50xi32, #tpu.memory_space<vmem>> -> memref<1x50xi32, #tpu.memory_space<vmem>>
      %dma_wait3A_2635 = tpu.memref_squeeze %dma_wait3A_2634 : memref<1x50xi32, #tpu.memory_space<vmem>> -> memref<50xi32, #tpu.memory_space<vmem>>
      %dma_wait3A_2636 = arith.constant 0 : i32
      %dma_wait3A_2637 = arith.constant 0 : i32
      %dma_wait3A_2638 = tpu.memref_slice %arg3[%dma_wait3A_2636, %dma_wait3A_2637] : memref<1000000x32xf32, #tpu.memory_space<hbm>> -> memref<1000000x32xf32, #tpu.memory_space<hbm>>
      tpu.wait_indirect_dma semaphore(%arg12 : memref<!tpu.dma_semaphore, #tpu.memory_space<semaphore_mem>>) src(%dma_wait3A_2638 : memref<1000000x32xf32, #tpu.memory_space<hbm>>) dst(%dma_wait3A_2632 : memref<50x32xf32, #tpu.memory_space<vmem>>)
      %dma_wait3A_2639 = arith.constant 19 : i32
      %dma_wait3A_2640 = arith.constant 19 : i32
      %dma_wait3A_2641 = arith.constant 0 : i32
      %dma_wait3A_2642 = arith.constant 0 : i32
      %dma_wait3A_2643 = tpu.memref_slice %arg8[%dma_wait3A_2640, %dma_wait3A_2641, %dma_wait3A_2642] : memref<32x50x32xf32, #tpu.memory_space<vmem>> -> memref<1x50x32xf32, #tpu.memory_space<vmem>>
      %dma_wait3A_2644 = tpu.memref_squeeze %dma_wait3A_2643 : memref<1x50x32xf32, #tpu.memory_space<vmem>> -> memref<50x32xf32, #tpu.memory_space<vmem>>
      %dma_wait3A_2645 = arith.constant 0 : i32
      %dma_wait3A_2646 = tpu.memref_slice %arg6[%dma_wait3A_2639, %dma_wait3A_2645] : memref<32x50xi32, #tpu.memory_space<vmem>> -> memref<1x50xi32, #tpu.memory_space<vmem>>
      %dma_wait3A_2647 = tpu.memref_squeeze %dma_wait3A_2646 : memref<1x50xi32, #tpu.memory_space<vmem>> -> memref<50xi32, #tpu.memory_space<vmem>>
      %dma_wait3A_2648 = arith.constant 0 : i32
      %dma_wait3A_2649 = arith.constant 0 : i32
      %dma_wait3A_2650 = tpu.memref_slice %arg3[%dma_wait3A_2648, %dma_wait3A_2649] : memref<1000000x32xf32, #tpu.memory_space<hbm>> -> memref<1000000x32xf32, #tpu.memory_space<hbm>>
      tpu.wait_indirect_dma semaphore(%arg12 : memref<!tpu.dma_semaphore, #tpu.memory_space<semaphore_mem>>) src(%dma_wait3A_2650 : memref<1000000x32xf32, #tpu.memory_space<hbm>>) dst(%dma_wait3A_2644 : memref<50x32xf32, #tpu.memory_space<vmem>>)
      %dma_wait3A_2651 = arith.constant 20 : i32
      %dma_wait3A_2652 = arith.constant 20 : i32
      %dma_wait3A_2653 = arith.constant 0 : i32
      %dma_wait3A_2654 = arith.constant 0 : i32
      %dma_wait3A_2655 = tpu.memref_slice %arg8[%dma_wait3A_2652, %dma_wait3A_2653, %dma_wait3A_2654] : memref<32x50x32xf32, #tpu.memory_space<vmem>> -> memref<1x50x32xf32, #tpu.memory_space<vmem>>
      %dma_wait3A_2656 = tpu.memref_squeeze %dma_wait3A_2655 : memref<1x50x32xf32, #tpu.memory_space<vmem>> -> memref<50x32xf32, #tpu.memory_space<vmem>>
      %dma_wait3A_2657 = arith.constant 0 : i32
      %dma_wait3A_2658 = tpu.memref_slice %arg6[%dma_wait3A_2651, %dma_wait3A_2657] : memref<32x50xi32, #tpu.memory_space<vmem>> -> memref<1x50xi32, #tpu.memory_space<vmem>>
      %dma_wait3A_2659 = tpu.memref_squeeze %dma_wait3A_2658 : memref<1x50xi32, #tpu.memory_space<vmem>> -> memref<50xi32, #tpu.memory_space<vmem>>
      %dma_wait3A_2660 = arith.constant 0 : i32
      %dma_wait3A_2661 = arith.constant 0 : i32
      %dma_wait3A_2662 = tpu.memref_slice %arg3[%dma_wait3A_2660, %dma_wait3A_2661] : memref<1000000x32xf32, #tpu.memory_space<hbm>> -> memref<1000000x32xf32, #tpu.memory_space<hbm>>
      tpu.wait_indirect_dma semaphore(%arg12 : memref<!tpu.dma_semaphore, #tpu.memory_space<semaphore_mem>>) src(%dma_wait3A_2662 : memref<1000000x32xf32, #tpu.memory_space<hbm>>) dst(%dma_wait3A_2656 : memref<50x32xf32, #tpu.memory_space<vmem>>)
      %dma_wait3A_2663 = arith.constant 21 : i32
      %dma_wait3A_2664 = arith.constant 21 : i32
      %dma_wait3A_2665 = arith.constant 0 : i32
      %dma_wait3A_2666 = arith.constant 0 : i32
      %dma_wait3A_2667 = tpu.memref_slice %arg8[%dma_wait3A_2664, %dma_wait3A_2665, %dma_wait3A_2666] : memref<32x50x32xf32, #tpu.memory_space<vmem>> -> memref<1x50x32xf32, #tpu.memory_space<vmem>>
      %dma_wait3A_2668 = tpu.memref_squeeze %dma_wait3A_2667 : memref<1x50x32xf32, #tpu.memory_space<vmem>> -> memref<50x32xf32, #tpu.memory_space<vmem>>
      %dma_wait3A_2669 = arith.constant 0 : i32
      %dma_wait3A_2670 = tpu.memref_slice %arg6[%dma_wait3A_2663, %dma_wait3A_2669] : memref<32x50xi32, #tpu.memory_space<vmem>> -> memref<1x50xi32, #tpu.memory_space<vmem>>
      %dma_wait3A_2671 = tpu.memref_squeeze %dma_wait3A_2670 : memref<1x50xi32, #tpu.memory_space<vmem>> -> memref<50xi32, #tpu.memory_space<vmem>>
      %dma_wait3A_2672 = arith.constant 0 : i32
      %dma_wait3A_2673 = arith.constant 0 : i32
      %dma_wait3A_2674 = tpu.memref_slice %arg3[%dma_wait3A_2672, %dma_wait3A_2673] : memref<1000000x32xf32, #tpu.memory_space<hbm>> -> memref<1000000x32xf32, #tpu.memory_space<hbm>>
      tpu.wait_indirect_dma semaphore(%arg12 : memref<!tpu.dma_semaphore, #tpu.memory_space<semaphore_mem>>) src(%dma_wait3A_2674 : memref<1000000x32xf32, #tpu.memory_space<hbm>>) dst(%dma_wait3A_2668 : memref<50x32xf32, #tpu.memory_space<vmem>>)
      %dma_wait3A_2675 = arith.constant 22 : i32
      %dma_wait3A_2676 = arith.constant 22 : i32
      %dma_wait3A_2677 = arith.constant 0 : i32
      %dma_wait3A_2678 = arith.constant 0 : i32
      %dma_wait3A_2679 = tpu.memref_slice %arg8[%dma_wait3A_2676, %dma_wait3A_2677, %dma_wait3A_2678] : memref<32x50x32xf32, #tpu.memory_space<vmem>> -> memref<1x50x32xf32, #tpu.memory_space<vmem>>
      %dma_wait3A_2680 = tpu.memref_squeeze %dma_wait3A_2679 : memref<1x50x32xf32, #tpu.memory_space<vmem>> -> memref<50x32xf32, #tpu.memory_space<vmem>>
      %dma_wait3A_2681 = arith.constant 0 : i32
      %dma_wait3A_2682 = tpu.memref_slice %arg6[%dma_wait3A_2675, %dma_wait3A_2681] : memref<32x50xi32, #tpu.memory_space<vmem>> -> memref<1x50xi32, #tpu.memory_space<vmem>>
      %dma_wait3A_2683 = tpu.memref_squeeze %dma_wait3A_2682 : memref<1x50xi32, #tpu.memory_space<vmem>> -> memref<50xi32, #tpu.memory_space<vmem>>
      %dma_wait3A_2684 = arith.constant 0 : i32
      %dma_wait3A_2685 = arith.constant 0 : i32
      %dma_wait3A_2686 = tpu.memref_slice %arg3[%dma_wait3A_2684, %dma_wait3A_2685] : memref<1000000x32xf32, #tpu.memory_space<hbm>> -> memref<1000000x32xf32, #tpu.memory_space<hbm>>
      tpu.wait_indirect_dma semaphore(%arg12 : memref<!tpu.dma_semaphore, #tpu.memory_space<semaphore_mem>>) src(%dma_wait3A_2686 : memref<1000000x32xf32, #tpu.memory_space<hbm>>) dst(%dma_wait3A_2680 : memref<50x32xf32, #tpu.memory_space<vmem>>)
      %dma_wait3A_2687 = arith.constant 23 : i32
      %dma_wait3A_2688 = arith.constant 23 : i32
      %dma_wait3A_2689 = arith.constant 0 : i32
      %dma_wait3A_2690 = arith.constant 0 : i32
      %dma_wait3A_2691 = tpu.memref_slice %arg8[%dma_wait3A_2688, %dma_wait3A_2689, %dma_wait3A_2690] : memref<32x50x32xf32, #tpu.memory_space<vmem>> -> memref<1x50x32xf32, #tpu.memory_space<vmem>>
      %dma_wait3A_2692 = tpu.memref_squeeze %dma_wait3A_2691 : memref<1x50x32xf32, #tpu.memory_space<vmem>> -> memref<50x32xf32, #tpu.memory_space<vmem>>
      %dma_wait3A_2693 = arith.constant 0 : i32
      %dma_wait3A_2694 = tpu.memref_slice %arg6[%dma_wait3A_2687, %dma_wait3A_2693] : memref<32x50xi32, #tpu.memory_space<vmem>> -> memref<1x50xi32, #tpu.memory_space<vmem>>
      %dma_wait3A_2695 = tpu.memref_squeeze %dma_wait3A_2694 : memref<1x50xi32, #tpu.memory_space<vmem>> -> memref<50xi32, #tpu.memory_space<vmem>>
      %dma_wait3A_2696 = arith.constant 0 : i32
      %dma_wait3A_2697 = arith.constant 0 : i32
      %dma_wait3A_2698 = tpu.memref_slice %arg3[%dma_wait3A_2696, %dma_wait3A_2697] : memref<1000000x32xf32, #tpu.memory_space<hbm>> -> memref<1000000x32xf32, #tpu.memory_space<hbm>>
      tpu.wait_indirect_dma semaphore(%arg12 : memref<!tpu.dma_semaphore, #tpu.memory_space<semaphore_mem>>) src(%dma_wait3A_2698 : memref<1000000x32xf32, #tpu.memory_space<hbm>>) dst(%dma_wait3A_2692 : memref<50x32xf32, #tpu.memory_space<vmem>>)
      %dma_wait3A_2699 = arith.constant 24 : i32
      %dma_wait3A_2700 = arith.constant 24 : i32
      %dma_wait3A_2701 = arith.constant 0 : i32
      %dma_wait3A_2702 = arith.constant 0 : i32
      %dma_wait3A_2703 = tpu.memref_slice %arg8[%dma_wait3A_2700, %dma_wait3A_2701, %dma_wait3A_2702] : memref<32x50x32xf32, #tpu.memory_space<vmem>> -> memref<1x50x32xf32, #tpu.memory_space<vmem>>
      %dma_wait3A_2704 = tpu.memref_squeeze %dma_wait3A_2703 : memref<1x50x32xf32, #tpu.memory_space<vmem>> -> memref<50x32xf32, #tpu.memory_space<vmem>>
      %dma_wait3A_2705 = arith.constant 0 : i32
      %dma_wait3A_2706 = tpu.memref_slice %arg6[%dma_wait3A_2699, %dma_wait3A_2705] : memref<32x50xi32, #tpu.memory_space<vmem>> -> memref<1x50xi32, #tpu.memory_space<vmem>>
      %dma_wait3A_2707 = tpu.memref_squeeze %dma_wait3A_2706 : memref<1x50xi32, #tpu.memory_space<vmem>> -> memref<50xi32, #tpu.memory_space<vmem>>
      %dma_wait3A_2708 = arith.constant 0 : i32
      %dma_wait3A_2709 = arith.constant 0 : i32
      %dma_wait3A_2710 = tpu.memref_slice %arg3[%dma_wait3A_2708, %dma_wait3A_2709] : memref<1000000x32xf32, #tpu.memory_space<hbm>> -> memref<1000000x32xf32, #tpu.memory_space<hbm>>
      tpu.wait_indirect_dma semaphore(%arg12 : memref<!tpu.dma_semaphore, #tpu.memory_space<semaphore_mem>>) src(%dma_wait3A_2710 : memref<1000000x32xf32, #tpu.memory_space<hbm>>) dst(%dma_wait3A_2704 : memref<50x32xf32, #tpu.memory_space<vmem>>)
      %dma_wait3A_2711 = arith.constant 25 : i32
      %dma_wait3A_2712 = arith.constant 25 : i32
      %dma_wait3A_2713 = arith.constant 0 : i32
      %dma_wait3A_2714 = arith.constant 0 : i32
      %dma_wait3A_2715 = tpu.memref_slice %arg8[%dma_wait3A_2712, %dma_wait3A_2713, %dma_wait3A_2714] : memref<32x50x32xf32, #tpu.memory_space<vmem>> -> memref<1x50x32xf32, #tpu.memory_space<vmem>>
      %dma_wait3A_2716 = tpu.memref_squeeze %dma_wait3A_2715 : memref<1x50x32xf32, #tpu.memory_space<vmem>> -> memref<50x32xf32, #tpu.memory_space<vmem>>
      %dma_wait3A_2717 = arith.constant 0 : i32
      %dma_wait3A_2718 = tpu.memref_slice %arg6[%dma_wait3A_2711, %dma_wait3A_2717] : memref<32x50xi32, #tpu.memory_space<vmem>> -> memref<1x50xi32, #tpu.memory_space<vmem>>
      %dma_wait3A_2719 = tpu.memref_squeeze %dma_wait3A_2718 : memref<1x50xi32, #tpu.memory_space<vmem>> -> memref<50xi32, #tpu.memory_space<vmem>>
      %dma_wait3A_2720 = arith.constant 0 : i32
      %dma_wait3A_2721 = arith.constant 0 : i32
      %dma_wait3A_2722 = tpu.memref_slice %arg3[%dma_wait3A_2720, %dma_wait3A_2721] : memref<1000000x32xf32, #tpu.memory_space<hbm>> -> memref<1000000x32xf32, #tpu.memory_space<hbm>>
      tpu.wait_indirect_dma semaphore(%arg12 : memref<!tpu.dma_semaphore, #tpu.memory_space<semaphore_mem>>) src(%dma_wait3A_2722 : memref<1000000x32xf32, #tpu.memory_space<hbm>>) dst(%dma_wait3A_2716 : memref<50x32xf32, #tpu.memory_space<vmem>>)
      %dma_wait3A_2723 = arith.constant 26 : i32
      %dma_wait3A_2724 = arith.constant 26 : i32
      %dma_wait3A_2725 = arith.constant 0 : i32
      %dma_wait3A_2726 = arith.constant 0 : i32
      %dma_wait3A_2727 = tpu.memref_slice %arg8[%dma_wait3A_2724, %dma_wait3A_2725, %dma_wait3A_2726] : memref<32x50x32xf32, #tpu.memory_space<vmem>> -> memref<1x50x32xf32, #tpu.memory_space<vmem>>
      %dma_wait3A_2728 = tpu.memref_squeeze %dma_wait3A_2727 : memref<1x50x32xf32, #tpu.memory_space<vmem>> -> memref<50x32xf32, #tpu.memory_space<vmem>>
      %dma_wait3A_2729 = arith.constant 0 : i32
      %dma_wait3A_2730 = tpu.memref_slice %arg6[%dma_wait3A_2723, %dma_wait3A_2729] : memref<32x50xi32, #tpu.memory_space<vmem>> -> memref<1x50xi32, #tpu.memory_space<vmem>>
      %dma_wait3A_2731 = tpu.memref_squeeze %dma_wait3A_2730 : memref<1x50xi32, #tpu.memory_space<vmem>> -> memref<50xi32, #tpu.memory_space<vmem>>
      %dma_wait3A_2732 = arith.constant 0 : i32
      %dma_wait3A_2733 = arith.constant 0 : i32
      %dma_wait3A_2734 = tpu.memref_slice %arg3[%dma_wait3A_2732, %dma_wait3A_2733] : memref<1000000x32xf32, #tpu.memory_space<hbm>> -> memref<1000000x32xf32, #tpu.memory_space<hbm>>
      tpu.wait_indirect_dma semaphore(%arg12 : memref<!tpu.dma_semaphore, #tpu.memory_space<semaphore_mem>>) src(%dma_wait3A_2734 : memref<1000000x32xf32, #tpu.memory_space<hbm>>) dst(%dma_wait3A_2728 : memref<50x32xf32, #tpu.memory_space<vmem>>)
      %dma_wait3A_2735 = arith.constant 27 : i32
      %dma_wait3A_2736 = arith.constant 27 : i32
      %dma_wait3A_2737 = arith.constant 0 : i32
      %dma_wait3A_2738 = arith.constant 0 : i32
      %dma_wait3A_2739 = tpu.memref_slice %arg8[%dma_wait3A_2736, %dma_wait3A_2737, %dma_wait3A_2738] : memref<32x50x32xf32, #tpu.memory_space<vmem>> -> memref<1x50x32xf32, #tpu.memory_space<vmem>>
      %dma_wait3A_2740 = tpu.memref_squeeze %dma_wait3A_2739 : memref<1x50x32xf32, #tpu.memory_space<vmem>> -> memref<50x32xf32, #tpu.memory_space<vmem>>
      %dma_wait3A_2741 = arith.constant 0 : i32
      %dma_wait3A_2742 = tpu.memref_slice %arg6[%dma_wait3A_2735, %dma_wait3A_2741] : memref<32x50xi32, #tpu.memory_space<vmem>> -> memref<1x50xi32, #tpu.memory_space<vmem>>
      %dma_wait3A_2743 = tpu.memref_squeeze %dma_wait3A_2742 : memref<1x50xi32, #tpu.memory_space<vmem>> -> memref<50xi32, #tpu.memory_space<vmem>>
      %dma_wait3A_2744 = arith.constant 0 : i32
      %dma_wait3A_2745 = arith.constant 0 : i32
      %dma_wait3A_2746 = tpu.memref_slice %arg3[%dma_wait3A_2744, %dma_wait3A_2745] : memref<1000000x32xf32, #tpu.memory_space<hbm>> -> memref<1000000x32xf32, #tpu.memory_space<hbm>>
      tpu.wait_indirect_dma semaphore(%arg12 : memref<!tpu.dma_semaphore, #tpu.memory_space<semaphore_mem>>) src(%dma_wait3A_2746 : memref<1000000x32xf32, #tpu.memory_space<hbm>>) dst(%dma_wait3A_2740 : memref<50x32xf32, #tpu.memory_space<vmem>>)
      %dma_wait3A_2747 = arith.constant 28 : i32
      %dma_wait3A_2748 = arith.constant 28 : i32
      %dma_wait3A_2749 = arith.constant 0 : i32
      %dma_wait3A_2750 = arith.constant 0 : i32
      %dma_wait3A_2751 = tpu.memref_slice %arg8[%dma_wait3A_2748, %dma_wait3A_2749, %dma_wait3A_2750] : memref<32x50x32xf32, #tpu.memory_space<vmem>> -> memref<1x50x32xf32, #tpu.memory_space<vmem>>
      %dma_wait3A_2752 = tpu.memref_squeeze %dma_wait3A_2751 : memref<1x50x32xf32, #tpu.memory_space<vmem>> -> memref<50x32xf32, #tpu.memory_space<vmem>>
      %dma_wait3A_2753 = arith.constant 0 : i32
      %dma_wait3A_2754 = tpu.memref_slice %arg6[%dma_wait3A_2747, %dma_wait3A_2753] : memref<32x50xi32, #tpu.memory_space<vmem>> -> memref<1x50xi32, #tpu.memory_space<vmem>>
      %dma_wait3A_2755 = tpu.memref_squeeze %dma_wait3A_2754 : memref<1x50xi32, #tpu.memory_space<vmem>> -> memref<50xi32, #tpu.memory_space<vmem>>
      %dma_wait3A_2756 = arith.constant 0 : i32
      %dma_wait3A_2757 = arith.constant 0 : i32
      %dma_wait3A_2758 = tpu.memref_slice %arg3[%dma_wait3A_2756, %dma_wait3A_2757] : memref<1000000x32xf32, #tpu.memory_space<hbm>> -> memref<1000000x32xf32, #tpu.memory_space<hbm>>
      tpu.wait_indirect_dma semaphore(%arg12 : memref<!tpu.dma_semaphore, #tpu.memory_space<semaphore_mem>>) src(%dma_wait3A_2758 : memref<1000000x32xf32, #tpu.memory_space<hbm>>) dst(%dma_wait3A_2752 : memref<50x32xf32, #tpu.memory_space<vmem>>)
      %dma_wait3A_2759 = arith.constant 29 : i32
      %dma_wait3A_2760 = arith.constant 29 : i32
      %dma_wait3A_2761 = arith.constant 0 : i32
      %dma_wait3A_2762 = arith.constant 0 : i32
      %dma_wait3A_2763 = tpu.memref_slice %arg8[%dma_wait3A_2760, %dma_wait3A_2761, %dma_wait3A_2762] : memref<32x50x32xf32, #tpu.memory_space<vmem>> -> memref<1x50x32xf32, #tpu.memory_space<vmem>>
      %dma_wait3A_2764 = tpu.memref_squeeze %dma_wait3A_2763 : memref<1x50x32xf32, #tpu.memory_space<vmem>> -> memref<50x32xf32, #tpu.memory_space<vmem>>
      %dma_wait3A_2765 = arith.constant 0 : i32
      %dma_wait3A_2766 = tpu.memref_slice %arg6[%dma_wait3A_2759, %dma_wait3A_2765] : memref<32x50xi32, #tpu.memory_space<vmem>> -> memref<1x50xi32, #tpu.memory_space<vmem>>
      %dma_wait3A_2767 = tpu.memref_squeeze %dma_wait3A_2766 : memref<1x50xi32, #tpu.memory_space<vmem>> -> memref<50xi32, #tpu.memory_space<vmem>>
      %dma_wait3A_2768 = arith.constant 0 : i32
      %dma_wait3A_2769 = arith.constant 0 : i32
      %dma_wait3A_2770 = tpu.memref_slice %arg3[%dma_wait3A_2768, %dma_wait3A_2769] : memref<1000000x32xf32, #tpu.memory_space<hbm>> -> memref<1000000x32xf32, #tpu.memory_space<hbm>>
      tpu.wait_indirect_dma semaphore(%arg12 : memref<!tpu.dma_semaphore, #tpu.memory_space<semaphore_mem>>) src(%dma_wait3A_2770 : memref<1000000x32xf32, #tpu.memory_space<hbm>>) dst(%dma_wait3A_2764 : memref<50x32xf32, #tpu.memory_space<vmem>>)
      %dma_wait3A_2771 = arith.constant 30 : i32
      %dma_wait3A_2772 = arith.constant 30 : i32
      %dma_wait3A_2773 = arith.constant 0 : i32
      %dma_wait3A_2774 = arith.constant 0 : i32
      %dma_wait3A_2775 = tpu.memref_slice %arg8[%dma_wait3A_2772, %dma_wait3A_2773, %dma_wait3A_2774] : memref<32x50x32xf32, #tpu.memory_space<vmem>> -> memref<1x50x32xf32, #tpu.memory_space<vmem>>
      %dma_wait3A_2776 = tpu.memref_squeeze %dma_wait3A_2775 : memref<1x50x32xf32, #tpu.memory_space<vmem>> -> memref<50x32xf32, #tpu.memory_space<vmem>>
      %dma_wait3A_2777 = arith.constant 0 : i32
      %dma_wait3A_2778 = tpu.memref_slice %arg6[%dma_wait3A_2771, %dma_wait3A_2777] : memref<32x50xi32, #tpu.memory_space<vmem>> -> memref<1x50xi32, #tpu.memory_space<vmem>>
      %dma_wait3A_2779 = tpu.memref_squeeze %dma_wait3A_2778 : memref<1x50xi32, #tpu.memory_space<vmem>> -> memref<50xi32, #tpu.memory_space<vmem>>
      %dma_wait3A_2780 = arith.constant 0 : i32
      %dma_wait3A_2781 = arith.constant 0 : i32
      %dma_wait3A_2782 = tpu.memref_slice %arg3[%dma_wait3A_2780, %dma_wait3A_2781] : memref<1000000x32xf32, #tpu.memory_space<hbm>> -> memref<1000000x32xf32, #tpu.memory_space<hbm>>
      tpu.wait_indirect_dma semaphore(%arg12 : memref<!tpu.dma_semaphore, #tpu.memory_space<semaphore_mem>>) src(%dma_wait3A_2782 : memref<1000000x32xf32, #tpu.memory_space<hbm>>) dst(%dma_wait3A_2776 : memref<50x32xf32, #tpu.memory_space<vmem>>)
      %dma_wait3A_2783 = arith.constant 31 : i32
      %dma_wait3A_2784 = arith.constant 31 : i32
      %dma_wait3A_2785 = arith.constant 0 : i32
      %dma_wait3A_2786 = arith.constant 0 : i32
      %dma_wait3A_2787 = tpu.memref_slice %arg8[%dma_wait3A_2784, %dma_wait3A_2785, %dma_wait3A_2786] : memref<32x50x32xf32, #tpu.memory_space<vmem>> -> memref<1x50x32xf32, #tpu.memory_space<vmem>>
      %dma_wait3A_2788 = tpu.memref_squeeze %dma_wait3A_2787 : memref<1x50x32xf32, #tpu.memory_space<vmem>> -> memref<50x32xf32, #tpu.memory_space<vmem>>
      %dma_wait3A_2789 = arith.constant 0 : i32
      %dma_wait3A_2790 = tpu.memref_slice %arg6[%dma_wait3A_2783, %dma_wait3A_2789] : memref<32x50xi32, #tpu.memory_space<vmem>> -> memref<1x50xi32, #tpu.memory_space<vmem>>
      %dma_wait3A_2791 = tpu.memref_squeeze %dma_wait3A_2790 : memref<1x50xi32, #tpu.memory_space<vmem>> -> memref<50xi32, #tpu.memory_space<vmem>>
      %dma_wait3A_2792 = arith.constant 0 : i32
      %dma_wait3A_2793 = arith.constant 0 : i32
      %dma_wait3A_2794 = tpu.memref_slice %arg3[%dma_wait3A_2792, %dma_wait3A_2793] : memref<1000000x32xf32, #tpu.memory_space<hbm>> -> memref<1000000x32xf32, #tpu.memory_space<hbm>>
      tpu.wait_indirect_dma semaphore(%arg12 : memref<!tpu.dma_semaphore, #tpu.memory_space<semaphore_mem>>) src(%dma_wait3A_2794 : memref<1000000x32xf32, #tpu.memory_space<hbm>>) dst(%dma_wait3A_2788 : memref<50x32xf32, #tpu.memory_space<vmem>>)
      %mul3A_2795 = arith.constant 32 : i32
      %mul3A_2796 = arith.muli %add3A_2410, %mul3A_2795 : i32
      %add3A_2797 = arith.addi %mul3A_2, %mul3A_2796 : i32
      %dma_start3A_2798 = arith.constant 0 : i32
      %dma_start3A_2799 = arith.constant 0 : i32
      %dma_start3A_2800 = tpu.memref_slice %arg4[%add3A_2797, %dma_start3A_2798, %dma_start3A_2799] : memref<16384x50x32xf32, #tpu.memory_space<hbm>> -> memref<32x50x32xf32, #tpu.memory_space<hbm>>
      %dma_start3A_2801 = arith.constant 0 : i32
      %dma_start3A_2802 = arith.constant 0 : i32
      %dma_start3A_2803 = tpu.memref_slice %arg4[%add3A_2797, %dma_start3A_2801, %dma_start3A_2802] : memref<16384x50x32xf32, #tpu.memory_space<hbm>> -> memref<32x50x32xf32, #tpu.memory_space<hbm>>
      tpu.enqueue_dma source(%arg8 : memref<32x50x32xf32, #tpu.memory_space<vmem>>) target(%dma_start3A_2803 : memref<32x50x32xf32, #tpu.memory_space<hbm>>) target_semaphore(%arg14 : memref<!tpu.dma_semaphore, #tpu.memory_space<semaphore_mem>>)
      %add3A_2804 = arith.constant 2 : i32
      %add3A_2805 = arith.addi %add3A_2410, %add3A_2804 : i32
      %mul3A_2806 = arith.constant 32 : i32
      %mul3A_2807 = arith.muli %add3A_2805, %mul3A_2806 : i32
      %add3A_2808 = arith.addi %mul3A_2, %mul3A_2807 : i32
      %dma_start3A_2809 = arith.constant 0 : i32
      %dma_start3A_2810 = tpu.memref_slice %arg2[%add3A_2808, %dma_start3A_2809] : memref<16384x50xi32, #tpu.memory_space<hbm>> -> memref<32x50xi32, #tpu.memory_space<hbm>>
      %dma_start3A_2811 = arith.constant 0 : i32
      %dma_start3A_2812 = tpu.memref_slice %arg2[%add3A_2808, %dma_start3A_2811] : memref<16384x50xi32, #tpu.memory_space<hbm>> -> memref<32x50xi32, #tpu.memory_space<hbm>>
      tpu.enqueue_dma source(%dma_start3A_2812 : memref<32x50xi32, #tpu.memory_space<hbm>>) target(%arg6 : memref<32x50xi32, #tpu.memory_space<vmem>>) target_semaphore(%arg10 : memref<!tpu.dma_semaphore, #tpu.memory_space<semaphore_mem>>)
      %add3A_2813 = arith.constant 2 : i32
      %add3A_2814 = arith.addi %add3A_2410, %add3A_2813 : i32
      %mul3A_2815 = arith.constant 32 : i32
      %mul3A_2816 = arith.muli %add3A_2814, %mul3A_2815 : i32
      %add3A_2817 = arith.addi %mul3A_2, %mul3A_2816 : i32
      %dma_wait3A_2818 = arith.constant 0 : i32
      %dma_wait3A_2819 = tpu.memref_slice %arg2[%add3A_2817, %dma_wait3A_2818] : memref<16384x50xi32, #tpu.memory_space<hbm>> -> memref<32x50xi32, #tpu.memory_space<hbm>>
      %dma_wait3A_2820 = arith.constant 0 : i32
      %dma_wait3A_2821 = tpu.memref_slice %arg2[%add3A_2817, %dma_wait3A_2820] : memref<16384x50xi32, #tpu.memory_space<hbm>> -> memref<32x50xi32, #tpu.memory_space<hbm>>
      tpu.wait_dma2 semaphore(%arg10 : memref<!tpu.dma_semaphore, #tpu.memory_space<semaphore_mem>>) src(%dma_wait3A_2821 : memref<32x50xi32, #tpu.memory_space<hbm>>) dst(%arg6 : memref<32x50xi32, #tpu.memory_space<vmem>>)
      %mul3A_2822 = arith.constant 32 : i32
      %mul3A_2823 = arith.muli %add3A_2410, %mul3A_2822 : i32
      %add3A_2824 = arith.addi %mul3A_2, %mul3A_2823 : i32
      %dma_wait3A_2825 = arith.constant 0 : i32
      %dma_wait3A_2826 = arith.constant 0 : i32
      %dma_wait3A_2827 = tpu.memref_slice %arg4[%add3A_2824, %dma_wait3A_2825, %dma_wait3A_2826] : memref<16384x50x32xf32, #tpu.memory_space<hbm>> -> memref<32x50x32xf32, #tpu.memory_space<hbm>>
      %dma_wait3A_2828 = arith.constant 0 : i32
      %dma_wait3A_2829 = arith.constant 0 : i32
      %dma_wait3A_2830 = tpu.memref_slice %arg4[%add3A_2824, %dma_wait3A_2828, %dma_wait3A_2829] : memref<16384x50x32xf32, #tpu.memory_space<hbm>> -> memref<32x50x32xf32, #tpu.memory_space<hbm>>
      tpu.wait_dma2 semaphore(%arg14 : memref<!tpu.dma_semaphore, #tpu.memory_space<semaphore_mem>>) src(%arg8 : memref<32x50x32xf32, #tpu.memory_space<vmem>>) dst(%dma_wait3A_2830 : memref<32x50x32xf32, #tpu.memory_space<hbm>>)
      %dma_start3A_2831 = arith.constant 0 : i32
      %dma_start3A_2832 = arith.constant 0 : i32
      %dma_start3A_2833 = arith.constant 0 : i32
      %dma_start3A_2834 = arith.constant 0 : i32
      %dma_start3A_2835 = tpu.memref_slice %arg8[%dma_start3A_2832, %dma_start3A_2833, %dma_start3A_2834] : memref<32x50x32xf32, #tpu.memory_space<vmem>> -> memref<1x50x32xf32, #tpu.memory_space<vmem>>
      %dma_start3A_2836 = tpu.memref_squeeze %dma_start3A_2835 : memref<1x50x32xf32, #tpu.memory_space<vmem>> -> memref<50x32xf32, #tpu.memory_space<vmem>>
      %dma_start3A_2837 = arith.constant 0 : i32
      %dma_start3A_2838 = tpu.memref_slice %arg6[%dma_start3A_2831, %dma_start3A_2837] : memref<32x50xi32, #tpu.memory_space<vmem>> -> memref<1x50xi32, #tpu.memory_space<vmem>>
      %dma_start3A_2839 = tpu.memref_squeeze %dma_start3A_2838 : memref<1x50xi32, #tpu.memory_space<vmem>> -> memref<50xi32, #tpu.memory_space<vmem>>
      %dma_start3A_2840 = arith.constant 0 : i32
      %dma_start3A_2841 = arith.constant 0 : i32
      %dma_start3A_2842 = tpu.memref_slice %arg3[%dma_start3A_2840, %dma_start3A_2841] : memref<1000000x32xf32, #tpu.memory_space<hbm>> -> memref<1000000x32xf32, #tpu.memory_space<hbm>>
      tpu.enqueue_indirect_dma source(%dma_start3A_2842 : memref<1000000x32xf32, #tpu.memory_space<hbm>>) target(%dma_start3A_2836 : memref<50x32xf32, #tpu.memory_space<vmem>>) offsets(%dma_start3A_2839 : memref<50xi32, #tpu.memory_space<vmem>>) semaphore(%arg12 : memref<!tpu.dma_semaphore, #tpu.memory_space<semaphore_mem>>)
      %dma_start3A_2843 = arith.constant 1 : i32
      %dma_start3A_2844 = arith.constant 1 : i32
      %dma_start3A_2845 = arith.constant 0 : i32
      %dma_start3A_2846 = arith.constant 0 : i32
      %dma_start3A_2847 = tpu.memref_slice %arg8[%dma_start3A_2844, %dma_start3A_2845, %dma_start3A_2846] : memref<32x50x32xf32, #tpu.memory_space<vmem>> -> memref<1x50x32xf32, #tpu.memory_space<vmem>>
      %dma_start3A_2848 = tpu.memref_squeeze %dma_start3A_2847 : memref<1x50x32xf32, #tpu.memory_space<vmem>> -> memref<50x32xf32, #tpu.memory_space<vmem>>
      %dma_start3A_2849 = arith.constant 0 : i32
      %dma_start3A_2850 = tpu.memref_slice %arg6[%dma_start3A_2843, %dma_start3A_2849] : memref<32x50xi32, #tpu.memory_space<vmem>> -> memref<1x50xi32, #tpu.memory_space<vmem>>
      %dma_start3A_2851 = tpu.memref_squeeze %dma_start3A_2850 : memref<1x50xi32, #tpu.memory_space<vmem>> -> memref<50xi32, #tpu.memory_space<vmem>>
      %dma_start3A_2852 = arith.constant 0 : i32
      %dma_start3A_2853 = arith.constant 0 : i32
      %dma_start3A_2854 = tpu.memref_slice %arg3[%dma_start3A_2852, %dma_start3A_2853] : memref<1000000x32xf32, #tpu.memory_space<hbm>> -> memref<1000000x32xf32, #tpu.memory_space<hbm>>
      tpu.enqueue_indirect_dma source(%dma_start3A_2854 : memref<1000000x32xf32, #tpu.memory_space<hbm>>) target(%dma_start3A_2848 : memref<50x32xf32, #tpu.memory_space<vmem>>) offsets(%dma_start3A_2851 : memref<50xi32, #tpu.memory_space<vmem>>) semaphore(%arg12 : memref<!tpu.dma_semaphore, #tpu.memory_space<semaphore_mem>>)
      %dma_start3A_2855 = arith.constant 2 : i32
      %dma_start3A_2856 = arith.constant 2 : i32
      %dma_start3A_2857 = arith.constant 0 : i32
      %dma_start3A_2858 = arith.constant 0 : i32
      %dma_start3A_2859 = tpu.memref_slice %arg8[%dma_start3A_2856, %dma_start3A_2857, %dma_start3A_2858] : memref<32x50x32xf32, #tpu.memory_space<vmem>> -> memref<1x50x32xf32, #tpu.memory_space<vmem>>
      %dma_start3A_2860 = tpu.memref_squeeze %dma_start3A_2859 : memref<1x50x32xf32, #tpu.memory_space<vmem>> -> memref<50x32xf32, #tpu.memory_space<vmem>>
      %dma_start3A_2861 = arith.constant 0 : i32
      %dma_start3A_2862 = tpu.memref_slice %arg6[%dma_start3A_2855, %dma_start3A_2861] : memref<32x50xi32, #tpu.memory_space<vmem>> -> memref<1x50xi32, #tpu.memory_space<vmem>>
      %dma_start3A_2863 = tpu.memref_squeeze %dma_start3A_2862 : memref<1x50xi32, #tpu.memory_space<vmem>> -> memref<50xi32, #tpu.memory_space<vmem>>
      %dma_start3A_2864 = arith.constant 0 : i32
      %dma_start3A_2865 = arith.constant 0 : i32
      %dma_start3A_2866 = tpu.memref_slice %arg3[%dma_start3A_2864, %dma_start3A_2865] : memref<1000000x32xf32, #tpu.memory_space<hbm>> -> memref<1000000x32xf32, #tpu.memory_space<hbm>>
      tpu.enqueue_indirect_dma source(%dma_start3A_2866 : memref<1000000x32xf32, #tpu.memory_space<hbm>>) target(%dma_start3A_2860 : memref<50x32xf32, #tpu.memory_space<vmem>>) offsets(%dma_start3A_2863 : memref<50xi32, #tpu.memory_space<vmem>>) semaphore(%arg12 : memref<!tpu.dma_semaphore, #tpu.memory_space<semaphore_mem>>)
      %dma_start3A_2867 = arith.constant 3 : i32
      %dma_start3A_2868 = arith.constant 3 : i32
      %dma_start3A_2869 = arith.constant 0 : i32
      %dma_start3A_2870 = arith.constant 0 : i32
      %dma_start3A_2871 = tpu.memref_slice %arg8[%dma_start3A_2868, %dma_start3A_2869, %dma_start3A_2870] : memref<32x50x32xf32, #tpu.memory_space<vmem>> -> memref<1x50x32xf32, #tpu.memory_space<vmem>>
      %dma_start3A_2872 = tpu.memref_squeeze %dma_start3A_2871 : memref<1x50x32xf32, #tpu.memory_space<vmem>> -> memref<50x32xf32, #tpu.memory_space<vmem>>
      %dma_start3A_2873 = arith.constant 0 : i32
      %dma_start3A_2874 = tpu.memref_slice %arg6[%dma_start3A_2867, %dma_start3A_2873] : memref<32x50xi32, #tpu.memory_space<vmem>> -> memref<1x50xi32, #tpu.memory_space<vmem>>
      %dma_start3A_2875 = tpu.memref_squeeze %dma_start3A_2874 : memref<1x50xi32, #tpu.memory_space<vmem>> -> memref<50xi32, #tpu.memory_space<vmem>>
      %dma_start3A_2876 = arith.constant 0 : i32
      %dma_start3A_2877 = arith.constant 0 : i32
      %dma_start3A_2878 = tpu.memref_slice %arg3[%dma_start3A_2876, %dma_start3A_2877] : memref<1000000x32xf32, #tpu.memory_space<hbm>> -> memref<1000000x32xf32, #tpu.memory_space<hbm>>
      tpu.enqueue_indirect_dma source(%dma_start3A_2878 : memref<1000000x32xf32, #tpu.memory_space<hbm>>) target(%dma_start3A_2872 : memref<50x32xf32, #tpu.memory_space<vmem>>) offsets(%dma_start3A_2875 : memref<50xi32, #tpu.memory_space<vmem>>) semaphore(%arg12 : memref<!tpu.dma_semaphore, #tpu.memory_space<semaphore_mem>>)
      %dma_start3A_2879 = arith.constant 4 : i32
      %dma_start3A_2880 = arith.constant 4 : i32
      %dma_start3A_2881 = arith.constant 0 : i32
      %dma_start3A_2882 = arith.constant 0 : i32
      %dma_start3A_2883 = tpu.memref_slice %arg8[%dma_start3A_2880, %dma_start3A_2881, %dma_start3A_2882] : memref<32x50x32xf32, #tpu.memory_space<vmem>> -> memref<1x50x32xf32, #tpu.memory_space<vmem>>
      %dma_start3A_2884 = tpu.memref_squeeze %dma_start3A_2883 : memref<1x50x32xf32, #tpu.memory_space<vmem>> -> memref<50x32xf32, #tpu.memory_space<vmem>>
      %dma_start3A_2885 = arith.constant 0 : i32
      %dma_start3A_2886 = tpu.memref_slice %arg6[%dma_start3A_2879, %dma_start3A_2885] : memref<32x50xi32, #tpu.memory_space<vmem>> -> memref<1x50xi32, #tpu.memory_space<vmem>>
      %dma_start3A_2887 = tpu.memref_squeeze %dma_start3A_2886 : memref<1x50xi32, #tpu.memory_space<vmem>> -> memref<50xi32, #tpu.memory_space<vmem>>
      %dma_start3A_2888 = arith.constant 0 : i32
      %dma_start3A_2889 = arith.constant 0 : i32
      %dma_start3A_2890 = tpu.memref_slice %arg3[%dma_start3A_2888, %dma_start3A_2889] : memref<1000000x32xf32, #tpu.memory_space<hbm>> -> memref<1000000x32xf32, #tpu.memory_space<hbm>>
      tpu.enqueue_indirect_dma source(%dma_start3A_2890 : memref<1000000x32xf32, #tpu.memory_space<hbm>>) target(%dma_start3A_2884 : memref<50x32xf32, #tpu.memory_space<vmem>>) offsets(%dma_start3A_2887 : memref<50xi32, #tpu.memory_space<vmem>>) semaphore(%arg12 : memref<!tpu.dma_semaphore, #tpu.memory_space<semaphore_mem>>)
      %dma_start3A_2891 = arith.constant 5 : i32
      %dma_start3A_2892 = arith.constant 5 : i32
      %dma_start3A_2893 = arith.constant 0 : i32
      %dma_start3A_2894 = arith.constant 0 : i32
      %dma_start3A_2895 = tpu.memref_slice %arg8[%dma_start3A_2892, %dma_start3A_2893, %dma_start3A_2894] : memref<32x50x32xf32, #tpu.memory_space<vmem>> -> memref<1x50x32xf32, #tpu.memory_space<vmem>>
      %dma_start3A_2896 = tpu.memref_squeeze %dma_start3A_2895 : memref<1x50x32xf32, #tpu.memory_space<vmem>> -> memref<50x32xf32, #tpu.memory_space<vmem>>
      %dma_start3A_2897 = arith.constant 0 : i32
      %dma_start3A_2898 = tpu.memref_slice %arg6[%dma_start3A_2891, %dma_start3A_2897] : memref<32x50xi32, #tpu.memory_space<vmem>> -> memref<1x50xi32, #tpu.memory_space<vmem>>
      %dma_start3A_2899 = tpu.memref_squeeze %dma_start3A_2898 : memref<1x50xi32, #tpu.memory_space<vmem>> -> memref<50xi32, #tpu.memory_space<vmem>>
      %dma_start3A_2900 = arith.constant 0 : i32
      %dma_start3A_2901 = arith.constant 0 : i32
      %dma_start3A_2902 = tpu.memref_slice %arg3[%dma_start3A_2900, %dma_start3A_2901] : memref<1000000x32xf32, #tpu.memory_space<hbm>> -> memref<1000000x32xf32, #tpu.memory_space<hbm>>
      tpu.enqueue_indirect_dma source(%dma_start3A_2902 : memref<1000000x32xf32, #tpu.memory_space<hbm>>) target(%dma_start3A_2896 : memref<50x32xf32, #tpu.memory_space<vmem>>) offsets(%dma_start3A_2899 : memref<50xi32, #tpu.memory_space<vmem>>) semaphore(%arg12 : memref<!tpu.dma_semaphore, #tpu.memory_space<semaphore_mem>>)
      %dma_start3A_2903 = arith.constant 6 : i32
      %dma_start3A_2904 = arith.constant 6 : i32
      %dma_start3A_2905 = arith.constant 0 : i32
      %dma_start3A_2906 = arith.constant 0 : i32
      %dma_start3A_2907 = tpu.memref_slice %arg8[%dma_start3A_2904, %dma_start3A_2905, %dma_start3A_2906] : memref<32x50x32xf32, #tpu.memory_space<vmem>> -> memref<1x50x32xf32, #tpu.memory_space<vmem>>
      %dma_start3A_2908 = tpu.memref_squeeze %dma_start3A_2907 : memref<1x50x32xf32, #tpu.memory_space<vmem>> -> memref<50x32xf32, #tpu.memory_space<vmem>>
      %dma_start3A_2909 = arith.constant 0 : i32
      %dma_start3A_2910 = tpu.memref_slice %arg6[%dma_start3A_2903, %dma_start3A_2909] : memref<32x50xi32, #tpu.memory_space<vmem>> -> memref<1x50xi32, #tpu.memory_space<vmem>>
      %dma_start3A_2911 = tpu.memref_squeeze %dma_start3A_2910 : memref<1x50xi32, #tpu.memory_space<vmem>> -> memref<50xi32, #tpu.memory_space<vmem>>
      %dma_start3A_2912 = arith.constant 0 : i32
      %dma_start3A_2913 = arith.constant 0 : i32
      %dma_start3A_2914 = tpu.memref_slice %arg3[%dma_start3A_2912, %dma_start3A_2913] : memref<1000000x32xf32, #tpu.memory_space<hbm>> -> memref<1000000x32xf32, #tpu.memory_space<hbm>>
      tpu.enqueue_indirect_dma source(%dma_start3A_2914 : memref<1000000x32xf32, #tpu.memory_space<hbm>>) target(%dma_start3A_2908 : memref<50x32xf32, #tpu.memory_space<vmem>>) offsets(%dma_start3A_2911 : memref<50xi32, #tpu.memory_space<vmem>>) semaphore(%arg12 : memref<!tpu.dma_semaphore, #tpu.memory_space<semaphore_mem>>)
      %dma_start3A_2915 = arith.constant 7 : i32
      %dma_start3A_2916 = arith.constant 7 : i32
      %dma_start3A_2917 = arith.constant 0 : i32
      %dma_start3A_2918 = arith.constant 0 : i32
      %dma_start3A_2919 = tpu.memref_slice %arg8[%dma_start3A_2916, %dma_start3A_2917, %dma_start3A_2918] : memref<32x50x32xf32, #tpu.memory_space<vmem>> -> memref<1x50x32xf32, #tpu.memory_space<vmem>>
      %dma_start3A_2920 = tpu.memref_squeeze %dma_start3A_2919 : memref<1x50x32xf32, #tpu.memory_space<vmem>> -> memref<50x32xf32, #tpu.memory_space<vmem>>
      %dma_start3A_2921 = arith.constant 0 : i32
      %dma_start3A_2922 = tpu.memref_slice %arg6[%dma_start3A_2915, %dma_start3A_2921] : memref<32x50xi32, #tpu.memory_space<vmem>> -> memref<1x50xi32, #tpu.memory_space<vmem>>
      %dma_start3A_2923 = tpu.memref_squeeze %dma_start3A_2922 : memref<1x50xi32, #tpu.memory_space<vmem>> -> memref<50xi32, #tpu.memory_space<vmem>>
      %dma_start3A_2924 = arith.constant 0 : i32
      %dma_start3A_2925 = arith.constant 0 : i32
      %dma_start3A_2926 = tpu.memref_slice %arg3[%dma_start3A_2924, %dma_start3A_2925] : memref<1000000x32xf32, #tpu.memory_space<hbm>> -> memref<1000000x32xf32, #tpu.memory_space<hbm>>
      tpu.enqueue_indirect_dma source(%dma_start3A_2926 : memref<1000000x32xf32, #tpu.memory_space<hbm>>) target(%dma_start3A_2920 : memref<50x32xf32, #tpu.memory_space<vmem>>) offsets(%dma_start3A_2923 : memref<50xi32, #tpu.memory_space<vmem>>) semaphore(%arg12 : memref<!tpu.dma_semaphore, #tpu.memory_space<semaphore_mem>>)
      %dma_start3A_2927 = arith.constant 8 : i32
      %dma_start3A_2928 = arith.constant 8 : i32
      %dma_start3A_2929 = arith.constant 0 : i32
      %dma_start3A_2930 = arith.constant 0 : i32
      %dma_start3A_2931 = tpu.memref_slice %arg8[%dma_start3A_2928, %dma_start3A_2929, %dma_start3A_2930] : memref<32x50x32xf32, #tpu.memory_space<vmem>> -> memref<1x50x32xf32, #tpu.memory_space<vmem>>
      %dma_start3A_2932 = tpu.memref_squeeze %dma_start3A_2931 : memref<1x50x32xf32, #tpu.memory_space<vmem>> -> memref<50x32xf32, #tpu.memory_space<vmem>>
      %dma_start3A_2933 = arith.constant 0 : i32
      %dma_start3A_2934 = tpu.memref_slice %arg6[%dma_start3A_2927, %dma_start3A_2933] : memref<32x50xi32, #tpu.memory_space<vmem>> -> memref<1x50xi32, #tpu.memory_space<vmem>>
      %dma_start3A_2935 = tpu.memref_squeeze %dma_start3A_2934 : memref<1x50xi32, #tpu.memory_space<vmem>> -> memref<50xi32, #tpu.memory_space<vmem>>
      %dma_start3A_2936 = arith.constant 0 : i32
      %dma_start3A_2937 = arith.constant 0 : i32
      %dma_start3A_2938 = tpu.memref_slice %arg3[%dma_start3A_2936, %dma_start3A_2937] : memref<1000000x32xf32, #tpu.memory_space<hbm>> -> memref<1000000x32xf32, #tpu.memory_space<hbm>>
      tpu.enqueue_indirect_dma source(%dma_start3A_2938 : memref<1000000x32xf32, #tpu.memory_space<hbm>>) target(%dma_start3A_2932 : memref<50x32xf32, #tpu.memory_space<vmem>>) offsets(%dma_start3A_2935 : memref<50xi32, #tpu.memory_space<vmem>>) semaphore(%arg12 : memref<!tpu.dma_semaphore, #tpu.memory_space<semaphore_mem>>)
      %dma_start3A_2939 = arith.constant 9 : i32
      %dma_start3A_2940 = arith.constant 9 : i32
      %dma_start3A_2941 = arith.constant 0 : i32
      %dma_start3A_2942 = arith.constant 0 : i32
      %dma_start3A_2943 = tpu.memref_slice %arg8[%dma_start3A_2940, %dma_start3A_2941, %dma_start3A_2942] : memref<32x50x32xf32, #tpu.memory_space<vmem>> -> memref<1x50x32xf32, #tpu.memory_space<vmem>>
      %dma_start3A_2944 = tpu.memref_squeeze %dma_start3A_2943 : memref<1x50x32xf32, #tpu.memory_space<vmem>> -> memref<50x32xf32, #tpu.memory_space<vmem>>
      %dma_start3A_2945 = arith.constant 0 : i32
      %dma_start3A_2946 = tpu.memref_slice %arg6[%dma_start3A_2939, %dma_start3A_2945] : memref<32x50xi32, #tpu.memory_space<vmem>> -> memref<1x50xi32, #tpu.memory_space<vmem>>
      %dma_start3A_2947 = tpu.memref_squeeze %dma_start3A_2946 : memref<1x50xi32, #tpu.memory_space<vmem>> -> memref<50xi32, #tpu.memory_space<vmem>>
      %dma_start3A_2948 = arith.constant 0 : i32
      %dma_start3A_2949 = arith.constant 0 : i32
      %dma_start3A_2950 = tpu.memref_slice %arg3[%dma_start3A_2948, %dma_start3A_2949] : memref<1000000x32xf32, #tpu.memory_space<hbm>> -> memref<1000000x32xf32, #tpu.memory_space<hbm>>
      tpu.enqueue_indirect_dma source(%dma_start3A_2950 : memref<1000000x32xf32, #tpu.memory_space<hbm>>) target(%dma_start3A_2944 : memref<50x32xf32, #tpu.memory_space<vmem>>) offsets(%dma_start3A_2947 : memref<50xi32, #tpu.memory_space<vmem>>) semaphore(%arg12 : memref<!tpu.dma_semaphore, #tpu.memory_space<semaphore_mem>>)
      %dma_start3A_2951 = arith.constant 10 : i32
      %dma_start3A_2952 = arith.constant 10 : i32
      %dma_start3A_2953 = arith.constant 0 : i32
      %dma_start3A_2954 = arith.constant 0 : i32
      %dma_start3A_2955 = tpu.memref_slice %arg8[%dma_start3A_2952, %dma_start3A_2953, %dma_start3A_2954] : memref<32x50x32xf32, #tpu.memory_space<vmem>> -> memref<1x50x32xf32, #tpu.memory_space<vmem>>
      %dma_start3A_2956 = tpu.memref_squeeze %dma_start3A_2955 : memref<1x50x32xf32, #tpu.memory_space<vmem>> -> memref<50x32xf32, #tpu.memory_space<vmem>>
      %dma_start3A_2957 = arith.constant 0 : i32
      %dma_start3A_2958 = tpu.memref_slice %arg6[%dma_start3A_2951, %dma_start3A_2957] : memref<32x50xi32, #tpu.memory_space<vmem>> -> memref<1x50xi32, #tpu.memory_space<vmem>>
      %dma_start3A_2959 = tpu.memref_squeeze %dma_start3A_2958 : memref<1x50xi32, #tpu.memory_space<vmem>> -> memref<50xi32, #tpu.memory_space<vmem>>
      %dma_start3A_2960 = arith.constant 0 : i32
      %dma_start3A_2961 = arith.constant 0 : i32
      %dma_start3A_2962 = tpu.memref_slice %arg3[%dma_start3A_2960, %dma_start3A_2961] : memref<1000000x32xf32, #tpu.memory_space<hbm>> -> memref<1000000x32xf32, #tpu.memory_space<hbm>>
      tpu.enqueue_indirect_dma source(%dma_start3A_2962 : memref<1000000x32xf32, #tpu.memory_space<hbm>>) target(%dma_start3A_2956 : memref<50x32xf32, #tpu.memory_space<vmem>>) offsets(%dma_start3A_2959 : memref<50xi32, #tpu.memory_space<vmem>>) semaphore(%arg12 : memref<!tpu.dma_semaphore, #tpu.memory_space<semaphore_mem>>)
      %dma_start3A_2963 = arith.constant 11 : i32
      %dma_start3A_2964 = arith.constant 11 : i32
      %dma_start3A_2965 = arith.constant 0 : i32
      %dma_start3A_2966 = arith.constant 0 : i32
      %dma_start3A_2967 = tpu.memref_slice %arg8[%dma_start3A_2964, %dma_start3A_2965, %dma_start3A_2966] : memref<32x50x32xf32, #tpu.memory_space<vmem>> -> memref<1x50x32xf32, #tpu.memory_space<vmem>>
      %dma_start3A_2968 = tpu.memref_squeeze %dma_start3A_2967 : memref<1x50x32xf32, #tpu.memory_space<vmem>> -> memref<50x32xf32, #tpu.memory_space<vmem>>
      %dma_start3A_2969 = arith.constant 0 : i32
      %dma_start3A_2970 = tpu.memref_slice %arg6[%dma_start3A_2963, %dma_start3A_2969] : memref<32x50xi32, #tpu.memory_space<vmem>> -> memref<1x50xi32, #tpu.memory_space<vmem>>
      %dma_start3A_2971 = tpu.memref_squeeze %dma_start3A_2970 : memref<1x50xi32, #tpu.memory_space<vmem>> -> memref<50xi32, #tpu.memory_space<vmem>>
      %dma_start3A_2972 = arith.constant 0 : i32
      %dma_start3A_2973 = arith.constant 0 : i32
      %dma_start3A_2974 = tpu.memref_slice %arg3[%dma_start3A_2972, %dma_start3A_2973] : memref<1000000x32xf32, #tpu.memory_space<hbm>> -> memref<1000000x32xf32, #tpu.memory_space<hbm>>
      tpu.enqueue_indirect_dma source(%dma_start3A_2974 : memref<1000000x32xf32, #tpu.memory_space<hbm>>) target(%dma_start3A_2968 : memref<50x32xf32, #tpu.memory_space<vmem>>) offsets(%dma_start3A_2971 : memref<50xi32, #tpu.memory_space<vmem>>) semaphore(%arg12 : memref<!tpu.dma_semaphore, #tpu.memory_space<semaphore_mem>>)
      %dma_start3A_2975 = arith.constant 12 : i32
      %dma_start3A_2976 = arith.constant 12 : i32
      %dma_start3A_2977 = arith.constant 0 : i32
      %dma_start3A_2978 = arith.constant 0 : i32
      %dma_start3A_2979 = tpu.memref_slice %arg8[%dma_start3A_2976, %dma_start3A_2977, %dma_start3A_2978] : memref<32x50x32xf32, #tpu.memory_space<vmem>> -> memref<1x50x32xf32, #tpu.memory_space<vmem>>
      %dma_start3A_2980 = tpu.memref_squeeze %dma_start3A_2979 : memref<1x50x32xf32, #tpu.memory_space<vmem>> -> memref<50x32xf32, #tpu.memory_space<vmem>>
      %dma_start3A_2981 = arith.constant 0 : i32
      %dma_start3A_2982 = tpu.memref_slice %arg6[%dma_start3A_2975, %dma_start3A_2981] : memref<32x50xi32, #tpu.memory_space<vmem>> -> memref<1x50xi32, #tpu.memory_space<vmem>>
      %dma_start3A_2983 = tpu.memref_squeeze %dma_start3A_2982 : memref<1x50xi32, #tpu.memory_space<vmem>> -> memref<50xi32, #tpu.memory_space<vmem>>
      %dma_start3A_2984 = arith.constant 0 : i32
      %dma_start3A_2985 = arith.constant 0 : i32
      %dma_start3A_2986 = tpu.memref_slice %arg3[%dma_start3A_2984, %dma_start3A_2985] : memref<1000000x32xf32, #tpu.memory_space<hbm>> -> memref<1000000x32xf32, #tpu.memory_space<hbm>>
      tpu.enqueue_indirect_dma source(%dma_start3A_2986 : memref<1000000x32xf32, #tpu.memory_space<hbm>>) target(%dma_start3A_2980 : memref<50x32xf32, #tpu.memory_space<vmem>>) offsets(%dma_start3A_2983 : memref<50xi32, #tpu.memory_space<vmem>>) semaphore(%arg12 : memref<!tpu.dma_semaphore, #tpu.memory_space<semaphore_mem>>)
      %dma_start3A_2987 = arith.constant 13 : i32
      %dma_start3A_2988 = arith.constant 13 : i32
      %dma_start3A_2989 = arith.constant 0 : i32
      %dma_start3A_2990 = arith.constant 0 : i32
      %dma_start3A_2991 = tpu.memref_slice %arg8[%dma_start3A_2988, %dma_start3A_2989, %dma_start3A_2990] : memref<32x50x32xf32, #tpu.memory_space<vmem>> -> memref<1x50x32xf32, #tpu.memory_space<vmem>>
      %dma_start3A_2992 = tpu.memref_squeeze %dma_start3A_2991 : memref<1x50x32xf32, #tpu.memory_space<vmem>> -> memref<50x32xf32, #tpu.memory_space<vmem>>
      %dma_start3A_2993 = arith.constant 0 : i32
      %dma_start3A_2994 = tpu.memref_slice %arg6[%dma_start3A_2987, %dma_start3A_2993] : memref<32x50xi32, #tpu.memory_space<vmem>> -> memref<1x50xi32, #tpu.memory_space<vmem>>
      %dma_start3A_2995 = tpu.memref_squeeze %dma_start3A_2994 : memref<1x50xi32, #tpu.memory_space<vmem>> -> memref<50xi32, #tpu.memory_space<vmem>>
      %dma_start3A_2996 = arith.constant 0 : i32
      %dma_start3A_2997 = arith.constant 0 : i32
      %dma_start3A_2998 = tpu.memref_slice %arg3[%dma_start3A_2996, %dma_start3A_2997] : memref<1000000x32xf32, #tpu.memory_space<hbm>> -> memref<1000000x32xf32, #tpu.memory_space<hbm>>
      tpu.enqueue_indirect_dma source(%dma_start3A_2998 : memref<1000000x32xf32, #tpu.memory_space<hbm>>) target(%dma_start3A_2992 : memref<50x32xf32, #tpu.memory_space<vmem>>) offsets(%dma_start3A_2995 : memref<50xi32, #tpu.memory_space<vmem>>) semaphore(%arg12 : memref<!tpu.dma_semaphore, #tpu.memory_space<semaphore_mem>>)
      %dma_start3A_2999 = arith.constant 14 : i32
      %dma_start3A_3000 = arith.constant 14 : i32
      %dma_start3A_3001 = arith.constant 0 : i32
      %dma_start3A_3002 = arith.constant 0 : i32
      %dma_start3A_3003 = tpu.memref_slice %arg8[%dma_start3A_3000, %dma_start3A_3001, %dma_start3A_3002] : memref<32x50x32xf32, #tpu.memory_space<vmem>> -> memref<1x50x32xf32, #tpu.memory_space<vmem>>
      %dma_start3A_3004 = tpu.memref_squeeze %dma_start3A_3003 : memref<1x50x32xf32, #tpu.memory_space<vmem>> -> memref<50x32xf32, #tpu.memory_space<vmem>>
      %dma_start3A_3005 = arith.constant 0 : i32
      %dma_start3A_3006 = tpu.memref_slice %arg6[%dma_start3A_2999, %dma_start3A_3005] : memref<32x50xi32, #tpu.memory_space<vmem>> -> memref<1x50xi32, #tpu.memory_space<vmem>>
      %dma_start3A_3007 = tpu.memref_squeeze %dma_start3A_3006 : memref<1x50xi32, #tpu.memory_space<vmem>> -> memref<50xi32, #tpu.memory_space<vmem>>
      %dma_start3A_3008 = arith.constant 0 : i32
      %dma_start3A_3009 = arith.constant 0 : i32
      %dma_start3A_3010 = tpu.memref_slice %arg3[%dma_start3A_3008, %dma_start3A_3009] : memref<1000000x32xf32, #tpu.memory_space<hbm>> -> memref<1000000x32xf32, #tpu.memory_space<hbm>>
      tpu.enqueue_indirect_dma source(%dma_start3A_3010 : memref<1000000x32xf32, #tpu.memory_space<hbm>>) target(%dma_start3A_3004 : memref<50x32xf32, #tpu.memory_space<vmem>>) offsets(%dma_start3A_3007 : memref<50xi32, #tpu.memory_space<vmem>>) semaphore(%arg12 : memref<!tpu.dma_semaphore, #tpu.memory_space<semaphore_mem>>)
      %dma_start3A_3011 = arith.constant 15 : i32
      %dma_start3A_3012 = arith.constant 15 : i32
      %dma_start3A_3013 = arith.constant 0 : i32
      %dma_start3A_3014 = arith.constant 0 : i32
      %dma_start3A_3015 = tpu.memref_slice %arg8[%dma_start3A_3012, %dma_start3A_3013, %dma_start3A_3014] : memref<32x50x32xf32, #tpu.memory_space<vmem>> -> memref<1x50x32xf32, #tpu.memory_space<vmem>>
      %dma_start3A_3016 = tpu.memref_squeeze %dma_start3A_3015 : memref<1x50x32xf32, #tpu.memory_space<vmem>> -> memref<50x32xf32, #tpu.memory_space<vmem>>
      %dma_start3A_3017 = arith.constant 0 : i32
      %dma_start3A_3018 = tpu.memref_slice %arg6[%dma_start3A_3011, %dma_start3A_3017] : memref<32x50xi32, #tpu.memory_space<vmem>> -> memref<1x50xi32, #tpu.memory_space<vmem>>
      %dma_start3A_3019 = tpu.memref_squeeze %dma_start3A_3018 : memref<1x50xi32, #tpu.memory_space<vmem>> -> memref<50xi32, #tpu.memory_space<vmem>>
      %dma_start3A_3020 = arith.constant 0 : i32
      %dma_start3A_3021 = arith.constant 0 : i32
      %dma_start3A_3022 = tpu.memref_slice %arg3[%dma_start3A_3020, %dma_start3A_3021] : memref<1000000x32xf32, #tpu.memory_space<hbm>> -> memref<1000000x32xf32, #tpu.memory_space<hbm>>
      tpu.enqueue_indirect_dma source(%dma_start3A_3022 : memref<1000000x32xf32, #tpu.memory_space<hbm>>) target(%dma_start3A_3016 : memref<50x32xf32, #tpu.memory_space<vmem>>) offsets(%dma_start3A_3019 : memref<50xi32, #tpu.memory_space<vmem>>) semaphore(%arg12 : memref<!tpu.dma_semaphore, #tpu.memory_space<semaphore_mem>>)
      %dma_start3A_3023 = arith.constant 16 : i32
      %dma_start3A_3024 = arith.constant 16 : i32
      %dma_start3A_3025 = arith.constant 0 : i32
      %dma_start3A_3026 = arith.constant 0 : i32
      %dma_start3A_3027 = tpu.memref_slice %arg8[%dma_start3A_3024, %dma_start3A_3025, %dma_start3A_3026] : memref<32x50x32xf32, #tpu.memory_space<vmem>> -> memref<1x50x32xf32, #tpu.memory_space<vmem>>
      %dma_start3A_3028 = tpu.memref_squeeze %dma_start3A_3027 : memref<1x50x32xf32, #tpu.memory_space<vmem>> -> memref<50x32xf32, #tpu.memory_space<vmem>>
      %dma_start3A_3029 = arith.constant 0 : i32
      %dma_start3A_3030 = tpu.memref_slice %arg6[%dma_start3A_3023, %dma_start3A_3029] : memref<32x50xi32, #tpu.memory_space<vmem>> -> memref<1x50xi32, #tpu.memory_space<vmem>>
      %dma_start3A_3031 = tpu.memref_squeeze %dma_start3A_3030 : memref<1x50xi32, #tpu.memory_space<vmem>> -> memref<50xi32, #tpu.memory_space<vmem>>
      %dma_start3A_3032 = arith.constant 0 : i32
      %dma_start3A_3033 = arith.constant 0 : i32
      %dma_start3A_3034 = tpu.memref_slice %arg3[%dma_start3A_3032, %dma_start3A_3033] : memref<1000000x32xf32, #tpu.memory_space<hbm>> -> memref<1000000x32xf32, #tpu.memory_space<hbm>>
      tpu.enqueue_indirect_dma source(%dma_start3A_3034 : memref<1000000x32xf32, #tpu.memory_space<hbm>>) target(%dma_start3A_3028 : memref<50x32xf32, #tpu.memory_space<vmem>>) offsets(%dma_start3A_3031 : memref<50xi32, #tpu.memory_space<vmem>>) semaphore(%arg12 : memref<!tpu.dma_semaphore, #tpu.memory_space<semaphore_mem>>)
      %dma_start3A_3035 = arith.constant 17 : i32
      %dma_start3A_3036 = arith.constant 17 : i32
      %dma_start3A_3037 = arith.constant 0 : i32
      %dma_start3A_3038 = arith.constant 0 : i32
      %dma_start3A_3039 = tpu.memref_slice %arg8[%dma_start3A_3036, %dma_start3A_3037, %dma_start3A_3038] : memref<32x50x32xf32, #tpu.memory_space<vmem>> -> memref<1x50x32xf32, #tpu.memory_space<vmem>>
      %dma_start3A_3040 = tpu.memref_squeeze %dma_start3A_3039 : memref<1x50x32xf32, #tpu.memory_space<vmem>> -> memref<50x32xf32, #tpu.memory_space<vmem>>
      %dma_start3A_3041 = arith.constant 0 : i32
      %dma_start3A_3042 = tpu.memref_slice %arg6[%dma_start3A_3035, %dma_start3A_3041] : memref<32x50xi32, #tpu.memory_space<vmem>> -> memref<1x50xi32, #tpu.memory_space<vmem>>
      %dma_start3A_3043 = tpu.memref_squeeze %dma_start3A_3042 : memref<1x50xi32, #tpu.memory_space<vmem>> -> memref<50xi32, #tpu.memory_space<vmem>>
      %dma_start3A_3044 = arith.constant 0 : i32
      %dma_start3A_3045 = arith.constant 0 : i32
      %dma_start3A_3046 = tpu.memref_slice %arg3[%dma_start3A_3044, %dma_start3A_3045] : memref<1000000x32xf32, #tpu.memory_space<hbm>> -> memref<1000000x32xf32, #tpu.memory_space<hbm>>
      tpu.enqueue_indirect_dma source(%dma_start3A_3046 : memref<1000000x32xf32, #tpu.memory_space<hbm>>) target(%dma_start3A_3040 : memref<50x32xf32, #tpu.memory_space<vmem>>) offsets(%dma_start3A_3043 : memref<50xi32, #tpu.memory_space<vmem>>) semaphore(%arg12 : memref<!tpu.dma_semaphore, #tpu.memory_space<semaphore_mem>>)
      %dma_start3A_3047 = arith.constant 18 : i32
      %dma_start3A_3048 = arith.constant 18 : i32
      %dma_start3A_3049 = arith.constant 0 : i32
      %dma_start3A_3050 = arith.constant 0 : i32
      %dma_start3A_3051 = tpu.memref_slice %arg8[%dma_start3A_3048, %dma_start3A_3049, %dma_start3A_3050] : memref<32x50x32xf32, #tpu.memory_space<vmem>> -> memref<1x50x32xf32, #tpu.memory_space<vmem>>
      %dma_start3A_3052 = tpu.memref_squeeze %dma_start3A_3051 : memref<1x50x32xf32, #tpu.memory_space<vmem>> -> memref<50x32xf32, #tpu.memory_space<vmem>>
      %dma_start3A_3053 = arith.constant 0 : i32
      %dma_start3A_3054 = tpu.memref_slice %arg6[%dma_start3A_3047, %dma_start3A_3053] : memref<32x50xi32, #tpu.memory_space<vmem>> -> memref<1x50xi32, #tpu.memory_space<vmem>>
      %dma_start3A_3055 = tpu.memref_squeeze %dma_start3A_3054 : memref<1x50xi32, #tpu.memory_space<vmem>> -> memref<50xi32, #tpu.memory_space<vmem>>
      %dma_start3A_3056 = arith.constant 0 : i32
      %dma_start3A_3057 = arith.constant 0 : i32
      %dma_start3A_3058 = tpu.memref_slice %arg3[%dma_start3A_3056, %dma_start3A_3057] : memref<1000000x32xf32, #tpu.memory_space<hbm>> -> memref<1000000x32xf32, #tpu.memory_space<hbm>>
      tpu.enqueue_indirect_dma source(%dma_start3A_3058 : memref<1000000x32xf32, #tpu.memory_space<hbm>>) target(%dma_start3A_3052 : memref<50x32xf32, #tpu.memory_space<vmem>>) offsets(%dma_start3A_3055 : memref<50xi32, #tpu.memory_space<vmem>>) semaphore(%arg12 : memref<!tpu.dma_semaphore, #tpu.memory_space<semaphore_mem>>)
      %dma_start3A_3059 = arith.constant 19 : i32
      %dma_start3A_3060 = arith.constant 19 : i32
      %dma_start3A_3061 = arith.constant 0 : i32
      %dma_start3A_3062 = arith.constant 0 : i32
      %dma_start3A_3063 = tpu.memref_slice %arg8[%dma_start3A_3060, %dma_start3A_3061, %dma_start3A_3062] : memref<32x50x32xf32, #tpu.memory_space<vmem>> -> memref<1x50x32xf32, #tpu.memory_space<vmem>>
      %dma_start3A_3064 = tpu.memref_squeeze %dma_start3A_3063 : memref<1x50x32xf32, #tpu.memory_space<vmem>> -> memref<50x32xf32, #tpu.memory_space<vmem>>
      %dma_start3A_3065 = arith.constant 0 : i32
      %dma_start3A_3066 = tpu.memref_slice %arg6[%dma_start3A_3059, %dma_start3A_3065] : memref<32x50xi32, #tpu.memory_space<vmem>> -> memref<1x50xi32, #tpu.memory_space<vmem>>
      %dma_start3A_3067 = tpu.memref_squeeze %dma_start3A_3066 : memref<1x50xi32, #tpu.memory_space<vmem>> -> memref<50xi32, #tpu.memory_space<vmem>>
      %dma_start3A_3068 = arith.constant 0 : i32
      %dma_start3A_3069 = arith.constant 0 : i32
      %dma_start3A_3070 = tpu.memref_slice %arg3[%dma_start3A_3068, %dma_start3A_3069] : memref<1000000x32xf32, #tpu.memory_space<hbm>> -> memref<1000000x32xf32, #tpu.memory_space<hbm>>
      tpu.enqueue_indirect_dma source(%dma_start3A_3070 : memref<1000000x32xf32, #tpu.memory_space<hbm>>) target(%dma_start3A_3064 : memref<50x32xf32, #tpu.memory_space<vmem>>) offsets(%dma_start3A_3067 : memref<50xi32, #tpu.memory_space<vmem>>) semaphore(%arg12 : memref<!tpu.dma_semaphore, #tpu.memory_space<semaphore_mem>>)
      %dma_start3A_3071 = arith.constant 20 : i32
      %dma_start3A_3072 = arith.constant 20 : i32
      %dma_start3A_3073 = arith.constant 0 : i32
      %dma_start3A_3074 = arith.constant 0 : i32
      %dma_start3A_3075 = tpu.memref_slice %arg8[%dma_start3A_3072, %dma_start3A_3073, %dma_start3A_3074] : memref<32x50x32xf32, #tpu.memory_space<vmem>> -> memref<1x50x32xf32, #tpu.memory_space<vmem>>
      %dma_start3A_3076 = tpu.memref_squeeze %dma_start3A_3075 : memref<1x50x32xf32, #tpu.memory_space<vmem>> -> memref<50x32xf32, #tpu.memory_space<vmem>>
      %dma_start3A_3077 = arith.constant 0 : i32
      %dma_start3A_3078 = tpu.memref_slice %arg6[%dma_start3A_3071, %dma_start3A_3077] : memref<32x50xi32, #tpu.memory_space<vmem>> -> memref<1x50xi32, #tpu.memory_space<vmem>>
      %dma_start3A_3079 = tpu.memref_squeeze %dma_start3A_3078 : memref<1x50xi32, #tpu.memory_space<vmem>> -> memref<50xi32, #tpu.memory_space<vmem>>
      %dma_start3A_3080 = arith.constant 0 : i32
      %dma_start3A_3081 = arith.constant 0 : i32
      %dma_start3A_3082 = tpu.memref_slice %arg3[%dma_start3A_3080, %dma_start3A_3081] : memref<1000000x32xf32, #tpu.memory_space<hbm>> -> memref<1000000x32xf32, #tpu.memory_space<hbm>>
      tpu.enqueue_indirect_dma source(%dma_start3A_3082 : memref<1000000x32xf32, #tpu.memory_space<hbm>>) target(%dma_start3A_3076 : memref<50x32xf32, #tpu.memory_space<vmem>>) offsets(%dma_start3A_3079 : memref<50xi32, #tpu.memory_space<vmem>>) semaphore(%arg12 : memref<!tpu.dma_semaphore, #tpu.memory_space<semaphore_mem>>)
      %dma_start3A_3083 = arith.constant 21 : i32
      %dma_start3A_3084 = arith.constant 21 : i32
      %dma_start3A_3085 = arith.constant 0 : i32
      %dma_start3A_3086 = arith.constant 0 : i32
      %dma_start3A_3087 = tpu.memref_slice %arg8[%dma_start3A_3084, %dma_start3A_3085, %dma_start3A_3086] : memref<32x50x32xf32, #tpu.memory_space<vmem>> -> memref<1x50x32xf32, #tpu.memory_space<vmem>>
      %dma_start3A_3088 = tpu.memref_squeeze %dma_start3A_3087 : memref<1x50x32xf32, #tpu.memory_space<vmem>> -> memref<50x32xf32, #tpu.memory_space<vmem>>
      %dma_start3A_3089 = arith.constant 0 : i32
      %dma_start3A_3090 = tpu.memref_slice %arg6[%dma_start3A_3083, %dma_start3A_3089] : memref<32x50xi32, #tpu.memory_space<vmem>> -> memref<1x50xi32, #tpu.memory_space<vmem>>
      %dma_start3A_3091 = tpu.memref_squeeze %dma_start3A_3090 : memref<1x50xi32, #tpu.memory_space<vmem>> -> memref<50xi32, #tpu.memory_space<vmem>>
      %dma_start3A_3092 = arith.constant 0 : i32
      %dma_start3A_3093 = arith.constant 0 : i32
      %dma_start3A_3094 = tpu.memref_slice %arg3[%dma_start3A_3092, %dma_start3A_3093] : memref<1000000x32xf32, #tpu.memory_space<hbm>> -> memref<1000000x32xf32, #tpu.memory_space<hbm>>
      tpu.enqueue_indirect_dma source(%dma_start3A_3094 : memref<1000000x32xf32, #tpu.memory_space<hbm>>) target(%dma_start3A_3088 : memref<50x32xf32, #tpu.memory_space<vmem>>) offsets(%dma_start3A_3091 : memref<50xi32, #tpu.memory_space<vmem>>) semaphore(%arg12 : memref<!tpu.dma_semaphore, #tpu.memory_space<semaphore_mem>>)
      %dma_start3A_3095 = arith.constant 22 : i32
      %dma_start3A_3096 = arith.constant 22 : i32
      %dma_start3A_3097 = arith.constant 0 : i32
      %dma_start3A_3098 = arith.constant 0 : i32
      %dma_start3A_3099 = tpu.memref_slice %arg8[%dma_start3A_3096, %dma_start3A_3097, %dma_start3A_3098] : memref<32x50x32xf32, #tpu.memory_space<vmem>> -> memref<1x50x32xf32, #tpu.memory_space<vmem>>
      %dma_start3A_3100 = tpu.memref_squeeze %dma_start3A_3099 : memref<1x50x32xf32, #tpu.memory_space<vmem>> -> memref<50x32xf32, #tpu.memory_space<vmem>>
      %dma_start3A_3101 = arith.constant 0 : i32
      %dma_start3A_3102 = tpu.memref_slice %arg6[%dma_start3A_3095, %dma_start3A_3101] : memref<32x50xi32, #tpu.memory_space<vmem>> -> memref<1x50xi32, #tpu.memory_space<vmem>>
      %dma_start3A_3103 = tpu.memref_squeeze %dma_start3A_3102 : memref<1x50xi32, #tpu.memory_space<vmem>> -> memref<50xi32, #tpu.memory_space<vmem>>
      %dma_start3A_3104 = arith.constant 0 : i32
      %dma_start3A_3105 = arith.constant 0 : i32
      %dma_start3A_3106 = tpu.memref_slice %arg3[%dma_start3A_3104, %dma_start3A_3105] : memref<1000000x32xf32, #tpu.memory_space<hbm>> -> memref<1000000x32xf32, #tpu.memory_space<hbm>>
      tpu.enqueue_indirect_dma source(%dma_start3A_3106 : memref<1000000x32xf32, #tpu.memory_space<hbm>>) target(%dma_start3A_3100 : memref<50x32xf32, #tpu.memory_space<vmem>>) offsets(%dma_start3A_3103 : memref<50xi32, #tpu.memory_space<vmem>>) semaphore(%arg12 : memref<!tpu.dma_semaphore, #tpu.memory_space<semaphore_mem>>)
      %dma_start3A_3107 = arith.constant 23 : i32
      %dma_start3A_3108 = arith.constant 23 : i32
      %dma_start3A_3109 = arith.constant 0 : i32
      %dma_start3A_3110 = arith.constant 0 : i32
      %dma_start3A_3111 = tpu.memref_slice %arg8[%dma_start3A_3108, %dma_start3A_3109, %dma_start3A_3110] : memref<32x50x32xf32, #tpu.memory_space<vmem>> -> memref<1x50x32xf32, #tpu.memory_space<vmem>>
      %dma_start3A_3112 = tpu.memref_squeeze %dma_start3A_3111 : memref<1x50x32xf32, #tpu.memory_space<vmem>> -> memref<50x32xf32, #tpu.memory_space<vmem>>
      %dma_start3A_3113 = arith.constant 0 : i32
      %dma_start3A_3114 = tpu.memref_slice %arg6[%dma_start3A_3107, %dma_start3A_3113] : memref<32x50xi32, #tpu.memory_space<vmem>> -> memref<1x50xi32, #tpu.memory_space<vmem>>
      %dma_start3A_3115 = tpu.memref_squeeze %dma_start3A_3114 : memref<1x50xi32, #tpu.memory_space<vmem>> -> memref<50xi32, #tpu.memory_space<vmem>>
      %dma_start3A_3116 = arith.constant 0 : i32
      %dma_start3A_3117 = arith.constant 0 : i32
      %dma_start3A_3118 = tpu.memref_slice %arg3[%dma_start3A_3116, %dma_start3A_3117] : memref<1000000x32xf32, #tpu.memory_space<hbm>> -> memref<1000000x32xf32, #tpu.memory_space<hbm>>
      tpu.enqueue_indirect_dma source(%dma_start3A_3118 : memref<1000000x32xf32, #tpu.memory_space<hbm>>) target(%dma_start3A_3112 : memref<50x32xf32, #tpu.memory_space<vmem>>) offsets(%dma_start3A_3115 : memref<50xi32, #tpu.memory_space<vmem>>) semaphore(%arg12 : memref<!tpu.dma_semaphore, #tpu.memory_space<semaphore_mem>>)
      %dma_start3A_3119 = arith.constant 24 : i32
      %dma_start3A_3120 = arith.constant 24 : i32
      %dma_start3A_3121 = arith.constant 0 : i32
      %dma_start3A_3122 = arith.constant 0 : i32
      %dma_start3A_3123 = tpu.memref_slice %arg8[%dma_start3A_3120, %dma_start3A_3121, %dma_start3A_3122] : memref<32x50x32xf32, #tpu.memory_space<vmem>> -> memref<1x50x32xf32, #tpu.memory_space<vmem>>
      %dma_start3A_3124 = tpu.memref_squeeze %dma_start3A_3123 : memref<1x50x32xf32, #tpu.memory_space<vmem>> -> memref<50x32xf32, #tpu.memory_space<vmem>>
      %dma_start3A_3125 = arith.constant 0 : i32
      %dma_start3A_3126 = tpu.memref_slice %arg6[%dma_start3A_3119, %dma_start3A_3125] : memref<32x50xi32, #tpu.memory_space<vmem>> -> memref<1x50xi32, #tpu.memory_space<vmem>>
      %dma_start3A_3127 = tpu.memref_squeeze %dma_start3A_3126 : memref<1x50xi32, #tpu.memory_space<vmem>> -> memref<50xi32, #tpu.memory_space<vmem>>
      %dma_start3A_3128 = arith.constant 0 : i32
      %dma_start3A_3129 = arith.constant 0 : i32
      %dma_start3A_3130 = tpu.memref_slice %arg3[%dma_start3A_3128, %dma_start3A_3129] : memref<1000000x32xf32, #tpu.memory_space<hbm>> -> memref<1000000x32xf32, #tpu.memory_space<hbm>>
      tpu.enqueue_indirect_dma source(%dma_start3A_3130 : memref<1000000x32xf32, #tpu.memory_space<hbm>>) target(%dma_start3A_3124 : memref<50x32xf32, #tpu.memory_space<vmem>>) offsets(%dma_start3A_3127 : memref<50xi32, #tpu.memory_space<vmem>>) semaphore(%arg12 : memref<!tpu.dma_semaphore, #tpu.memory_space<semaphore_mem>>)
      %dma_start3A_3131 = arith.constant 25 : i32
      %dma_start3A_3132 = arith.constant 25 : i32
      %dma_start3A_3133 = arith.constant 0 : i32
      %dma_start3A_3134 = arith.constant 0 : i32
      %dma_start3A_3135 = tpu.memref_slice %arg8[%dma_start3A_3132, %dma_start3A_3133, %dma_start3A_3134] : memref<32x50x32xf32, #tpu.memory_space<vmem>> -> memref<1x50x32xf32, #tpu.memory_space<vmem>>
      %dma_start3A_3136 = tpu.memref_squeeze %dma_start3A_3135 : memref<1x50x32xf32, #tpu.memory_space<vmem>> -> memref<50x32xf32, #tpu.memory_space<vmem>>
      %dma_start3A_3137 = arith.constant 0 : i32
      %dma_start3A_3138 = tpu.memref_slice %arg6[%dma_start3A_3131, %dma_start3A_3137] : memref<32x50xi32, #tpu.memory_space<vmem>> -> memref<1x50xi32, #tpu.memory_space<vmem>>
      %dma_start3A_3139 = tpu.memref_squeeze %dma_start3A_3138 : memref<1x50xi32, #tpu.memory_space<vmem>> -> memref<50xi32, #tpu.memory_space<vmem>>
      %dma_start3A_3140 = arith.constant 0 : i32
      %dma_start3A_3141 = arith.constant 0 : i32
      %dma_start3A_3142 = tpu.memref_slice %arg3[%dma_start3A_3140, %dma_start3A_3141] : memref<1000000x32xf32, #tpu.memory_space<hbm>> -> memref<1000000x32xf32, #tpu.memory_space<hbm>>
      tpu.enqueue_indirect_dma source(%dma_start3A_3142 : memref<1000000x32xf32, #tpu.memory_space<hbm>>) target(%dma_start3A_3136 : memref<50x32xf32, #tpu.memory_space<vmem>>) offsets(%dma_start3A_3139 : memref<50xi32, #tpu.memory_space<vmem>>) semaphore(%arg12 : memref<!tpu.dma_semaphore, #tpu.memory_space<semaphore_mem>>)
      %dma_start3A_3143 = arith.constant 26 : i32
      %dma_start3A_3144 = arith.constant 26 : i32
      %dma_start3A_3145 = arith.constant 0 : i32
      %dma_start3A_3146 = arith.constant 0 : i32
      %dma_start3A_3147 = tpu.memref_slice %arg8[%dma_start3A_3144, %dma_start3A_3145, %dma_start3A_3146] : memref<32x50x32xf32, #tpu.memory_space<vmem>> -> memref<1x50x32xf32, #tpu.memory_space<vmem>>
      %dma_start3A_3148 = tpu.memref_squeeze %dma_start3A_3147 : memref<1x50x32xf32, #tpu.memory_space<vmem>> -> memref<50x32xf32, #tpu.memory_space<vmem>>
      %dma_start3A_3149 = arith.constant 0 : i32
      %dma_start3A_3150 = tpu.memref_slice %arg6[%dma_start3A_3143, %dma_start3A_3149] : memref<32x50xi32, #tpu.memory_space<vmem>> -> memref<1x50xi32, #tpu.memory_space<vmem>>
      %dma_start3A_3151 = tpu.memref_squeeze %dma_start3A_3150 : memref<1x50xi32, #tpu.memory_space<vmem>> -> memref<50xi32, #tpu.memory_space<vmem>>
      %dma_start3A_3152 = arith.constant 0 : i32
      %dma_start3A_3153 = arith.constant 0 : i32
      %dma_start3A_3154 = tpu.memref_slice %arg3[%dma_start3A_3152, %dma_start3A_3153] : memref<1000000x32xf32, #tpu.memory_space<hbm>> -> memref<1000000x32xf32, #tpu.memory_space<hbm>>
      tpu.enqueue_indirect_dma source(%dma_start3A_3154 : memref<1000000x32xf32, #tpu.memory_space<hbm>>) target(%dma_start3A_3148 : memref<50x32xf32, #tpu.memory_space<vmem>>) offsets(%dma_start3A_3151 : memref<50xi32, #tpu.memory_space<vmem>>) semaphore(%arg12 : memref<!tpu.dma_semaphore, #tpu.memory_space<semaphore_mem>>)
      %dma_start3A_3155 = arith.constant 27 : i32
      %dma_start3A_3156 = arith.constant 27 : i32
      %dma_start3A_3157 = arith.constant 0 : i32
      %dma_start3A_3158 = arith.constant 0 : i32
      %dma_start3A_3159 = tpu.memref_slice %arg8[%dma_start3A_3156, %dma_start3A_3157, %dma_start3A_3158] : memref<32x50x32xf32, #tpu.memory_space<vmem>> -> memref<1x50x32xf32, #tpu.memory_space<vmem>>
      %dma_start3A_3160 = tpu.memref_squeeze %dma_start3A_3159 : memref<1x50x32xf32, #tpu.memory_space<vmem>> -> memref<50x32xf32, #tpu.memory_space<vmem>>
      %dma_start3A_3161 = arith.constant 0 : i32
      %dma_start3A_3162 = tpu.memref_slice %arg6[%dma_start3A_3155, %dma_start3A_3161] : memref<32x50xi32, #tpu.memory_space<vmem>> -> memref<1x50xi32, #tpu.memory_space<vmem>>
      %dma_start3A_3163 = tpu.memref_squeeze %dma_start3A_3162 : memref<1x50xi32, #tpu.memory_space<vmem>> -> memref<50xi32, #tpu.memory_space<vmem>>
      %dma_start3A_3164 = arith.constant 0 : i32
      %dma_start3A_3165 = arith.constant 0 : i32
      %dma_start3A_3166 = tpu.memref_slice %arg3[%dma_start3A_3164, %dma_start3A_3165] : memref<1000000x32xf32, #tpu.memory_space<hbm>> -> memref<1000000x32xf32, #tpu.memory_space<hbm>>
      tpu.enqueue_indirect_dma source(%dma_start3A_3166 : memref<1000000x32xf32, #tpu.memory_space<hbm>>) target(%dma_start3A_3160 : memref<50x32xf32, #tpu.memory_space<vmem>>) offsets(%dma_start3A_3163 : memref<50xi32, #tpu.memory_space<vmem>>) semaphore(%arg12 : memref<!tpu.dma_semaphore, #tpu.memory_space<semaphore_mem>>)
      %dma_start3A_3167 = arith.constant 28 : i32
      %dma_start3A_3168 = arith.constant 28 : i32
      %dma_start3A_3169 = arith.constant 0 : i32
      %dma_start3A_3170 = arith.constant 0 : i32
      %dma_start3A_3171 = tpu.memref_slice %arg8[%dma_start3A_3168, %dma_start3A_3169, %dma_start3A_3170] : memref<32x50x32xf32, #tpu.memory_space<vmem>> -> memref<1x50x32xf32, #tpu.memory_space<vmem>>
      %dma_start3A_3172 = tpu.memref_squeeze %dma_start3A_3171 : memref<1x50x32xf32, #tpu.memory_space<vmem>> -> memref<50x32xf32, #tpu.memory_space<vmem>>
      %dma_start3A_3173 = arith.constant 0 : i32
      %dma_start3A_3174 = tpu.memref_slice %arg6[%dma_start3A_3167, %dma_start3A_3173] : memref<32x50xi32, #tpu.memory_space<vmem>> -> memref<1x50xi32, #tpu.memory_space<vmem>>
      %dma_start3A_3175 = tpu.memref_squeeze %dma_start3A_3174 : memref<1x50xi32, #tpu.memory_space<vmem>> -> memref<50xi32, #tpu.memory_space<vmem>>
      %dma_start3A_3176 = arith.constant 0 : i32
      %dma_start3A_3177 = arith.constant 0 : i32
      %dma_start3A_3178 = tpu.memref_slice %arg3[%dma_start3A_3176, %dma_start3A_3177] : memref<1000000x32xf32, #tpu.memory_space<hbm>> -> memref<1000000x32xf32, #tpu.memory_space<hbm>>
      tpu.enqueue_indirect_dma source(%dma_start3A_3178 : memref<1000000x32xf32, #tpu.memory_space<hbm>>) target(%dma_start3A_3172 : memref<50x32xf32, #tpu.memory_space<vmem>>) offsets(%dma_start3A_3175 : memref<50xi32, #tpu.memory_space<vmem>>) semaphore(%arg12 : memref<!tpu.dma_semaphore, #tpu.memory_space<semaphore_mem>>)
      %dma_start3A_3179 = arith.constant 29 : i32
      %dma_start3A_3180 = arith.constant 29 : i32
      %dma_start3A_3181 = arith.constant 0 : i32
      %dma_start3A_3182 = arith.constant 0 : i32
      %dma_start3A_3183 = tpu.memref_slice %arg8[%dma_start3A_3180, %dma_start3A_3181, %dma_start3A_3182] : memref<32x50x32xf32, #tpu.memory_space<vmem>> -> memref<1x50x32xf32, #tpu.memory_space<vmem>>
      %dma_start3A_3184 = tpu.memref_squeeze %dma_start3A_3183 : memref<1x50x32xf32, #tpu.memory_space<vmem>> -> memref<50x32xf32, #tpu.memory_space<vmem>>
      %dma_start3A_3185 = arith.constant 0 : i32
      %dma_start3A_3186 = tpu.memref_slice %arg6[%dma_start3A_3179, %dma_start3A_3185] : memref<32x50xi32, #tpu.memory_space<vmem>> -> memref<1x50xi32, #tpu.memory_space<vmem>>
      %dma_start3A_3187 = tpu.memref_squeeze %dma_start3A_3186 : memref<1x50xi32, #tpu.memory_space<vmem>> -> memref<50xi32, #tpu.memory_space<vmem>>
      %dma_start3A_3188 = arith.constant 0 : i32
      %dma_start3A_3189 = arith.constant 0 : i32
      %dma_start3A_3190 = tpu.memref_slice %arg3[%dma_start3A_3188, %dma_start3A_3189] : memref<1000000x32xf32, #tpu.memory_space<hbm>> -> memref<1000000x32xf32, #tpu.memory_space<hbm>>
      tpu.enqueue_indirect_dma source(%dma_start3A_3190 : memref<1000000x32xf32, #tpu.memory_space<hbm>>) target(%dma_start3A_3184 : memref<50x32xf32, #tpu.memory_space<vmem>>) offsets(%dma_start3A_3187 : memref<50xi32, #tpu.memory_space<vmem>>) semaphore(%arg12 : memref<!tpu.dma_semaphore, #tpu.memory_space<semaphore_mem>>)
      %dma_start3A_3191 = arith.constant 30 : i32
      %dma_start3A_3192 = arith.constant 30 : i32
      %dma_start3A_3193 = arith.constant 0 : i32
      %dma_start3A_3194 = arith.constant 0 : i32
      %dma_start3A_3195 = tpu.memref_slice %arg8[%dma_start3A_3192, %dma_start3A_3193, %dma_start3A_3194] : memref<32x50x32xf32, #tpu.memory_space<vmem>> -> memref<1x50x32xf32, #tpu.memory_space<vmem>>
      %dma_start3A_3196 = tpu.memref_squeeze %dma_start3A_3195 : memref<1x50x32xf32, #tpu.memory_space<vmem>> -> memref<50x32xf32, #tpu.memory_space<vmem>>
      %dma_start3A_3197 = arith.constant 0 : i32
      %dma_start3A_3198 = tpu.memref_slice %arg6[%dma_start3A_3191, %dma_start3A_3197] : memref<32x50xi32, #tpu.memory_space<vmem>> -> memref<1x50xi32, #tpu.memory_space<vmem>>
      %dma_start3A_3199 = tpu.memref_squeeze %dma_start3A_3198 : memref<1x50xi32, #tpu.memory_space<vmem>> -> memref<50xi32, #tpu.memory_space<vmem>>
      %dma_start3A_3200 = arith.constant 0 : i32
      %dma_start3A_3201 = arith.constant 0 : i32
      %dma_start3A_3202 = tpu.memref_slice %arg3[%dma_start3A_3200, %dma_start3A_3201] : memref<1000000x32xf32, #tpu.memory_space<hbm>> -> memref<1000000x32xf32, #tpu.memory_space<hbm>>
      tpu.enqueue_indirect_dma source(%dma_start3A_3202 : memref<1000000x32xf32, #tpu.memory_space<hbm>>) target(%dma_start3A_3196 : memref<50x32xf32, #tpu.memory_space<vmem>>) offsets(%dma_start3A_3199 : memref<50xi32, #tpu.memory_space<vmem>>) semaphore(%arg12 : memref<!tpu.dma_semaphore, #tpu.memory_space<semaphore_mem>>)
      %dma_start3A_3203 = arith.constant 31 : i32
      %dma_start3A_3204 = arith.constant 31 : i32
      %dma_start3A_3205 = arith.constant 0 : i32
      %dma_start3A_3206 = arith.constant 0 : i32
      %dma_start3A_3207 = tpu.memref_slice %arg8[%dma_start3A_3204, %dma_start3A_3205, %dma_start3A_3206] : memref<32x50x32xf32, #tpu.memory_space<vmem>> -> memref<1x50x32xf32, #tpu.memory_space<vmem>>
      %dma_start3A_3208 = tpu.memref_squeeze %dma_start3A_3207 : memref<1x50x32xf32, #tpu.memory_space<vmem>> -> memref<50x32xf32, #tpu.memory_space<vmem>>
      %dma_start3A_3209 = arith.constant 0 : i32
      %dma_start3A_3210 = tpu.memref_slice %arg6[%dma_start3A_3203, %dma_start3A_3209] : memref<32x50xi32, #tpu.memory_space<vmem>> -> memref<1x50xi32, #tpu.memory_space<vmem>>
      %dma_start3A_3211 = tpu.memref_squeeze %dma_start3A_3210 : memref<1x50xi32, #tpu.memory_space<vmem>> -> memref<50xi32, #tpu.memory_space<vmem>>
      %dma_start3A_3212 = arith.constant 0 : i32
      %dma_start3A_3213 = arith.constant 0 : i32
      %dma_start3A_3214 = tpu.memref_slice %arg3[%dma_start3A_3212, %dma_start3A_3213] : memref<1000000x32xf32, #tpu.memory_space<hbm>> -> memref<1000000x32xf32, #tpu.memory_space<hbm>>
      tpu.enqueue_indirect_dma source(%dma_start3A_3214 : memref<1000000x32xf32, #tpu.memory_space<hbm>>) target(%dma_start3A_3208 : memref<50x32xf32, #tpu.memory_space<vmem>>) offsets(%dma_start3A_3211 : memref<50xi32, #tpu.memory_space<vmem>>) semaphore(%arg12 : memref<!tpu.dma_semaphore, #tpu.memory_space<semaphore_mem>>)
    }
    %scan3A_797 = arith.constant 7 : i32
    %dma_wait3A_798 = arith.constant 0 : i32
    %dma_wait3A_799 = arith.constant 0 : i32
    %dma_wait3A_800 = arith.constant 0 : i32
    %dma_wait3A_801 = arith.constant 0 : i32
    %dma_wait3A_802 = tpu.memref_slice %arg7[%dma_wait3A_799, %dma_wait3A_800, %dma_wait3A_801] : memref<32x50x32xf32, #tpu.memory_space<vmem>> -> memref<1x50x32xf32, #tpu.memory_space<vmem>>
    %dma_wait3A_803 = tpu.memref_squeeze %dma_wait3A_802 : memref<1x50x32xf32, #tpu.memory_space<vmem>> -> memref<50x32xf32, #tpu.memory_space<vmem>>
    %dma_wait3A_804 = arith.constant 0 : i32
    %dma_wait3A_805 = tpu.memref_slice %arg5[%dma_wait3A_798, %dma_wait3A_804] : memref<32x50xi32, #tpu.memory_space<vmem>> -> memref<1x50xi32, #tpu.memory_space<vmem>>
    %dma_wait3A_806 = tpu.memref_squeeze %dma_wait3A_805 : memref<1x50xi32, #tpu.memory_space<vmem>> -> memref<50xi32, #tpu.memory_space<vmem>>
    %dma_wait3A_807 = arith.constant 0 : i32
    %dma_wait3A_808 = arith.constant 0 : i32
    %dma_wait3A_809 = tpu.memref_slice %arg3[%dma_wait3A_807, %dma_wait3A_808] : memref<1000000x32xf32, #tpu.memory_space<hbm>> -> memref<1000000x32xf32, #tpu.memory_space<hbm>>
    tpu.wait_indirect_dma semaphore(%arg11 : memref<!tpu.dma_semaphore, #tpu.memory_space<semaphore_mem>>) src(%dma_wait3A_809 : memref<1000000x32xf32, #tpu.memory_space<hbm>>) dst(%dma_wait3A_803 : memref<50x32xf32, #tpu.memory_space<vmem>>)
    %dma_wait3A_810 = arith.constant 1 : i32
    %dma_wait3A_811 = arith.constant 1 : i32
    %dma_wait3A_812 = arith.constant 0 : i32
    %dma_wait3A_813 = arith.constant 0 : i32
    %dma_wait3A_814 = tpu.memref_slice %arg7[%dma_wait3A_811, %dma_wait3A_812, %dma_wait3A_813] : memref<32x50x32xf32, #tpu.memory_space<vmem>> -> memref<1x50x32xf32, #tpu.memory_space<vmem>>
    %dma_wait3A_815 = tpu.memref_squeeze %dma_wait3A_814 : memref<1x50x32xf32, #tpu.memory_space<vmem>> -> memref<50x32xf32, #tpu.memory_space<vmem>>
    %dma_wait3A_816 = arith.constant 0 : i32
    %dma_wait3A_817 = tpu.memref_slice %arg5[%dma_wait3A_810, %dma_wait3A_816] : memref<32x50xi32, #tpu.memory_space<vmem>> -> memref<1x50xi32, #tpu.memory_space<vmem>>
    %dma_wait3A_818 = tpu.memref_squeeze %dma_wait3A_817 : memref<1x50xi32, #tpu.memory_space<vmem>> -> memref<50xi32, #tpu.memory_space<vmem>>
    %dma_wait3A_819 = arith.constant 0 : i32
    %dma_wait3A_820 = arith.constant 0 : i32
    %dma_wait3A_821 = tpu.memref_slice %arg3[%dma_wait3A_819, %dma_wait3A_820] : memref<1000000x32xf32, #tpu.memory_space<hbm>> -> memref<1000000x32xf32, #tpu.memory_space<hbm>>
    tpu.wait_indirect_dma semaphore(%arg11 : memref<!tpu.dma_semaphore, #tpu.memory_space<semaphore_mem>>) src(%dma_wait3A_821 : memref<1000000x32xf32, #tpu.memory_space<hbm>>) dst(%dma_wait3A_815 : memref<50x32xf32, #tpu.memory_space<vmem>>)
    %dma_wait3A_822 = arith.constant 2 : i32
    %dma_wait3A_823 = arith.constant 2 : i32
    %dma_wait3A_824 = arith.constant 0 : i32
    %dma_wait3A_825 = arith.constant 0 : i32
    %dma_wait3A_826 = tpu.memref_slice %arg7[%dma_wait3A_823, %dma_wait3A_824, %dma_wait3A_825] : memref<32x50x32xf32, #tpu.memory_space<vmem>> -> memref<1x50x32xf32, #tpu.memory_space<vmem>>
    %dma_wait3A_827 = tpu.memref_squeeze %dma_wait3A_826 : memref<1x50x32xf32, #tpu.memory_space<vmem>> -> memref<50x32xf32, #tpu.memory_space<vmem>>
    %dma_wait3A_828 = arith.constant 0 : i32
    %dma_wait3A_829 = tpu.memref_slice %arg5[%dma_wait3A_822, %dma_wait3A_828] : memref<32x50xi32, #tpu.memory_space<vmem>> -> memref<1x50xi32, #tpu.memory_space<vmem>>
    %dma_wait3A_830 = tpu.memref_squeeze %dma_wait3A_829 : memref<1x50xi32, #tpu.memory_space<vmem>> -> memref<50xi32, #tpu.memory_space<vmem>>
    %dma_wait3A_831 = arith.constant 0 : i32
    %dma_wait3A_832 = arith.constant 0 : i32
    %dma_wait3A_833 = tpu.memref_slice %arg3[%dma_wait3A_831, %dma_wait3A_832] : memref<1000000x32xf32, #tpu.memory_space<hbm>> -> memref<1000000x32xf32, #tpu.memory_space<hbm>>
    tpu.wait_indirect_dma semaphore(%arg11 : memref<!tpu.dma_semaphore, #tpu.memory_space<semaphore_mem>>) src(%dma_wait3A_833 : memref<1000000x32xf32, #tpu.memory_space<hbm>>) dst(%dma_wait3A_827 : memref<50x32xf32, #tpu.memory_space<vmem>>)
    %dma_wait3A_834 = arith.constant 3 : i32
    %dma_wait3A_835 = arith.constant 3 : i32
    %dma_wait3A_836 = arith.constant 0 : i32
    %dma_wait3A_837 = arith.constant 0 : i32
    %dma_wait3A_838 = tpu.memref_slice %arg7[%dma_wait3A_835, %dma_wait3A_836, %dma_wait3A_837] : memref<32x50x32xf32, #tpu.memory_space<vmem>> -> memref<1x50x32xf32, #tpu.memory_space<vmem>>
    %dma_wait3A_839 = tpu.memref_squeeze %dma_wait3A_838 : memref<1x50x32xf32, #tpu.memory_space<vmem>> -> memref<50x32xf32, #tpu.memory_space<vmem>>
    %dma_wait3A_840 = arith.constant 0 : i32
    %dma_wait3A_841 = tpu.memref_slice %arg5[%dma_wait3A_834, %dma_wait3A_840] : memref<32x50xi32, #tpu.memory_space<vmem>> -> memref<1x50xi32, #tpu.memory_space<vmem>>
    %dma_wait3A_842 = tpu.memref_squeeze %dma_wait3A_841 : memref<1x50xi32, #tpu.memory_space<vmem>> -> memref<50xi32, #tpu.memory_space<vmem>>
    %dma_wait3A_843 = arith.constant 0 : i32
    %dma_wait3A_844 = arith.constant 0 : i32
    %dma_wait3A_845 = tpu.memref_slice %arg3[%dma_wait3A_843, %dma_wait3A_844] : memref<1000000x32xf32, #tpu.memory_space<hbm>> -> memref<1000000x32xf32, #tpu.memory_space<hbm>>
    tpu.wait_indirect_dma semaphore(%arg11 : memref<!tpu.dma_semaphore, #tpu.memory_space<semaphore_mem>>) src(%dma_wait3A_845 : memref<1000000x32xf32, #tpu.memory_space<hbm>>) dst(%dma_wait3A_839 : memref<50x32xf32, #tpu.memory_space<vmem>>)
    %dma_wait3A_846 = arith.constant 4 : i32
    %dma_wait3A_847 = arith.constant 4 : i32
    %dma_wait3A_848 = arith.constant 0 : i32
    %dma_wait3A_849 = arith.constant 0 : i32
    %dma_wait3A_850 = tpu.memref_slice %arg7[%dma_wait3A_847, %dma_wait3A_848, %dma_wait3A_849] : memref<32x50x32xf32, #tpu.memory_space<vmem>> -> memref<1x50x32xf32, #tpu.memory_space<vmem>>
    %dma_wait3A_851 = tpu.memref_squeeze %dma_wait3A_850 : memref<1x50x32xf32, #tpu.memory_space<vmem>> -> memref<50x32xf32, #tpu.memory_space<vmem>>
    %dma_wait3A_852 = arith.constant 0 : i32
    %dma_wait3A_853 = tpu.memref_slice %arg5[%dma_wait3A_846, %dma_wait3A_852] : memref<32x50xi32, #tpu.memory_space<vmem>> -> memref<1x50xi32, #tpu.memory_space<vmem>>
    %dma_wait3A_854 = tpu.memref_squeeze %dma_wait3A_853 : memref<1x50xi32, #tpu.memory_space<vmem>> -> memref<50xi32, #tpu.memory_space<vmem>>
    %dma_wait3A_855 = arith.constant 0 : i32
    %dma_wait3A_856 = arith.constant 0 : i32
    %dma_wait3A_857 = tpu.memref_slice %arg3[%dma_wait3A_855, %dma_wait3A_856] : memref<1000000x32xf32, #tpu.memory_space<hbm>> -> memref<1000000x32xf32, #tpu.memory_space<hbm>>
    tpu.wait_indirect_dma semaphore(%arg11 : memref<!tpu.dma_semaphore, #tpu.memory_space<semaphore_mem>>) src(%dma_wait3A_857 : memref<1000000x32xf32, #tpu.memory_space<hbm>>) dst(%dma_wait3A_851 : memref<50x32xf32, #tpu.memory_space<vmem>>)
    %dma_wait3A_858 = arith.constant 5 : i32
    %dma_wait3A_859 = arith.constant 5 : i32
    %dma_wait3A_860 = arith.constant 0 : i32
    %dma_wait3A_861 = arith.constant 0 : i32
    %dma_wait3A_862 = tpu.memref_slice %arg7[%dma_wait3A_859, %dma_wait3A_860, %dma_wait3A_861] : memref<32x50x32xf32, #tpu.memory_space<vmem>> -> memref<1x50x32xf32, #tpu.memory_space<vmem>>
    %dma_wait3A_863 = tpu.memref_squeeze %dma_wait3A_862 : memref<1x50x32xf32, #tpu.memory_space<vmem>> -> memref<50x32xf32, #tpu.memory_space<vmem>>
    %dma_wait3A_864 = arith.constant 0 : i32
    %dma_wait3A_865 = tpu.memref_slice %arg5[%dma_wait3A_858, %dma_wait3A_864] : memref<32x50xi32, #tpu.memory_space<vmem>> -> memref<1x50xi32, #tpu.memory_space<vmem>>
    %dma_wait3A_866 = tpu.memref_squeeze %dma_wait3A_865 : memref<1x50xi32, #tpu.memory_space<vmem>> -> memref<50xi32, #tpu.memory_space<vmem>>
    %dma_wait3A_867 = arith.constant 0 : i32
    %dma_wait3A_868 = arith.constant 0 : i32
    %dma_wait3A_869 = tpu.memref_slice %arg3[%dma_wait3A_867, %dma_wait3A_868] : memref<1000000x32xf32, #tpu.memory_space<hbm>> -> memref<1000000x32xf32, #tpu.memory_space<hbm>>
    tpu.wait_indirect_dma semaphore(%arg11 : memref<!tpu.dma_semaphore, #tpu.memory_space<semaphore_mem>>) src(%dma_wait3A_869 : memref<1000000x32xf32, #tpu.memory_space<hbm>>) dst(%dma_wait3A_863 : memref<50x32xf32, #tpu.memory_space<vmem>>)
    %dma_wait3A_870 = arith.constant 6 : i32
    %dma_wait3A_871 = arith.constant 6 : i32
    %dma_wait3A_872 = arith.constant 0 : i32
    %dma_wait3A_873 = arith.constant 0 : i32
    %dma_wait3A_874 = tpu.memref_slice %arg7[%dma_wait3A_871, %dma_wait3A_872, %dma_wait3A_873] : memref<32x50x32xf32, #tpu.memory_space<vmem>> -> memref<1x50x32xf32, #tpu.memory_space<vmem>>
    %dma_wait3A_875 = tpu.memref_squeeze %dma_wait3A_874 : memref<1x50x32xf32, #tpu.memory_space<vmem>> -> memref<50x32xf32, #tpu.memory_space<vmem>>
    %dma_wait3A_876 = arith.constant 0 : i32
    %dma_wait3A_877 = tpu.memref_slice %arg5[%dma_wait3A_870, %dma_wait3A_876] : memref<32x50xi32, #tpu.memory_space<vmem>> -> memref<1x50xi32, #tpu.memory_space<vmem>>
    %dma_wait3A_878 = tpu.memref_squeeze %dma_wait3A_877 : memref<1x50xi32, #tpu.memory_space<vmem>> -> memref<50xi32, #tpu.memory_space<vmem>>
    %dma_wait3A_879 = arith.constant 0 : i32
    %dma_wait3A_880 = arith.constant 0 : i32
    %dma_wait3A_881 = tpu.memref_slice %arg3[%dma_wait3A_879, %dma_wait3A_880] : memref<1000000x32xf32, #tpu.memory_space<hbm>> -> memref<1000000x32xf32, #tpu.memory_space<hbm>>
    tpu.wait_indirect_dma semaphore(%arg11 : memref<!tpu.dma_semaphore, #tpu.memory_space<semaphore_mem>>) src(%dma_wait3A_881 : memref<1000000x32xf32, #tpu.memory_space<hbm>>) dst(%dma_wait3A_875 : memref<50x32xf32, #tpu.memory_space<vmem>>)
    %dma_wait3A_882 = arith.constant 7 : i32
    %dma_wait3A_883 = arith.constant 7 : i32
    %dma_wait3A_884 = arith.constant 0 : i32
    %dma_wait3A_885 = arith.constant 0 : i32
    %dma_wait3A_886 = tpu.memref_slice %arg7[%dma_wait3A_883, %dma_wait3A_884, %dma_wait3A_885] : memref<32x50x32xf32, #tpu.memory_space<vmem>> -> memref<1x50x32xf32, #tpu.memory_space<vmem>>
    %dma_wait3A_887 = tpu.memref_squeeze %dma_wait3A_886 : memref<1x50x32xf32, #tpu.memory_space<vmem>> -> memref<50x32xf32, #tpu.memory_space<vmem>>
    %dma_wait3A_888 = arith.constant 0 : i32
    %dma_wait3A_889 = tpu.memref_slice %arg5[%dma_wait3A_882, %dma_wait3A_888] : memref<32x50xi32, #tpu.memory_space<vmem>> -> memref<1x50xi32, #tpu.memory_space<vmem>>
    %dma_wait3A_890 = tpu.memref_squeeze %dma_wait3A_889 : memref<1x50xi32, #tpu.memory_space<vmem>> -> memref<50xi32, #tpu.memory_space<vmem>>
    %dma_wait3A_891 = arith.constant 0 : i32
    %dma_wait3A_892 = arith.constant 0 : i32
    %dma_wait3A_893 = tpu.memref_slice %arg3[%dma_wait3A_891, %dma_wait3A_892] : memref<1000000x32xf32, #tpu.memory_space<hbm>> -> memref<1000000x32xf32, #tpu.memory_space<hbm>>
    tpu.wait_indirect_dma semaphore(%arg11 : memref<!tpu.dma_semaphore, #tpu.memory_space<semaphore_mem>>) src(%dma_wait3A_893 : memref<1000000x32xf32, #tpu.memory_space<hbm>>) dst(%dma_wait3A_887 : memref<50x32xf32, #tpu.memory_space<vmem>>)
    %dma_wait3A_894 = arith.constant 8 : i32
    %dma_wait3A_895 = arith.constant 8 : i32
    %dma_wait3A_896 = arith.constant 0 : i32
    %dma_wait3A_897 = arith.constant 0 : i32
    %dma_wait3A_898 = tpu.memref_slice %arg7[%dma_wait3A_895, %dma_wait3A_896, %dma_wait3A_897] : memref<32x50x32xf32, #tpu.memory_space<vmem>> -> memref<1x50x32xf32, #tpu.memory_space<vmem>>
    %dma_wait3A_899 = tpu.memref_squeeze %dma_wait3A_898 : memref<1x50x32xf32, #tpu.memory_space<vmem>> -> memref<50x32xf32, #tpu.memory_space<vmem>>
    %dma_wait3A_900 = arith.constant 0 : i32
    %dma_wait3A_901 = tpu.memref_slice %arg5[%dma_wait3A_894, %dma_wait3A_900] : memref<32x50xi32, #tpu.memory_space<vmem>> -> memref<1x50xi32, #tpu.memory_space<vmem>>
    %dma_wait3A_902 = tpu.memref_squeeze %dma_wait3A_901 : memref<1x50xi32, #tpu.memory_space<vmem>> -> memref<50xi32, #tpu.memory_space<vmem>>
    %dma_wait3A_903 = arith.constant 0 : i32
    %dma_wait3A_904 = arith.constant 0 : i32
    %dma_wait3A_905 = tpu.memref_slice %arg3[%dma_wait3A_903, %dma_wait3A_904] : memref<1000000x32xf32, #tpu.memory_space<hbm>> -> memref<1000000x32xf32, #tpu.memory_space<hbm>>
    tpu.wait_indirect_dma semaphore(%arg11 : memref<!tpu.dma_semaphore, #tpu.memory_space<semaphore_mem>>) src(%dma_wait3A_905 : memref<1000000x32xf32, #tpu.memory_space<hbm>>) dst(%dma_wait3A_899 : memref<50x32xf32, #tpu.memory_space<vmem>>)
    %dma_wait3A_906 = arith.constant 9 : i32
    %dma_wait3A_907 = arith.constant 9 : i32
    %dma_wait3A_908 = arith.constant 0 : i32
    %dma_wait3A_909 = arith.constant 0 : i32
    %dma_wait3A_910 = tpu.memref_slice %arg7[%dma_wait3A_907, %dma_wait3A_908, %dma_wait3A_909] : memref<32x50x32xf32, #tpu.memory_space<vmem>> -> memref<1x50x32xf32, #tpu.memory_space<vmem>>
    %dma_wait3A_911 = tpu.memref_squeeze %dma_wait3A_910 : memref<1x50x32xf32, #tpu.memory_space<vmem>> -> memref<50x32xf32, #tpu.memory_space<vmem>>
    %dma_wait3A_912 = arith.constant 0 : i32
    %dma_wait3A_913 = tpu.memref_slice %arg5[%dma_wait3A_906, %dma_wait3A_912] : memref<32x50xi32, #tpu.memory_space<vmem>> -> memref<1x50xi32, #tpu.memory_space<vmem>>
    %dma_wait3A_914 = tpu.memref_squeeze %dma_wait3A_913 : memref<1x50xi32, #tpu.memory_space<vmem>> -> memref<50xi32, #tpu.memory_space<vmem>>
    %dma_wait3A_915 = arith.constant 0 : i32
    %dma_wait3A_916 = arith.constant 0 : i32
    %dma_wait3A_917 = tpu.memref_slice %arg3[%dma_wait3A_915, %dma_wait3A_916] : memref<1000000x32xf32, #tpu.memory_space<hbm>> -> memref<1000000x32xf32, #tpu.memory_space<hbm>>
    tpu.wait_indirect_dma semaphore(%arg11 : memref<!tpu.dma_semaphore, #tpu.memory_space<semaphore_mem>>) src(%dma_wait3A_917 : memref<1000000x32xf32, #tpu.memory_space<hbm>>) dst(%dma_wait3A_911 : memref<50x32xf32, #tpu.memory_space<vmem>>)
    %dma_wait3A_918 = arith.constant 10 : i32
    %dma_wait3A_919 = arith.constant 10 : i32
    %dma_wait3A_920 = arith.constant 0 : i32
    %dma_wait3A_921 = arith.constant 0 : i32
    %dma_wait3A_922 = tpu.memref_slice %arg7[%dma_wait3A_919, %dma_wait3A_920, %dma_wait3A_921] : memref<32x50x32xf32, #tpu.memory_space<vmem>> -> memref<1x50x32xf32, #tpu.memory_space<vmem>>
    %dma_wait3A_923 = tpu.memref_squeeze %dma_wait3A_922 : memref<1x50x32xf32, #tpu.memory_space<vmem>> -> memref<50x32xf32, #tpu.memory_space<vmem>>
    %dma_wait3A_924 = arith.constant 0 : i32
    %dma_wait3A_925 = tpu.memref_slice %arg5[%dma_wait3A_918, %dma_wait3A_924] : memref<32x50xi32, #tpu.memory_space<vmem>> -> memref<1x50xi32, #tpu.memory_space<vmem>>
    %dma_wait3A_926 = tpu.memref_squeeze %dma_wait3A_925 : memref<1x50xi32, #tpu.memory_space<vmem>> -> memref<50xi32, #tpu.memory_space<vmem>>
    %dma_wait3A_927 = arith.constant 0 : i32
    %dma_wait3A_928 = arith.constant 0 : i32
    %dma_wait3A_929 = tpu.memref_slice %arg3[%dma_wait3A_927, %dma_wait3A_928] : memref<1000000x32xf32, #tpu.memory_space<hbm>> -> memref<1000000x32xf32, #tpu.memory_space<hbm>>
    tpu.wait_indirect_dma semaphore(%arg11 : memref<!tpu.dma_semaphore, #tpu.memory_space<semaphore_mem>>) src(%dma_wait3A_929 : memref<1000000x32xf32, #tpu.memory_space<hbm>>) dst(%dma_wait3A_923 : memref<50x32xf32, #tpu.memory_space<vmem>>)
    %dma_wait3A_930 = arith.constant 11 : i32
    %dma_wait3A_931 = arith.constant 11 : i32
    %dma_wait3A_932 = arith.constant 0 : i32
    %dma_wait3A_933 = arith.constant 0 : i32
    %dma_wait3A_934 = tpu.memref_slice %arg7[%dma_wait3A_931, %dma_wait3A_932, %dma_wait3A_933] : memref<32x50x32xf32, #tpu.memory_space<vmem>> -> memref<1x50x32xf32, #tpu.memory_space<vmem>>
    %dma_wait3A_935 = tpu.memref_squeeze %dma_wait3A_934 : memref<1x50x32xf32, #tpu.memory_space<vmem>> -> memref<50x32xf32, #tpu.memory_space<vmem>>
    %dma_wait3A_936 = arith.constant 0 : i32
    %dma_wait3A_937 = tpu.memref_slice %arg5[%dma_wait3A_930, %dma_wait3A_936] : memref<32x50xi32, #tpu.memory_space<vmem>> -> memref<1x50xi32, #tpu.memory_space<vmem>>
    %dma_wait3A_938 = tpu.memref_squeeze %dma_wait3A_937 : memref<1x50xi32, #tpu.memory_space<vmem>> -> memref<50xi32, #tpu.memory_space<vmem>>
    %dma_wait3A_939 = arith.constant 0 : i32
    %dma_wait3A_940 = arith.constant 0 : i32
    %dma_wait3A_941 = tpu.memref_slice %arg3[%dma_wait3A_939, %dma_wait3A_940] : memref<1000000x32xf32, #tpu.memory_space<hbm>> -> memref<1000000x32xf32, #tpu.memory_space<hbm>>
    tpu.wait_indirect_dma semaphore(%arg11 : memref<!tpu.dma_semaphore, #tpu.memory_space<semaphore_mem>>) src(%dma_wait3A_941 : memref<1000000x32xf32, #tpu.memory_space<hbm>>) dst(%dma_wait3A_935 : memref<50x32xf32, #tpu.memory_space<vmem>>)
    %dma_wait3A_942 = arith.constant 12 : i32
    %dma_wait3A_943 = arith.constant 12 : i32
    %dma_wait3A_944 = arith.constant 0 : i32
    %dma_wait3A_945 = arith.constant 0 : i32
    %dma_wait3A_946 = tpu.memref_slice %arg7[%dma_wait3A_943, %dma_wait3A_944, %dma_wait3A_945] : memref<32x50x32xf32, #tpu.memory_space<vmem>> -> memref<1x50x32xf32, #tpu.memory_space<vmem>>
    %dma_wait3A_947 = tpu.memref_squeeze %dma_wait3A_946 : memref<1x50x32xf32, #tpu.memory_space<vmem>> -> memref<50x32xf32, #tpu.memory_space<vmem>>
    %dma_wait3A_948 = arith.constant 0 : i32
    %dma_wait3A_949 = tpu.memref_slice %arg5[%dma_wait3A_942, %dma_wait3A_948] : memref<32x50xi32, #tpu.memory_space<vmem>> -> memref<1x50xi32, #tpu.memory_space<vmem>>
    %dma_wait3A_950 = tpu.memref_squeeze %dma_wait3A_949 : memref<1x50xi32, #tpu.memory_space<vmem>> -> memref<50xi32, #tpu.memory_space<vmem>>
    %dma_wait3A_951 = arith.constant 0 : i32
    %dma_wait3A_952 = arith.constant 0 : i32
    %dma_wait3A_953 = tpu.memref_slice %arg3[%dma_wait3A_951, %dma_wait3A_952] : memref<1000000x32xf32, #tpu.memory_space<hbm>> -> memref<1000000x32xf32, #tpu.memory_space<hbm>>
    tpu.wait_indirect_dma semaphore(%arg11 : memref<!tpu.dma_semaphore, #tpu.memory_space<semaphore_mem>>) src(%dma_wait3A_953 : memref<1000000x32xf32, #tpu.memory_space<hbm>>) dst(%dma_wait3A_947 : memref<50x32xf32, #tpu.memory_space<vmem>>)
    %dma_wait3A_954 = arith.constant 13 : i32
    %dma_wait3A_955 = arith.constant 13 : i32
    %dma_wait3A_956 = arith.constant 0 : i32
    %dma_wait3A_957 = arith.constant 0 : i32
    %dma_wait3A_958 = tpu.memref_slice %arg7[%dma_wait3A_955, %dma_wait3A_956, %dma_wait3A_957] : memref<32x50x32xf32, #tpu.memory_space<vmem>> -> memref<1x50x32xf32, #tpu.memory_space<vmem>>
    %dma_wait3A_959 = tpu.memref_squeeze %dma_wait3A_958 : memref<1x50x32xf32, #tpu.memory_space<vmem>> -> memref<50x32xf32, #tpu.memory_space<vmem>>
    %dma_wait3A_960 = arith.constant 0 : i32
    %dma_wait3A_961 = tpu.memref_slice %arg5[%dma_wait3A_954, %dma_wait3A_960] : memref<32x50xi32, #tpu.memory_space<vmem>> -> memref<1x50xi32, #tpu.memory_space<vmem>>
    %dma_wait3A_962 = tpu.memref_squeeze %dma_wait3A_961 : memref<1x50xi32, #tpu.memory_space<vmem>> -> memref<50xi32, #tpu.memory_space<vmem>>
    %dma_wait3A_963 = arith.constant 0 : i32
    %dma_wait3A_964 = arith.constant 0 : i32
    %dma_wait3A_965 = tpu.memref_slice %arg3[%dma_wait3A_963, %dma_wait3A_964] : memref<1000000x32xf32, #tpu.memory_space<hbm>> -> memref<1000000x32xf32, #tpu.memory_space<hbm>>
    tpu.wait_indirect_dma semaphore(%arg11 : memref<!tpu.dma_semaphore, #tpu.memory_space<semaphore_mem>>) src(%dma_wait3A_965 : memref<1000000x32xf32, #tpu.memory_space<hbm>>) dst(%dma_wait3A_959 : memref<50x32xf32, #tpu.memory_space<vmem>>)
    %dma_wait3A_966 = arith.constant 14 : i32
    %dma_wait3A_967 = arith.constant 14 : i32
    %dma_wait3A_968 = arith.constant 0 : i32
    %dma_wait3A_969 = arith.constant 0 : i32
    %dma_wait3A_970 = tpu.memref_slice %arg7[%dma_wait3A_967, %dma_wait3A_968, %dma_wait3A_969] : memref<32x50x32xf32, #tpu.memory_space<vmem>> -> memref<1x50x32xf32, #tpu.memory_space<vmem>>
    %dma_wait3A_971 = tpu.memref_squeeze %dma_wait3A_970 : memref<1x50x32xf32, #tpu.memory_space<vmem>> -> memref<50x32xf32, #tpu.memory_space<vmem>>
    %dma_wait3A_972 = arith.constant 0 : i32
    %dma_wait3A_973 = tpu.memref_slice %arg5[%dma_wait3A_966, %dma_wait3A_972] : memref<32x50xi32, #tpu.memory_space<vmem>> -> memref<1x50xi32, #tpu.memory_space<vmem>>
    %dma_wait3A_974 = tpu.memref_squeeze %dma_wait3A_973 : memref<1x50xi32, #tpu.memory_space<vmem>> -> memref<50xi32, #tpu.memory_space<vmem>>
    %dma_wait3A_975 = arith.constant 0 : i32
    %dma_wait3A_976 = arith.constant 0 : i32
    %dma_wait3A_977 = tpu.memref_slice %arg3[%dma_wait3A_975, %dma_wait3A_976] : memref<1000000x32xf32, #tpu.memory_space<hbm>> -> memref<1000000x32xf32, #tpu.memory_space<hbm>>
    tpu.wait_indirect_dma semaphore(%arg11 : memref<!tpu.dma_semaphore, #tpu.memory_space<semaphore_mem>>) src(%dma_wait3A_977 : memref<1000000x32xf32, #tpu.memory_space<hbm>>) dst(%dma_wait3A_971 : memref<50x32xf32, #tpu.memory_space<vmem>>)
    %dma_wait3A_978 = arith.constant 15 : i32
    %dma_wait3A_979 = arith.constant 15 : i32
    %dma_wait3A_980 = arith.constant 0 : i32
    %dma_wait3A_981 = arith.constant 0 : i32
    %dma_wait3A_982 = tpu.memref_slice %arg7[%dma_wait3A_979, %dma_wait3A_980, %dma_wait3A_981] : memref<32x50x32xf32, #tpu.memory_space<vmem>> -> memref<1x50x32xf32, #tpu.memory_space<vmem>>
    %dma_wait3A_983 = tpu.memref_squeeze %dma_wait3A_982 : memref<1x50x32xf32, #tpu.memory_space<vmem>> -> memref<50x32xf32, #tpu.memory_space<vmem>>
    %dma_wait3A_984 = arith.constant 0 : i32
    %dma_wait3A_985 = tpu.memref_slice %arg5[%dma_wait3A_978, %dma_wait3A_984] : memref<32x50xi32, #tpu.memory_space<vmem>> -> memref<1x50xi32, #tpu.memory_space<vmem>>
    %dma_wait3A_986 = tpu.memref_squeeze %dma_wait3A_985 : memref<1x50xi32, #tpu.memory_space<vmem>> -> memref<50xi32, #tpu.memory_space<vmem>>
    %dma_wait3A_987 = arith.constant 0 : i32
    %dma_wait3A_988 = arith.constant 0 : i32
    %dma_wait3A_989 = tpu.memref_slice %arg3[%dma_wait3A_987, %dma_wait3A_988] : memref<1000000x32xf32, #tpu.memory_space<hbm>> -> memref<1000000x32xf32, #tpu.memory_space<hbm>>
    tpu.wait_indirect_dma semaphore(%arg11 : memref<!tpu.dma_semaphore, #tpu.memory_space<semaphore_mem>>) src(%dma_wait3A_989 : memref<1000000x32xf32, #tpu.memory_space<hbm>>) dst(%dma_wait3A_983 : memref<50x32xf32, #tpu.memory_space<vmem>>)
    %dma_wait3A_990 = arith.constant 16 : i32
    %dma_wait3A_991 = arith.constant 16 : i32
    %dma_wait3A_992 = arith.constant 0 : i32
    %dma_wait3A_993 = arith.constant 0 : i32
    %dma_wait3A_994 = tpu.memref_slice %arg7[%dma_wait3A_991, %dma_wait3A_992, %dma_wait3A_993] : memref<32x50x32xf32, #tpu.memory_space<vmem>> -> memref<1x50x32xf32, #tpu.memory_space<vmem>>
    %dma_wait3A_995 = tpu.memref_squeeze %dma_wait3A_994 : memref<1x50x32xf32, #tpu.memory_space<vmem>> -> memref<50x32xf32, #tpu.memory_space<vmem>>
    %dma_wait3A_996 = arith.constant 0 : i32
    %dma_wait3A_997 = tpu.memref_slice %arg5[%dma_wait3A_990, %dma_wait3A_996] : memref<32x50xi32, #tpu.memory_space<vmem>> -> memref<1x50xi32, #tpu.memory_space<vmem>>
    %dma_wait3A_998 = tpu.memref_squeeze %dma_wait3A_997 : memref<1x50xi32, #tpu.memory_space<vmem>> -> memref<50xi32, #tpu.memory_space<vmem>>
    %dma_wait3A_999 = arith.constant 0 : i32
    %dma_wait3A_1000 = arith.constant 0 : i32
    %dma_wait3A_1001 = tpu.memref_slice %arg3[%dma_wait3A_999, %dma_wait3A_1000] : memref<1000000x32xf32, #tpu.memory_space<hbm>> -> memref<1000000x32xf32, #tpu.memory_space<hbm>>
    tpu.wait_indirect_dma semaphore(%arg11 : memref<!tpu.dma_semaphore, #tpu.memory_space<semaphore_mem>>) src(%dma_wait3A_1001 : memref<1000000x32xf32, #tpu.memory_space<hbm>>) dst(%dma_wait3A_995 : memref<50x32xf32, #tpu.memory_space<vmem>>)
    %dma_wait3A_1002 = arith.constant 17 : i32
    %dma_wait3A_1003 = arith.constant 17 : i32
    %dma_wait3A_1004 = arith.constant 0 : i32
    %dma_wait3A_1005 = arith.constant 0 : i32
    %dma_wait3A_1006 = tpu.memref_slice %arg7[%dma_wait3A_1003, %dma_wait3A_1004, %dma_wait3A_1005] : memref<32x50x32xf32, #tpu.memory_space<vmem>> -> memref<1x50x32xf32, #tpu.memory_space<vmem>>
    %dma_wait3A_1007 = tpu.memref_squeeze %dma_wait3A_1006 : memref<1x50x32xf32, #tpu.memory_space<vmem>> -> memref<50x32xf32, #tpu.memory_space<vmem>>
    %dma_wait3A_1008 = arith.constant 0 : i32
    %dma_wait3A_1009 = tpu.memref_slice %arg5[%dma_wait3A_1002, %dma_wait3A_1008] : memref<32x50xi32, #tpu.memory_space<vmem>> -> memref<1x50xi32, #tpu.memory_space<vmem>>
    %dma_wait3A_1010 = tpu.memref_squeeze %dma_wait3A_1009 : memref<1x50xi32, #tpu.memory_space<vmem>> -> memref<50xi32, #tpu.memory_space<vmem>>
    %dma_wait3A_1011 = arith.constant 0 : i32
    %dma_wait3A_1012 = arith.constant 0 : i32
    %dma_wait3A_1013 = tpu.memref_slice %arg3[%dma_wait3A_1011, %dma_wait3A_1012] : memref<1000000x32xf32, #tpu.memory_space<hbm>> -> memref<1000000x32xf32, #tpu.memory_space<hbm>>
    tpu.wait_indirect_dma semaphore(%arg11 : memref<!tpu.dma_semaphore, #tpu.memory_space<semaphore_mem>>) src(%dma_wait3A_1013 : memref<1000000x32xf32, #tpu.memory_space<hbm>>) dst(%dma_wait3A_1007 : memref<50x32xf32, #tpu.memory_space<vmem>>)
    %dma_wait3A_1014 = arith.constant 18 : i32
    %dma_wait3A_1015 = arith.constant 18 : i32
    %dma_wait3A_1016 = arith.constant 0 : i32
    %dma_wait3A_1017 = arith.constant 0 : i32
    %dma_wait3A_1018 = tpu.memref_slice %arg7[%dma_wait3A_1015, %dma_wait3A_1016, %dma_wait3A_1017] : memref<32x50x32xf32, #tpu.memory_space<vmem>> -> memref<1x50x32xf32, #tpu.memory_space<vmem>>
    %dma_wait3A_1019 = tpu.memref_squeeze %dma_wait3A_1018 : memref<1x50x32xf32, #tpu.memory_space<vmem>> -> memref<50x32xf32, #tpu.memory_space<vmem>>
    %dma_wait3A_1020 = arith.constant 0 : i32
    %dma_wait3A_1021 = tpu.memref_slice %arg5[%dma_wait3A_1014, %dma_wait3A_1020] : memref<32x50xi32, #tpu.memory_space<vmem>> -> memref<1x50xi32, #tpu.memory_space<vmem>>
    %dma_wait3A_1022 = tpu.memref_squeeze %dma_wait3A_1021 : memref<1x50xi32, #tpu.memory_space<vmem>> -> memref<50xi32, #tpu.memory_space<vmem>>
    %dma_wait3A_1023 = arith.constant 0 : i32
    %dma_wait3A_1024 = arith.constant 0 : i32
    %dma_wait3A_1025 = tpu.memref_slice %arg3[%dma_wait3A_1023, %dma_wait3A_1024] : memref<1000000x32xf32, #tpu.memory_space<hbm>> -> memref<1000000x32xf32, #tpu.memory_space<hbm>>
    tpu.wait_indirect_dma semaphore(%arg11 : memref<!tpu.dma_semaphore, #tpu.memory_space<semaphore_mem>>) src(%dma_wait3A_1025 : memref<1000000x32xf32, #tpu.memory_space<hbm>>) dst(%dma_wait3A_1019 : memref<50x32xf32, #tpu.memory_space<vmem>>)
    %dma_wait3A_1026 = arith.constant 19 : i32
    %dma_wait3A_1027 = arith.constant 19 : i32
    %dma_wait3A_1028 = arith.constant 0 : i32
    %dma_wait3A_1029 = arith.constant 0 : i32
    %dma_wait3A_1030 = tpu.memref_slice %arg7[%dma_wait3A_1027, %dma_wait3A_1028, %dma_wait3A_1029] : memref<32x50x32xf32, #tpu.memory_space<vmem>> -> memref<1x50x32xf32, #tpu.memory_space<vmem>>
    %dma_wait3A_1031 = tpu.memref_squeeze %dma_wait3A_1030 : memref<1x50x32xf32, #tpu.memory_space<vmem>> -> memref<50x32xf32, #tpu.memory_space<vmem>>
    %dma_wait3A_1032 = arith.constant 0 : i32
    %dma_wait3A_1033 = tpu.memref_slice %arg5[%dma_wait3A_1026, %dma_wait3A_1032] : memref<32x50xi32, #tpu.memory_space<vmem>> -> memref<1x50xi32, #tpu.memory_space<vmem>>
    %dma_wait3A_1034 = tpu.memref_squeeze %dma_wait3A_1033 : memref<1x50xi32, #tpu.memory_space<vmem>> -> memref<50xi32, #tpu.memory_space<vmem>>
    %dma_wait3A_1035 = arith.constant 0 : i32
    %dma_wait3A_1036 = arith.constant 0 : i32
    %dma_wait3A_1037 = tpu.memref_slice %arg3[%dma_wait3A_1035, %dma_wait3A_1036] : memref<1000000x32xf32, #tpu.memory_space<hbm>> -> memref<1000000x32xf32, #tpu.memory_space<hbm>>
    tpu.wait_indirect_dma semaphore(%arg11 : memref<!tpu.dma_semaphore, #tpu.memory_space<semaphore_mem>>) src(%dma_wait3A_1037 : memref<1000000x32xf32, #tpu.memory_space<hbm>>) dst(%dma_wait3A_1031 : memref<50x32xf32, #tpu.memory_space<vmem>>)
    %dma_wait3A_1038 = arith.constant 20 : i32
    %dma_wait3A_1039 = arith.constant 20 : i32
    %dma_wait3A_1040 = arith.constant 0 : i32
    %dma_wait3A_1041 = arith.constant 0 : i32
    %dma_wait3A_1042 = tpu.memref_slice %arg7[%dma_wait3A_1039, %dma_wait3A_1040, %dma_wait3A_1041] : memref<32x50x32xf32, #tpu.memory_space<vmem>> -> memref<1x50x32xf32, #tpu.memory_space<vmem>>
    %dma_wait3A_1043 = tpu.memref_squeeze %dma_wait3A_1042 : memref<1x50x32xf32, #tpu.memory_space<vmem>> -> memref<50x32xf32, #tpu.memory_space<vmem>>
    %dma_wait3A_1044 = arith.constant 0 : i32
    %dma_wait3A_1045 = tpu.memref_slice %arg5[%dma_wait3A_1038, %dma_wait3A_1044] : memref<32x50xi32, #tpu.memory_space<vmem>> -> memref<1x50xi32, #tpu.memory_space<vmem>>
    %dma_wait3A_1046 = tpu.memref_squeeze %dma_wait3A_1045 : memref<1x50xi32, #tpu.memory_space<vmem>> -> memref<50xi32, #tpu.memory_space<vmem>>
    %dma_wait3A_1047 = arith.constant 0 : i32
    %dma_wait3A_1048 = arith.constant 0 : i32
    %dma_wait3A_1049 = tpu.memref_slice %arg3[%dma_wait3A_1047, %dma_wait3A_1048] : memref<1000000x32xf32, #tpu.memory_space<hbm>> -> memref<1000000x32xf32, #tpu.memory_space<hbm>>
    tpu.wait_indirect_dma semaphore(%arg11 : memref<!tpu.dma_semaphore, #tpu.memory_space<semaphore_mem>>) src(%dma_wait3A_1049 : memref<1000000x32xf32, #tpu.memory_space<hbm>>) dst(%dma_wait3A_1043 : memref<50x32xf32, #tpu.memory_space<vmem>>)
    %dma_wait3A_1050 = arith.constant 21 : i32
    %dma_wait3A_1051 = arith.constant 21 : i32
    %dma_wait3A_1052 = arith.constant 0 : i32
    %dma_wait3A_1053 = arith.constant 0 : i32
    %dma_wait3A_1054 = tpu.memref_slice %arg7[%dma_wait3A_1051, %dma_wait3A_1052, %dma_wait3A_1053] : memref<32x50x32xf32, #tpu.memory_space<vmem>> -> memref<1x50x32xf32, #tpu.memory_space<vmem>>
    %dma_wait3A_1055 = tpu.memref_squeeze %dma_wait3A_1054 : memref<1x50x32xf32, #tpu.memory_space<vmem>> -> memref<50x32xf32, #tpu.memory_space<vmem>>
    %dma_wait3A_1056 = arith.constant 0 : i32
    %dma_wait3A_1057 = tpu.memref_slice %arg5[%dma_wait3A_1050, %dma_wait3A_1056] : memref<32x50xi32, #tpu.memory_space<vmem>> -> memref<1x50xi32, #tpu.memory_space<vmem>>
    %dma_wait3A_1058 = tpu.memref_squeeze %dma_wait3A_1057 : memref<1x50xi32, #tpu.memory_space<vmem>> -> memref<50xi32, #tpu.memory_space<vmem>>
    %dma_wait3A_1059 = arith.constant 0 : i32
    %dma_wait3A_1060 = arith.constant 0 : i32
    %dma_wait3A_1061 = tpu.memref_slice %arg3[%dma_wait3A_1059, %dma_wait3A_1060] : memref<1000000x32xf32, #tpu.memory_space<hbm>> -> memref<1000000x32xf32, #tpu.memory_space<hbm>>
    tpu.wait_indirect_dma semaphore(%arg11 : memref<!tpu.dma_semaphore, #tpu.memory_space<semaphore_mem>>) src(%dma_wait3A_1061 : memref<1000000x32xf32, #tpu.memory_space<hbm>>) dst(%dma_wait3A_1055 : memref<50x32xf32, #tpu.memory_space<vmem>>)
    %dma_wait3A_1062 = arith.constant 22 : i32
    %dma_wait3A_1063 = arith.constant 22 : i32
    %dma_wait3A_1064 = arith.constant 0 : i32
    %dma_wait3A_1065 = arith.constant 0 : i32
    %dma_wait3A_1066 = tpu.memref_slice %arg7[%dma_wait3A_1063, %dma_wait3A_1064, %dma_wait3A_1065] : memref<32x50x32xf32, #tpu.memory_space<vmem>> -> memref<1x50x32xf32, #tpu.memory_space<vmem>>
    %dma_wait3A_1067 = tpu.memref_squeeze %dma_wait3A_1066 : memref<1x50x32xf32, #tpu.memory_space<vmem>> -> memref<50x32xf32, #tpu.memory_space<vmem>>
    %dma_wait3A_1068 = arith.constant 0 : i32
    %dma_wait3A_1069 = tpu.memref_slice %arg5[%dma_wait3A_1062, %dma_wait3A_1068] : memref<32x50xi32, #tpu.memory_space<vmem>> -> memref<1x50xi32, #tpu.memory_space<vmem>>
    %dma_wait3A_1070 = tpu.memref_squeeze %dma_wait3A_1069 : memref<1x50xi32, #tpu.memory_space<vmem>> -> memref<50xi32, #tpu.memory_space<vmem>>
    %dma_wait3A_1071 = arith.constant 0 : i32
    %dma_wait3A_1072 = arith.constant 0 : i32
    %dma_wait3A_1073 = tpu.memref_slice %arg3[%dma_wait3A_1071, %dma_wait3A_1072] : memref<1000000x32xf32, #tpu.memory_space<hbm>> -> memref<1000000x32xf32, #tpu.memory_space<hbm>>
    tpu.wait_indirect_dma semaphore(%arg11 : memref<!tpu.dma_semaphore, #tpu.memory_space<semaphore_mem>>) src(%dma_wait3A_1073 : memref<1000000x32xf32, #tpu.memory_space<hbm>>) dst(%dma_wait3A_1067 : memref<50x32xf32, #tpu.memory_space<vmem>>)
    %dma_wait3A_1074 = arith.constant 23 : i32
    %dma_wait3A_1075 = arith.constant 23 : i32
    %dma_wait3A_1076 = arith.constant 0 : i32
    %dma_wait3A_1077 = arith.constant 0 : i32
    %dma_wait3A_1078 = tpu.memref_slice %arg7[%dma_wait3A_1075, %dma_wait3A_1076, %dma_wait3A_1077] : memref<32x50x32xf32, #tpu.memory_space<vmem>> -> memref<1x50x32xf32, #tpu.memory_space<vmem>>
    %dma_wait3A_1079 = tpu.memref_squeeze %dma_wait3A_1078 : memref<1x50x32xf32, #tpu.memory_space<vmem>> -> memref<50x32xf32, #tpu.memory_space<vmem>>
    %dma_wait3A_1080 = arith.constant 0 : i32
    %dma_wait3A_1081 = tpu.memref_slice %arg5[%dma_wait3A_1074, %dma_wait3A_1080] : memref<32x50xi32, #tpu.memory_space<vmem>> -> memref<1x50xi32, #tpu.memory_space<vmem>>
    %dma_wait3A_1082 = tpu.memref_squeeze %dma_wait3A_1081 : memref<1x50xi32, #tpu.memory_space<vmem>> -> memref<50xi32, #tpu.memory_space<vmem>>
    %dma_wait3A_1083 = arith.constant 0 : i32
    %dma_wait3A_1084 = arith.constant 0 : i32
    %dma_wait3A_1085 = tpu.memref_slice %arg3[%dma_wait3A_1083, %dma_wait3A_1084] : memref<1000000x32xf32, #tpu.memory_space<hbm>> -> memref<1000000x32xf32, #tpu.memory_space<hbm>>
    tpu.wait_indirect_dma semaphore(%arg11 : memref<!tpu.dma_semaphore, #tpu.memory_space<semaphore_mem>>) src(%dma_wait3A_1085 : memref<1000000x32xf32, #tpu.memory_space<hbm>>) dst(%dma_wait3A_1079 : memref<50x32xf32, #tpu.memory_space<vmem>>)
    %dma_wait3A_1086 = arith.constant 24 : i32
    %dma_wait3A_1087 = arith.constant 24 : i32
    %dma_wait3A_1088 = arith.constant 0 : i32
    %dma_wait3A_1089 = arith.constant 0 : i32
    %dma_wait3A_1090 = tpu.memref_slice %arg7[%dma_wait3A_1087, %dma_wait3A_1088, %dma_wait3A_1089] : memref<32x50x32xf32, #tpu.memory_space<vmem>> -> memref<1x50x32xf32, #tpu.memory_space<vmem>>
    %dma_wait3A_1091 = tpu.memref_squeeze %dma_wait3A_1090 : memref<1x50x32xf32, #tpu.memory_space<vmem>> -> memref<50x32xf32, #tpu.memory_space<vmem>>
    %dma_wait3A_1092 = arith.constant 0 : i32
    %dma_wait3A_1093 = tpu.memref_slice %arg5[%dma_wait3A_1086, %dma_wait3A_1092] : memref<32x50xi32, #tpu.memory_space<vmem>> -> memref<1x50xi32, #tpu.memory_space<vmem>>
    %dma_wait3A_1094 = tpu.memref_squeeze %dma_wait3A_1093 : memref<1x50xi32, #tpu.memory_space<vmem>> -> memref<50xi32, #tpu.memory_space<vmem>>
    %dma_wait3A_1095 = arith.constant 0 : i32
    %dma_wait3A_1096 = arith.constant 0 : i32
    %dma_wait3A_1097 = tpu.memref_slice %arg3[%dma_wait3A_1095, %dma_wait3A_1096] : memref<1000000x32xf32, #tpu.memory_space<hbm>> -> memref<1000000x32xf32, #tpu.memory_space<hbm>>
    tpu.wait_indirect_dma semaphore(%arg11 : memref<!tpu.dma_semaphore, #tpu.memory_space<semaphore_mem>>) src(%dma_wait3A_1097 : memref<1000000x32xf32, #tpu.memory_space<hbm>>) dst(%dma_wait3A_1091 : memref<50x32xf32, #tpu.memory_space<vmem>>)
    %dma_wait3A_1098 = arith.constant 25 : i32
    %dma_wait3A_1099 = arith.constant 25 : i32
    %dma_wait3A_1100 = arith.constant 0 : i32
    %dma_wait3A_1101 = arith.constant 0 : i32
    %dma_wait3A_1102 = tpu.memref_slice %arg7[%dma_wait3A_1099, %dma_wait3A_1100, %dma_wait3A_1101] : memref<32x50x32xf32, #tpu.memory_space<vmem>> -> memref<1x50x32xf32, #tpu.memory_space<vmem>>
    %dma_wait3A_1103 = tpu.memref_squeeze %dma_wait3A_1102 : memref<1x50x32xf32, #tpu.memory_space<vmem>> -> memref<50x32xf32, #tpu.memory_space<vmem>>
    %dma_wait3A_1104 = arith.constant 0 : i32
    %dma_wait3A_1105 = tpu.memref_slice %arg5[%dma_wait3A_1098, %dma_wait3A_1104] : memref<32x50xi32, #tpu.memory_space<vmem>> -> memref<1x50xi32, #tpu.memory_space<vmem>>
    %dma_wait3A_1106 = tpu.memref_squeeze %dma_wait3A_1105 : memref<1x50xi32, #tpu.memory_space<vmem>> -> memref<50xi32, #tpu.memory_space<vmem>>
    %dma_wait3A_1107 = arith.constant 0 : i32
    %dma_wait3A_1108 = arith.constant 0 : i32
    %dma_wait3A_1109 = tpu.memref_slice %arg3[%dma_wait3A_1107, %dma_wait3A_1108] : memref<1000000x32xf32, #tpu.memory_space<hbm>> -> memref<1000000x32xf32, #tpu.memory_space<hbm>>
    tpu.wait_indirect_dma semaphore(%arg11 : memref<!tpu.dma_semaphore, #tpu.memory_space<semaphore_mem>>) src(%dma_wait3A_1109 : memref<1000000x32xf32, #tpu.memory_space<hbm>>) dst(%dma_wait3A_1103 : memref<50x32xf32, #tpu.memory_space<vmem>>)
    %dma_wait3A_1110 = arith.constant 26 : i32
    %dma_wait3A_1111 = arith.constant 26 : i32
    %dma_wait3A_1112 = arith.constant 0 : i32
    %dma_wait3A_1113 = arith.constant 0 : i32
    %dma_wait3A_1114 = tpu.memref_slice %arg7[%dma_wait3A_1111, %dma_wait3A_1112, %dma_wait3A_1113] : memref<32x50x32xf32, #tpu.memory_space<vmem>> -> memref<1x50x32xf32, #tpu.memory_space<vmem>>
    %dma_wait3A_1115 = tpu.memref_squeeze %dma_wait3A_1114 : memref<1x50x32xf32, #tpu.memory_space<vmem>> -> memref<50x32xf32, #tpu.memory_space<vmem>>
    %dma_wait3A_1116 = arith.constant 0 : i32
    %dma_wait3A_1117 = tpu.memref_slice %arg5[%dma_wait3A_1110, %dma_wait3A_1116] : memref<32x50xi32, #tpu.memory_space<vmem>> -> memref<1x50xi32, #tpu.memory_space<vmem>>
    %dma_wait3A_1118 = tpu.memref_squeeze %dma_wait3A_1117 : memref<1x50xi32, #tpu.memory_space<vmem>> -> memref<50xi32, #tpu.memory_space<vmem>>
    %dma_wait3A_1119 = arith.constant 0 : i32
    %dma_wait3A_1120 = arith.constant 0 : i32
    %dma_wait3A_1121 = tpu.memref_slice %arg3[%dma_wait3A_1119, %dma_wait3A_1120] : memref<1000000x32xf32, #tpu.memory_space<hbm>> -> memref<1000000x32xf32, #tpu.memory_space<hbm>>
    tpu.wait_indirect_dma semaphore(%arg11 : memref<!tpu.dma_semaphore, #tpu.memory_space<semaphore_mem>>) src(%dma_wait3A_1121 : memref<1000000x32xf32, #tpu.memory_space<hbm>>) dst(%dma_wait3A_1115 : memref<50x32xf32, #tpu.memory_space<vmem>>)
    %dma_wait3A_1122 = arith.constant 27 : i32
    %dma_wait3A_1123 = arith.constant 27 : i32
    %dma_wait3A_1124 = arith.constant 0 : i32
    %dma_wait3A_1125 = arith.constant 0 : i32
    %dma_wait3A_1126 = tpu.memref_slice %arg7[%dma_wait3A_1123, %dma_wait3A_1124, %dma_wait3A_1125] : memref<32x50x32xf32, #tpu.memory_space<vmem>> -> memref<1x50x32xf32, #tpu.memory_space<vmem>>
    %dma_wait3A_1127 = tpu.memref_squeeze %dma_wait3A_1126 : memref<1x50x32xf32, #tpu.memory_space<vmem>> -> memref<50x32xf32, #tpu.memory_space<vmem>>
    %dma_wait3A_1128 = arith.constant 0 : i32
    %dma_wait3A_1129 = tpu.memref_slice %arg5[%dma_wait3A_1122, %dma_wait3A_1128] : memref<32x50xi32, #tpu.memory_space<vmem>> -> memref<1x50xi32, #tpu.memory_space<vmem>>
    %dma_wait3A_1130 = tpu.memref_squeeze %dma_wait3A_1129 : memref<1x50xi32, #tpu.memory_space<vmem>> -> memref<50xi32, #tpu.memory_space<vmem>>
    %dma_wait3A_1131 = arith.constant 0 : i32
    %dma_wait3A_1132 = arith.constant 0 : i32
    %dma_wait3A_1133 = tpu.memref_slice %arg3[%dma_wait3A_1131, %dma_wait3A_1132] : memref<1000000x32xf32, #tpu.memory_space<hbm>> -> memref<1000000x32xf32, #tpu.memory_space<hbm>>
    tpu.wait_indirect_dma semaphore(%arg11 : memref<!tpu.dma_semaphore, #tpu.memory_space<semaphore_mem>>) src(%dma_wait3A_1133 : memref<1000000x32xf32, #tpu.memory_space<hbm>>) dst(%dma_wait3A_1127 : memref<50x32xf32, #tpu.memory_space<vmem>>)
    %dma_wait3A_1134 = arith.constant 28 : i32
    %dma_wait3A_1135 = arith.constant 28 : i32
    %dma_wait3A_1136 = arith.constant 0 : i32
    %dma_wait3A_1137 = arith.constant 0 : i32
    %dma_wait3A_1138 = tpu.memref_slice %arg7[%dma_wait3A_1135, %dma_wait3A_1136, %dma_wait3A_1137] : memref<32x50x32xf32, #tpu.memory_space<vmem>> -> memref<1x50x32xf32, #tpu.memory_space<vmem>>
    %dma_wait3A_1139 = tpu.memref_squeeze %dma_wait3A_1138 : memref<1x50x32xf32, #tpu.memory_space<vmem>> -> memref<50x32xf32, #tpu.memory_space<vmem>>
    %dma_wait3A_1140 = arith.constant 0 : i32
    %dma_wait3A_1141 = tpu.memref_slice %arg5[%dma_wait3A_1134, %dma_wait3A_1140] : memref<32x50xi32, #tpu.memory_space<vmem>> -> memref<1x50xi32, #tpu.memory_space<vmem>>
    %dma_wait3A_1142 = tpu.memref_squeeze %dma_wait3A_1141 : memref<1x50xi32, #tpu.memory_space<vmem>> -> memref<50xi32, #tpu.memory_space<vmem>>
    %dma_wait3A_1143 = arith.constant 0 : i32
    %dma_wait3A_1144 = arith.constant 0 : i32
    %dma_wait3A_1145 = tpu.memref_slice %arg3[%dma_wait3A_1143, %dma_wait3A_1144] : memref<1000000x32xf32, #tpu.memory_space<hbm>> -> memref<1000000x32xf32, #tpu.memory_space<hbm>>
    tpu.wait_indirect_dma semaphore(%arg11 : memref<!tpu.dma_semaphore, #tpu.memory_space<semaphore_mem>>) src(%dma_wait3A_1145 : memref<1000000x32xf32, #tpu.memory_space<hbm>>) dst(%dma_wait3A_1139 : memref<50x32xf32, #tpu.memory_space<vmem>>)
    %dma_wait3A_1146 = arith.constant 29 : i32
    %dma_wait3A_1147 = arith.constant 29 : i32
    %dma_wait3A_1148 = arith.constant 0 : i32
    %dma_wait3A_1149 = arith.constant 0 : i32
    %dma_wait3A_1150 = tpu.memref_slice %arg7[%dma_wait3A_1147, %dma_wait3A_1148, %dma_wait3A_1149] : memref<32x50x32xf32, #tpu.memory_space<vmem>> -> memref<1x50x32xf32, #tpu.memory_space<vmem>>
    %dma_wait3A_1151 = tpu.memref_squeeze %dma_wait3A_1150 : memref<1x50x32xf32, #tpu.memory_space<vmem>> -> memref<50x32xf32, #tpu.memory_space<vmem>>
    %dma_wait3A_1152 = arith.constant 0 : i32
    %dma_wait3A_1153 = tpu.memref_slice %arg5[%dma_wait3A_1146, %dma_wait3A_1152] : memref<32x50xi32, #tpu.memory_space<vmem>> -> memref<1x50xi32, #tpu.memory_space<vmem>>
    %dma_wait3A_1154 = tpu.memref_squeeze %dma_wait3A_1153 : memref<1x50xi32, #tpu.memory_space<vmem>> -> memref<50xi32, #tpu.memory_space<vmem>>
    %dma_wait3A_1155 = arith.constant 0 : i32
    %dma_wait3A_1156 = arith.constant 0 : i32
    %dma_wait3A_1157 = tpu.memref_slice %arg3[%dma_wait3A_1155, %dma_wait3A_1156] : memref<1000000x32xf32, #tpu.memory_space<hbm>> -> memref<1000000x32xf32, #tpu.memory_space<hbm>>
    tpu.wait_indirect_dma semaphore(%arg11 : memref<!tpu.dma_semaphore, #tpu.memory_space<semaphore_mem>>) src(%dma_wait3A_1157 : memref<1000000x32xf32, #tpu.memory_space<hbm>>) dst(%dma_wait3A_1151 : memref<50x32xf32, #tpu.memory_space<vmem>>)
    %dma_wait3A_1158 = arith.constant 30 : i32
    %dma_wait3A_1159 = arith.constant 30 : i32
    %dma_wait3A_1160 = arith.constant 0 : i32
    %dma_wait3A_1161 = arith.constant 0 : i32
    %dma_wait3A_1162 = tpu.memref_slice %arg7[%dma_wait3A_1159, %dma_wait3A_1160, %dma_wait3A_1161] : memref<32x50x32xf32, #tpu.memory_space<vmem>> -> memref<1x50x32xf32, #tpu.memory_space<vmem>>
    %dma_wait3A_1163 = tpu.memref_squeeze %dma_wait3A_1162 : memref<1x50x32xf32, #tpu.memory_space<vmem>> -> memref<50x32xf32, #tpu.memory_space<vmem>>
    %dma_wait3A_1164 = arith.constant 0 : i32
    %dma_wait3A_1165 = tpu.memref_slice %arg5[%dma_wait3A_1158, %dma_wait3A_1164] : memref<32x50xi32, #tpu.memory_space<vmem>> -> memref<1x50xi32, #tpu.memory_space<vmem>>
    %dma_wait3A_1166 = tpu.memref_squeeze %dma_wait3A_1165 : memref<1x50xi32, #tpu.memory_space<vmem>> -> memref<50xi32, #tpu.memory_space<vmem>>
    %dma_wait3A_1167 = arith.constant 0 : i32
    %dma_wait3A_1168 = arith.constant 0 : i32
    %dma_wait3A_1169 = tpu.memref_slice %arg3[%dma_wait3A_1167, %dma_wait3A_1168] : memref<1000000x32xf32, #tpu.memory_space<hbm>> -> memref<1000000x32xf32, #tpu.memory_space<hbm>>
    tpu.wait_indirect_dma semaphore(%arg11 : memref<!tpu.dma_semaphore, #tpu.memory_space<semaphore_mem>>) src(%dma_wait3A_1169 : memref<1000000x32xf32, #tpu.memory_space<hbm>>) dst(%dma_wait3A_1163 : memref<50x32xf32, #tpu.memory_space<vmem>>)
    %dma_wait3A_1170 = arith.constant 31 : i32
    %dma_wait3A_1171 = arith.constant 31 : i32
    %dma_wait3A_1172 = arith.constant 0 : i32
    %dma_wait3A_1173 = arith.constant 0 : i32
    %dma_wait3A_1174 = tpu.memref_slice %arg7[%dma_wait3A_1171, %dma_wait3A_1172, %dma_wait3A_1173] : memref<32x50x32xf32, #tpu.memory_space<vmem>> -> memref<1x50x32xf32, #tpu.memory_space<vmem>>
    %dma_wait3A_1175 = tpu.memref_squeeze %dma_wait3A_1174 : memref<1x50x32xf32, #tpu.memory_space<vmem>> -> memref<50x32xf32, #tpu.memory_space<vmem>>
    %dma_wait3A_1176 = arith.constant 0 : i32
    %dma_wait3A_1177 = tpu.memref_slice %arg5[%dma_wait3A_1170, %dma_wait3A_1176] : memref<32x50xi32, #tpu.memory_space<vmem>> -> memref<1x50xi32, #tpu.memory_space<vmem>>
    %dma_wait3A_1178 = tpu.memref_squeeze %dma_wait3A_1177 : memref<1x50xi32, #tpu.memory_space<vmem>> -> memref<50xi32, #tpu.memory_space<vmem>>
    %dma_wait3A_1179 = arith.constant 0 : i32
    %dma_wait3A_1180 = arith.constant 0 : i32
    %dma_wait3A_1181 = tpu.memref_slice %arg3[%dma_wait3A_1179, %dma_wait3A_1180] : memref<1000000x32xf32, #tpu.memory_space<hbm>> -> memref<1000000x32xf32, #tpu.memory_space<hbm>>
    tpu.wait_indirect_dma semaphore(%arg11 : memref<!tpu.dma_semaphore, #tpu.memory_space<semaphore_mem>>) src(%dma_wait3A_1181 : memref<1000000x32xf32, #tpu.memory_space<hbm>>) dst(%dma_wait3A_1175 : memref<50x32xf32, #tpu.memory_space<vmem>>)
    %add3A_1182 = arith.constant 448 : i32
    %add3A_1183 = arith.addi %mul3A_2, %add3A_1182 : i32
    %dma_start3A_1184 = arith.constant 0 : i32
    %dma_start3A_1185 = arith.constant 0 : i32
    %dma_start3A_1186 = tpu.memref_slice %arg4[%add3A_1183, %dma_start3A_1184, %dma_start3A_1185] : memref<16384x50x32xf32, #tpu.memory_space<hbm>> -> memref<32x50x32xf32, #tpu.memory_space<hbm>>
    %dma_start3A_1187 = arith.constant 0 : i32
    %dma_start3A_1188 = arith.constant 0 : i32
    %dma_start3A_1189 = tpu.memref_slice %arg4[%add3A_1183, %dma_start3A_1187, %dma_start3A_1188] : memref<16384x50x32xf32, #tpu.memory_space<hbm>> -> memref<32x50x32xf32, #tpu.memory_space<hbm>>
    tpu.enqueue_dma source(%arg7 : memref<32x50x32xf32, #tpu.memory_space<vmem>>) target(%dma_start3A_1189 : memref<32x50x32xf32, #tpu.memory_space<hbm>>) target_semaphore(%arg13 : memref<!tpu.dma_semaphore, #tpu.memory_space<semaphore_mem>>)
    %dma_wait3A_1190 = arith.constant 0 : i32
    %dma_wait3A_1191 = arith.constant 0 : i32
    %dma_wait3A_1192 = arith.constant 0 : i32
    %dma_wait3A_1193 = arith.constant 0 : i32
    %dma_wait3A_1194 = tpu.memref_slice %arg8[%dma_wait3A_1191, %dma_wait3A_1192, %dma_wait3A_1193] : memref<32x50x32xf32, #tpu.memory_space<vmem>> -> memref<1x50x32xf32, #tpu.memory_space<vmem>>
    %dma_wait3A_1195 = tpu.memref_squeeze %dma_wait3A_1194 : memref<1x50x32xf32, #tpu.memory_space<vmem>> -> memref<50x32xf32, #tpu.memory_space<vmem>>
    %dma_wait3A_1196 = arith.constant 0 : i32
    %dma_wait3A_1197 = tpu.memref_slice %arg6[%dma_wait3A_1190, %dma_wait3A_1196] : memref<32x50xi32, #tpu.memory_space<vmem>> -> memref<1x50xi32, #tpu.memory_space<vmem>>
    %dma_wait3A_1198 = tpu.memref_squeeze %dma_wait3A_1197 : memref<1x50xi32, #tpu.memory_space<vmem>> -> memref<50xi32, #tpu.memory_space<vmem>>
    %dma_wait3A_1199 = arith.constant 0 : i32
    %dma_wait3A_1200 = arith.constant 0 : i32
    %dma_wait3A_1201 = tpu.memref_slice %arg3[%dma_wait3A_1199, %dma_wait3A_1200] : memref<1000000x32xf32, #tpu.memory_space<hbm>> -> memref<1000000x32xf32, #tpu.memory_space<hbm>>
    tpu.wait_indirect_dma semaphore(%arg12 : memref<!tpu.dma_semaphore, #tpu.memory_space<semaphore_mem>>) src(%dma_wait3A_1201 : memref<1000000x32xf32, #tpu.memory_space<hbm>>) dst(%dma_wait3A_1195 : memref<50x32xf32, #tpu.memory_space<vmem>>)
    %dma_wait3A_1202 = arith.constant 1 : i32
    %dma_wait3A_1203 = arith.constant 1 : i32
    %dma_wait3A_1204 = arith.constant 0 : i32
    %dma_wait3A_1205 = arith.constant 0 : i32
    %dma_wait3A_1206 = tpu.memref_slice %arg8[%dma_wait3A_1203, %dma_wait3A_1204, %dma_wait3A_1205] : memref<32x50x32xf32, #tpu.memory_space<vmem>> -> memref<1x50x32xf32, #tpu.memory_space<vmem>>
    %dma_wait3A_1207 = tpu.memref_squeeze %dma_wait3A_1206 : memref<1x50x32xf32, #tpu.memory_space<vmem>> -> memref<50x32xf32, #tpu.memory_space<vmem>>
    %dma_wait3A_1208 = arith.constant 0 : i32
    %dma_wait3A_1209 = tpu.memref_slice %arg6[%dma_wait3A_1202, %dma_wait3A_1208] : memref<32x50xi32, #tpu.memory_space<vmem>> -> memref<1x50xi32, #tpu.memory_space<vmem>>
    %dma_wait3A_1210 = tpu.memref_squeeze %dma_wait3A_1209 : memref<1x50xi32, #tpu.memory_space<vmem>> -> memref<50xi32, #tpu.memory_space<vmem>>
    %dma_wait3A_1211 = arith.constant 0 : i32
    %dma_wait3A_1212 = arith.constant 0 : i32
    %dma_wait3A_1213 = tpu.memref_slice %arg3[%dma_wait3A_1211, %dma_wait3A_1212] : memref<1000000x32xf32, #tpu.memory_space<hbm>> -> memref<1000000x32xf32, #tpu.memory_space<hbm>>
    tpu.wait_indirect_dma semaphore(%arg12 : memref<!tpu.dma_semaphore, #tpu.memory_space<semaphore_mem>>) src(%dma_wait3A_1213 : memref<1000000x32xf32, #tpu.memory_space<hbm>>) dst(%dma_wait3A_1207 : memref<50x32xf32, #tpu.memory_space<vmem>>)
    %dma_wait3A_1214 = arith.constant 2 : i32
    %dma_wait3A_1215 = arith.constant 2 : i32
    %dma_wait3A_1216 = arith.constant 0 : i32
    %dma_wait3A_1217 = arith.constant 0 : i32
    %dma_wait3A_1218 = tpu.memref_slice %arg8[%dma_wait3A_1215, %dma_wait3A_1216, %dma_wait3A_1217] : memref<32x50x32xf32, #tpu.memory_space<vmem>> -> memref<1x50x32xf32, #tpu.memory_space<vmem>>
    %dma_wait3A_1219 = tpu.memref_squeeze %dma_wait3A_1218 : memref<1x50x32xf32, #tpu.memory_space<vmem>> -> memref<50x32xf32, #tpu.memory_space<vmem>>
    %dma_wait3A_1220 = arith.constant 0 : i32
    %dma_wait3A_1221 = tpu.memref_slice %arg6[%dma_wait3A_1214, %dma_wait3A_1220] : memref<32x50xi32, #tpu.memory_space<vmem>> -> memref<1x50xi32, #tpu.memory_space<vmem>>
    %dma_wait3A_1222 = tpu.memref_squeeze %dma_wait3A_1221 : memref<1x50xi32, #tpu.memory_space<vmem>> -> memref<50xi32, #tpu.memory_space<vmem>>
    %dma_wait3A_1223 = arith.constant 0 : i32
    %dma_wait3A_1224 = arith.constant 0 : i32
    %dma_wait3A_1225 = tpu.memref_slice %arg3[%dma_wait3A_1223, %dma_wait3A_1224] : memref<1000000x32xf32, #tpu.memory_space<hbm>> -> memref<1000000x32xf32, #tpu.memory_space<hbm>>
    tpu.wait_indirect_dma semaphore(%arg12 : memref<!tpu.dma_semaphore, #tpu.memory_space<semaphore_mem>>) src(%dma_wait3A_1225 : memref<1000000x32xf32, #tpu.memory_space<hbm>>) dst(%dma_wait3A_1219 : memref<50x32xf32, #tpu.memory_space<vmem>>)
    %dma_wait3A_1226 = arith.constant 3 : i32
    %dma_wait3A_1227 = arith.constant 3 : i32
    %dma_wait3A_1228 = arith.constant 0 : i32
    %dma_wait3A_1229 = arith.constant 0 : i32
    %dma_wait3A_1230 = tpu.memref_slice %arg8[%dma_wait3A_1227, %dma_wait3A_1228, %dma_wait3A_1229] : memref<32x50x32xf32, #tpu.memory_space<vmem>> -> memref<1x50x32xf32, #tpu.memory_space<vmem>>
    %dma_wait3A_1231 = tpu.memref_squeeze %dma_wait3A_1230 : memref<1x50x32xf32, #tpu.memory_space<vmem>> -> memref<50x32xf32, #tpu.memory_space<vmem>>
    %dma_wait3A_1232 = arith.constant 0 : i32
    %dma_wait3A_1233 = tpu.memref_slice %arg6[%dma_wait3A_1226, %dma_wait3A_1232] : memref<32x50xi32, #tpu.memory_space<vmem>> -> memref<1x50xi32, #tpu.memory_space<vmem>>
    %dma_wait3A_1234 = tpu.memref_squeeze %dma_wait3A_1233 : memref<1x50xi32, #tpu.memory_space<vmem>> -> memref<50xi32, #tpu.memory_space<vmem>>
    %dma_wait3A_1235 = arith.constant 0 : i32
    %dma_wait3A_1236 = arith.constant 0 : i32
    %dma_wait3A_1237 = tpu.memref_slice %arg3[%dma_wait3A_1235, %dma_wait3A_1236] : memref<1000000x32xf32, #tpu.memory_space<hbm>> -> memref<1000000x32xf32, #tpu.memory_space<hbm>>
    tpu.wait_indirect_dma semaphore(%arg12 : memref<!tpu.dma_semaphore, #tpu.memory_space<semaphore_mem>>) src(%dma_wait3A_1237 : memref<1000000x32xf32, #tpu.memory_space<hbm>>) dst(%dma_wait3A_1231 : memref<50x32xf32, #tpu.memory_space<vmem>>)
    %dma_wait3A_1238 = arith.constant 4 : i32
    %dma_wait3A_1239 = arith.constant 4 : i32
    %dma_wait3A_1240 = arith.constant 0 : i32
    %dma_wait3A_1241 = arith.constant 0 : i32
    %dma_wait3A_1242 = tpu.memref_slice %arg8[%dma_wait3A_1239, %dma_wait3A_1240, %dma_wait3A_1241] : memref<32x50x32xf32, #tpu.memory_space<vmem>> -> memref<1x50x32xf32, #tpu.memory_space<vmem>>
    %dma_wait3A_1243 = tpu.memref_squeeze %dma_wait3A_1242 : memref<1x50x32xf32, #tpu.memory_space<vmem>> -> memref<50x32xf32, #tpu.memory_space<vmem>>
    %dma_wait3A_1244 = arith.constant 0 : i32
    %dma_wait3A_1245 = tpu.memref_slice %arg6[%dma_wait3A_1238, %dma_wait3A_1244] : memref<32x50xi32, #tpu.memory_space<vmem>> -> memref<1x50xi32, #tpu.memory_space<vmem>>
    %dma_wait3A_1246 = tpu.memref_squeeze %dma_wait3A_1245 : memref<1x50xi32, #tpu.memory_space<vmem>> -> memref<50xi32, #tpu.memory_space<vmem>>
    %dma_wait3A_1247 = arith.constant 0 : i32
    %dma_wait3A_1248 = arith.constant 0 : i32
    %dma_wait3A_1249 = tpu.memref_slice %arg3[%dma_wait3A_1247, %dma_wait3A_1248] : memref<1000000x32xf32, #tpu.memory_space<hbm>> -> memref<1000000x32xf32, #tpu.memory_space<hbm>>
    tpu.wait_indirect_dma semaphore(%arg12 : memref<!tpu.dma_semaphore, #tpu.memory_space<semaphore_mem>>) src(%dma_wait3A_1249 : memref<1000000x32xf32, #tpu.memory_space<hbm>>) dst(%dma_wait3A_1243 : memref<50x32xf32, #tpu.memory_space<vmem>>)
    %dma_wait3A_1250 = arith.constant 5 : i32
    %dma_wait3A_1251 = arith.constant 5 : i32
    %dma_wait3A_1252 = arith.constant 0 : i32
    %dma_wait3A_1253 = arith.constant 0 : i32
    %dma_wait3A_1254 = tpu.memref_slice %arg8[%dma_wait3A_1251, %dma_wait3A_1252, %dma_wait3A_1253] : memref<32x50x32xf32, #tpu.memory_space<vmem>> -> memref<1x50x32xf32, #tpu.memory_space<vmem>>
    %dma_wait3A_1255 = tpu.memref_squeeze %dma_wait3A_1254 : memref<1x50x32xf32, #tpu.memory_space<vmem>> -> memref<50x32xf32, #tpu.memory_space<vmem>>
    %dma_wait3A_1256 = arith.constant 0 : i32
    %dma_wait3A_1257 = tpu.memref_slice %arg6[%dma_wait3A_1250, %dma_wait3A_1256] : memref<32x50xi32, #tpu.memory_space<vmem>> -> memref<1x50xi32, #tpu.memory_space<vmem>>
    %dma_wait3A_1258 = tpu.memref_squeeze %dma_wait3A_1257 : memref<1x50xi32, #tpu.memory_space<vmem>> -> memref<50xi32, #tpu.memory_space<vmem>>
    %dma_wait3A_1259 = arith.constant 0 : i32
    %dma_wait3A_1260 = arith.constant 0 : i32
    %dma_wait3A_1261 = tpu.memref_slice %arg3[%dma_wait3A_1259, %dma_wait3A_1260] : memref<1000000x32xf32, #tpu.memory_space<hbm>> -> memref<1000000x32xf32, #tpu.memory_space<hbm>>
    tpu.wait_indirect_dma semaphore(%arg12 : memref<!tpu.dma_semaphore, #tpu.memory_space<semaphore_mem>>) src(%dma_wait3A_1261 : memref<1000000x32xf32, #tpu.memory_space<hbm>>) dst(%dma_wait3A_1255 : memref<50x32xf32, #tpu.memory_space<vmem>>)
    %dma_wait3A_1262 = arith.constant 6 : i32
    %dma_wait3A_1263 = arith.constant 6 : i32
    %dma_wait3A_1264 = arith.constant 0 : i32
    %dma_wait3A_1265 = arith.constant 0 : i32
    %dma_wait3A_1266 = tpu.memref_slice %arg8[%dma_wait3A_1263, %dma_wait3A_1264, %dma_wait3A_1265] : memref<32x50x32xf32, #tpu.memory_space<vmem>> -> memref<1x50x32xf32, #tpu.memory_space<vmem>>
    %dma_wait3A_1267 = tpu.memref_squeeze %dma_wait3A_1266 : memref<1x50x32xf32, #tpu.memory_space<vmem>> -> memref<50x32xf32, #tpu.memory_space<vmem>>
    %dma_wait3A_1268 = arith.constant 0 : i32
    %dma_wait3A_1269 = tpu.memref_slice %arg6[%dma_wait3A_1262, %dma_wait3A_1268] : memref<32x50xi32, #tpu.memory_space<vmem>> -> memref<1x50xi32, #tpu.memory_space<vmem>>
    %dma_wait3A_1270 = tpu.memref_squeeze %dma_wait3A_1269 : memref<1x50xi32, #tpu.memory_space<vmem>> -> memref<50xi32, #tpu.memory_space<vmem>>
    %dma_wait3A_1271 = arith.constant 0 : i32
    %dma_wait3A_1272 = arith.constant 0 : i32
    %dma_wait3A_1273 = tpu.memref_slice %arg3[%dma_wait3A_1271, %dma_wait3A_1272] : memref<1000000x32xf32, #tpu.memory_space<hbm>> -> memref<1000000x32xf32, #tpu.memory_space<hbm>>
    tpu.wait_indirect_dma semaphore(%arg12 : memref<!tpu.dma_semaphore, #tpu.memory_space<semaphore_mem>>) src(%dma_wait3A_1273 : memref<1000000x32xf32, #tpu.memory_space<hbm>>) dst(%dma_wait3A_1267 : memref<50x32xf32, #tpu.memory_space<vmem>>)
    %dma_wait3A_1274 = arith.constant 7 : i32
    %dma_wait3A_1275 = arith.constant 7 : i32
    %dma_wait3A_1276 = arith.constant 0 : i32
    %dma_wait3A_1277 = arith.constant 0 : i32
    %dma_wait3A_1278 = tpu.memref_slice %arg8[%dma_wait3A_1275, %dma_wait3A_1276, %dma_wait3A_1277] : memref<32x50x32xf32, #tpu.memory_space<vmem>> -> memref<1x50x32xf32, #tpu.memory_space<vmem>>
    %dma_wait3A_1279 = tpu.memref_squeeze %dma_wait3A_1278 : memref<1x50x32xf32, #tpu.memory_space<vmem>> -> memref<50x32xf32, #tpu.memory_space<vmem>>
    %dma_wait3A_1280 = arith.constant 0 : i32
    %dma_wait3A_1281 = tpu.memref_slice %arg6[%dma_wait3A_1274, %dma_wait3A_1280] : memref<32x50xi32, #tpu.memory_space<vmem>> -> memref<1x50xi32, #tpu.memory_space<vmem>>
    %dma_wait3A_1282 = tpu.memref_squeeze %dma_wait3A_1281 : memref<1x50xi32, #tpu.memory_space<vmem>> -> memref<50xi32, #tpu.memory_space<vmem>>
    %dma_wait3A_1283 = arith.constant 0 : i32
    %dma_wait3A_1284 = arith.constant 0 : i32
    %dma_wait3A_1285 = tpu.memref_slice %arg3[%dma_wait3A_1283, %dma_wait3A_1284] : memref<1000000x32xf32, #tpu.memory_space<hbm>> -> memref<1000000x32xf32, #tpu.memory_space<hbm>>
    tpu.wait_indirect_dma semaphore(%arg12 : memref<!tpu.dma_semaphore, #tpu.memory_space<semaphore_mem>>) src(%dma_wait3A_1285 : memref<1000000x32xf32, #tpu.memory_space<hbm>>) dst(%dma_wait3A_1279 : memref<50x32xf32, #tpu.memory_space<vmem>>)
    %dma_wait3A_1286 = arith.constant 8 : i32
    %dma_wait3A_1287 = arith.constant 8 : i32
    %dma_wait3A_1288 = arith.constant 0 : i32
    %dma_wait3A_1289 = arith.constant 0 : i32
    %dma_wait3A_1290 = tpu.memref_slice %arg8[%dma_wait3A_1287, %dma_wait3A_1288, %dma_wait3A_1289] : memref<32x50x32xf32, #tpu.memory_space<vmem>> -> memref<1x50x32xf32, #tpu.memory_space<vmem>>
    %dma_wait3A_1291 = tpu.memref_squeeze %dma_wait3A_1290 : memref<1x50x32xf32, #tpu.memory_space<vmem>> -> memref<50x32xf32, #tpu.memory_space<vmem>>
    %dma_wait3A_1292 = arith.constant 0 : i32
    %dma_wait3A_1293 = tpu.memref_slice %arg6[%dma_wait3A_1286, %dma_wait3A_1292] : memref<32x50xi32, #tpu.memory_space<vmem>> -> memref<1x50xi32, #tpu.memory_space<vmem>>
    %dma_wait3A_1294 = tpu.memref_squeeze %dma_wait3A_1293 : memref<1x50xi32, #tpu.memory_space<vmem>> -> memref<50xi32, #tpu.memory_space<vmem>>
    %dma_wait3A_1295 = arith.constant 0 : i32
    %dma_wait3A_1296 = arith.constant 0 : i32
    %dma_wait3A_1297 = tpu.memref_slice %arg3[%dma_wait3A_1295, %dma_wait3A_1296] : memref<1000000x32xf32, #tpu.memory_space<hbm>> -> memref<1000000x32xf32, #tpu.memory_space<hbm>>
    tpu.wait_indirect_dma semaphore(%arg12 : memref<!tpu.dma_semaphore, #tpu.memory_space<semaphore_mem>>) src(%dma_wait3A_1297 : memref<1000000x32xf32, #tpu.memory_space<hbm>>) dst(%dma_wait3A_1291 : memref<50x32xf32, #tpu.memory_space<vmem>>)
    %dma_wait3A_1298 = arith.constant 9 : i32
    %dma_wait3A_1299 = arith.constant 9 : i32
    %dma_wait3A_1300 = arith.constant 0 : i32
    %dma_wait3A_1301 = arith.constant 0 : i32
    %dma_wait3A_1302 = tpu.memref_slice %arg8[%dma_wait3A_1299, %dma_wait3A_1300, %dma_wait3A_1301] : memref<32x50x32xf32, #tpu.memory_space<vmem>> -> memref<1x50x32xf32, #tpu.memory_space<vmem>>
    %dma_wait3A_1303 = tpu.memref_squeeze %dma_wait3A_1302 : memref<1x50x32xf32, #tpu.memory_space<vmem>> -> memref<50x32xf32, #tpu.memory_space<vmem>>
    %dma_wait3A_1304 = arith.constant 0 : i32
    %dma_wait3A_1305 = tpu.memref_slice %arg6[%dma_wait3A_1298, %dma_wait3A_1304] : memref<32x50xi32, #tpu.memory_space<vmem>> -> memref<1x50xi32, #tpu.memory_space<vmem>>
    %dma_wait3A_1306 = tpu.memref_squeeze %dma_wait3A_1305 : memref<1x50xi32, #tpu.memory_space<vmem>> -> memref<50xi32, #tpu.memory_space<vmem>>
    %dma_wait3A_1307 = arith.constant 0 : i32
    %dma_wait3A_1308 = arith.constant 0 : i32
    %dma_wait3A_1309 = tpu.memref_slice %arg3[%dma_wait3A_1307, %dma_wait3A_1308] : memref<1000000x32xf32, #tpu.memory_space<hbm>> -> memref<1000000x32xf32, #tpu.memory_space<hbm>>
    tpu.wait_indirect_dma semaphore(%arg12 : memref<!tpu.dma_semaphore, #tpu.memory_space<semaphore_mem>>) src(%dma_wait3A_1309 : memref<1000000x32xf32, #tpu.memory_space<hbm>>) dst(%dma_wait3A_1303 : memref<50x32xf32, #tpu.memory_space<vmem>>)
    %dma_wait3A_1310 = arith.constant 10 : i32
    %dma_wait3A_1311 = arith.constant 10 : i32
    %dma_wait3A_1312 = arith.constant 0 : i32
    %dma_wait3A_1313 = arith.constant 0 : i32
    %dma_wait3A_1314 = tpu.memref_slice %arg8[%dma_wait3A_1311, %dma_wait3A_1312, %dma_wait3A_1313] : memref<32x50x32xf32, #tpu.memory_space<vmem>> -> memref<1x50x32xf32, #tpu.memory_space<vmem>>
    %dma_wait3A_1315 = tpu.memref_squeeze %dma_wait3A_1314 : memref<1x50x32xf32, #tpu.memory_space<vmem>> -> memref<50x32xf32, #tpu.memory_space<vmem>>
    %dma_wait3A_1316 = arith.constant 0 : i32
    %dma_wait3A_1317 = tpu.memref_slice %arg6[%dma_wait3A_1310, %dma_wait3A_1316] : memref<32x50xi32, #tpu.memory_space<vmem>> -> memref<1x50xi32, #tpu.memory_space<vmem>>
    %dma_wait3A_1318 = tpu.memref_squeeze %dma_wait3A_1317 : memref<1x50xi32, #tpu.memory_space<vmem>> -> memref<50xi32, #tpu.memory_space<vmem>>
    %dma_wait3A_1319 = arith.constant 0 : i32
    %dma_wait3A_1320 = arith.constant 0 : i32
    %dma_wait3A_1321 = tpu.memref_slice %arg3[%dma_wait3A_1319, %dma_wait3A_1320] : memref<1000000x32xf32, #tpu.memory_space<hbm>> -> memref<1000000x32xf32, #tpu.memory_space<hbm>>
    tpu.wait_indirect_dma semaphore(%arg12 : memref<!tpu.dma_semaphore, #tpu.memory_space<semaphore_mem>>) src(%dma_wait3A_1321 : memref<1000000x32xf32, #tpu.memory_space<hbm>>) dst(%dma_wait3A_1315 : memref<50x32xf32, #tpu.memory_space<vmem>>)
    %dma_wait3A_1322 = arith.constant 11 : i32
    %dma_wait3A_1323 = arith.constant 11 : i32
    %dma_wait3A_1324 = arith.constant 0 : i32
    %dma_wait3A_1325 = arith.constant 0 : i32
    %dma_wait3A_1326 = tpu.memref_slice %arg8[%dma_wait3A_1323, %dma_wait3A_1324, %dma_wait3A_1325] : memref<32x50x32xf32, #tpu.memory_space<vmem>> -> memref<1x50x32xf32, #tpu.memory_space<vmem>>
    %dma_wait3A_1327 = tpu.memref_squeeze %dma_wait3A_1326 : memref<1x50x32xf32, #tpu.memory_space<vmem>> -> memref<50x32xf32, #tpu.memory_space<vmem>>
    %dma_wait3A_1328 = arith.constant 0 : i32
    %dma_wait3A_1329 = tpu.memref_slice %arg6[%dma_wait3A_1322, %dma_wait3A_1328] : memref<32x50xi32, #tpu.memory_space<vmem>> -> memref<1x50xi32, #tpu.memory_space<vmem>>
    %dma_wait3A_1330 = tpu.memref_squeeze %dma_wait3A_1329 : memref<1x50xi32, #tpu.memory_space<vmem>> -> memref<50xi32, #tpu.memory_space<vmem>>
    %dma_wait3A_1331 = arith.constant 0 : i32
    %dma_wait3A_1332 = arith.constant 0 : i32
    %dma_wait3A_1333 = tpu.memref_slice %arg3[%dma_wait3A_1331, %dma_wait3A_1332] : memref<1000000x32xf32, #tpu.memory_space<hbm>> -> memref<1000000x32xf32, #tpu.memory_space<hbm>>
    tpu.wait_indirect_dma semaphore(%arg12 : memref<!tpu.dma_semaphore, #tpu.memory_space<semaphore_mem>>) src(%dma_wait3A_1333 : memref<1000000x32xf32, #tpu.memory_space<hbm>>) dst(%dma_wait3A_1327 : memref<50x32xf32, #tpu.memory_space<vmem>>)
    %dma_wait3A_1334 = arith.constant 12 : i32
    %dma_wait3A_1335 = arith.constant 12 : i32
    %dma_wait3A_1336 = arith.constant 0 : i32
    %dma_wait3A_1337 = arith.constant 0 : i32
    %dma_wait3A_1338 = tpu.memref_slice %arg8[%dma_wait3A_1335, %dma_wait3A_1336, %dma_wait3A_1337] : memref<32x50x32xf32, #tpu.memory_space<vmem>> -> memref<1x50x32xf32, #tpu.memory_space<vmem>>
    %dma_wait3A_1339 = tpu.memref_squeeze %dma_wait3A_1338 : memref<1x50x32xf32, #tpu.memory_space<vmem>> -> memref<50x32xf32, #tpu.memory_space<vmem>>
    %dma_wait3A_1340 = arith.constant 0 : i32
    %dma_wait3A_1341 = tpu.memref_slice %arg6[%dma_wait3A_1334, %dma_wait3A_1340] : memref<32x50xi32, #tpu.memory_space<vmem>> -> memref<1x50xi32, #tpu.memory_space<vmem>>
    %dma_wait3A_1342 = tpu.memref_squeeze %dma_wait3A_1341 : memref<1x50xi32, #tpu.memory_space<vmem>> -> memref<50xi32, #tpu.memory_space<vmem>>
    %dma_wait3A_1343 = arith.constant 0 : i32
    %dma_wait3A_1344 = arith.constant 0 : i32
    %dma_wait3A_1345 = tpu.memref_slice %arg3[%dma_wait3A_1343, %dma_wait3A_1344] : memref<1000000x32xf32, #tpu.memory_space<hbm>> -> memref<1000000x32xf32, #tpu.memory_space<hbm>>
    tpu.wait_indirect_dma semaphore(%arg12 : memref<!tpu.dma_semaphore, #tpu.memory_space<semaphore_mem>>) src(%dma_wait3A_1345 : memref<1000000x32xf32, #tpu.memory_space<hbm>>) dst(%dma_wait3A_1339 : memref<50x32xf32, #tpu.memory_space<vmem>>)
    %dma_wait3A_1346 = arith.constant 13 : i32
    %dma_wait3A_1347 = arith.constant 13 : i32
    %dma_wait3A_1348 = arith.constant 0 : i32
    %dma_wait3A_1349 = arith.constant 0 : i32
    %dma_wait3A_1350 = tpu.memref_slice %arg8[%dma_wait3A_1347, %dma_wait3A_1348, %dma_wait3A_1349] : memref<32x50x32xf32, #tpu.memory_space<vmem>> -> memref<1x50x32xf32, #tpu.memory_space<vmem>>
    %dma_wait3A_1351 = tpu.memref_squeeze %dma_wait3A_1350 : memref<1x50x32xf32, #tpu.memory_space<vmem>> -> memref<50x32xf32, #tpu.memory_space<vmem>>
    %dma_wait3A_1352 = arith.constant 0 : i32
    %dma_wait3A_1353 = tpu.memref_slice %arg6[%dma_wait3A_1346, %dma_wait3A_1352] : memref<32x50xi32, #tpu.memory_space<vmem>> -> memref<1x50xi32, #tpu.memory_space<vmem>>
    %dma_wait3A_1354 = tpu.memref_squeeze %dma_wait3A_1353 : memref<1x50xi32, #tpu.memory_space<vmem>> -> memref<50xi32, #tpu.memory_space<vmem>>
    %dma_wait3A_1355 = arith.constant 0 : i32
    %dma_wait3A_1356 = arith.constant 0 : i32
    %dma_wait3A_1357 = tpu.memref_slice %arg3[%dma_wait3A_1355, %dma_wait3A_1356] : memref<1000000x32xf32, #tpu.memory_space<hbm>> -> memref<1000000x32xf32, #tpu.memory_space<hbm>>
    tpu.wait_indirect_dma semaphore(%arg12 : memref<!tpu.dma_semaphore, #tpu.memory_space<semaphore_mem>>) src(%dma_wait3A_1357 : memref<1000000x32xf32, #tpu.memory_space<hbm>>) dst(%dma_wait3A_1351 : memref<50x32xf32, #tpu.memory_space<vmem>>)
    %dma_wait3A_1358 = arith.constant 14 : i32
    %dma_wait3A_1359 = arith.constant 14 : i32
    %dma_wait3A_1360 = arith.constant 0 : i32
    %dma_wait3A_1361 = arith.constant 0 : i32
    %dma_wait3A_1362 = tpu.memref_slice %arg8[%dma_wait3A_1359, %dma_wait3A_1360, %dma_wait3A_1361] : memref<32x50x32xf32, #tpu.memory_space<vmem>> -> memref<1x50x32xf32, #tpu.memory_space<vmem>>
    %dma_wait3A_1363 = tpu.memref_squeeze %dma_wait3A_1362 : memref<1x50x32xf32, #tpu.memory_space<vmem>> -> memref<50x32xf32, #tpu.memory_space<vmem>>
    %dma_wait3A_1364 = arith.constant 0 : i32
    %dma_wait3A_1365 = tpu.memref_slice %arg6[%dma_wait3A_1358, %dma_wait3A_1364] : memref<32x50xi32, #tpu.memory_space<vmem>> -> memref<1x50xi32, #tpu.memory_space<vmem>>
    %dma_wait3A_1366 = tpu.memref_squeeze %dma_wait3A_1365 : memref<1x50xi32, #tpu.memory_space<vmem>> -> memref<50xi32, #tpu.memory_space<vmem>>
    %dma_wait3A_1367 = arith.constant 0 : i32
    %dma_wait3A_1368 = arith.constant 0 : i32
    %dma_wait3A_1369 = tpu.memref_slice %arg3[%dma_wait3A_1367, %dma_wait3A_1368] : memref<1000000x32xf32, #tpu.memory_space<hbm>> -> memref<1000000x32xf32, #tpu.memory_space<hbm>>
    tpu.wait_indirect_dma semaphore(%arg12 : memref<!tpu.dma_semaphore, #tpu.memory_space<semaphore_mem>>) src(%dma_wait3A_1369 : memref<1000000x32xf32, #tpu.memory_space<hbm>>) dst(%dma_wait3A_1363 : memref<50x32xf32, #tpu.memory_space<vmem>>)
    %dma_wait3A_1370 = arith.constant 15 : i32
    %dma_wait3A_1371 = arith.constant 15 : i32
    %dma_wait3A_1372 = arith.constant 0 : i32
    %dma_wait3A_1373 = arith.constant 0 : i32
    %dma_wait3A_1374 = tpu.memref_slice %arg8[%dma_wait3A_1371, %dma_wait3A_1372, %dma_wait3A_1373] : memref<32x50x32xf32, #tpu.memory_space<vmem>> -> memref<1x50x32xf32, #tpu.memory_space<vmem>>
    %dma_wait3A_1375 = tpu.memref_squeeze %dma_wait3A_1374 : memref<1x50x32xf32, #tpu.memory_space<vmem>> -> memref<50x32xf32, #tpu.memory_space<vmem>>
    %dma_wait3A_1376 = arith.constant 0 : i32
    %dma_wait3A_1377 = tpu.memref_slice %arg6[%dma_wait3A_1370, %dma_wait3A_1376] : memref<32x50xi32, #tpu.memory_space<vmem>> -> memref<1x50xi32, #tpu.memory_space<vmem>>
    %dma_wait3A_1378 = tpu.memref_squeeze %dma_wait3A_1377 : memref<1x50xi32, #tpu.memory_space<vmem>> -> memref<50xi32, #tpu.memory_space<vmem>>
    %dma_wait3A_1379 = arith.constant 0 : i32
    %dma_wait3A_1380 = arith.constant 0 : i32
    %dma_wait3A_1381 = tpu.memref_slice %arg3[%dma_wait3A_1379, %dma_wait3A_1380] : memref<1000000x32xf32, #tpu.memory_space<hbm>> -> memref<1000000x32xf32, #tpu.memory_space<hbm>>
    tpu.wait_indirect_dma semaphore(%arg12 : memref<!tpu.dma_semaphore, #tpu.memory_space<semaphore_mem>>) src(%dma_wait3A_1381 : memref<1000000x32xf32, #tpu.memory_space<hbm>>) dst(%dma_wait3A_1375 : memref<50x32xf32, #tpu.memory_space<vmem>>)
    %dma_wait3A_1382 = arith.constant 16 : i32
    %dma_wait3A_1383 = arith.constant 16 : i32
    %dma_wait3A_1384 = arith.constant 0 : i32
    %dma_wait3A_1385 = arith.constant 0 : i32
    %dma_wait3A_1386 = tpu.memref_slice %arg8[%dma_wait3A_1383, %dma_wait3A_1384, %dma_wait3A_1385] : memref<32x50x32xf32, #tpu.memory_space<vmem>> -> memref<1x50x32xf32, #tpu.memory_space<vmem>>
    %dma_wait3A_1387 = tpu.memref_squeeze %dma_wait3A_1386 : memref<1x50x32xf32, #tpu.memory_space<vmem>> -> memref<50x32xf32, #tpu.memory_space<vmem>>
    %dma_wait3A_1388 = arith.constant 0 : i32
    %dma_wait3A_1389 = tpu.memref_slice %arg6[%dma_wait3A_1382, %dma_wait3A_1388] : memref<32x50xi32, #tpu.memory_space<vmem>> -> memref<1x50xi32, #tpu.memory_space<vmem>>
    %dma_wait3A_1390 = tpu.memref_squeeze %dma_wait3A_1389 : memref<1x50xi32, #tpu.memory_space<vmem>> -> memref<50xi32, #tpu.memory_space<vmem>>
    %dma_wait3A_1391 = arith.constant 0 : i32
    %dma_wait3A_1392 = arith.constant 0 : i32
    %dma_wait3A_1393 = tpu.memref_slice %arg3[%dma_wait3A_1391, %dma_wait3A_1392] : memref<1000000x32xf32, #tpu.memory_space<hbm>> -> memref<1000000x32xf32, #tpu.memory_space<hbm>>
    tpu.wait_indirect_dma semaphore(%arg12 : memref<!tpu.dma_semaphore, #tpu.memory_space<semaphore_mem>>) src(%dma_wait3A_1393 : memref<1000000x32xf32, #tpu.memory_space<hbm>>) dst(%dma_wait3A_1387 : memref<50x32xf32, #tpu.memory_space<vmem>>)
    %dma_wait3A_1394 = arith.constant 17 : i32
    %dma_wait3A_1395 = arith.constant 17 : i32
    %dma_wait3A_1396 = arith.constant 0 : i32
    %dma_wait3A_1397 = arith.constant 0 : i32
    %dma_wait3A_1398 = tpu.memref_slice %arg8[%dma_wait3A_1395, %dma_wait3A_1396, %dma_wait3A_1397] : memref<32x50x32xf32, #tpu.memory_space<vmem>> -> memref<1x50x32xf32, #tpu.memory_space<vmem>>
    %dma_wait3A_1399 = tpu.memref_squeeze %dma_wait3A_1398 : memref<1x50x32xf32, #tpu.memory_space<vmem>> -> memref<50x32xf32, #tpu.memory_space<vmem>>
    %dma_wait3A_1400 = arith.constant 0 : i32
    %dma_wait3A_1401 = tpu.memref_slice %arg6[%dma_wait3A_1394, %dma_wait3A_1400] : memref<32x50xi32, #tpu.memory_space<vmem>> -> memref<1x50xi32, #tpu.memory_space<vmem>>
    %dma_wait3A_1402 = tpu.memref_squeeze %dma_wait3A_1401 : memref<1x50xi32, #tpu.memory_space<vmem>> -> memref<50xi32, #tpu.memory_space<vmem>>
    %dma_wait3A_1403 = arith.constant 0 : i32
    %dma_wait3A_1404 = arith.constant 0 : i32
    %dma_wait3A_1405 = tpu.memref_slice %arg3[%dma_wait3A_1403, %dma_wait3A_1404] : memref<1000000x32xf32, #tpu.memory_space<hbm>> -> memref<1000000x32xf32, #tpu.memory_space<hbm>>
    tpu.wait_indirect_dma semaphore(%arg12 : memref<!tpu.dma_semaphore, #tpu.memory_space<semaphore_mem>>) src(%dma_wait3A_1405 : memref<1000000x32xf32, #tpu.memory_space<hbm>>) dst(%dma_wait3A_1399 : memref<50x32xf32, #tpu.memory_space<vmem>>)
    %dma_wait3A_1406 = arith.constant 18 : i32
    %dma_wait3A_1407 = arith.constant 18 : i32
    %dma_wait3A_1408 = arith.constant 0 : i32
    %dma_wait3A_1409 = arith.constant 0 : i32
    %dma_wait3A_1410 = tpu.memref_slice %arg8[%dma_wait3A_1407, %dma_wait3A_1408, %dma_wait3A_1409] : memref<32x50x32xf32, #tpu.memory_space<vmem>> -> memref<1x50x32xf32, #tpu.memory_space<vmem>>
    %dma_wait3A_1411 = tpu.memref_squeeze %dma_wait3A_1410 : memref<1x50x32xf32, #tpu.memory_space<vmem>> -> memref<50x32xf32, #tpu.memory_space<vmem>>
    %dma_wait3A_1412 = arith.constant 0 : i32
    %dma_wait3A_1413 = tpu.memref_slice %arg6[%dma_wait3A_1406, %dma_wait3A_1412] : memref<32x50xi32, #tpu.memory_space<vmem>> -> memref<1x50xi32, #tpu.memory_space<vmem>>
    %dma_wait3A_1414 = tpu.memref_squeeze %dma_wait3A_1413 : memref<1x50xi32, #tpu.memory_space<vmem>> -> memref<50xi32, #tpu.memory_space<vmem>>
    %dma_wait3A_1415 = arith.constant 0 : i32
    %dma_wait3A_1416 = arith.constant 0 : i32
    %dma_wait3A_1417 = tpu.memref_slice %arg3[%dma_wait3A_1415, %dma_wait3A_1416] : memref<1000000x32xf32, #tpu.memory_space<hbm>> -> memref<1000000x32xf32, #tpu.memory_space<hbm>>
    tpu.wait_indirect_dma semaphore(%arg12 : memref<!tpu.dma_semaphore, #tpu.memory_space<semaphore_mem>>) src(%dma_wait3A_1417 : memref<1000000x32xf32, #tpu.memory_space<hbm>>) dst(%dma_wait3A_1411 : memref<50x32xf32, #tpu.memory_space<vmem>>)
    %dma_wait3A_1418 = arith.constant 19 : i32
    %dma_wait3A_1419 = arith.constant 19 : i32
    %dma_wait3A_1420 = arith.constant 0 : i32
    %dma_wait3A_1421 = arith.constant 0 : i32
    %dma_wait3A_1422 = tpu.memref_slice %arg8[%dma_wait3A_1419, %dma_wait3A_1420, %dma_wait3A_1421] : memref<32x50x32xf32, #tpu.memory_space<vmem>> -> memref<1x50x32xf32, #tpu.memory_space<vmem>>
    %dma_wait3A_1423 = tpu.memref_squeeze %dma_wait3A_1422 : memref<1x50x32xf32, #tpu.memory_space<vmem>> -> memref<50x32xf32, #tpu.memory_space<vmem>>
    %dma_wait3A_1424 = arith.constant 0 : i32
    %dma_wait3A_1425 = tpu.memref_slice %arg6[%dma_wait3A_1418, %dma_wait3A_1424] : memref<32x50xi32, #tpu.memory_space<vmem>> -> memref<1x50xi32, #tpu.memory_space<vmem>>
    %dma_wait3A_1426 = tpu.memref_squeeze %dma_wait3A_1425 : memref<1x50xi32, #tpu.memory_space<vmem>> -> memref<50xi32, #tpu.memory_space<vmem>>
    %dma_wait3A_1427 = arith.constant 0 : i32
    %dma_wait3A_1428 = arith.constant 0 : i32
    %dma_wait3A_1429 = tpu.memref_slice %arg3[%dma_wait3A_1427, %dma_wait3A_1428] : memref<1000000x32xf32, #tpu.memory_space<hbm>> -> memref<1000000x32xf32, #tpu.memory_space<hbm>>
    tpu.wait_indirect_dma semaphore(%arg12 : memref<!tpu.dma_semaphore, #tpu.memory_space<semaphore_mem>>) src(%dma_wait3A_1429 : memref<1000000x32xf32, #tpu.memory_space<hbm>>) dst(%dma_wait3A_1423 : memref<50x32xf32, #tpu.memory_space<vmem>>)
    %dma_wait3A_1430 = arith.constant 20 : i32
    %dma_wait3A_1431 = arith.constant 20 : i32
    %dma_wait3A_1432 = arith.constant 0 : i32
    %dma_wait3A_1433 = arith.constant 0 : i32
    %dma_wait3A_1434 = tpu.memref_slice %arg8[%dma_wait3A_1431, %dma_wait3A_1432, %dma_wait3A_1433] : memref<32x50x32xf32, #tpu.memory_space<vmem>> -> memref<1x50x32xf32, #tpu.memory_space<vmem>>
    %dma_wait3A_1435 = tpu.memref_squeeze %dma_wait3A_1434 : memref<1x50x32xf32, #tpu.memory_space<vmem>> -> memref<50x32xf32, #tpu.memory_space<vmem>>
    %dma_wait3A_1436 = arith.constant 0 : i32
    %dma_wait3A_1437 = tpu.memref_slice %arg6[%dma_wait3A_1430, %dma_wait3A_1436] : memref<32x50xi32, #tpu.memory_space<vmem>> -> memref<1x50xi32, #tpu.memory_space<vmem>>
    %dma_wait3A_1438 = tpu.memref_squeeze %dma_wait3A_1437 : memref<1x50xi32, #tpu.memory_space<vmem>> -> memref<50xi32, #tpu.memory_space<vmem>>
    %dma_wait3A_1439 = arith.constant 0 : i32
    %dma_wait3A_1440 = arith.constant 0 : i32
    %dma_wait3A_1441 = tpu.memref_slice %arg3[%dma_wait3A_1439, %dma_wait3A_1440] : memref<1000000x32xf32, #tpu.memory_space<hbm>> -> memref<1000000x32xf32, #tpu.memory_space<hbm>>
    tpu.wait_indirect_dma semaphore(%arg12 : memref<!tpu.dma_semaphore, #tpu.memory_space<semaphore_mem>>) src(%dma_wait3A_1441 : memref<1000000x32xf32, #tpu.memory_space<hbm>>) dst(%dma_wait3A_1435 : memref<50x32xf32, #tpu.memory_space<vmem>>)
    %dma_wait3A_1442 = arith.constant 21 : i32
    %dma_wait3A_1443 = arith.constant 21 : i32
    %dma_wait3A_1444 = arith.constant 0 : i32
    %dma_wait3A_1445 = arith.constant 0 : i32
    %dma_wait3A_1446 = tpu.memref_slice %arg8[%dma_wait3A_1443, %dma_wait3A_1444, %dma_wait3A_1445] : memref<32x50x32xf32, #tpu.memory_space<vmem>> -> memref<1x50x32xf32, #tpu.memory_space<vmem>>
    %dma_wait3A_1447 = tpu.memref_squeeze %dma_wait3A_1446 : memref<1x50x32xf32, #tpu.memory_space<vmem>> -> memref<50x32xf32, #tpu.memory_space<vmem>>
    %dma_wait3A_1448 = arith.constant 0 : i32
    %dma_wait3A_1449 = tpu.memref_slice %arg6[%dma_wait3A_1442, %dma_wait3A_1448] : memref<32x50xi32, #tpu.memory_space<vmem>> -> memref<1x50xi32, #tpu.memory_space<vmem>>
    %dma_wait3A_1450 = tpu.memref_squeeze %dma_wait3A_1449 : memref<1x50xi32, #tpu.memory_space<vmem>> -> memref<50xi32, #tpu.memory_space<vmem>>
    %dma_wait3A_1451 = arith.constant 0 : i32
    %dma_wait3A_1452 = arith.constant 0 : i32
    %dma_wait3A_1453 = tpu.memref_slice %arg3[%dma_wait3A_1451, %dma_wait3A_1452] : memref<1000000x32xf32, #tpu.memory_space<hbm>> -> memref<1000000x32xf32, #tpu.memory_space<hbm>>
    tpu.wait_indirect_dma semaphore(%arg12 : memref<!tpu.dma_semaphore, #tpu.memory_space<semaphore_mem>>) src(%dma_wait3A_1453 : memref<1000000x32xf32, #tpu.memory_space<hbm>>) dst(%dma_wait3A_1447 : memref<50x32xf32, #tpu.memory_space<vmem>>)
    %dma_wait3A_1454 = arith.constant 22 : i32
    %dma_wait3A_1455 = arith.constant 22 : i32
    %dma_wait3A_1456 = arith.constant 0 : i32
    %dma_wait3A_1457 = arith.constant 0 : i32
    %dma_wait3A_1458 = tpu.memref_slice %arg8[%dma_wait3A_1455, %dma_wait3A_1456, %dma_wait3A_1457] : memref<32x50x32xf32, #tpu.memory_space<vmem>> -> memref<1x50x32xf32, #tpu.memory_space<vmem>>
    %dma_wait3A_1459 = tpu.memref_squeeze %dma_wait3A_1458 : memref<1x50x32xf32, #tpu.memory_space<vmem>> -> memref<50x32xf32, #tpu.memory_space<vmem>>
    %dma_wait3A_1460 = arith.constant 0 : i32
    %dma_wait3A_1461 = tpu.memref_slice %arg6[%dma_wait3A_1454, %dma_wait3A_1460] : memref<32x50xi32, #tpu.memory_space<vmem>> -> memref<1x50xi32, #tpu.memory_space<vmem>>
    %dma_wait3A_1462 = tpu.memref_squeeze %dma_wait3A_1461 : memref<1x50xi32, #tpu.memory_space<vmem>> -> memref<50xi32, #tpu.memory_space<vmem>>
    %dma_wait3A_1463 = arith.constant 0 : i32
    %dma_wait3A_1464 = arith.constant 0 : i32
    %dma_wait3A_1465 = tpu.memref_slice %arg3[%dma_wait3A_1463, %dma_wait3A_1464] : memref<1000000x32xf32, #tpu.memory_space<hbm>> -> memref<1000000x32xf32, #tpu.memory_space<hbm>>
    tpu.wait_indirect_dma semaphore(%arg12 : memref<!tpu.dma_semaphore, #tpu.memory_space<semaphore_mem>>) src(%dma_wait3A_1465 : memref<1000000x32xf32, #tpu.memory_space<hbm>>) dst(%dma_wait3A_1459 : memref<50x32xf32, #tpu.memory_space<vmem>>)
    %dma_wait3A_1466 = arith.constant 23 : i32
    %dma_wait3A_1467 = arith.constant 23 : i32
    %dma_wait3A_1468 = arith.constant 0 : i32
    %dma_wait3A_1469 = arith.constant 0 : i32
    %dma_wait3A_1470 = tpu.memref_slice %arg8[%dma_wait3A_1467, %dma_wait3A_1468, %dma_wait3A_1469] : memref<32x50x32xf32, #tpu.memory_space<vmem>> -> memref<1x50x32xf32, #tpu.memory_space<vmem>>
    %dma_wait3A_1471 = tpu.memref_squeeze %dma_wait3A_1470 : memref<1x50x32xf32, #tpu.memory_space<vmem>> -> memref<50x32xf32, #tpu.memory_space<vmem>>
    %dma_wait3A_1472 = arith.constant 0 : i32
    %dma_wait3A_1473 = tpu.memref_slice %arg6[%dma_wait3A_1466, %dma_wait3A_1472] : memref<32x50xi32, #tpu.memory_space<vmem>> -> memref<1x50xi32, #tpu.memory_space<vmem>>
    %dma_wait3A_1474 = tpu.memref_squeeze %dma_wait3A_1473 : memref<1x50xi32, #tpu.memory_space<vmem>> -> memref<50xi32, #tpu.memory_space<vmem>>
    %dma_wait3A_1475 = arith.constant 0 : i32
    %dma_wait3A_1476 = arith.constant 0 : i32
    %dma_wait3A_1477 = tpu.memref_slice %arg3[%dma_wait3A_1475, %dma_wait3A_1476] : memref<1000000x32xf32, #tpu.memory_space<hbm>> -> memref<1000000x32xf32, #tpu.memory_space<hbm>>
    tpu.wait_indirect_dma semaphore(%arg12 : memref<!tpu.dma_semaphore, #tpu.memory_space<semaphore_mem>>) src(%dma_wait3A_1477 : memref<1000000x32xf32, #tpu.memory_space<hbm>>) dst(%dma_wait3A_1471 : memref<50x32xf32, #tpu.memory_space<vmem>>)
    %dma_wait3A_1478 = arith.constant 24 : i32
    %dma_wait3A_1479 = arith.constant 24 : i32
    %dma_wait3A_1480 = arith.constant 0 : i32
    %dma_wait3A_1481 = arith.constant 0 : i32
    %dma_wait3A_1482 = tpu.memref_slice %arg8[%dma_wait3A_1479, %dma_wait3A_1480, %dma_wait3A_1481] : memref<32x50x32xf32, #tpu.memory_space<vmem>> -> memref<1x50x32xf32, #tpu.memory_space<vmem>>
    %dma_wait3A_1483 = tpu.memref_squeeze %dma_wait3A_1482 : memref<1x50x32xf32, #tpu.memory_space<vmem>> -> memref<50x32xf32, #tpu.memory_space<vmem>>
    %dma_wait3A_1484 = arith.constant 0 : i32
    %dma_wait3A_1485 = tpu.memref_slice %arg6[%dma_wait3A_1478, %dma_wait3A_1484] : memref<32x50xi32, #tpu.memory_space<vmem>> -> memref<1x50xi32, #tpu.memory_space<vmem>>
    %dma_wait3A_1486 = tpu.memref_squeeze %dma_wait3A_1485 : memref<1x50xi32, #tpu.memory_space<vmem>> -> memref<50xi32, #tpu.memory_space<vmem>>
    %dma_wait3A_1487 = arith.constant 0 : i32
    %dma_wait3A_1488 = arith.constant 0 : i32
    %dma_wait3A_1489 = tpu.memref_slice %arg3[%dma_wait3A_1487, %dma_wait3A_1488] : memref<1000000x32xf32, #tpu.memory_space<hbm>> -> memref<1000000x32xf32, #tpu.memory_space<hbm>>
    tpu.wait_indirect_dma semaphore(%arg12 : memref<!tpu.dma_semaphore, #tpu.memory_space<semaphore_mem>>) src(%dma_wait3A_1489 : memref<1000000x32xf32, #tpu.memory_space<hbm>>) dst(%dma_wait3A_1483 : memref<50x32xf32, #tpu.memory_space<vmem>>)
    %dma_wait3A_1490 = arith.constant 25 : i32
    %dma_wait3A_1491 = arith.constant 25 : i32
    %dma_wait3A_1492 = arith.constant 0 : i32
    %dma_wait3A_1493 = arith.constant 0 : i32
    %dma_wait3A_1494 = tpu.memref_slice %arg8[%dma_wait3A_1491, %dma_wait3A_1492, %dma_wait3A_1493] : memref<32x50x32xf32, #tpu.memory_space<vmem>> -> memref<1x50x32xf32, #tpu.memory_space<vmem>>
    %dma_wait3A_1495 = tpu.memref_squeeze %dma_wait3A_1494 : memref<1x50x32xf32, #tpu.memory_space<vmem>> -> memref<50x32xf32, #tpu.memory_space<vmem>>
    %dma_wait3A_1496 = arith.constant 0 : i32
    %dma_wait3A_1497 = tpu.memref_slice %arg6[%dma_wait3A_1490, %dma_wait3A_1496] : memref<32x50xi32, #tpu.memory_space<vmem>> -> memref<1x50xi32, #tpu.memory_space<vmem>>
    %dma_wait3A_1498 = tpu.memref_squeeze %dma_wait3A_1497 : memref<1x50xi32, #tpu.memory_space<vmem>> -> memref<50xi32, #tpu.memory_space<vmem>>
    %dma_wait3A_1499 = arith.constant 0 : i32
    %dma_wait3A_1500 = arith.constant 0 : i32
    %dma_wait3A_1501 = tpu.memref_slice %arg3[%dma_wait3A_1499, %dma_wait3A_1500] : memref<1000000x32xf32, #tpu.memory_space<hbm>> -> memref<1000000x32xf32, #tpu.memory_space<hbm>>
    tpu.wait_indirect_dma semaphore(%arg12 : memref<!tpu.dma_semaphore, #tpu.memory_space<semaphore_mem>>) src(%dma_wait3A_1501 : memref<1000000x32xf32, #tpu.memory_space<hbm>>) dst(%dma_wait3A_1495 : memref<50x32xf32, #tpu.memory_space<vmem>>)
    %dma_wait3A_1502 = arith.constant 26 : i32
    %dma_wait3A_1503 = arith.constant 26 : i32
    %dma_wait3A_1504 = arith.constant 0 : i32
    %dma_wait3A_1505 = arith.constant 0 : i32
    %dma_wait3A_1506 = tpu.memref_slice %arg8[%dma_wait3A_1503, %dma_wait3A_1504, %dma_wait3A_1505] : memref<32x50x32xf32, #tpu.memory_space<vmem>> -> memref<1x50x32xf32, #tpu.memory_space<vmem>>
    %dma_wait3A_1507 = tpu.memref_squeeze %dma_wait3A_1506 : memref<1x50x32xf32, #tpu.memory_space<vmem>> -> memref<50x32xf32, #tpu.memory_space<vmem>>
    %dma_wait3A_1508 = arith.constant 0 : i32
    %dma_wait3A_1509 = tpu.memref_slice %arg6[%dma_wait3A_1502, %dma_wait3A_1508] : memref<32x50xi32, #tpu.memory_space<vmem>> -> memref<1x50xi32, #tpu.memory_space<vmem>>
    %dma_wait3A_1510 = tpu.memref_squeeze %dma_wait3A_1509 : memref<1x50xi32, #tpu.memory_space<vmem>> -> memref<50xi32, #tpu.memory_space<vmem>>
    %dma_wait3A_1511 = arith.constant 0 : i32
    %dma_wait3A_1512 = arith.constant 0 : i32
    %dma_wait3A_1513 = tpu.memref_slice %arg3[%dma_wait3A_1511, %dma_wait3A_1512] : memref<1000000x32xf32, #tpu.memory_space<hbm>> -> memref<1000000x32xf32, #tpu.memory_space<hbm>>
    tpu.wait_indirect_dma semaphore(%arg12 : memref<!tpu.dma_semaphore, #tpu.memory_space<semaphore_mem>>) src(%dma_wait3A_1513 : memref<1000000x32xf32, #tpu.memory_space<hbm>>) dst(%dma_wait3A_1507 : memref<50x32xf32, #tpu.memory_space<vmem>>)
    %dma_wait3A_1514 = arith.constant 27 : i32
    %dma_wait3A_1515 = arith.constant 27 : i32
    %dma_wait3A_1516 = arith.constant 0 : i32
    %dma_wait3A_1517 = arith.constant 0 : i32
    %dma_wait3A_1518 = tpu.memref_slice %arg8[%dma_wait3A_1515, %dma_wait3A_1516, %dma_wait3A_1517] : memref<32x50x32xf32, #tpu.memory_space<vmem>> -> memref<1x50x32xf32, #tpu.memory_space<vmem>>
    %dma_wait3A_1519 = tpu.memref_squeeze %dma_wait3A_1518 : memref<1x50x32xf32, #tpu.memory_space<vmem>> -> memref<50x32xf32, #tpu.memory_space<vmem>>
    %dma_wait3A_1520 = arith.constant 0 : i32
    %dma_wait3A_1521 = tpu.memref_slice %arg6[%dma_wait3A_1514, %dma_wait3A_1520] : memref<32x50xi32, #tpu.memory_space<vmem>> -> memref<1x50xi32, #tpu.memory_space<vmem>>
    %dma_wait3A_1522 = tpu.memref_squeeze %dma_wait3A_1521 : memref<1x50xi32, #tpu.memory_space<vmem>> -> memref<50xi32, #tpu.memory_space<vmem>>
    %dma_wait3A_1523 = arith.constant 0 : i32
    %dma_wait3A_1524 = arith.constant 0 : i32
    %dma_wait3A_1525 = tpu.memref_slice %arg3[%dma_wait3A_1523, %dma_wait3A_1524] : memref<1000000x32xf32, #tpu.memory_space<hbm>> -> memref<1000000x32xf32, #tpu.memory_space<hbm>>
    tpu.wait_indirect_dma semaphore(%arg12 : memref<!tpu.dma_semaphore, #tpu.memory_space<semaphore_mem>>) src(%dma_wait3A_1525 : memref<1000000x32xf32, #tpu.memory_space<hbm>>) dst(%dma_wait3A_1519 : memref<50x32xf32, #tpu.memory_space<vmem>>)
    %dma_wait3A_1526 = arith.constant 28 : i32
    %dma_wait3A_1527 = arith.constant 28 : i32
    %dma_wait3A_1528 = arith.constant 0 : i32
    %dma_wait3A_1529 = arith.constant 0 : i32
    %dma_wait3A_1530 = tpu.memref_slice %arg8[%dma_wait3A_1527, %dma_wait3A_1528, %dma_wait3A_1529] : memref<32x50x32xf32, #tpu.memory_space<vmem>> -> memref<1x50x32xf32, #tpu.memory_space<vmem>>
    %dma_wait3A_1531 = tpu.memref_squeeze %dma_wait3A_1530 : memref<1x50x32xf32, #tpu.memory_space<vmem>> -> memref<50x32xf32, #tpu.memory_space<vmem>>
    %dma_wait3A_1532 = arith.constant 0 : i32
    %dma_wait3A_1533 = tpu.memref_slice %arg6[%dma_wait3A_1526, %dma_wait3A_1532] : memref<32x50xi32, #tpu.memory_space<vmem>> -> memref<1x50xi32, #tpu.memory_space<vmem>>
    %dma_wait3A_1534 = tpu.memref_squeeze %dma_wait3A_1533 : memref<1x50xi32, #tpu.memory_space<vmem>> -> memref<50xi32, #tpu.memory_space<vmem>>
    %dma_wait3A_1535 = arith.constant 0 : i32
    %dma_wait3A_1536 = arith.constant 0 : i32
    %dma_wait3A_1537 = tpu.memref_slice %arg3[%dma_wait3A_1535, %dma_wait3A_1536] : memref<1000000x32xf32, #tpu.memory_space<hbm>> -> memref<1000000x32xf32, #tpu.memory_space<hbm>>
    tpu.wait_indirect_dma semaphore(%arg12 : memref<!tpu.dma_semaphore, #tpu.memory_space<semaphore_mem>>) src(%dma_wait3A_1537 : memref<1000000x32xf32, #tpu.memory_space<hbm>>) dst(%dma_wait3A_1531 : memref<50x32xf32, #tpu.memory_space<vmem>>)
    %dma_wait3A_1538 = arith.constant 29 : i32
    %dma_wait3A_1539 = arith.constant 29 : i32
    %dma_wait3A_1540 = arith.constant 0 : i32
    %dma_wait3A_1541 = arith.constant 0 : i32
    %dma_wait3A_1542 = tpu.memref_slice %arg8[%dma_wait3A_1539, %dma_wait3A_1540, %dma_wait3A_1541] : memref<32x50x32xf32, #tpu.memory_space<vmem>> -> memref<1x50x32xf32, #tpu.memory_space<vmem>>
    %dma_wait3A_1543 = tpu.memref_squeeze %dma_wait3A_1542 : memref<1x50x32xf32, #tpu.memory_space<vmem>> -> memref<50x32xf32, #tpu.memory_space<vmem>>
    %dma_wait3A_1544 = arith.constant 0 : i32
    %dma_wait3A_1545 = tpu.memref_slice %arg6[%dma_wait3A_1538, %dma_wait3A_1544] : memref<32x50xi32, #tpu.memory_space<vmem>> -> memref<1x50xi32, #tpu.memory_space<vmem>>
    %dma_wait3A_1546 = tpu.memref_squeeze %dma_wait3A_1545 : memref<1x50xi32, #tpu.memory_space<vmem>> -> memref<50xi32, #tpu.memory_space<vmem>>
    %dma_wait3A_1547 = arith.constant 0 : i32
    %dma_wait3A_1548 = arith.constant 0 : i32
    %dma_wait3A_1549 = tpu.memref_slice %arg3[%dma_wait3A_1547, %dma_wait3A_1548] : memref<1000000x32xf32, #tpu.memory_space<hbm>> -> memref<1000000x32xf32, #tpu.memory_space<hbm>>
    tpu.wait_indirect_dma semaphore(%arg12 : memref<!tpu.dma_semaphore, #tpu.memory_space<semaphore_mem>>) src(%dma_wait3A_1549 : memref<1000000x32xf32, #tpu.memory_space<hbm>>) dst(%dma_wait3A_1543 : memref<50x32xf32, #tpu.memory_space<vmem>>)
    %dma_wait3A_1550 = arith.constant 30 : i32
    %dma_wait3A_1551 = arith.constant 30 : i32
    %dma_wait3A_1552 = arith.constant 0 : i32
    %dma_wait3A_1553 = arith.constant 0 : i32
    %dma_wait3A_1554 = tpu.memref_slice %arg8[%dma_wait3A_1551, %dma_wait3A_1552, %dma_wait3A_1553] : memref<32x50x32xf32, #tpu.memory_space<vmem>> -> memref<1x50x32xf32, #tpu.memory_space<vmem>>
    %dma_wait3A_1555 = tpu.memref_squeeze %dma_wait3A_1554 : memref<1x50x32xf32, #tpu.memory_space<vmem>> -> memref<50x32xf32, #tpu.memory_space<vmem>>
    %dma_wait3A_1556 = arith.constant 0 : i32
    %dma_wait3A_1557 = tpu.memref_slice %arg6[%dma_wait3A_1550, %dma_wait3A_1556] : memref<32x50xi32, #tpu.memory_space<vmem>> -> memref<1x50xi32, #tpu.memory_space<vmem>>
    %dma_wait3A_1558 = tpu.memref_squeeze %dma_wait3A_1557 : memref<1x50xi32, #tpu.memory_space<vmem>> -> memref<50xi32, #tpu.memory_space<vmem>>
    %dma_wait3A_1559 = arith.constant 0 : i32
    %dma_wait3A_1560 = arith.constant 0 : i32
    %dma_wait3A_1561 = tpu.memref_slice %arg3[%dma_wait3A_1559, %dma_wait3A_1560] : memref<1000000x32xf32, #tpu.memory_space<hbm>> -> memref<1000000x32xf32, #tpu.memory_space<hbm>>
    tpu.wait_indirect_dma semaphore(%arg12 : memref<!tpu.dma_semaphore, #tpu.memory_space<semaphore_mem>>) src(%dma_wait3A_1561 : memref<1000000x32xf32, #tpu.memory_space<hbm>>) dst(%dma_wait3A_1555 : memref<50x32xf32, #tpu.memory_space<vmem>>)
    %dma_wait3A_1562 = arith.constant 31 : i32
    %dma_wait3A_1563 = arith.constant 31 : i32
    %dma_wait3A_1564 = arith.constant 0 : i32
    %dma_wait3A_1565 = arith.constant 0 : i32
    %dma_wait3A_1566 = tpu.memref_slice %arg8[%dma_wait3A_1563, %dma_wait3A_1564, %dma_wait3A_1565] : memref<32x50x32xf32, #tpu.memory_space<vmem>> -> memref<1x50x32xf32, #tpu.memory_space<vmem>>
    %dma_wait3A_1567 = tpu.memref_squeeze %dma_wait3A_1566 : memref<1x50x32xf32, #tpu.memory_space<vmem>> -> memref<50x32xf32, #tpu.memory_space<vmem>>
    %dma_wait3A_1568 = arith.constant 0 : i32
    %dma_wait3A_1569 = tpu.memref_slice %arg6[%dma_wait3A_1562, %dma_wait3A_1568] : memref<32x50xi32, #tpu.memory_space<vmem>> -> memref<1x50xi32, #tpu.memory_space<vmem>>
    %dma_wait3A_1570 = tpu.memref_squeeze %dma_wait3A_1569 : memref<1x50xi32, #tpu.memory_space<vmem>> -> memref<50xi32, #tpu.memory_space<vmem>>
    %dma_wait3A_1571 = arith.constant 0 : i32
    %dma_wait3A_1572 = arith.constant 0 : i32
    %dma_wait3A_1573 = tpu.memref_slice %arg3[%dma_wait3A_1571, %dma_wait3A_1572] : memref<1000000x32xf32, #tpu.memory_space<hbm>> -> memref<1000000x32xf32, #tpu.memory_space<hbm>>
    tpu.wait_indirect_dma semaphore(%arg12 : memref<!tpu.dma_semaphore, #tpu.memory_space<semaphore_mem>>) src(%dma_wait3A_1573 : memref<1000000x32xf32, #tpu.memory_space<hbm>>) dst(%dma_wait3A_1567 : memref<50x32xf32, #tpu.memory_space<vmem>>)
    %add3A_1574 = arith.constant 480 : i32
    %add3A_1575 = arith.addi %mul3A_2, %add3A_1574 : i32
    %dma_start3A_1576 = arith.constant 0 : i32
    %dma_start3A_1577 = arith.constant 0 : i32
    %dma_start3A_1578 = tpu.memref_slice %arg4[%add3A_1575, %dma_start3A_1576, %dma_start3A_1577] : memref<16384x50x32xf32, #tpu.memory_space<hbm>> -> memref<32x50x32xf32, #tpu.memory_space<hbm>>
    %dma_start3A_1579 = arith.constant 0 : i32
    %dma_start3A_1580 = arith.constant 0 : i32
    %dma_start3A_1581 = tpu.memref_slice %arg4[%add3A_1575, %dma_start3A_1579, %dma_start3A_1580] : memref<16384x50x32xf32, #tpu.memory_space<hbm>> -> memref<32x50x32xf32, #tpu.memory_space<hbm>>
    tpu.enqueue_dma source(%arg8 : memref<32x50x32xf32, #tpu.memory_space<vmem>>) target(%dma_start3A_1581 : memref<32x50x32xf32, #tpu.memory_space<hbm>>) target_semaphore(%arg14 : memref<!tpu.dma_semaphore, #tpu.memory_space<semaphore_mem>>)
    %add3A_1582 = arith.constant 448 : i32
    %add3A_1583 = arith.addi %mul3A_2, %add3A_1582 : i32
    %dma_wait3A_1584 = arith.constant 0 : i32
    %dma_wait3A_1585 = arith.constant 0 : i32
    %dma_wait3A_1586 = tpu.memref_slice %arg4[%add3A_1583, %dma_wait3A_1584, %dma_wait3A_1585] : memref<16384x50x32xf32, #tpu.memory_space<hbm>> -> memref<32x50x32xf32, #tpu.memory_space<hbm>>
    %dma_wait3A_1587 = arith.constant 0 : i32
    %dma_wait3A_1588 = arith.constant 0 : i32
    %dma_wait3A_1589 = tpu.memref_slice %arg4[%add3A_1583, %dma_wait3A_1587, %dma_wait3A_1588] : memref<16384x50x32xf32, #tpu.memory_space<hbm>> -> memref<32x50x32xf32, #tpu.memory_space<hbm>>
    tpu.wait_dma2 semaphore(%arg13 : memref<!tpu.dma_semaphore, #tpu.memory_space<semaphore_mem>>) src(%arg7 : memref<32x50x32xf32, #tpu.memory_space<vmem>>) dst(%dma_wait3A_1589 : memref<32x50x32xf32, #tpu.memory_space<hbm>>)
    %add3A_1590 = arith.constant 480 : i32
    %add3A_1591 = arith.addi %mul3A_2, %add3A_1590 : i32
    %dma_wait3A_1592 = arith.constant 0 : i32
    %dma_wait3A_1593 = arith.constant 0 : i32
    %dma_wait3A_1594 = tpu.memref_slice %arg4[%add3A_1591, %dma_wait3A_1592, %dma_wait3A_1593] : memref<16384x50x32xf32, #tpu.memory_space<hbm>> -> memref<32x50x32xf32, #tpu.memory_space<hbm>>
    %dma_wait3A_1595 = arith.constant 0 : i32
    %dma_wait3A_1596 = arith.constant 0 : i32
    %dma_wait3A_1597 = tpu.memref_slice %arg4[%add3A_1591, %dma_wait3A_1595, %dma_wait3A_1596] : memref<16384x50x32xf32, #tpu.memory_space<hbm>> -> memref<32x50x32xf32, #tpu.memory_space<hbm>>
    tpu.wait_dma2 semaphore(%arg14 : memref<!tpu.dma_semaphore, #tpu.memory_space<semaphore_mem>>) src(%arg8 : memref<32x50x32xf32, #tpu.memory_space<vmem>>) dst(%dma_wait3A_1597 : memref<32x50x32xf32, #tpu.memory_space<hbm>>)
    return
  }
}

</mosaic_0001>

<sc_bundles>
// kernel: _impl.3.cloned.1.call-start
scs
__scs_entry_jumppad:
0x0: {  	(pc) =	sbr.rel $0x88, $3  }
0x1: {  	(tag) =	ssettag $0x0;
	lr =	simm.s32 $0x1  }
0x2: {  	[smem:$0x3F9F] =	sst lr;
	_ =	strace $0xD0000000  }
0x3: {  	_ = 	snop  }
0x4: {  	_ = 	snop  }
0x5: {  	_ = 	snop  }
0x6: {  	_ = 	snop  }
0x7: {  	_ = 	snop  }
__scs_overlays_trampoline_lowered:
0x8: {  	[smem:$0x3FAE] =	sst s0  }
0x9: {  	[smem:$0x3FAF] =	sst s1  }
0xa: {  	[smem:$0x3FB0] =	sst s2  }
0xb: {  	[smem:$0x3FB1] =	sst s3  }
0xc: {  	[smem:$0x3FB2] =	sst s4  }
0xd: {  	[smem:$0x3FB3] =	sst s5  }
0xe: {  	[smem:$0x3FB4] =	sst s6  }
0xf: {  	[smem:$0x3FB5] =	sst s7  }
0x10: {  	[smem:$0x3FB6] =	sst s8  }
0x11: {  	[smem:$0x3FB7] =	sst s9;
	s0 =	simm.s32 @!p0 $0x0  }
0x12: {  	s1 =	sld [smem:$0x3F9D];
	s0 =	simm.s32 @p0 $0x1  }
0x13: {  	[smem:$0x3FB8] =	sst s0;
	s0 =	simm.s32 @!p1 $0x0  }
0x14: {  	s2 =	sld [smem:$0x3F9C];
	s0 =	simm.s32 @p1 $0x1  }
0x15: {  	[smem:$0x3FB9] =	sst s0;
	s0 =	simm.s32 @!p2 $0x0  }
0x16: {  	s3 =	sld [smem:$0x3FDB];
	s0 =	simm.s32 @p2 $0x1  }
0x17: {  	s4 =	simm.s32 $0x1BF5;
	[smem:$0x3FBB] =	sst s0  }
0x18: {  	s0 =	sld [smem:$0x3F9E];
	_ =	swait.ge [sflag:s4], $0x0  }
0x19: {  	s7 =	sld [smem:$0x3F9F]  }
0x1a: {  	s8 =	sadd.s32 $0xFFFFE003, lr  }
0x1b: {  	s9 =	sadd.s32 $0xFFFFFEF7, lr;
	s5 =	simm.s32 $0xFFFFFFFF;
	p2 =	slt.u32 s8, $0xFFFFF086  }
0x1c: {  	p1 =	slt.u32 s9, $0xF7A;
	s5 =	simm.s32 @!p2 $0x0  }
0x1d: {  	s5 =	simm.s32 @p1 $0x1;
	p0 =	seq.s32 s7, s2  }
0x1e: {  	s7 =	smul.u32 @!p0 $0xF7A, s2;
	p2 =	seq.s32 @!p0 s5, $0x0  }
0x1f: {  	s9 =	smul.u32 $0xF7A, s1;
	s8 =	simm.s32 @!p0 $0x1BF5;
	p2 =	por !p2, p0  }
0x20: {  	[sflag:s8] =	ssyncset.s32 @!p0 $0xFFFFF086;
	s6 =	sadd.s32 @!p0 s3, s7;
	s7 =	simm.s32 @!p0 $0x108  }
0x21: {  	s3 =	sadd.s32 s3, s9;
	s6 =	sadd.s32 @!p0 $0x88, s6;
	s7 =	simm.s32 @p2 $0x1082  }
0x22: {  	[simem:s7], [sflag:s8] =	dma.local @!p0 [hbm:s6], $0xF7A  }
0x23: {  	s9 =	sor.u32 $0xD0000000, s2;
	s6 =	simm.s32 $0x108;
	_ =	swait.ge @!p0 [sflag:s8], $0x0  }
0x24: {  	s3 =	sadd.s32 $0x88, s3;
	s6 =	simm.s32 @!p1 $0x1082;
	[sflag:s4] =	ssyncset.s32 $0xFFFFF086  }
0x25: {  	[simem:s6], [sflag:s4] =	dma.local [hbm:s3], $0xF7A  }
0x26: {  	[smem:$0x3F9F] =	sst s1;
	(tag) =	ssettag s2;
	_ =	strace s9  }
0x27: {  	s1 =	sld [smem:$0x3FAF]  }
0x28: {  	s2 =	sld [smem:$0x3FB0]  }
0x29: {  	s4 =	sld [smem:$0x3FB2]  }
0x2a: {  	p0 =	seq.s32 s5, $0x0;
	s5 =	sld [smem:$0x3FB3]  }
0x2b: {  	s6 =	sld [smem:$0x3FB4]  }
0x2c: {  	s7 =	sld [smem:$0x3FB5]  }
0x2d: {  	s3 =	simm.s32 $0x108;
	s8 =	sld [smem:$0x3FB6]  }
0x2e: {  	s3 =	simm.s32 @!p0 $0x1082;
	s9 =	sld [smem:$0x3FB7]  }
0x2f: {  	lr =	sadd.s32 s0, s3;
	s0 =	sld [smem:$0x3FAE]  }
0x30: {  	s3 =	sld [smem:$0x3FB1]  }
0x31: {  	[smem:$0x3FBA] =	sst s10  }
0x32: {  	s10 =	sld [smem:$0x3FB8];
	_ =	sdelay $0x3  }
0x33: {  	p0 =	seq.s32 s10, $0x1;
	s10 =	sld [smem:$0x3FBA];
	_ =	sdelay $0x3  }
0x34: {  	[smem:$0x3FBA] =	sst s10  }
0x35: {  	s10 =	sld [smem:$0x3FB9];
	_ =	sdelay $0x3  }
0x36: {  	p1 =	seq.s32 s10, $0x1;
	s10 =	sld [smem:$0x3FBA];
	_ =	sdelay $0x3  }
0x37: {  	[smem:$0x3FBA] =	sst s10  }
0x38: {  	s10 =	sld [smem:$0x3FBB]  }
0x39: {  	_ = 	snop;
	(pc) =	sbr.ind lr, $3  }
0x3a: {  	_ = 	snop  }
0x3b: {  	_ = 	snop  }
0x3c: {  	p2 =	seq.s32 s10, $0x1;
	s10 =	sld [smem:$0x3FBA]  }
0x3d: {  	_ =	shalt  }
0x3e: {  	_ =	shalt  }
0x3f: {  	_ =	shalt  }
0x40: {  	_ =	shalt  }
0x41: {  	_ =	shalt  }
0x42: {  	_ =	shalt  }
0x43: {  	_ =	shalt  }
0x44: {  	_ =	shalt  }
0x45: {  	_ =	shalt  }
0x46: {  	_ =	shalt  }
0x47: {  	_ =	shalt  }
0x48: {  	_ =	shalt  }
0x49: {  	_ =	shalt  }
0x4a: {  	_ =	shalt  }
0x4b: {  	_ =	shalt  }
0x4c: {  	_ =	shalt  }
0x4d: {  	_ =	shalt  }
0x4e: {  	_ =	shalt  }
0x4f: {  	_ =	shalt  }
0x50: {  	_ =	shalt  }
0x51: {  	_ =	shalt  }
0x52: {  	_ =	shalt  }
0x53: {  	_ =	shalt  }
0x54: {  	_ =	shalt  }
0x55: {  	_ =	shalt  }
0x56: {  	_ =	shalt  }
0x57: {  	_ =	shalt  }
0x58: {  	_ =	shalt  }
0x59: {  	_ =	shalt  }
0x5a: {  	_ =	shalt  }
0x5b: {  	_ =	shalt  }
0x5c: {  	_ =	shalt  }
0x5d: {  	_ =	shalt  }
0x5e: {  	_ =	shalt  }
0x5f: {  	_ =	shalt  }
0x60: {  	_ =	shalt  }
0x61: {  	_ =	shalt  }
0x62: {  	_ =	shalt  }
0x63: {  	_ =	shalt  }
0x64: {  	_ =	shalt  }
0x65: {  	_ =	shalt  }
0x66: {  	_ =	shalt  }
0x67: {  	_ =	shalt  }
0x68: {  	_ =	shalt  }
0x69: {  	_ =	shalt  }
0x6a: {  	_ =	shalt  }
0x6b: {  	_ =	shalt  }
0x6c: {  	_ =	shalt  }
0x6d: {  	_ =	shalt  }
0x6e: {  	_ =	shalt  }
0x6f: {  	_ =	shalt  }
0x70: {  	_ =	shalt  }
0x71: {  	_ =	shalt  }
0x72: {  	_ =	shalt  }
0x73: {  	_ =	shalt  }
0x74: {  	_ =	shalt  }
0x75: {  	_ =	shalt  }
0x76: {  	_ =	shalt  }
0x77: {  	_ =	shalt  }
0x78: {  	_ =	shalt  }
0x79: {  	_ =	shalt  }
0x7a: {  	_ =	shalt  }
0x7b: {  	_ =	shalt  }
0x7c: {  	_ =	shalt  }
0x7d: {  	_ =	shalt  }
0x7e: {  	_ =	shalt  }
0x7f: {  	_ =	shalt  }
0x80: {  	_ =	shalt  }
0x81: {  	_ =	shalt  }
0x82: {  	_ =	shalt  }
0x83: {  	_ =	shalt  }
0x84: {  	_ =	shalt  }
0x85: {  	_ =	shalt  }
0x86: {  	_ =	shalt  }
0x87: {  	_ =	shalt  }
.Lfunc_end0:
.L_simem_size_0:
called_computation.1_lowered:
.L_overlay_start_0:
0x88: {  	s2 =	sld [smem:$0x3FD9]  }
0x89: {  	s3 =	sld [smem:$0x3FFE];
	_ =	sdelay $0x1  }
0x8a: {  	s1 =	srdreg.scid  }
0x8b: {  	s0 =	sand.u32 $0x1, s1  }
0x8c: {  	s17 =	sshll.u32 s0, $0xA;
	s2 =	sadd.s32 s3, s2  }
0x8d: {  	s2 =	sadd.s32 s2, s17  }
0x8e: {  	[smem:$0x3FC6] =	sst s2  }
0x8f: {  	_ = 	snop  }
0x90: {  	s2 =	sld [smem:$0x3FD0];
	(tm) =	ssettm $0x1  }
0x91: {  	s18 =	sld [smem:$0x3FFB];
	_ =	sdelay $0x3  }
0x92: {  	_ =	strace s18  }
0x93: {  	s3 =	sld [smem:$0x3FFC];
	_ =	sdelay $0x3  }
0x94: {  	_ =	strace s3  }
0x95: {  	s3 =	sld [smem:$0x3FFD];
	_ =	sdelay $0x3  }
0x96: {  	_ =	strace s3  }
0x97: {  	_ =	strace $0x8FFFFFFF  }
0x98: {  	s19 =	sld [smem:$0x3FDB];
	_ =	sdelay $0x1  }
0x99: {  	s4 =	simm.s32 $_scs_section_size  }
0x9a: {  	s5 =	simm.s32 $_size__tile_overlayer_lowered;
	s6 =	simm.s32 $_tile_overlayer_lowered  }
0x9b: {  	s22 =	simm.s32 $0x1BFF;
	s21 =	sshll.u32 s6, $0x1;
	s3 =	sadd.s32 s4, s19  }
0x9c: {  	s7 =	simm.s32 $0x0;
	s20 =	sshll.u32 s5, $0x1;
	s5 =	sadd.s32 s21, s3  }
0x9d: {  	[timem:s7], [sflag:s22] =	dma.local [hbm:s5], s20  }
0x9e: {  	_ =	swait.ge [sflag:s22], s20  }
0x9f: {  	s4 =	ssub.s32 $0x0, s20;
	[sflag:s22] =	ssyncset.done $0x0  }
0xa0: {  	[sflag:s22] =	ssyncadd.s32 s4;
	_ =	sdelay $0x1  }
0xa1: {  	s23 =	simm.s32 $0x1B8B  }
0xa2: {  	_ =	swait.ge [sflag:s23], $0x1  }
0xa3: {  	[sflag:s23] =	ssyncset.done $0x0  }
0xa4: {  	s25 =	simm.s32 $0x1B8E;
	s24 =	sld [smem:$0x3FFE];
	[sflag:s23] =	ssyncadd.s32 $0xFFFFFFFF  }
0xa5: {  	s26 =	simm.s32 $execute0_lowered;
	[smem:$0x3FD2] =	sst s25  }
0xa6: {  	s5 =	sshll.u32 s26, $0x1;
	_ =	strace $0x80000046;
	[dreg:$0x1] =	wrdreg $0xFFFFFFFF  }
0xa7: {  	s28 =	simm.s32 $_size_execute0_lowered;
	s3 =	sadd.s32 s3, s5;
	[dreg:$0x0] =	wrdreg $0x0  }
0xa8: {  	s5 =	sshll.u32 s28, $0x1;
	[dreg:$0x2] =	wrdreg s3  }
0xa9: {  	[dreg:$0x3] =	wrdreg s5  }
0xaa: {  	[dreg:$0x4] =	wrdreg $0xC0  }
0xab: {  	_ =	task [dreg:s7], $0x5FFFF  }
0xac: {  	[dreg:$0x1] =	wrdreg $0xFFFFFFFF  }
0xad: {  	[dreg:$0x0] =	wrdreg $0x60  }
0xae: {  	[dreg:$0x2] =	wrdreg s24  }
0xaf: {  	[dreg:$0x3] =	wrdreg s2  }
0xb0: {  	[dreg:$0x4] =	wrdreg $0x9  }
0xb1: {  	_ =	task.clear_ibuf [dreg:s7], $0x5FFFF;
	_ =	strace $0x90000046  }
0xb2: {  	s29 =	simm.s32 $0x9;
	_ =	strace $0x80000048  }
0xb3: {  	_ =	swait.ge [sflag:s29], $0x1  }
0xb4: {  	[sflag:s29] =	ssyncadd.s32 $0xFFFFFFFF  }
0xb5: {  	_ =	strace $0x90000048  }
0xb6: {  	_ =	sfence  }
0xb7: {  	s30 =	sld [smem:$0x0];
	_ =	sdelay $0x2  }
0xb8: {  	s31 =	sshll.u32 s1, $0xD;
	s1 =	sshrl.u32 s1, $0x2  }
0xb9: {  	s3 =	sand.u32 $0x4000, s31;
	s1 =	sadd.s32 s1, s30  }
0xba: {  	s0 =	sor.u32 s3, s0;
	s1 =	sshll.u32 s1, $0x11  }
0xbb: {  	s0 =	sor.u32 s1, s0  }
0xbc: {  	s0 =	sadd.s32 $0x8F2B, s0  }
0xbd: {  	[sflag:s0] =	ssyncadd.remote.s32 $0x1  }
0xbe: {  	_ =	sfence.sel $0xFFFF  }
0xbf: {  	[dreg:$0x0] =	wrdreg $0xFFFFFFFF;
	(pc) =	sbr.abs _section_cstart, $3  }
0xc0: {  	[dreg:$0x1] =	wrdreg $0xFFFFFFFF  }
0xc1: {  	_ =	task.clear_ibuf [dreg:s7], $0x2FFFF;
	_ =	strace $0x9FFFFFFF  }
0xc2: {  	(tm) =	ssettm $0x7FFFFFFF  }
0xc3: {  	_ =	shalt  }
tec
execute0_lowered:
.L_overlay_start_1:
0x0: {  	(tag) =	ssettag $0x1  }
0x1: {  	s0 =	rddreg [dreg:$0x0]  }
0x2: {  	s1 =	rddreg [dreg:$0x1]  }
0x3: {  	s2 =	srdreg.scid;
	s10 =	stileid.u32;
	s13 =	simm.s32 $0x700  }
0x4: {  	s12 =	simm.s32 $0x32;
	s29 =	simm.s32 $0x38;
	s30 =	simm.s32 $0x1440  }
0x5: {  	s14 =	simm.s32 $0x150;
	s15 =	simm.s32 $0x3380;
	s16 =	simm.s32 $0x188  }
0x6: {  	s17 =	simm.s32 $0x39C0;
	s28 =	simm.s32 $0xD600;
	s31 =	simm.s32 $0x0  }
0x7: {  	s4 =	sand.u32 $0x1, s2;
	s2 =	simm.s32 $0x0;
	s20 =	smul.u32 $0x1C00, s10  }
0x8: {  	s3 =	sshll.u32 s10, $0xA;
	s7 =	sadd.s32 $0xA00, s0;
	s24 =	smul.u32 $0x32000, s10  }
0x9: {  	s10 =	simm.s32 $0x4000;
	s5 =	sshll.u32 s4, $0x9;
	s22 =	smul.u32 $0xE00, s4  }
0xa: {  	[smem:$0x7FF] =	sst s2;
	s18 =	ssub.s32 $0x2, s4;
	s4 =	smul.u32 $0x19000, s4  }
0xb: {  	s3 =	sor.u32 s5, s3;
	_ =	strace $0x80000047;
	s8 =	sshrl.u32 s18, $0x1  }
0xc: {  	s5 =	sadd.s32 s20, s7;
	s20 =	simm.s32 $0x5;
	s6 =	smul.u32 $0x7, s3  }
0xd: {  	s9 =	smul.u32 $0x640, s3;
	s3 =	sadd.s32 $0xF42E00, s0;
	s19 =	ssub.s32 s18, s8  }
0xe: {  	s5 =	sadd.s32 s22, s5;
	s8 =	simm.s32 $0x2700;
	s18 =	simm.s32 $0x1C0  }
0xf: {  	s22 =	simm.s32 $0x6;
	s0 =	smax.u32 s19, $0x1;
	[dreg:$0x3] =	wrdreg s5  }
0x10: {  	s5 =	simm.s32 $0xA8;
	s19 =	simm.s32 $0x3;
	s11 =	sadd.s32 s7, s6  }
0x11: {  	s21 =	sshrl.u32 s9, $0x3;
	[dreg:$0x8] =	wrdreg s0;
	s0 =	simm.s32 $0x70  }
0x12: {  	s7 =	simm.s32 $0xE0;
	s9 =	simm.s32 $0x2D40;
	[dreg:$0x4] =	wrdreg s11  }
0x13: {  	s23 =	sadd.s32 $0xE0, s11;
	s6 =	sadd.s32 s1, s21;
	s1 =	sadd.s32 s24, s1  }
0x14: {  	s11 =	simm.s32 $0x1;
	[dreg:$0x5] =	wrdreg s23;
	s25 =	sadd.s32 $0x15E00, s6  }
0x15: {  	s24 =	simm.s32 $0x1F8;
	s6 =	sadd.s32 $0x17700, s6;
	[dreg:$0x6] =	wrdreg s25  }
0x16: {  	s21 =	simm.s32 $0x4;
	s26 =	sadd.s32 s4, s1;
	[dreg:$0x7] =	wrdreg s6  }
0x17: {  	s1 =	simm.s32 $0x1A80;
	s4 =	simm.s32 $0x118;
	[dreg:$0x9] =	wrdreg s26  }
0x18: {  	s6 =	simm.s32 $0x20C0;
	s25 =	simm.s32 $0x4640;
	s26 =	simm.s32 $0x2  }
.LBB2_1:
0x19: {  	[dreg:$0xa] =	wrdreg s31  }
0x1a: {  	s23 =	rddreg [dreg:$0x4]  }
0x1b: {  	[tilespmem:s2], [sflag:$0x1] =	stream.linear.gather [hbm4b:s23+s2], $0x700, $0x38;
	[tilespmem:$0x19E00] =	vst v63  }
0x1c: {  	s31 =	rddreg [dreg:$0x5]  }
0x1d: {  	[tilespmem:s13], [sflag:$0x2] =	stream.linear.gather [hbm4b:s31+s2], $0x700, $0x38;
	[tilespmem:$0x19E00] =	vst v63  }
0x1e: {  	_ =	swait.ge [sflag:s11], $0x700  }
0x1f: {  	[sflag:s11] =	ssyncset.done $0x0  }
0x20: {  	s31 =	simm.s32 $0xE00;
	[sflag:s11] =	ssyncadd.s32 $0xFFFFF900  }
0x21: {  	[tilespmem:s31], [sflag:$0x3] =	stream.indirect.gather [hbm4b:s3+s12], $0x20, s2, s12, $0xb8;
	[tilespmem:$0x19E00] =	vst v63  }
0x22: {  	_ = 	snop  }
0x23: {  	[tilespmem:s30], [sflag:$0x3] =	stream.indirect.gather [hbm4b:s3+s12], $0x20, s29, s12, $0xb8;
	[tilespmem:$0x19E00] =	vst v63  }
0x24: {  	_ = 	snop  }
0x25: {  	[tilespmem:s1], [sflag:$0x3] =	stream.indirect.gather [hbm4b:s3+s12], $0x20, s0, s12, $0xb8;
	[tilespmem:$0x19E00] =	vst v63  }
0x26: {  	_ = 	snop  }
0x27: {  	[tilespmem:s6], [sflag:$0x3] =	stream.indirect.gather [hbm4b:s3+s12], $0x20, s5, s12, $0xb8;
	[tilespmem:$0x19E00] =	vst v63  }
0x28: {  	_ = 	snop  }
0x29: {  	[tilespmem:s8], [sflag:$0x3] =	stream.indirect.gather [hbm4b:s3+s12], $0x20, s7, s12, $0xb8;
	[tilespmem:$0x19E00] =	vst v63  }
0x2a: {  	_ = 	snop  }
0x2b: {  	[tilespmem:s9], [sflag:$0x3] =	stream.indirect.gather [hbm4b:s3+s12], $0x20, s4, s12, $0xb8;
	[tilespmem:$0x19E00] =	vst v63  }
0x2c: {  	_ = 	snop  }
0x2d: {  	[tilespmem:s15], [sflag:$0x3] =	stream.indirect.gather [hbm4b:s3+s12], $0x20, s14, s12, $0xb8;
	[tilespmem:$0x19E00] =	vst v63  }
0x2e: {  	_ = 	snop  }
0x2f: {  	[tilespmem:s17], [sflag:$0x3] =	stream.indirect.gather [hbm4b:s3+s12], $0x20, s16, s12, $0xb8;
	[tilespmem:$0x19E00] =	vst v63  }
0x30: {  	_ = 	snop  }
0x31: {  	[tilespmem:s10], [sflag:$0x3] =	stream.indirect.gather [hbm4b:s3+s12], $0x20, s18, s12, $0xb8;
	[tilespmem:$0x19E00] =	vst v63  }
0x32: {  	_ = 	snop  }
0x33: {  	[tilespmem:s25], [sflag:$0x3] =	stream.indirect.gather [hbm4b:s3+s12], $0x20, s24, s12, $0xb8;
	[tilespmem:$0x19E00] =	vst v63  }
0x34: {  	s24 =	simm.s32 $0x230;
	s25 =	simm.s32 $0x4C80  }
0x35: {  	[tilespmem:s25], [sflag:$0x3] =	stream.indirect.gather [hbm4b:s3+s12], $0x20, s24, s12, $0xb8;
	[tilespmem:$0x19E00] =	vst v63  }
0x36: {  	s31 =	simm.s32 $0x52C0;
	s29 =	simm.s32 $0x268  }
0x37: {  	[tilespmem:s31], [sflag:$0x3] =	stream.indirect.gather [hbm4b:s3+s12], $0x20, s29, s12, $0xb8;
	[tilespmem:$0x19E00] =	vst v63  }
0x38: {  	s1 =	simm.s32 $0x2A0;
	s4 =	simm.s32 $0x5900  }
0x39: {  	[tilespmem:s4], [sflag:$0x3] =	stream.indirect.gather [hbm4b:s3+s12], $0x20, s1, s12, $0xb8;
	[tilespmem:$0x19E00] =	vst v63  }
0x3a: {  	s5 =	simm.s32 $0x2D8;
	s6 =	simm.s32 $0x5F40  }
0x3b: {  	[tilespmem:s6], [sflag:$0x3] =	stream.indirect.gather [hbm4b:s3+s12], $0x20, s5, s12, $0xb8;
	[tilespmem:$0x19E00] =	vst v63  }
0x3c: {  	s7 =	simm.s32 $0x310;
	s8 =	simm.s32 $0x6580  }
0x3d: {  	[tilespmem:s8], [sflag:$0x3] =	stream.indirect.gather [hbm4b:s3+s12], $0x20, s7, s12, $0xb8;
	[tilespmem:$0x19E00] =	vst v63  }
0x3e: {  	s9 =	simm.s32 $0x348;
	s10 =	simm.s32 $0x6BC0  }
0x3f: {  	[tilespmem:s10], [sflag:$0x3] =	stream.indirect.gather [hbm4b:s3+s12], $0x20, s9, s12, $0xb8;
	[tilespmem:$0x19E00] =	vst v63  }
0x40: {  	s14 =	simm.s32 $0x380;
	s15 =	simm.s32 $0x7200  }
0x41: {  	[tilespmem:s15], [sflag:$0x3] =	stream.indirect.gather [hbm4b:s3+s12], $0x20, s14, s12, $0xb8;
	[tilespmem:$0x19E00] =	vst v63  }
0x42: {  	s16 =	simm.s32 $0x3B8;
	s17 =	simm.s32 $0x7840  }
0x43: {  	[tilespmem:s17], [sflag:$0x3] =	stream.indirect.gather [hbm4b:s3+s12], $0x20, s16, s12, $0xb8;
	[tilespmem:$0x19E00] =	vst v63  }
0x44: {  	s23 =	simm.s32 $0x7E80;
	s18 =	simm.s32 $0x3F0  }
0x45: {  	[tilespmem:s23], [sflag:$0x3] =	stream.indirect.gather [hbm4b:s3+s12], $0x20, s18, s12, $0xb8;
	[tilespmem:$0x19E00] =	vst v63  }
0x46: {  	s24 =	simm.s32 $0x428;
	s25 =	simm.s32 $0x84C0  }
0x47: {  	[tilespmem:s25], [sflag:$0x3] =	stream.indirect.gather [hbm4b:s3+s12], $0x20, s24, s12, $0xb8;
	[tilespmem:$0x19E00] =	vst v63  }
0x48: {  	s29 =	simm.s32 $0x460;
	s31 =	simm.s32 $0x8B00  }
0x49: {  	[tilespmem:s31], [sflag:$0x3] =	stream.indirect.gather [hbm4b:s3+s12], $0x20, s29, s12, $0xb8;
	[tilespmem:$0x19E00] =	vst v63  }
0x4a: {  	s1 =	simm.s32 $0x498;
	s4 =	simm.s32 $0x9140  }
0x4b: {  	[tilespmem:s4], [sflag:$0x3] =	stream.indirect.gather [hbm4b:s3+s12], $0x20, s1, s12, $0xb8;
	[tilespmem:$0x19E00] =	vst v63  }
0x4c: {  	s5 =	simm.s32 $0x4D0;
	s6 =	simm.s32 $0x9780  }
0x4d: {  	[tilespmem:s6], [sflag:$0x3] =	stream.indirect.gather [hbm4b:s3+s12], $0x20, s5, s12, $0xb8;
	[tilespmem:$0x19E00] =	vst v63  }
0x4e: {  	s7 =	simm.s32 $0x508;
	s8 =	simm.s32 $0x9DC0  }
0x4f: {  	[tilespmem:s8], [sflag:$0x3] =	stream.indirect.gather [hbm4b:s3+s12], $0x20, s7, s12, $0xb8;
	[tilespmem:$0x19E00] =	vst v63  }
0x50: {  	s9 =	simm.s32 $0x540;
	s10 =	simm.s32 $0xA400  }
0x51: {  	[tilespmem:s10], [sflag:$0x3] =	stream.indirect.gather [hbm4b:s3+s12], $0x20, s9, s12, $0xb8;
	[tilespmem:$0x19E00] =	vst v63  }
0x52: {  	s14 =	simm.s32 $0x578;
	s15 =	simm.s32 $0xAA40  }
0x53: {  	[tilespmem:s15], [sflag:$0x3] =	stream.indirect.gather [hbm4b:s3+s12], $0x20, s14, s12, $0xb8;
	[tilespmem:$0x19E00] =	vst v63  }
0x54: {  	s16 =	simm.s32 $0x5B0;
	s17 =	simm.s32 $0xB080  }
0x55: {  	[tilespmem:s17], [sflag:$0x3] =	stream.indirect.gather [hbm4b:s3+s12], $0x20, s16, s12, $0xb8;
	[tilespmem:$0x19E00] =	vst v63  }
0x56: {  	s18 =	simm.s32 $0x5E8;
	s23 =	simm.s32 $0xB6C0  }
0x57: {  	[tilespmem:s23], [sflag:$0x3] =	stream.indirect.gather [hbm4b:s3+s12], $0x20, s18, s12, $0xb8;
	[tilespmem:$0x19E00] =	vst v63  }
0x58: {  	s24 =	simm.s32 $0x620;
	s25 =	simm.s32 $0xBD00  }
0x59: {  	[tilespmem:s25], [sflag:$0x3] =	stream.indirect.gather [hbm4b:s3+s12], $0x20, s24, s12, $0xb8;
	[tilespmem:$0x19E00] =	vst v63  }
0x5a: {  	s29 =	simm.s32 $0x658;
	s31 =	simm.s32 $0xC340  }
0x5b: {  	[tilespmem:s31], [sflag:$0x3] =	stream.indirect.gather [hbm4b:s3+s12], $0x20, s29, s12, $0xb8;
	[tilespmem:$0x19E00] =	vst v63  }
0x5c: {  	s4 =	simm.s32 $0x690;
	s5 =	simm.s32 $0xC980  }
0x5d: {  	[tilespmem:s5], [sflag:$0x3] =	stream.indirect.gather [hbm4b:s3+s12], $0x20, s4, s12, $0xb8;
	[tilespmem:$0x19E00] =	vst v63  }
0x5e: {  	s6 =	simm.s32 $0x6C8;
	s7 =	simm.s32 $0xCFC0  }
0x5f: {  	[tilespmem:s7], [sflag:$0x3] =	stream.indirect.gather [hbm4b:s3+s12], $0x20, s6, s12, $0xb8;
	[tilespmem:$0x19E00] =	vst v63  }
0x60: {  	_ =	swait.ge [sflag:s26], $0x700  }
0x61: {  	[sflag:s26] =	ssyncset.done $0x0  }
0x62: {  	[sflag:s26] =	ssyncadd.s32 $0xFFFFF900  }
0x63: {  	[tilespmem:s28], [sflag:$0x4] =	stream.indirect.gather [hbm4b:s3+s12], $0x20, s13, s12, $0xb8;
	[tilespmem:$0x19E00] =	vst v63  }
0x64: {  	s8 =	simm.s32 $0x738;
	s9 =	simm.s32 $0xDC40  }
0x65: {  	[tilespmem:s9], [sflag:$0x4] =	stream.indirect.gather [hbm4b:s3+s12], $0x20, s8, s12, $0xb8;
	[tilespmem:$0x19E00] =	vst v63  }
0x66: {  	s10 =	simm.s32 $0x770;
	s13 =	simm.s32 $0xE280  }
0x67: {  	[tilespmem:s13], [sflag:$0x4] =	stream.indirect.gather [hbm4b:s3+s12], $0x20, s10, s12, $0xb8;
	[tilespmem:$0x19E00] =	vst v63  }
0x68: {  	s14 =	simm.s32 $0x7A8;
	s15 =	simm.s32 $0xE8C0  }
0x69: {  	[tilespmem:s15], [sflag:$0x4] =	stream.indirect.gather [hbm4b:s3+s12], $0x20, s14, s12, $0xb8;
	[tilespmem:$0x19E00] =	vst v63  }
0x6a: {  	s16 =	simm.s32 $0x7E0;
	s17 =	simm.s32 $0xEF00  }
0x6b: {  	[tilespmem:s17], [sflag:$0x4] =	stream.indirect.gather [hbm4b:s3+s12], $0x20, s16, s12, $0xb8;
	[tilespmem:$0x19E00] =	vst v63  }
0x6c: {  	s18 =	simm.s32 $0x818;
	s23 =	simm.s32 $0xF540  }
0x6d: {  	[tilespmem:s23], [sflag:$0x4] =	stream.indirect.gather [hbm4b:s3+s12], $0x20, s18, s12, $0xb8;
	[tilespmem:$0x19E00] =	vst v63  }
0x6e: {  	s24 =	simm.s32 $0x850;
	s25 =	simm.s32 $0xFB80  }
0x6f: {  	[tilespmem:s25], [sflag:$0x4] =	stream.indirect.gather [hbm4b:s3+s12], $0x20, s24, s12, $0xb8;
	[tilespmem:$0x19E00] =	vst v63  }
0x70: {  	s29 =	simm.s32 $0x888;
	s31 =	simm.s32 $0x101C0  }
0x71: {  	[tilespmem:s31], [sflag:$0x4] =	stream.indirect.gather [hbm4b:s3+s12], $0x20, s29, s12, $0xb8;
	[tilespmem:$0x19E00] =	vst v63  }
0x72: {  	s4 =	simm.s32 $0x8C0;
	s5 =	simm.s32 $0x10800  }
0x73: {  	[tilespmem:s5], [sflag:$0x4] =	stream.indirect.gather [hbm4b:s3+s12], $0x20, s4, s12, $0xb8;
	[tilespmem:$0x19E00] =	vst v63  }
0x74: {  	s6 =	simm.s32 $0x8F8;
	s7 =	simm.s32 $0x10E40  }
0x75: {  	[tilespmem:s7], [sflag:$0x4] =	stream.indirect.gather [hbm4b:s3+s12], $0x20, s6, s12, $0xb8;
	[tilespmem:$0x19E00] =	vst v63  }
0x76: {  	s8 =	simm.s32 $0x930;
	s9 =	simm.s32 $0x11480  }
0x77: {  	[tilespmem:s9], [sflag:$0x4] =	stream.indirect.gather [hbm4b:s3+s12], $0x20, s8, s12, $0xb8;
	[tilespmem:$0x19E00] =	vst v63  }
0x78: {  	s10 =	simm.s32 $0x968;
	s13 =	simm.s32 $0x11AC0  }
0x79: {  	[tilespmem:s13], [sflag:$0x4] =	stream.indirect.gather [hbm4b:s3+s12], $0x20, s10, s12, $0xb8;
	[tilespmem:$0x19E00] =	vst v63  }
0x7a: {  	s14 =	simm.s32 $0x9A0;
	s15 =	simm.s32 $0x12100  }
0x7b: {  	[tilespmem:s15], [sflag:$0x4] =	stream.indirect.gather [hbm4b:s3+s12], $0x20, s14, s12, $0xb8;
	[tilespmem:$0x19E00] =	vst v63  }
0x7c: {  	s16 =	simm.s32 $0x9D8;
	s17 =	simm.s32 $0x12740  }
0x7d: {  	[tilespmem:s17], [sflag:$0x4] =	stream.indirect.gather [hbm4b:s3+s12], $0x20, s16, s12, $0xb8;
	[tilespmem:$0x19E00] =	vst v63  }
0x7e: {  	s18 =	simm.s32 $0xA10;
	s23 =	simm.s32 $0x12D80  }
0x7f: {  	[tilespmem:s23], [sflag:$0x4] =	stream.indirect.gather [hbm4b:s3+s12], $0x20, s18, s12, $0xb8;
	[tilespmem:$0x19E00] =	vst v63  }
0x80: {  	s24 =	simm.s32 $0xA48;
	s25 =	simm.s32 $0x133C0  }
0x81: {  	[tilespmem:s25], [sflag:$0x4] =	stream.indirect.gather [hbm4b:s3+s12], $0x20, s24, s12, $0xb8;
	[tilespmem:$0x19E00] =	vst v63  }
0x82: {  	s29 =	simm.s32 $0xA80;
	s31 =	simm.s32 $0x13A00  }
0x83: {  	[tilespmem:s31], [sflag:$0x4] =	stream.indirect.gather [hbm4b:s3+s12], $0x20, s29, s12, $0xb8;
	[tilespmem:$0x19E00] =	vst v63  }
0x84: {  	s4 =	simm.s32 $0xAB8;
	s5 =	simm.s32 $0x14040  }
0x85: {  	[tilespmem:s5], [sflag:$0x4] =	stream.indirect.gather [hbm4b:s3+s12], $0x20, s4, s12, $0xb8;
	[tilespmem:$0x19E00] =	vst v63  }
0x86: {  	s6 =	simm.s32 $0xAF0;
	s7 =	simm.s32 $0x14680  }
0x87: {  	[tilespmem:s7], [sflag:$0x4] =	stream.indirect.gather [hbm4b:s3+s12], $0x20, s6, s12, $0xb8;
	[tilespmem:$0x19E00] =	vst v63  }
0x88: {  	s8 =	simm.s32 $0xB28;
	s9 =	simm.s32 $0x14CC0  }
0x89: {  	[tilespmem:s9], [sflag:$0x4] =	stream.indirect.gather [hbm4b:s3+s12], $0x20, s8, s12, $0xb8;
	[tilespmem:$0x19E00] =	vst v63  }
0x8a: {  	s10 =	simm.s32 $0xB60;
	s13 =	simm.s32 $0x15300  }
0x8b: {  	[tilespmem:s13], [sflag:$0x4] =	stream.indirect.gather [hbm4b:s3+s12], $0x20, s10, s12, $0xb8;
	[tilespmem:$0x19E00] =	vst v63  }
0x8c: {  	s14 =	simm.s32 $0xB98;
	s15 =	simm.s32 $0x15940  }
0x8d: {  	[tilespmem:s15], [sflag:$0x4] =	stream.indirect.gather [hbm4b:s3+s12], $0x20, s14, s12, $0xb8;
	[tilespmem:$0x19E00] =	vst v63  }
0x8e: {  	s16 =	simm.s32 $0xBD0;
	s17 =	simm.s32 $0x15F80  }
0x8f: {  	[tilespmem:s17], [sflag:$0x4] =	stream.indirect.gather [hbm4b:s3+s12], $0x20, s16, s12, $0xb8;
	[tilespmem:$0x19E00] =	vst v63  }
0x90: {  	s18 =	simm.s32 $0xC08;
	s23 =	simm.s32 $0x165C0  }
0x91: {  	[tilespmem:s23], [sflag:$0x4] =	stream.indirect.gather [hbm4b:s3+s12], $0x20, s18, s12, $0xb8;
	[tilespmem:$0x19E00] =	vst v63  }
0x92: {  	s24 =	simm.s32 $0xC40;
	s25 =	simm.s32 $0x16C00  }
0x93: {  	[tilespmem:s25], [sflag:$0x4] =	stream.indirect.gather [hbm4b:s3+s12], $0x20, s24, s12, $0xb8;
	[tilespmem:$0x19E00] =	vst v63  }
0x94: {  	s29 =	simm.s32 $0xC78;
	s31 =	simm.s32 $0x17240  }
0x95: {  	[tilespmem:s31], [sflag:$0x4] =	stream.indirect.gather [hbm4b:s3+s12], $0x20, s29, s12, $0xb8;
	[tilespmem:$0x19E00] =	vst v63  }
0x96: {  	s1 =	simm.s32 $0xCB0;
	s4 =	simm.s32 $0x17880  }
0x97: {  	[tilespmem:s4], [sflag:$0x4] =	stream.indirect.gather [hbm4b:s3+s12], $0x20, s1, s12, $0xb8;
	[tilespmem:$0x19E00] =	vst v63  }
0x98: {  	s5 =	simm.s32 $0xCE8;
	s6 =	simm.s32 $0x17EC0  }
0x99: {  	[tilespmem:s6], [sflag:$0x4] =	stream.indirect.gather [hbm4b:s3+s12], $0x20, s5, s12, $0xb8;
	[tilespmem:$0x19E00] =	vst v63  }
0x9a: {  	s7 =	simm.s32 $0xD20;
	s8 =	simm.s32 $0x18500  }
0x9b: {  	[tilespmem:s8], [sflag:$0x4] =	stream.indirect.gather [hbm4b:s3+s12], $0x20, s7, s12, $0xb8;
	[tilespmem:$0x19E00] =	vst v63  }
0x9c: {  	s9 =	simm.s32 $0xD58;
	s10 =	simm.s32 $0x18B40  }
0x9d: {  	[tilespmem:s10], [sflag:$0x4] =	stream.indirect.gather [hbm4b:s3+s12], $0x20, s9, s12, $0xb8;
	[tilespmem:$0x19E00] =	vst v63  }
0x9e: {  	s13 =	simm.s32 $0xD90;
	s14 =	simm.s32 $0x19180  }
0x9f: {  	[tilespmem:s14], [sflag:$0x4] =	stream.indirect.gather [hbm4b:s3+s12], $0x20, s13, s12, $0xb8;
	[tilespmem:$0x19E00] =	vst v63  }
0xa0: {  	s15 =	simm.s32 $0xDC8;
	s16 =	simm.s32 $0x197C0  }
0xa1: {  	[tilespmem:s16], [sflag:$0x4] =	stream.indirect.gather [hbm4b:s3+s12], $0x20, s15, s12, $0xb8;
	[tilespmem:$0x19E00] =	vst v63  }
0xa2: {  	_ =	swait.ge [sflag:s19], $0x640  }
0xa3: {  	[sflag:s19] =	ssyncset.done $0x0  }
0xa4: {  	[sflag:s19] =	ssyncadd.s32 $0xFFFFF9C0  }
0xa5: {  	_ =	swait.ge [sflag:s19], $0x640  }
0xa6: {  	[sflag:s19] =	ssyncset.done $0x0  }
0xa7: {  	[sflag:s19] =	ssyncadd.s32 $0xFFFFF9C0  }
0xa8: {  	_ =	swait.ge [sflag:s19], $0x640  }
0xa9: {  	[sflag:s19] =	ssyncset.done $0x0  }
0xaa: {  	[sflag:s19] =	ssyncadd.s32 $0xFFFFF9C0  }
0xab: {  	_ =	swait.ge [sflag:s19], $0x640  }
0xac: {  	[sflag:s19] =	ssyncset.done $0x0  }
0xad: {  	[sflag:s19] =	ssyncadd.s32 $0xFFFFF9C0  }
0xae: {  	_ =	swait.ge [sflag:s19], $0x640  }
0xaf: {  	[sflag:s19] =	ssyncset.done $0x0  }
0xb0: {  	[sflag:s19] =	ssyncadd.s32 $0xFFFFF9C0  }
0xb1: {  	_ =	swait.ge [sflag:s19], $0x640  }
0xb2: {  	[sflag:s19] =	ssyncset.done $0x0  }
0xb3: {  	[sflag:s19] =	ssyncadd.s32 $0xFFFFF9C0  }
0xb4: {  	_ =	swait.ge [sflag:s19], $0x640  }
0xb5: {  	[sflag:s19] =	ssyncset.done $0x0  }
0xb6: {  	[sflag:s19] =	ssyncadd.s32 $0xFFFFF9C0  }
0xb7: {  	_ =	swait.ge [sflag:s19], $0x640  }
0xb8: {  	[sflag:s19] =	ssyncset.done $0x0  }
0xb9: {  	[sflag:s19] =	ssyncadd.s32 $0xFFFFF9C0  }
0xba: {  	_ =	swait.ge [sflag:s19], $0x640  }
0xbb: {  	[sflag:s19] =	ssyncset.done $0x0  }
0xbc: {  	[sflag:s19] =	ssyncadd.s32 $0xFFFFF9C0  }
0xbd: {  	_ =	swait.ge [sflag:s19], $0x640  }
0xbe: {  	[sflag:s19] =	ssyncset.done $0x0  }
0xbf: {  	[sflag:s19] =	ssyncadd.s32 $0xFFFFF9C0  }
0xc0: {  	_ =	swait.ge [sflag:s19], $0x640  }
0xc1: {  	[sflag:s19] =	ssyncset.done $0x0  }
0xc2: {  	[sflag:s19] =	ssyncadd.s32 $0xFFFFF9C0  }
0xc3: {  	_ =	swait.ge [sflag:s19], $0x640  }
0xc4: {  	[sflag:s19] =	ssyncset.done $0x0  }
0xc5: {  	[sflag:s19] =	ssyncadd.s32 $0xFFFFF9C0  }
0xc6: {  	_ =	swait.ge [sflag:s19], $0x640  }
0xc7: {  	[sflag:s19] =	ssyncset.done $0x0  }
0xc8: {  	[sflag:s19] =	ssyncadd.s32 $0xFFFFF9C0  }
0xc9: {  	_ =	swait.ge [sflag:s19], $0x640  }
0xca: {  	[sflag:s19] =	ssyncset.done $0x0  }
0xcb: {  	[sflag:s19] =	ssyncadd.s32 $0xFFFFF9C0  }
0xcc: {  	_ =	swait.ge [sflag:s19], $0x640  }
0xcd: {  	[sflag:s19] =	ssyncset.done $0x0  }
0xce: {  	[sflag:s19] =	ssyncadd.s32 $0xFFFFF9C0  }
0xcf: {  	_ =	swait.ge [sflag:s19], $0x640  }
0xd0: {  	[sflag:s19] =	ssyncset.done $0x0  }
0xd1: {  	[sflag:s19] =	ssyncadd.s32 $0xFFFFF9C0  }
0xd2: {  	_ =	swait.ge [sflag:s19], $0x640  }
0xd3: {  	[sflag:s19] =	ssyncset.done $0x0  }
0xd4: {  	[sflag:s19] =	ssyncadd.s32 $0xFFFFF9C0  }
0xd5: {  	_ =	swait.ge [sflag:s19], $0x640  }
0xd6: {  	[sflag:s19] =	ssyncset.done $0x0  }
0xd7: {  	[sflag:s19] =	ssyncadd.s32 $0xFFFFF9C0  }
0xd8: {  	_ =	swait.ge [sflag:s19], $0x640  }
0xd9: {  	[sflag:s19] =	ssyncset.done $0x0  }
0xda: {  	[sflag:s19] =	ssyncadd.s32 $0xFFFFF9C0  }
0xdb: {  	_ =	swait.ge [sflag:s19], $0x640  }
0xdc: {  	[sflag:s19] =	ssyncset.done $0x0  }
0xdd: {  	[sflag:s19] =	ssyncadd.s32 $0xFFFFF9C0  }
0xde: {  	_ =	swait.ge [sflag:s19], $0x640  }
0xdf: {  	[sflag:s19] =	ssyncset.done $0x0  }
0xe0: {  	[sflag:s19] =	ssyncadd.s32 $0xFFFFF9C0  }
0xe1: {  	_ =	swait.ge [sflag:s19], $0x640  }
0xe2: {  	[sflag:s19] =	ssyncset.done $0x0  }
0xe3: {  	[sflag:s19] =	ssyncadd.s32 $0xFFFFF9C0  }
0xe4: {  	_ =	swait.ge [sflag:s19], $0x640  }
0xe5: {  	[sflag:s19] =	ssyncset.done $0x0  }
0xe6: {  	[sflag:s19] =	ssyncadd.s32 $0xFFFFF9C0  }
0xe7: {  	_ =	swait.ge [sflag:s19], $0x640  }
0xe8: {  	[sflag:s19] =	ssyncset.done $0x0  }
0xe9: {  	[sflag:s19] =	ssyncadd.s32 $0xFFFFF9C0  }
0xea: {  	_ =	swait.ge [sflag:s19], $0x640  }
0xeb: {  	[sflag:s19] =	ssyncset.done $0x0  }
0xec: {  	[sflag:s19] =	ssyncadd.s32 $0xFFFFF9C0  }
0xed: {  	_ =	swait.ge [sflag:s19], $0x640  }
0xee: {  	[sflag:s19] =	ssyncset.done $0x0  }
0xef: {  	[sflag:s19] =	ssyncadd.s32 $0xFFFFF9C0  }
0xf0: {  	_ =	swait.ge [sflag:s19], $0x640  }
0xf1: {  	[sflag:s19] =	ssyncset.done $0x0  }
0xf2: {  	[sflag:s19] =	ssyncadd.s32 $0xFFFFF9C0  }
0xf3: {  	_ =	swait.ge [sflag:s19], $0x640  }
0xf4: {  	[sflag:s19] =	ssyncset.done $0x0  }
0xf5: {  	[sflag:s19] =	ssyncadd.s32 $0xFFFFF9C0  }
0xf6: {  	_ =	swait.ge [sflag:s19], $0x640  }
0xf7: {  	[sflag:s19] =	ssyncset.done $0x0  }
0xf8: {  	[sflag:s19] =	ssyncadd.s32 $0xFFFFF9C0  }
0xf9: {  	_ =	swait.ge [sflag:s19], $0x640  }
0xfa: {  	[sflag:s19] =	ssyncset.done $0x0  }
0xfb: {  	[sflag:s19] =	ssyncadd.s32 $0xFFFFF9C0  }
0xfc: {  	_ =	swait.ge [sflag:s19], $0x640  }
0xfd: {  	[sflag:s19] =	ssyncset.done $0x0  }
0xfe: {  	[sflag:s19] =	ssyncadd.s32 $0xFFFFF9C0  }
0xff: {  	_ =	swait.ge [sflag:s19], $0x640  }
0x100: {  	s1 =	simm.s32 $0xE00;
	[sflag:s19] =	ssyncset.done $0x0;
	s17 =	rddreg [dreg:$0x3]  }
0x101: {  	s18 =	rddreg [dreg:$0x9];
	[sflag:s19] =	ssyncadd.s32 $0xFFFFF9C0;
	s24 =	sadd.s32 $0x0, s17  }
0x102: {  	[hbm4b:s18+s2] =	stream.linear.scatter [tilespmem:s1], [sflag:$0x5], $0xC800, $0x38;
	[tilespmem:$0x19E00] =	vst v63  }
0x103: {  	[dreg:$0xb] =	wrdreg s24;
	s0 =	sadd.s32 $0x1C0, s24  }
0x104: {  	[tilespmem:s2], [sflag:$0x1] =	stream.linear.gather [hbm4b:s0+s2], $0x700, $0x38;
	[tilespmem:$0x19E00] =	vst v63  }
0x105: {  	_ =	swait.ge [sflag:s11], $0x700  }
0x106: {  	[sflag:s11] =	ssyncset.done $0x0  }
0x107: {  	[sflag:s11] =	ssyncadd.s32 $0xFFFFF900  }
0x108: {  	_ =	swait.ge [sflag:s20], $0xC800  }
0x109: {  	[sflag:s20] =	ssyncset.done $0x0  }
0x10a: {  	[sflag:s20] =	ssyncadd.s32 $0xFFFF3800  }
0x10b: {  	[tilespmem:s1], [sflag:$0x3] =	stream.indirect.gather [hbm4b:s3+s12], $0x20, s2, s12, $0xb8;
	[tilespmem:$0x19E00] =	vst v63  }
0x10c: {  	s30 =	simm.s32 $0x38;
	s4 =	simm.s32 $0x1440  }
0x10d: {  	[tilespmem:s4], [sflag:$0x3] =	stream.indirect.gather [hbm4b:s3+s12], $0x20, s30, s12, $0xb8;
	[tilespmem:$0x19E00] =	vst v63  }
0x10e: {  	s5 =	simm.s32 $0x1A80;
	s6 =	simm.s32 $0x70  }
0x10f: {  	[tilespmem:s5], [sflag:$0x3] =	stream.indirect.gather [hbm4b:s3+s12], $0x20, s6, s12, $0xb8;
	[tilespmem:$0x19E00] =	vst v63  }
0x110: {  	s8 =	simm.s32 $0x20C0;
	s7 =	simm.s32 $0xA8  }
0x111: {  	[tilespmem:s8], [sflag:$0x3] =	stream.indirect.gather [hbm4b:s3+s12], $0x20, s7, s12, $0xb8;
	[tilespmem:$0x19E00] =	vst v63  }
0x112: {  	s9 =	simm.s32 $0xE0;
	s14 =	simm.s32 $0x2700  }
0x113: {  	[tilespmem:s14], [sflag:$0x3] =	stream.indirect.gather [hbm4b:s3+s12], $0x20, s9, s12, $0xb8;
	[tilespmem:$0x19E00] =	vst v63  }
0x114: {  	s10 =	simm.s32 $0x118;
	s16 =	simm.s32 $0x2D40  }
0x115: {  	[tilespmem:s16], [sflag:$0x3] =	stream.indirect.gather [hbm4b:s3+s12], $0x20, s10, s12, $0xb8;
	[tilespmem:$0x19E00] =	vst v63  }
0x116: {  	s13 =	simm.s32 $0x150;
	s18 =	simm.s32 $0x3380  }
0x117: {  	[tilespmem:s18], [sflag:$0x3] =	stream.indirect.gather [hbm4b:s3+s12], $0x20, s13, s12, $0xb8;
	[tilespmem:$0x19E00] =	vst v63  }
0x118: {  	s15 =	simm.s32 $0x188;
	s17 =	simm.s32 $0x39C0  }
0x119: {  	[tilespmem:s17], [sflag:$0x3] =	stream.indirect.gather [hbm4b:s3+s12], $0x20, s15, s12, $0xb8;
	[tilespmem:$0x19E00] =	vst v63  }
0x11a: {  	s23 =	simm.s32 $0x1C0;
	s25 =	simm.s32 $0x4000  }
0x11b: {  	[tilespmem:s25], [sflag:$0x3] =	stream.indirect.gather [hbm4b:s3+s12], $0x20, s23, s12, $0xb8;
	[tilespmem:$0x19E00] =	vst v63  }
0x11c: {  	s31 =	simm.s32 $0x4640;
	s29 =	simm.s32 $0x1F8  }
0x11d: {  	[tilespmem:s31], [sflag:$0x3] =	stream.indirect.gather [hbm4b:s3+s12], $0x20, s29, s12, $0xb8;
	[tilespmem:$0x19E00] =	vst v63  }
0x11e: {  	s4 =	simm.s32 $0x230;
	s5 =	simm.s32 $0x4C80  }
0x11f: {  	[tilespmem:s5], [sflag:$0x3] =	stream.indirect.gather [hbm4b:s3+s12], $0x20, s4, s12, $0xb8;
	[tilespmem:$0x19E00] =	vst v63  }
0x120: {  	s6 =	simm.s32 $0x268;
	s7 =	simm.s32 $0x52C0  }
0x121: {  	[tilespmem:s7], [sflag:$0x3] =	stream.indirect.gather [hbm4b:s3+s12], $0x20, s6, s12, $0xb8;
	[tilespmem:$0x19E00] =	vst v63  }
0x122: {  	s8 =	simm.s32 $0x2A0;
	s9 =	simm.s32 $0x5900  }
0x123: {  	[tilespmem:s9], [sflag:$0x3] =	stream.indirect.gather [hbm4b:s3+s12], $0x20, s8, s12, $0xb8;
	[tilespmem:$0x19E00] =	vst v63  }
0x124: {  	s10 =	simm.s32 $0x2D8;
	s13 =	simm.s32 $0x5F40  }
0x125: {  	[tilespmem:s13], [sflag:$0x3] =	stream.indirect.gather [hbm4b:s3+s12], $0x20, s10, s12, $0xb8;
	[tilespmem:$0x19E00] =	vst v63  }
0x126: {  	s14 =	simm.s32 $0x310;
	s15 =	simm.s32 $0x6580  }
0x127: {  	[tilespmem:s15], [sflag:$0x3] =	stream.indirect.gather [hbm4b:s3+s12], $0x20, s14, s12, $0xb8;
	[tilespmem:$0x19E00] =	vst v63  }
0x128: {  	s16 =	simm.s32 $0x348;
	s17 =	simm.s32 $0x6BC0  }
0x129: {  	[tilespmem:s17], [sflag:$0x3] =	stream.indirect.gather [hbm4b:s3+s12], $0x20, s16, s12, $0xb8;
	[tilespmem:$0x19E00] =	vst v63  }
0x12a: {  	s18 =	simm.s32 $0x380;
	s23 =	simm.s32 $0x7200  }
0x12b: {  	[tilespmem:s23], [sflag:$0x3] =	stream.indirect.gather [hbm4b:s3+s12], $0x20, s18, s12, $0xb8;
	[tilespmem:$0x19E00] =	vst v63  }
0x12c: {  	s24 =	simm.s32 $0x3B8;
	s25 =	simm.s32 $0x7840  }
0x12d: {  	[tilespmem:s25], [sflag:$0x3] =	stream.indirect.gather [hbm4b:s3+s12], $0x20, s24, s12, $0xb8;
	[tilespmem:$0x19E00] =	vst v63  }
0x12e: {  	s29 =	simm.s32 $0x3F0;
	s31 =	simm.s32 $0x7E80  }
0x12f: {  	[tilespmem:s31], [sflag:$0x3] =	stream.indirect.gather [hbm4b:s3+s12], $0x20, s29, s12, $0xb8;
	[tilespmem:$0x19E00] =	vst v63  }
0x130: {  	s4 =	simm.s32 $0x428;
	s5 =	simm.s32 $0x84C0  }
0x131: {  	[tilespmem:s5], [sflag:$0x3] =	stream.indirect.gather [hbm4b:s3+s12], $0x20, s4, s12, $0xb8;
	[tilespmem:$0x19E00] =	vst v63  }
0x132: {  	s6 =	simm.s32 $0x460;
	s7 =	simm.s32 $0x8B00  }
0x133: {  	[tilespmem:s7], [sflag:$0x3] =	stream.indirect.gather [hbm4b:s3+s12], $0x20, s6, s12, $0xb8;
	[tilespmem:$0x19E00] =	vst v63  }
0x134: {  	s8 =	simm.s32 $0x498;
	s9 =	simm.s32 $0x9140  }
0x135: {  	[tilespmem:s9], [sflag:$0x3] =	stream.indirect.gather [hbm4b:s3+s12], $0x20, s8, s12, $0xb8;
	[tilespmem:$0x19E00] =	vst v63  }
0x136: {  	s10 =	simm.s32 $0x4D0;
	s13 =	simm.s32 $0x9780  }
0x137: {  	[tilespmem:s13], [sflag:$0x3] =	stream.indirect.gather [hbm4b:s3+s12], $0x20, s10, s12, $0xb8;
	[tilespmem:$0x19E00] =	vst v63  }
0x138: {  	s14 =	simm.s32 $0x508;
	s15 =	simm.s32 $0x9DC0  }
0x139: {  	[tilespmem:s15], [sflag:$0x3] =	stream.indirect.gather [hbm4b:s3+s12], $0x20, s14, s12, $0xb8;
	[tilespmem:$0x19E00] =	vst v63  }
0x13a: {  	s16 =	simm.s32 $0x540;
	s17 =	simm.s32 $0xA400  }
0x13b: {  	[tilespmem:s17], [sflag:$0x3] =	stream.indirect.gather [hbm4b:s3+s12], $0x20, s16, s12, $0xb8;
	[tilespmem:$0x19E00] =	vst v63  }
0x13c: {  	s18 =	simm.s32 $0x578;
	s23 =	simm.s32 $0xAA40  }
0x13d: {  	[tilespmem:s23], [sflag:$0x3] =	stream.indirect.gather [hbm4b:s3+s12], $0x20, s18, s12, $0xb8;
	[tilespmem:$0x19E00] =	vst v63  }
0x13e: {  	s24 =	simm.s32 $0x5B0;
	s25 =	simm.s32 $0xB080  }
0x13f: {  	[tilespmem:s25], [sflag:$0x3] =	stream.indirect.gather [hbm4b:s3+s12], $0x20, s24, s12, $0xb8;
	[tilespmem:$0x19E00] =	vst v63  }
0x140: {  	s29 =	simm.s32 $0x5E8;
	s31 =	simm.s32 $0xB6C0  }
0x141: {  	[tilespmem:s31], [sflag:$0x3] =	stream.indirect.gather [hbm4b:s3+s12], $0x20, s29, s12, $0xb8;
	[tilespmem:$0x19E00] =	vst v63  }
0x142: {  	s4 =	simm.s32 $0x620;
	s5 =	simm.s32 $0xBD00  }
0x143: {  	[tilespmem:s5], [sflag:$0x3] =	stream.indirect.gather [hbm4b:s3+s12], $0x20, s4, s12, $0xb8;
	[tilespmem:$0x19E00] =	vst v63  }
0x144: {  	s6 =	simm.s32 $0x658;
	s7 =	simm.s32 $0xC340  }
0x145: {  	[tilespmem:s7], [sflag:$0x3] =	stream.indirect.gather [hbm4b:s3+s12], $0x20, s6, s12, $0xb8;
	[tilespmem:$0x19E00] =	vst v63  }
0x146: {  	s8 =	simm.s32 $0x690;
	s9 =	simm.s32 $0xC980  }
0x147: {  	[tilespmem:s9], [sflag:$0x3] =	stream.indirect.gather [hbm4b:s3+s12], $0x20, s8, s12, $0xb8;
	[tilespmem:$0x19E00] =	vst v63  }
0x148: {  	s10 =	simm.s32 $0x6C8;
	s13 =	simm.s32 $0xCFC0  }
0x149: {  	[tilespmem:s13], [sflag:$0x3] =	stream.indirect.gather [hbm4b:s3+s12], $0x20, s10, s12, $0xb8;
	[tilespmem:$0x19E00] =	vst v63  }
0x14a: {  	_ =	swait.ge [sflag:s21], $0x640  }
0x14b: {  	[sflag:s21] =	ssyncset.done $0x0  }
0x14c: {  	[sflag:s21] =	ssyncadd.s32 $0xFFFFF9C0  }
0x14d: {  	_ =	swait.ge [sflag:s21], $0x640  }
0x14e: {  	[sflag:s21] =	ssyncset.done $0x0  }
0x14f: {  	[sflag:s21] =	ssyncadd.s32 $0xFFFFF9C0  }
0x150: {  	_ =	swait.ge [sflag:s21], $0x640  }
0x151: {  	[sflag:s21] =	ssyncset.done $0x0  }
0x152: {  	[sflag:s21] =	ssyncadd.s32 $0xFFFFF9C0  }
0x153: {  	_ =	swait.ge [sflag:s21], $0x640  }
0x154: {  	[sflag:s21] =	ssyncset.done $0x0  }
0x155: {  	[sflag:s21] =	ssyncadd.s32 $0xFFFFF9C0  }
0x156: {  	_ =	swait.ge [sflag:s21], $0x640  }
0x157: {  	[sflag:s21] =	ssyncset.done $0x0  }
0x158: {  	[sflag:s21] =	ssyncadd.s32 $0xFFFFF9C0  }
0x159: {  	_ =	swait.ge [sflag:s21], $0x640  }
0x15a: {  	[sflag:s21] =	ssyncset.done $0x0  }
0x15b: {  	[sflag:s21] =	ssyncadd.s32 $0xFFFFF9C0  }
0x15c: {  	_ =	swait.ge [sflag:s21], $0x640  }
0x15d: {  	[sflag:s21] =	ssyncset.done $0x0  }
0x15e: {  	[sflag:s21] =	ssyncadd.s32 $0xFFFFF9C0  }
0x15f: {  	_ =	swait.ge [sflag:s21], $0x640  }
0x160: {  	[sflag:s21] =	ssyncset.done $0x0  }
0x161: {  	[sflag:s21] =	ssyncadd.s32 $0xFFFFF9C0  }
0x162: {  	_ =	swait.ge [sflag:s21], $0x640  }
0x163: {  	[sflag:s21] =	ssyncset.done $0x0  }
0x164: {  	[sflag:s21] =	ssyncadd.s32 $0xFFFFF9C0  }
0x165: {  	_ =	swait.ge [sflag:s21], $0x640  }
0x166: {  	[sflag:s21] =	ssyncset.done $0x0  }
0x167: {  	[sflag:s21] =	ssyncadd.s32 $0xFFFFF9C0  }
0x168: {  	_ =	swait.ge [sflag:s21], $0x640  }
0x169: {  	[sflag:s21] =	ssyncset.done $0x0  }
0x16a: {  	[sflag:s21] =	ssyncadd.s32 $0xFFFFF9C0  }
0x16b: {  	_ =	swait.ge [sflag:s21], $0x640  }
0x16c: {  	[sflag:s21] =	ssyncset.done $0x0  }
0x16d: {  	[sflag:s21] =	ssyncadd.s32 $0xFFFFF9C0  }
0x16e: {  	_ =	swait.ge [sflag:s21], $0x640  }
0x16f: {  	[sflag:s21] =	ssyncset.done $0x0  }
0x170: {  	[sflag:s21] =	ssyncadd.s32 $0xFFFFF9C0  }
0x171: {  	_ =	swait.ge [sflag:s21], $0x640  }
0x172: {  	[sflag:s21] =	ssyncset.done $0x0  }
0x173: {  	[sflag:s21] =	ssyncadd.s32 $0xFFFFF9C0  }
0x174: {  	_ =	swait.ge [sflag:s21], $0x640  }
0x175: {  	[sflag:s21] =	ssyncset.done $0x0  }
0x176: {  	[sflag:s21] =	ssyncadd.s32 $0xFFFFF9C0  }
0x177: {  	_ =	swait.ge [sflag:s21], $0x640  }
0x178: {  	[sflag:s21] =	ssyncset.done $0x0  }
0x179: {  	[sflag:s21] =	ssyncadd.s32 $0xFFFFF9C0  }
0x17a: {  	_ =	swait.ge [sflag:s21], $0x640  }
0x17b: {  	[sflag:s21] =	ssyncset.done $0x0  }
0x17c: {  	[sflag:s21] =	ssyncadd.s32 $0xFFFFF9C0  }
0x17d: {  	_ =	swait.ge [sflag:s21], $0x640  }
0x17e: {  	[sflag:s21] =	ssyncset.done $0x0  }
0x17f: {  	[sflag:s21] =	ssyncadd.s32 $0xFFFFF9C0  }
0x180: {  	_ =	swait.ge [sflag:s21], $0x640  }
0x181: {  	[sflag:s21] =	ssyncset.done $0x0  }
0x182: {  	[sflag:s21] =	ssyncadd.s32 $0xFFFFF9C0  }
0x183: {  	_ =	swait.ge [sflag:s21], $0x640  }
0x184: {  	[sflag:s21] =	ssyncset.done $0x0  }
0x185: {  	[sflag:s21] =	ssyncadd.s32 $0xFFFFF9C0  }
0x186: {  	_ =	swait.ge [sflag:s21], $0x640  }
0x187: {  	[sflag:s21] =	ssyncset.done $0x0  }
0x188: {  	[sflag:s21] =	ssyncadd.s32 $0xFFFFF9C0  }
0x189: {  	_ =	swait.ge [sflag:s21], $0x640  }
0x18a: {  	[sflag:s21] =	ssyncset.done $0x0  }
0x18b: {  	[sflag:s21] =	ssyncadd.s32 $0xFFFFF9C0  }
0x18c: {  	_ =	swait.ge [sflag:s21], $0x640  }
0x18d: {  	[sflag:s21] =	ssyncset.done $0x0  }
0x18e: {  	[sflag:s21] =	ssyncadd.s32 $0xFFFFF9C0  }
0x18f: {  	_ =	swait.ge [sflag:s21], $0x640  }
0x190: {  	[sflag:s21] =	ssyncset.done $0x0  }
0x191: {  	[sflag:s21] =	ssyncadd.s32 $0xFFFFF9C0  }
0x192: {  	_ =	swait.ge [sflag:s21], $0x640  }
0x193: {  	[sflag:s21] =	ssyncset.done $0x0  }
0x194: {  	[sflag:s21] =	ssyncadd.s32 $0xFFFFF9C0  }
0x195: {  	_ =	swait.ge [sflag:s21], $0x640  }
0x196: {  	[sflag:s21] =	ssyncset.done $0x0  }
0x197: {  	[sflag:s21] =	ssyncadd.s32 $0xFFFFF9C0  }
0x198: {  	_ =	swait.ge [sflag:s21], $0x640  }
0x199: {  	[sflag:s21] =	ssyncset.done $0x0  }
0x19a: {  	[sflag:s21] =	ssyncadd.s32 $0xFFFFF9C0  }
0x19b: {  	_ =	swait.ge [sflag:s21], $0x640  }
0x19c: {  	[sflag:s21] =	ssyncset.done $0x0  }
0x19d: {  	[sflag:s21] =	ssyncadd.s32 $0xFFFFF9C0  }
0x19e: {  	_ =	swait.ge [sflag:s21], $0x640  }
0x19f: {  	[sflag:s21] =	ssyncset.done $0x0  }
0x1a0: {  	[sflag:s21] =	ssyncadd.s32 $0xFFFFF9C0  }
0x1a1: {  	_ =	swait.ge [sflag:s21], $0x640  }
0x1a2: {  	[sflag:s21] =	ssyncset.done $0x0  }
0x1a3: {  	[sflag:s21] =	ssyncadd.s32 $0xFFFFF9C0  }
0x1a4: {  	_ =	swait.ge [sflag:s21], $0x640  }
0x1a5: {  	[sflag:s21] =	ssyncset.done $0x0  }
0x1a6: {  	[sflag:s21] =	ssyncadd.s32 $0xFFFFF9C0  }
0x1a7: {  	_ =	swait.ge [sflag:s21], $0x640  }
0x1a8: {  	[sflag:s21] =	ssyncset.done $0x0;
	s4 =	rddreg [dreg:$0x9]  }
0x1a9: {  	s15 =	rddreg [dreg:$0xb];
	s14 =	sadd.s32 $0x1900, s4;
	[sflag:s21] =	ssyncadd.s32 $0xFFFFF9C0  }
0x1aa: {  	[hbm4b:s14+s2] =	stream.linear.scatter [tilespmem:s28], [sflag:$0x6], $0xC800, $0x38;
	[tilespmem:$0x19E00] =	vst v63  }
0x1ab: {  	s17 =	simm.s32 $0x700;
	s16 =	sadd.s32 $0x2A0, s15  }
0x1ac: {  	[tilespmem:s17], [sflag:$0x2] =	stream.linear.gather [hbm4b:s16+s2], $0x700, $0x38;
	[tilespmem:$0x19E00] =	vst v63  }
0x1ad: {  	_ =	swait.ge [sflag:s26], $0x700  }
0x1ae: {  	[sflag:s26] =	ssyncset.done $0x0  }
0x1af: {  	[sflag:s26] =	ssyncadd.s32 $0xFFFFF900  }
0x1b0: {  	_ =	swait.ge [sflag:s22], $0xC800  }
0x1b1: {  	[sflag:s22] =	ssyncset.done $0x0  }
0x1b2: {  	[sflag:s22] =	ssyncadd.s32 $0xFFFF3800  }
0x1b3: {  	[tilespmem:s28], [sflag:$0x4] =	stream.indirect.gather [hbm4b:s3+s12], $0x20, s17, s12, $0xb8;
	[tilespmem:$0x19E00] =	vst v63  }
0x1b4: {  	s18 =	simm.s32 $0x738;
	s23 =	simm.s32 $0xDC40  }
0x1b5: {  	[tilespmem:s23], [sflag:$0x4] =	stream.indirect.gather [hbm4b:s3+s12], $0x20, s18, s12, $0xb8;
	[tilespmem:$0x19E00] =	vst v63  }
0x1b6: {  	s24 =	simm.s32 $0x770;
	s25 =	simm.s32 $0xE280  }
0x1b7: {  	[tilespmem:s25], [sflag:$0x4] =	stream.indirect.gather [hbm4b:s3+s12], $0x20, s24, s12, $0xb8;
	[tilespmem:$0x19E00] =	vst v63  }
0x1b8: {  	s29 =	simm.s32 $0x7A8;
	s31 =	simm.s32 $0xE8C0  }
0x1b9: {  	[tilespmem:s31], [sflag:$0x4] =	stream.indirect.gather [hbm4b:s3+s12], $0x20, s29, s12, $0xb8;
	[tilespmem:$0x19E00] =	vst v63  }
0x1ba: {  	s1 =	simm.s32 $0x7E0;
	s5 =	simm.s32 $0xEF00  }
0x1bb: {  	[tilespmem:s5], [sflag:$0x4] =	stream.indirect.gather [hbm4b:s3+s12], $0x20, s1, s12, $0xb8;
	[tilespmem:$0x19E00] =	vst v63  }
0x1bc: {  	s6 =	simm.s32 $0x818;
	s7 =	simm.s32 $0xF540  }
0x1bd: {  	[tilespmem:s7], [sflag:$0x4] =	stream.indirect.gather [hbm4b:s3+s12], $0x20, s6, s12, $0xb8;
	[tilespmem:$0x19E00] =	vst v63  }
0x1be: {  	s8 =	simm.s32 $0x850;
	s9 =	simm.s32 $0xFB80  }
0x1bf: {  	[tilespmem:s9], [sflag:$0x4] =	stream.indirect.gather [hbm4b:s3+s12], $0x20, s8, s12, $0xb8;
	[tilespmem:$0x19E00] =	vst v63  }
0x1c0: {  	s10 =	simm.s32 $0x888;
	s13 =	simm.s32 $0x101C0  }
0x1c1: {  	[tilespmem:s13], [sflag:$0x4] =	stream.indirect.gather [hbm4b:s3+s12], $0x20, s10, s12, $0xb8;
	[tilespmem:$0x19E00] =	vst v63  }
0x1c2: {  	s15 =	simm.s32 $0x10800;
	s14 =	simm.s32 $0x8C0  }
0x1c3: {  	[tilespmem:s15], [sflag:$0x4] =	stream.indirect.gather [hbm4b:s3+s12], $0x20, s14, s12, $0xb8;
	[tilespmem:$0x19E00] =	vst v63  }
0x1c4: {  	s16 =	simm.s32 $0x8F8;
	s17 =	simm.s32 $0x10E40  }
0x1c5: {  	[tilespmem:s17], [sflag:$0x4] =	stream.indirect.gather [hbm4b:s3+s12], $0x20, s16, s12, $0xb8;
	[tilespmem:$0x19E00] =	vst v63  }
0x1c6: {  	s18 =	simm.s32 $0x930;
	s23 =	simm.s32 $0x11480  }
0x1c7: {  	[tilespmem:s23], [sflag:$0x4] =	stream.indirect.gather [hbm4b:s3+s12], $0x20, s18, s12, $0xb8;
	[tilespmem:$0x19E00] =	vst v63  }
0x1c8: {  	s24 =	simm.s32 $0x968;
	s25 =	simm.s32 $0x11AC0  }
0x1c9: {  	[tilespmem:s25], [sflag:$0x4] =	stream.indirect.gather [hbm4b:s3+s12], $0x20, s24, s12, $0xb8;
	[tilespmem:$0x19E00] =	vst v63  }
0x1ca: {  	s29 =	simm.s32 $0x9A0;
	s31 =	simm.s32 $0x12100  }
0x1cb: {  	[tilespmem:s31], [sflag:$0x4] =	stream.indirect.gather [hbm4b:s3+s12], $0x20, s29, s12, $0xb8;
	[tilespmem:$0x19E00] =	vst v63  }
0x1cc: {  	s1 =	simm.s32 $0x9D8;
	s5 =	simm.s32 $0x12740  }
0x1cd: {  	[tilespmem:s5], [sflag:$0x4] =	stream.indirect.gather [hbm4b:s3+s12], $0x20, s1, s12, $0xb8;
	[tilespmem:$0x19E00] =	vst v63  }
0x1ce: {  	s30 =	simm.s32 $0x38;
	s6 =	simm.s32 $0xA10;
	s7 =	simm.s32 $0x12D80  }
0x1cf: {  	[tilespmem:s7], [sflag:$0x4] =	stream.indirect.gather [hbm4b:s3+s12], $0x20, s6, s12, $0xb8;
	[tilespmem:$0x19E00] =	vst v63  }
0x1d0: {  	s8 =	simm.s32 $0xA48;
	s9 =	simm.s32 $0x133C0;
	s10 =	simm.s32 $0xA80  }
0x1d1: {  	[tilespmem:s9], [sflag:$0x4] =	stream.indirect.gather [hbm4b:s3+s12], $0x20, s8, s12, $0xb8;
	[tilespmem:$0x19E00] =	vst v63  }
0x1d2: {  	s13 =	simm.s32 $0x13A00;
	s14 =	simm.s32 $0xAB8;
	s15 =	simm.s32 $0x14040  }
0x1d3: {  	[tilespmem:s13], [sflag:$0x4] =	stream.indirect.gather [hbm4b:s3+s12], $0x20, s10, s12, $0xb8;
	[tilespmem:$0x19E00] =	vst v63  }
0x1d4: {  	s16 =	simm.s32 $0xAF0;
	s17 =	simm.s32 $0x14680;
	s18 =	simm.s32 $0xB28  }
0x1d5: {  	[tilespmem:s15], [sflag:$0x4] =	stream.indirect.gather [hbm4b:s3+s12], $0x20, s14, s12, $0xb8;
	[tilespmem:$0x19E00] =	vst v63  }
0x1d6: {  	s23 =	simm.s32 $0x14CC0;
	s24 =	simm.s32 $0xB60;
	s25 =	simm.s32 $0x15300  }
0x1d7: {  	[tilespmem:s17], [sflag:$0x4] =	stream.indirect.gather [hbm4b:s3+s12], $0x20, s16, s12, $0xb8;
	[tilespmem:$0x19E00] =	vst v63  }
0x1d8: {  	s29 =	simm.s32 $0xB98;
	s31 =	simm.s32 $0x15940;
	s1 =	simm.s32 $0xBD0  }
0x1d9: {  	[tilespmem:s23], [sflag:$0x4] =	stream.indirect.gather [hbm4b:s3+s12], $0x20, s18, s12, $0xb8;
	[tilespmem:$0x19E00] =	vst v63  }
0x1da: {  	s5 =	simm.s32 $0x15F80;
	s6 =	simm.s32 $0xC08;
	s7 =	simm.s32 $0x165C0  }
0x1db: {  	[tilespmem:s25], [sflag:$0x4] =	stream.indirect.gather [hbm4b:s3+s12], $0x20, s24, s12, $0xb8;
	[tilespmem:$0x19E00] =	vst v63  }
0x1dc: {  	s8 =	simm.s32 $0xC40;
	s9 =	simm.s32 $0x16C00;
	s10 =	simm.s32 $0xC78  }
0x1dd: {  	[tilespmem:s31], [sflag:$0x4] =	stream.indirect.gather [hbm4b:s3+s12], $0x20, s29, s12, $0xb8;
	[tilespmem:$0x19E00] =	vst v63  }
0x1de: {  	s13 =	simm.s32 $0x17240;
	s14 =	simm.s32 $0xCB0;
	s15 =	simm.s32 $0x17880  }
0x1df: {  	[tilespmem:s5], [sflag:$0x4] =	stream.indirect.gather [hbm4b:s3+s12], $0x20, s1, s12, $0xb8;
	[tilespmem:$0x19E00] =	vst v63  }
0x1e0: {  	s16 =	simm.s32 $0xCE8;
	s17 =	simm.s32 $0x17EC0;
	s18 =	simm.s32 $0xD20  }
0x1e1: {  	[tilespmem:s7], [sflag:$0x4] =	stream.indirect.gather [hbm4b:s3+s12], $0x20, s6, s12, $0xb8;
	[tilespmem:$0x19E00] =	vst v63  }
0x1e2: {  	s23 =	simm.s32 $0x18500;
	s24 =	simm.s32 $0xD58;
	s25 =	simm.s32 $0x18B40  }
0x1e3: {  	[tilespmem:s9], [sflag:$0x4] =	stream.indirect.gather [hbm4b:s3+s12], $0x20, s8, s12, $0xb8;
	[tilespmem:$0x19E00] =	vst v63  }
0x1e4: {  	s29 =	simm.s32 $0xD90;
	s31 =	simm.s32 $0x19180;
	s1 =	simm.s32 $0x1A80  }
0x1e5: {  	[tilespmem:s13], [sflag:$0x4] =	stream.indirect.gather [hbm4b:s3+s12], $0x20, s10, s12, $0xb8;
	[tilespmem:$0x19E00] =	vst v63  }
0x1e6: {  	s5 =	simm.s32 $0xA8;
	s6 =	simm.s32 $0x20C0;
	s7 =	simm.s32 $0xE0  }
0x1e7: {  	[tilespmem:s15], [sflag:$0x4] =	stream.indirect.gather [hbm4b:s3+s12], $0x20, s14, s12, $0xb8;
	[tilespmem:$0x19E00] =	vst v63  }
0x1e8: {  	s8 =	simm.s32 $0x2700;
	s9 =	simm.s32 $0x2D40;
	s10 =	simm.s32 $0x4000  }
0x1e9: {  	[tilespmem:s17], [sflag:$0x4] =	stream.indirect.gather [hbm4b:s3+s12], $0x20, s16, s12, $0xb8;
	[tilespmem:$0x19E00] =	vst v63  }
0x1ea: {  	s13 =	simm.s32 $0x700;
	s14 =	simm.s32 $0x150;
	s15 =	simm.s32 $0x3380  }
0x1eb: {  	[tilespmem:s23], [sflag:$0x4] =	stream.indirect.gather [hbm4b:s3+s12], $0x20, s18, s12, $0xb8;
	[tilespmem:$0x19E00] =	vst v63  }
0x1ec: {  	s16 =	simm.s32 $0x188;
	s17 =	simm.s32 $0x39C0;
	s23 =	simm.s32 $0x1C0  }
0x1ed: {  	[tilespmem:s25], [sflag:$0x4] =	stream.indirect.gather [hbm4b:s3+s12], $0x20, s24, s12, $0xb8;
	[tilespmem:$0x19E00] =	vst v63  }
0x1ee: {  	s18 =	simm.s32 $0x1C0;
	s24 =	smov.u32 s4;
	s4 =	simm.s32 $0x118  }
0x1ef: {  	[tilespmem:s31], [sflag:$0x4] =	stream.indirect.gather [hbm4b:s3+s12], $0x20, s29, s12, $0xb8;
	[tilespmem:$0x19E00] =	vst v63  }
.LBB2_2:
0x1f0: {  	s0 =	simm.s32 $0xDC8;
	s29 =	simm.s32 $0x197C0  }
0x1f1: {  	[tilespmem:s29], [sflag:$0x4] =	stream.indirect.gather [hbm4b:s3+s12], $0x20, s0, s12, $0xb8;
	[tilespmem:$0x19E00] =	vst v63  }
0x1f2: {  	_ =	swait.ge [sflag:s19], $0x640  }
0x1f3: {  	[sflag:s19] =	ssyncset.done $0x0  }
0x1f4: {  	[sflag:s19] =	ssyncadd.s32 $0xFFFFF9C0  }
0x1f5: {  	_ =	swait.ge [sflag:s19], $0x640  }
0x1f6: {  	[sflag:s19] =	ssyncset.done $0x0  }
0x1f7: {  	[sflag:s19] =	ssyncadd.s32 $0xFFFFF9C0  }
0x1f8: {  	_ =	swait.ge [sflag:s19], $0x640  }
0x1f9: {  	[sflag:s19] =	ssyncset.done $0x0  }
0x1fa: {  	[sflag:s19] =	ssyncadd.s32 $0xFFFFF9C0  }
0x1fb: {  	_ =	swait.ge [sflag:s19], $0x640  }
0x1fc: {  	[sflag:s19] =	ssyncset.done $0x0  }
0x1fd: {  	[sflag:s19] =	ssyncadd.s32 $0xFFFFF9C0  }
0x1fe: {  	_ =	swait.ge [sflag:s19], $0x640  }
0x1ff: {  	[sflag:s19] =	ssyncset.done $0x0  }
0x200: {  	[sflag:s19] =	ssyncadd.s32 $0xFFFFF9C0  }
0x201: {  	_ =	swait.ge [sflag:s19], $0x640  }
0x202: {  	[sflag:s19] =	ssyncset.done $0x0  }
0x203: {  	[sflag:s19] =	ssyncadd.s32 $0xFFFFF9C0  }
0x204: {  	_ =	swait.ge [sflag:s19], $0x640  }
0x205: {  	[sflag:s19] =	ssyncset.done $0x0  }
0x206: {  	[sflag:s19] =	ssyncadd.s32 $0xFFFFF9C0  }
0x207: {  	_ =	swait.ge [sflag:s19], $0x640  }
0x208: {  	[sflag:s19] =	ssyncset.done $0x0  }
0x209: {  	[sflag:s19] =	ssyncadd.s32 $0xFFFFF9C0  }
0x20a: {  	_ =	swait.ge [sflag:s19], $0x640  }
0x20b: {  	[sflag:s19] =	ssyncset.done $0x0  }
0x20c: {  	[sflag:s19] =	ssyncadd.s32 $0xFFFFF9C0  }
0x20d: {  	_ =	swait.ge [sflag:s19], $0x640  }
0x20e: {  	[sflag:s19] =	ssyncset.done $0x0  }
0x20f: {  	[sflag:s19] =	ssyncadd.s32 $0xFFFFF9C0  }
0x210: {  	_ =	swait.ge [sflag:s19], $0x640  }
0x211: {  	[sflag:s19] =	ssyncset.done $0x0  }
0x212: {  	[sflag:s19] =	ssyncadd.s32 $0xFFFFF9C0  }
0x213: {  	_ =	swait.ge [sflag:s19], $0x640  }
0x214: {  	[sflag:s19] =	ssyncset.done $0x0  }
0x215: {  	[sflag:s19] =	ssyncadd.s32 $0xFFFFF9C0  }
0x216: {  	_ =	swait.ge [sflag:s19], $0x640  }
0x217: {  	[sflag:s19] =	ssyncset.done $0x0  }
0x218: {  	[sflag:s19] =	ssyncadd.s32 $0xFFFFF9C0  }
0x219: {  	_ =	swait.ge [sflag:s19], $0x640  }
0x21a: {  	[sflag:s19] =	ssyncset.done $0x0  }
0x21b: {  	[sflag:s19] =	ssyncadd.s32 $0xFFFFF9C0  }
0x21c: {  	_ =	swait.ge [sflag:s19], $0x640  }
0x21d: {  	[sflag:s19] =	ssyncset.done $0x0  }
0x21e: {  	[sflag:s19] =	ssyncadd.s32 $0xFFFFF9C0  }
0x21f: {  	_ =	swait.ge [sflag:s19], $0x640  }
0x220: {  	[sflag:s19] =	ssyncset.done $0x0  }
0x221: {  	[sflag:s19] =	ssyncadd.s32 $0xFFFFF9C0  }
0x222: {  	_ =	swait.ge [sflag:s19], $0x640  }
0x223: {  	[sflag:s19] =	ssyncset.done $0x0  }
0x224: {  	[sflag:s19] =	ssyncadd.s32 $0xFFFFF9C0  }
0x225: {  	_ =	swait.ge [sflag:s19], $0x640  }
0x226: {  	[sflag:s19] =	ssyncset.done $0x0  }
0x227: {  	[sflag:s19] =	ssyncadd.s32 $0xFFFFF9C0  }
0x228: {  	_ =	swait.ge [sflag:s19], $0x640  }
0x229: {  	[sflag:s19] =	ssyncset.done $0x0  }
0x22a: {  	[sflag:s19] =	ssyncadd.s32 $0xFFFFF9C0  }
0x22b: {  	_ =	swait.ge [sflag:s19], $0x640  }
0x22c: {  	[sflag:s19] =	ssyncset.done $0x0  }
0x22d: {  	[sflag:s19] =	ssyncadd.s32 $0xFFFFF9C0  }
0x22e: {  	_ =	swait.ge [sflag:s19], $0x640  }
0x22f: {  	[sflag:s19] =	ssyncset.done $0x0  }
0x230: {  	[sflag:s19] =	ssyncadd.s32 $0xFFFFF9C0  }
0x231: {  	_ =	swait.ge [sflag:s19], $0x640  }
0x232: {  	[sflag:s19] =	ssyncset.done $0x0  }
0x233: {  	[sflag:s19] =	ssyncadd.s32 $0xFFFFF9C0  }
0x234: {  	_ =	swait.ge [sflag:s19], $0x640  }
0x235: {  	[sflag:s19] =	ssyncset.done $0x0  }
0x236: {  	[sflag:s19] =	ssyncadd.s32 $0xFFFFF9C0  }
0x237: {  	_ =	swait.ge [sflag:s19], $0x640  }
0x238: {  	[sflag:s19] =	ssyncset.done $0x0  }
0x239: {  	[sflag:s19] =	ssyncadd.s32 $0xFFFFF9C0  }
0x23a: {  	_ =	swait.ge [sflag:s19], $0x640  }
0x23b: {  	[sflag:s19] =	ssyncset.done $0x0  }
0x23c: {  	[sflag:s19] =	ssyncadd.s32 $0xFFFFF9C0  }
0x23d: {  	_ =	swait.ge [sflag:s19], $0x640  }
0x23e: {  	[sflag:s19] =	ssyncset.done $0x0  }
0x23f: {  	[sflag:s19] =	ssyncadd.s32 $0xFFFFF9C0  }
0x240: {  	_ =	swait.ge [sflag:s19], $0x640  }
0x241: {  	[sflag:s19] =	ssyncset.done $0x0  }
0x242: {  	[sflag:s19] =	ssyncadd.s32 $0xFFFFF9C0  }
0x243: {  	_ =	swait.ge [sflag:s19], $0x640  }
0x244: {  	[sflag:s19] =	ssyncset.done $0x0  }
0x245: {  	[sflag:s19] =	ssyncadd.s32 $0xFFFFF9C0  }
0x246: {  	_ =	swait.ge [sflag:s19], $0x640  }
0x247: {  	[sflag:s19] =	ssyncset.done $0x0  }
0x248: {  	[sflag:s19] =	ssyncadd.s32 $0xFFFFF9C0  }
0x249: {  	_ =	swait.ge [sflag:s19], $0x640  }
0x24a: {  	[sflag:s19] =	ssyncset.done $0x0  }
0x24b: {  	[sflag:s19] =	ssyncadd.s32 $0xFFFFF9C0  }
0x24c: {  	_ =	swait.ge [sflag:s19], $0x640  }
0x24d: {  	[sflag:s19] =	ssyncset.done $0x0  }
0x24e: {  	[sflag:s19] =	ssyncadd.s32 $0xFFFFF9C0  }
0x24f: {  	s24 =	sadd.s32 $0x3200, s24;
	_ =	swait.ge [sflag:s19], $0x640  }
0x250: {  	s25 =	smov.u32 s23;
	[sflag:s19] =	ssyncset.done $0x0;
	s29 =	rddreg [dreg:$0x3]  }
0x251: {  	s0 =	simm.s32 $0xE00;
	[sflag:s19] =	ssyncadd.s32 $0xFFFFF9C0;
	s25 =	sadd.s32 s25, s29  }
0x252: {  	[hbm4b:s24+s2] =	stream.linear.scatter [tilespmem:s0], [sflag:$0x5], $0xC800, $0x38;
	[tilespmem:$0x19E00] =	vst v63  }
0x253: {  	s29 =	sadd.s32 $0x1C0, s25  }
0x254: {  	[tilespmem:s2], [sflag:$0x1] =	stream.linear.gather [hbm4b:s29+s2], $0x700, $0x38;
	[tilespmem:$0x19E00] =	vst v63  }
0x255: {  	_ =	swait.ge [sflag:s11], $0x700  }
0x256: {  	[sflag:s11] =	ssyncset.done $0x0  }
0x257: {  	[sflag:s11] =	ssyncadd.s32 $0xFFFFF900  }
0x258: {  	_ =	swait.ge [sflag:s20], $0xC800  }
0x259: {  	[sflag:s20] =	ssyncset.done $0x0  }
0x25a: {  	[sflag:s20] =	ssyncadd.s32 $0xFFFF3800  }
0x25b: {  	[tilespmem:s0], [sflag:$0x3] =	stream.indirect.gather [hbm4b:s3+s12], $0x20, s2, s12, $0xb8;
	[tilespmem:$0x19E00] =	vst v63  }
0x25c: {  	s29 =	simm.s32 $0x1440  }
0x25d: {  	[tilespmem:s29], [sflag:$0x3] =	stream.indirect.gather [hbm4b:s3+s12], $0x20, s30, s12, $0xb8;
	[tilespmem:$0x19E00] =	vst v63  }
0x25e: {  	s29 =	simm.s32 $0x70  }
0x25f: {  	[tilespmem:s1], [sflag:$0x3] =	stream.indirect.gather [hbm4b:s3+s12], $0x20, s29, s12, $0xb8;
	[tilespmem:$0x19E00] =	vst v63  }
0x260: {  	_ = 	snop  }
0x261: {  	[tilespmem:s6], [sflag:$0x3] =	stream.indirect.gather [hbm4b:s3+s12], $0x20, s5, s12, $0xb8;
	[tilespmem:$0x19E00] =	vst v63  }
0x262: {  	_ = 	snop  }
0x263: {  	[tilespmem:s8], [sflag:$0x3] =	stream.indirect.gather [hbm4b:s3+s12], $0x20, s7, s12, $0xb8;
	[tilespmem:$0x19E00] =	vst v63  }
0x264: {  	_ = 	snop  }
0x265: {  	[tilespmem:s9], [sflag:$0x3] =	stream.indirect.gather [hbm4b:s3+s12], $0x20, s4, s12, $0xb8;
	[tilespmem:$0x19E00] =	vst v63  }
0x266: {  	_ = 	snop  }
0x267: {  	[tilespmem:s15], [sflag:$0x3] =	stream.indirect.gather [hbm4b:s3+s12], $0x20, s14, s12, $0xb8;
	[tilespmem:$0x19E00] =	vst v63  }
0x268: {  	_ = 	snop  }
0x269: {  	[tilespmem:s17], [sflag:$0x3] =	stream.indirect.gather [hbm4b:s3+s12], $0x20, s16, s12, $0xb8;
	[tilespmem:$0x19E00] =	vst v63  }
0x26a: {  	_ = 	snop  }
0x26b: {  	[tilespmem:s10], [sflag:$0x3] =	stream.indirect.gather [hbm4b:s3+s12], $0x20, s18, s12, $0xb8;
	[tilespmem:$0x19E00] =	vst v63  }
0x26c: {  	s0 =	simm.s32 $0x4640;
	s29 =	simm.s32 $0x1F8  }
0x26d: {  	[tilespmem:s0], [sflag:$0x3] =	stream.indirect.gather [hbm4b:s3+s12], $0x20, s29, s12, $0xb8;
	[tilespmem:$0x19E00] =	vst v63  }
0x26e: {  	s0 =	simm.s32 $0x230;
	s29 =	simm.s32 $0x4C80  }
0x26f: {  	[tilespmem:s29], [sflag:$0x3] =	stream.indirect.gather [hbm4b:s3+s12], $0x20, s0, s12, $0xb8;
	[tilespmem:$0x19E00] =	vst v63  }
0x270: {  	s0 =	simm.s32 $0x268;
	s29 =	simm.s32 $0x52C0  }
0x271: {  	[tilespmem:s29], [sflag:$0x3] =	stream.indirect.gather [hbm4b:s3+s12], $0x20, s0, s12, $0xb8;
	[tilespmem:$0x19E00] =	vst v63  }
0x272: {  	s0 =	simm.s32 $0x2A0;
	s29 =	simm.s32 $0x5900  }
0x273: {  	[tilespmem:s29], [sflag:$0x3] =	stream.indirect.gather [hbm4b:s3+s12], $0x20, s0, s12, $0xb8;
	[tilespmem:$0x19E00] =	vst v63  }
0x274: {  	s0 =	simm.s32 $0x2D8;
	s29 =	simm.s32 $0x5F40  }
0x275: {  	[tilespmem:s29], [sflag:$0x3] =	stream.indirect.gather [hbm4b:s3+s12], $0x20, s0, s12, $0xb8;
	[tilespmem:$0x19E00] =	vst v63  }
0x276: {  	s0 =	simm.s32 $0x310;
	s29 =	simm.s32 $0x6580  }
0x277: {  	[tilespmem:s29], [sflag:$0x3] =	stream.indirect.gather [hbm4b:s3+s12], $0x20, s0, s12, $0xb8;
	[tilespmem:$0x19E00] =	vst v63  }
0x278: {  	s0 =	simm.s32 $0x348;
	s29 =	simm.s32 $0x6BC0  }
0x279: {  	[tilespmem:s29], [sflag:$0x3] =	stream.indirect.gather [hbm4b:s3+s12], $0x20, s0, s12, $0xb8;
	[tilespmem:$0x19E00] =	vst v63  }
0x27a: {  	s0 =	simm.s32 $0x380;
	s29 =	simm.s32 $0x7200  }
0x27b: {  	[tilespmem:s29], [sflag:$0x3] =	stream.indirect.gather [hbm4b:s3+s12], $0x20, s0, s12, $0xb8;
	[tilespmem:$0x19E00] =	vst v63  }
0x27c: {  	s0 =	simm.s32 $0x3B8;
	s29 =	simm.s32 $0x7840  }
0x27d: {  	[tilespmem:s29], [sflag:$0x3] =	stream.indirect.gather [hbm4b:s3+s12], $0x20, s0, s12, $0xb8;
	[tilespmem:$0x19E00] =	vst v63  }
0x27e: {  	s0 =	simm.s32 $0x3F0;
	s29 =	simm.s32 $0x7E80  }
0x27f: {  	[tilespmem:s29], [sflag:$0x3] =	stream.indirect.gather [hbm4b:s3+s12], $0x20, s0, s12, $0xb8;
	[tilespmem:$0x19E00] =	vst v63  }
0x280: {  	s0 =	simm.s32 $0x428;
	s29 =	simm.s32 $0x84C0  }
0x281: {  	[tilespmem:s29], [sflag:$0x3] =	stream.indirect.gather [hbm4b:s3+s12], $0x20, s0, s12, $0xb8;
	[tilespmem:$0x19E00] =	vst v63  }
0x282: {  	s0 =	simm.s32 $0x460;
	s29 =	simm.s32 $0x8B00  }
0x283: {  	[tilespmem:s29], [sflag:$0x3] =	stream.indirect.gather [hbm4b:s3+s12], $0x20, s0, s12, $0xb8;
	[tilespmem:$0x19E00] =	vst v63  }
0x284: {  	s0 =	simm.s32 $0x498;
	s29 =	simm.s32 $0x9140  }
0x285: {  	[tilespmem:s29], [sflag:$0x3] =	stream.indirect.gather [hbm4b:s3+s12], $0x20, s0, s12, $0xb8;
	[tilespmem:$0x19E00] =	vst v63  }
0x286: {  	s0 =	simm.s32 $0x4D0;
	s29 =	simm.s32 $0x9780  }
0x287: {  	[tilespmem:s29], [sflag:$0x3] =	stream.indirect.gather [hbm4b:s3+s12], $0x20, s0, s12, $0xb8;
	[tilespmem:$0x19E00] =	vst v63  }
0x288: {  	s0 =	simm.s32 $0x508;
	s29 =	simm.s32 $0x9DC0  }
0x289: {  	[tilespmem:s29], [sflag:$0x3] =	stream.indirect.gather [hbm4b:s3+s12], $0x20, s0, s12, $0xb8;
	[tilespmem:$0x19E00] =	vst v63  }
0x28a: {  	s0 =	simm.s32 $0x540;
	s29 =	simm.s32 $0xA400  }
0x28b: {  	[tilespmem:s29], [sflag:$0x3] =	stream.indirect.gather [hbm4b:s3+s12], $0x20, s0, s12, $0xb8;
	[tilespmem:$0x19E00] =	vst v63  }
0x28c: {  	s0 =	simm.s32 $0x578;
	s29 =	simm.s32 $0xAA40  }
0x28d: {  	[tilespmem:s29], [sflag:$0x3] =	stream.indirect.gather [hbm4b:s3+s12], $0x20, s0, s12, $0xb8;
	[tilespmem:$0x19E00] =	vst v63  }
0x28e: {  	s0 =	simm.s32 $0x5B0;
	s29 =	simm.s32 $0xB080  }
0x28f: {  	[tilespmem:s29], [sflag:$0x3] =	stream.indirect.gather [hbm4b:s3+s12], $0x20, s0, s12, $0xb8;
	[tilespmem:$0x19E00] =	vst v63  }
0x290: {  	s0 =	simm.s32 $0x5E8;
	s29 =	simm.s32 $0xB6C0  }
0x291: {  	[tilespmem:s29], [sflag:$0x3] =	stream.indirect.gather [hbm4b:s3+s12], $0x20, s0, s12, $0xb8;
	[tilespmem:$0x19E00] =	vst v63  }
0x292: {  	s0 =	simm.s32 $0x620;
	s29 =	simm.s32 $0xBD00  }
0x293: {  	[tilespmem:s29], [sflag:$0x3] =	stream.indirect.gather [hbm4b:s3+s12], $0x20, s0, s12, $0xb8;
	[tilespmem:$0x19E00] =	vst v63  }
0x294: {  	s0 =	simm.s32 $0x658;
	s29 =	simm.s32 $0xC340  }
0x295: {  	[tilespmem:s29], [sflag:$0x3] =	stream.indirect.gather [hbm4b:s3+s12], $0x20, s0, s12, $0xb8;
	[tilespmem:$0x19E00] =	vst v63  }
0x296: {  	s0 =	simm.s32 $0x690;
	s29 =	simm.s32 $0xC980  }
0x297: {  	[tilespmem:s29], [sflag:$0x3] =	stream.indirect.gather [hbm4b:s3+s12], $0x20, s0, s12, $0xb8;
	[tilespmem:$0x19E00] =	vst v63  }
0x298: {  	s0 =	simm.s32 $0x6C8;
	s29 =	simm.s32 $0xCFC0  }
0x299: {  	[tilespmem:s29], [sflag:$0x3] =	stream.indirect.gather [hbm4b:s3+s12], $0x20, s0, s12, $0xb8;
	[tilespmem:$0x19E00] =	vst v63  }
0x29a: {  	_ =	swait.ge [sflag:s21], $0x640  }
0x29b: {  	[sflag:s21] =	ssyncset.done $0x0  }
0x29c: {  	[sflag:s21] =	ssyncadd.s32 $0xFFFFF9C0  }
0x29d: {  	_ =	swait.ge [sflag:s21], $0x640  }
0x29e: {  	[sflag:s21] =	ssyncset.done $0x0  }
0x29f: {  	[sflag:s21] =	ssyncadd.s32 $0xFFFFF9C0  }
0x2a0: {  	_ =	swait.ge [sflag:s21], $0x640  }
0x2a1: {  	[sflag:s21] =	ssyncset.done $0x0  }
0x2a2: {  	[sflag:s21] =	ssyncadd.s32 $0xFFFFF9C0  }
0x2a3: {  	_ =	swait.ge [sflag:s21], $0x640  }
0x2a4: {  	[sflag:s21] =	ssyncset.done $0x0  }
0x2a5: {  	[sflag:s21] =	ssyncadd.s32 $0xFFFFF9C0  }
0x2a6: {  	_ =	swait.ge [sflag:s21], $0x640  }
0x2a7: {  	[sflag:s21] =	ssyncset.done $0x0  }
0x2a8: {  	[sflag:s21] =	ssyncadd.s32 $0xFFFFF9C0  }
0x2a9: {  	_ =	swait.ge [sflag:s21], $0x640  }
0x2aa: {  	[sflag:s21] =	ssyncset.done $0x0  }
0x2ab: {  	[sflag:s21] =	ssyncadd.s32 $0xFFFFF9C0  }
0x2ac: {  	_ =	swait.ge [sflag:s21], $0x640  }
0x2ad: {  	[sflag:s21] =	ssyncset.done $0x0  }
0x2ae: {  	[sflag:s21] =	ssyncadd.s32 $0xFFFFF9C0  }
0x2af: {  	_ =	swait.ge [sflag:s21], $0x640  }
0x2b0: {  	[sflag:s21] =	ssyncset.done $0x0  }
0x2b1: {  	[sflag:s21] =	ssyncadd.s32 $0xFFFFF9C0  }
0x2b2: {  	_ =	swait.ge [sflag:s21], $0x640  }
0x2b3: {  	[sflag:s21] =	ssyncset.done $0x0  }
0x2b4: {  	[sflag:s21] =	ssyncadd.s32 $0xFFFFF9C0  }
0x2b5: {  	_ =	swait.ge [sflag:s21], $0x640  }
0x2b6: {  	[sflag:s21] =	ssyncset.done $0x0  }
0x2b7: {  	[sflag:s21] =	ssyncadd.s32 $0xFFFFF9C0  }
0x2b8: {  	_ =	swait.ge [sflag:s21], $0x640  }
0x2b9: {  	[sflag:s21] =	ssyncset.done $0x0  }
0x2ba: {  	[sflag:s21] =	ssyncadd.s32 $0xFFFFF9C0  }
0x2bb: {  	_ =	swait.ge [sflag:s21], $0x640  }
0x2bc: {  	[sflag:s21] =	ssyncset.done $0x0  }
0x2bd: {  	[sflag:s21] =	ssyncadd.s32 $0xFFFFF9C0  }
0x2be: {  	_ =	swait.ge [sflag:s21], $0x640  }
0x2bf: {  	[sflag:s21] =	ssyncset.done $0x0  }
0x2c0: {  	[sflag:s21] =	ssyncadd.s32 $0xFFFFF9C0  }
0x2c1: {  	_ =	swait.ge [sflag:s21], $0x640  }
0x2c2: {  	[sflag:s21] =	ssyncset.done $0x0  }
0x2c3: {  	[sflag:s21] =	ssyncadd.s32 $0xFFFFF9C0  }
0x2c4: {  	_ =	swait.ge [sflag:s21], $0x640  }
0x2c5: {  	[sflag:s21] =	ssyncset.done $0x0  }
0x2c6: {  	[sflag:s21] =	ssyncadd.s32 $0xFFFFF9C0  }
0x2c7: {  	_ =	swait.ge [sflag:s21], $0x640  }
0x2c8: {  	[sflag:s21] =	ssyncset.done $0x0  }
0x2c9: {  	[sflag:s21] =	ssyncadd.s32 $0xFFFFF9C0  }
0x2ca: {  	_ =	swait.ge [sflag:s21], $0x640  }
0x2cb: {  	[sflag:s21] =	ssyncset.done $0x0  }
0x2cc: {  	[sflag:s21] =	ssyncadd.s32 $0xFFFFF9C0  }
0x2cd: {  	_ =	swait.ge [sflag:s21], $0x640  }
0x2ce: {  	[sflag:s21] =	ssyncset.done $0x0  }
0x2cf: {  	[sflag:s21] =	ssyncadd.s32 $0xFFFFF9C0  }
0x2d0: {  	_ =	swait.ge [sflag:s21], $0x640  }
0x2d1: {  	[sflag:s21] =	ssyncset.done $0x0  }
0x2d2: {  	[sflag:s21] =	ssyncadd.s32 $0xFFFFF9C0  }
0x2d3: {  	_ =	swait.ge [sflag:s21], $0x640  }
0x2d4: {  	[sflag:s21] =	ssyncset.done $0x0  }
0x2d5: {  	[sflag:s21] =	ssyncadd.s32 $0xFFFFF9C0  }
0x2d6: {  	_ =	swait.ge [sflag:s21], $0x640  }
0x2d7: {  	[sflag:s21] =	ssyncset.done $0x0  }
0x2d8: {  	[sflag:s21] =	ssyncadd.s32 $0xFFFFF9C0  }
0x2d9: {  	_ =	swait.ge [sflag:s21], $0x640  }
0x2da: {  	[sflag:s21] =	ssyncset.done $0x0  }
0x2db: {  	[sflag:s21] =	ssyncadd.s32 $0xFFFFF9C0  }
0x2dc: {  	_ =	swait.ge [sflag:s21], $0x640  }
0x2dd: {  	[sflag:s21] =	ssyncset.done $0x0  }
0x2de: {  	[sflag:s21] =	ssyncadd.s32 $0xFFFFF9C0  }
0x2df: {  	_ =	swait.ge [sflag:s21], $0x640  }
0x2e0: {  	[sflag:s21] =	ssyncset.done $0x0  }
0x2e1: {  	[sflag:s21] =	ssyncadd.s32 $0xFFFFF9C0  }
0x2e2: {  	_ =	swait.ge [sflag:s21], $0x640  }
0x2e3: {  	[sflag:s21] =	ssyncset.done $0x0  }
0x2e4: {  	[sflag:s21] =	ssyncadd.s32 $0xFFFFF9C0  }
0x2e5: {  	_ =	swait.ge [sflag:s21], $0x640  }
0x2e6: {  	[sflag:s21] =	ssyncset.done $0x0  }
0x2e7: {  	[sflag:s21] =	ssyncadd.s32 $0xFFFFF9C0  }
0x2e8: {  	_ =	swait.ge [sflag:s21], $0x640  }
0x2e9: {  	[sflag:s21] =	ssyncset.done $0x0  }
0x2ea: {  	[sflag:s21] =	ssyncadd.s32 $0xFFFFF9C0  }
0x2eb: {  	_ =	swait.ge [sflag:s21], $0x640  }
0x2ec: {  	[sflag:s21] =	ssyncset.done $0x0  }
0x2ed: {  	[sflag:s21] =	ssyncadd.s32 $0xFFFFF9C0  }
0x2ee: {  	_ =	swait.ge [sflag:s21], $0x640  }
0x2ef: {  	[sflag:s21] =	ssyncset.done $0x0  }
0x2f0: {  	[sflag:s21] =	ssyncadd.s32 $0xFFFFF9C0  }
0x2f1: {  	_ =	swait.ge [sflag:s21], $0x640  }
0x2f2: {  	[sflag:s21] =	ssyncset.done $0x0  }
0x2f3: {  	[sflag:s21] =	ssyncadd.s32 $0xFFFFF9C0  }
0x2f4: {  	_ =	swait.ge [sflag:s21], $0x640  }
0x2f5: {  	[sflag:s21] =	ssyncset.done $0x0  }
0x2f6: {  	[sflag:s21] =	ssyncadd.s32 $0xFFFFF9C0  }
0x2f7: {  	_ =	swait.ge [sflag:s21], $0x640  }
0x2f8: {  	[sflag:s21] =	ssyncset.done $0x0  }
0x2f9: {  	s0 =	sadd.s32 $0x1900, s24;
	[sflag:s21] =	ssyncadd.s32 $0xFFFFF9C0  }
0x2fa: {  	[hbm4b:s0+s2] =	stream.linear.scatter [tilespmem:s28], [sflag:$0x6], $0xC800, $0x38;
	[tilespmem:$0x19E00] =	vst v63  }
0x2fb: {  	s25 =	sadd.s32 $0x2A0, s25  }
0x2fc: {  	[tilespmem:s13], [sflag:$0x2] =	stream.linear.gather [hbm4b:s25+s2], $0x700, $0x38;
	[tilespmem:$0x19E00] =	vst v63  }
0x2fd: {  	_ =	swait.ge [sflag:s26], $0x700  }
0x2fe: {  	[sflag:s26] =	ssyncset.done $0x0  }
0x2ff: {  	[sflag:s26] =	ssyncadd.s32 $0xFFFFF900  }
0x300: {  	_ =	swait.ge [sflag:s22], $0xC800  }
0x301: {  	[sflag:s22] =	ssyncset.done $0x0  }
0x302: {  	[sflag:s22] =	ssyncadd.s32 $0xFFFF3800  }
0x303: {  	[tilespmem:s28], [sflag:$0x4] =	stream.indirect.gather [hbm4b:s3+s12], $0x20, s13, s12, $0xb8;
	[tilespmem:$0x19E00] =	vst v63  }
0x304: {  	s29 =	simm.s32 $0xDC40;
	s25 =	simm.s32 $0x738  }
0x305: {  	[tilespmem:s29], [sflag:$0x4] =	stream.indirect.gather [hbm4b:s3+s12], $0x20, s25, s12, $0xb8;
	[tilespmem:$0x19E00] =	vst v63  }
0x306: {  	s25 =	simm.s32 $0x770;
	s29 =	simm.s32 $0xE280  }
0x307: {  	[tilespmem:s29], [sflag:$0x4] =	stream.indirect.gather [hbm4b:s3+s12], $0x20, s25, s12, $0xb8;
	[tilespmem:$0x19E00] =	vst v63  }
0x308: {  	s25 =	simm.s32 $0x7A8;
	s29 =	simm.s32 $0xE8C0  }
0x309: {  	[tilespmem:s29], [sflag:$0x4] =	stream.indirect.gather [hbm4b:s3+s12], $0x20, s25, s12, $0xb8;
	[tilespmem:$0x19E00] =	vst v63  }
0x30a: {  	s25 =	simm.s32 $0x7E0;
	s29 =	simm.s32 $0xEF00  }
0x30b: {  	[tilespmem:s29], [sflag:$0x4] =	stream.indirect.gather [hbm4b:s3+s12], $0x20, s25, s12, $0xb8;
	[tilespmem:$0x19E00] =	vst v63  }
0x30c: {  	s25 =	simm.s32 $0x818;
	s29 =	simm.s32 $0xF540  }
0x30d: {  	[tilespmem:s29], [sflag:$0x4] =	stream.indirect.gather [hbm4b:s3+s12], $0x20, s25, s12, $0xb8;
	[tilespmem:$0x19E00] =	vst v63  }
0x30e: {  	s25 =	simm.s32 $0x850;
	s29 =	simm.s32 $0xFB80  }
0x30f: {  	[tilespmem:s29], [sflag:$0x4] =	stream.indirect.gather [hbm4b:s3+s12], $0x20, s25, s12, $0xb8;
	[tilespmem:$0x19E00] =	vst v63  }
0x310: {  	s25 =	simm.s32 $0x888;
	s29 =	simm.s32 $0x101C0  }
0x311: {  	[tilespmem:s29], [sflag:$0x4] =	stream.indirect.gather [hbm4b:s3+s12], $0x20, s25, s12, $0xb8;
	[tilespmem:$0x19E00] =	vst v63  }
0x312: {  	s25 =	simm.s32 $0x8C0;
	s29 =	simm.s32 $0x10800  }
0x313: {  	[tilespmem:s29], [sflag:$0x4] =	stream.indirect.gather [hbm4b:s3+s12], $0x20, s25, s12, $0xb8;
	[tilespmem:$0x19E00] =	vst v63  }
0x314: {  	s25 =	simm.s32 $0x8F8;
	s29 =	simm.s32 $0x10E40  }
0x315: {  	[tilespmem:s29], [sflag:$0x4] =	stream.indirect.gather [hbm4b:s3+s12], $0x20, s25, s12, $0xb8;
	[tilespmem:$0x19E00] =	vst v63  }
0x316: {  	s25 =	simm.s32 $0x930;
	s29 =	simm.s32 $0x11480  }
0x317: {  	[tilespmem:s29], [sflag:$0x4] =	stream.indirect.gather [hbm4b:s3+s12], $0x20, s25, s12, $0xb8;
	[tilespmem:$0x19E00] =	vst v63  }
0x318: {  	s25 =	simm.s32 $0x968;
	s29 =	simm.s32 $0x11AC0  }
0x319: {  	[tilespmem:s29], [sflag:$0x4] =	stream.indirect.gather [hbm4b:s3+s12], $0x20, s25, s12, $0xb8;
	[tilespmem:$0x19E00] =	vst v63  }
0x31a: {  	s25 =	simm.s32 $0x9A0;
	s29 =	simm.s32 $0x12100  }
0x31b: {  	[tilespmem:s29], [sflag:$0x4] =	stream.indirect.gather [hbm4b:s3+s12], $0x20, s25, s12, $0xb8;
	[tilespmem:$0x19E00] =	vst v63  }
0x31c: {  	s25 =	simm.s32 $0x9D8;
	s29 =	simm.s32 $0x12740  }
0x31d: {  	[tilespmem:s29], [sflag:$0x4] =	stream.indirect.gather [hbm4b:s3+s12], $0x20, s25, s12, $0xb8;
	[tilespmem:$0x19E00] =	vst v63  }
0x31e: {  	s25 =	simm.s32 $0xA10;
	s29 =	simm.s32 $0x12D80  }
0x31f: {  	[tilespmem:s29], [sflag:$0x4] =	stream.indirect.gather [hbm4b:s3+s12], $0x20, s25, s12, $0xb8;
	[tilespmem:$0x19E00] =	vst v63  }
0x320: {  	s25 =	simm.s32 $0xA48;
	s29 =	simm.s32 $0x133C0  }
0x321: {  	[tilespmem:s29], [sflag:$0x4] =	stream.indirect.gather [hbm4b:s3+s12], $0x20, s25, s12, $0xb8;
	[tilespmem:$0x19E00] =	vst v63  }
0x322: {  	s25 =	simm.s32 $0xA80;
	s29 =	simm.s32 $0x13A00  }
0x323: {  	[tilespmem:s29], [sflag:$0x4] =	stream.indirect.gather [hbm4b:s3+s12], $0x20, s25, s12, $0xb8;
	[tilespmem:$0x19E00] =	vst v63  }
0x324: {  	s25 =	simm.s32 $0xAB8;
	s29 =	simm.s32 $0x14040  }
0x325: {  	[tilespmem:s29], [sflag:$0x4] =	stream.indirect.gather [hbm4b:s3+s12], $0x20, s25, s12, $0xb8;
	[tilespmem:$0x19E00] =	vst v63  }
0x326: {  	s25 =	simm.s32 $0xAF0;
	s29 =	simm.s32 $0x14680  }
0x327: {  	[tilespmem:s29], [sflag:$0x4] =	stream.indirect.gather [hbm4b:s3+s12], $0x20, s25, s12, $0xb8;
	[tilespmem:$0x19E00] =	vst v63  }
0x328: {  	s25 =	simm.s32 $0xB28;
	s29 =	simm.s32 $0x14CC0  }
0x329: {  	[tilespmem:s29], [sflag:$0x4] =	stream.indirect.gather [hbm4b:s3+s12], $0x20, s25, s12, $0xb8;
	[tilespmem:$0x19E00] =	vst v63  }
0x32a: {  	s25 =	simm.s32 $0xB60;
	s29 =	simm.s32 $0x15300  }
0x32b: {  	[tilespmem:s29], [sflag:$0x4] =	stream.indirect.gather [hbm4b:s3+s12], $0x20, s25, s12, $0xb8;
	[tilespmem:$0x19E00] =	vst v63  }
0x32c: {  	s25 =	simm.s32 $0xB98;
	s29 =	simm.s32 $0x15940  }
0x32d: {  	[tilespmem:s29], [sflag:$0x4] =	stream.indirect.gather [hbm4b:s3+s12], $0x20, s25, s12, $0xb8;
	[tilespmem:$0x19E00] =	vst v63  }
0x32e: {  	s25 =	simm.s32 $0xBD0;
	s29 =	simm.s32 $0x15F80  }
0x32f: {  	[tilespmem:s29], [sflag:$0x4] =	stream.indirect.gather [hbm4b:s3+s12], $0x20, s25, s12, $0xb8;
	[tilespmem:$0x19E00] =	vst v63  }
0x330: {  	s25 =	simm.s32 $0xC08;
	s29 =	simm.s32 $0x165C0  }
0x331: {  	[tilespmem:s29], [sflag:$0x4] =	stream.indirect.gather [hbm4b:s3+s12], $0x20, s25, s12, $0xb8;
	[tilespmem:$0x19E00] =	vst v63  }
0x332: {  	s25 =	simm.s32 $0xC40;
	s29 =	simm.s32 $0x16C00  }
0x333: {  	[tilespmem:s29], [sflag:$0x4] =	stream.indirect.gather [hbm4b:s3+s12], $0x20, s25, s12, $0xb8;
	[tilespmem:$0x19E00] =	vst v63  }
0x334: {  	s25 =	simm.s32 $0xC78;
	s29 =	simm.s32 $0x17240  }
0x335: {  	[tilespmem:s29], [sflag:$0x4] =	stream.indirect.gather [hbm4b:s3+s12], $0x20, s25, s12, $0xb8;
	[tilespmem:$0x19E00] =	vst v63  }
0x336: {  	s25 =	simm.s32 $0xCB0;
	s29 =	simm.s32 $0x17880  }
0x337: {  	[tilespmem:s29], [sflag:$0x4] =	stream.indirect.gather [hbm4b:s3+s12], $0x20, s25, s12, $0xb8;
	[tilespmem:$0x19E00] =	vst v63  }
0x338: {  	s25 =	simm.s32 $0xCE8;
	s29 =	simm.s32 $0x17EC0  }
0x339: {  	[tilespmem:s29], [sflag:$0x4] =	stream.indirect.gather [hbm4b:s3+s12], $0x20, s25, s12, $0xb8;
	[tilespmem:$0x19E00] =	vst v63  }
0x33a: {  	p0 =	sne.s32 s23, $0xA80;
	s25 =	simm.s32 $0xD20;
	s29 =	simm.s32 $0x18500  }
0x33b: {  	[tilespmem:s29], [sflag:$0x4] =	stream.indirect.gather [hbm4b:s3+s12], $0x20, s25, s12, $0xb8;
	[tilespmem:$0x19E00] =	vst v63  }
.Ltmp0:
0x33c: {  	_ = 	snop;
	(pc) =	sbr.rel @p0 .LBB2_2-.Ltmp0, $4  }
0x33d: {  	s23 =	sadd.s32 $0x1C0, s23;
	s25 =	simm.s32 $0xD58;
	s29 =	simm.s32 $0x18B40  }
0x33e: {  	[tilespmem:s29], [sflag:$0x4] =	stream.indirect.gather [hbm4b:s3+s12], $0x20, s25, s12, $0xb8;
	[tilespmem:$0x19E00] =	vst v63  }
0x33f: {  	s31 =	simm.s32 $0xE00;
	s25 =	simm.s32 $0xD90;
	s29 =	simm.s32 $0x19180  }
0x340: {  	[tilespmem:s29], [sflag:$0x4] =	stream.indirect.gather [hbm4b:s3+s12], $0x20, s25, s12, $0xb8;
	[tilespmem:$0x19E00] =	vst v63  }
0x341: {  	s0 =	simm.s32 $0xDC8;
	s1 =	simm.s32 $0x197C0  }
0x342: {  	[tilespmem:s1], [sflag:$0x4] =	stream.indirect.gather [hbm4b:s3+s12], $0x20, s0, s12, $0xb8;
	[tilespmem:$0x19E00] =	vst v63  }
0x343: {  	_ =	swait.ge [sflag:s19], $0x640  }
0x344: {  	[sflag:s19] =	ssyncset.done $0x0  }
0x345: {  	[sflag:s19] =	ssyncadd.s32 $0xFFFFF9C0  }
0x346: {  	_ =	swait.ge [sflag:s19], $0x640  }
0x347: {  	[sflag:s19] =	ssyncset.done $0x0  }
0x348: {  	[sflag:s19] =	ssyncadd.s32 $0xFFFFF9C0  }
0x349: {  	_ =	swait.ge [sflag:s19], $0x640  }
0x34a: {  	[sflag:s19] =	ssyncset.done $0x0  }
0x34b: {  	[sflag:s19] =	ssyncadd.s32 $0xFFFFF9C0  }
0x34c: {  	_ =	swait.ge [sflag:s19], $0x640  }
0x34d: {  	[sflag:s19] =	ssyncset.done $0x0  }
0x34e: {  	[sflag:s19] =	ssyncadd.s32 $0xFFFFF9C0  }
0x34f: {  	_ =	swait.ge [sflag:s19], $0x640  }
0x350: {  	[sflag:s19] =	ssyncset.done $0x0  }
0x351: {  	[sflag:s19] =	ssyncadd.s32 $0xFFFFF9C0  }
0x352: {  	_ =	swait.ge [sflag:s19], $0x640  }
0x353: {  	[sflag:s19] =	ssyncset.done $0x0  }
0x354: {  	[sflag:s19] =	ssyncadd.s32 $0xFFFFF9C0  }
0x355: {  	_ =	swait.ge [sflag:s19], $0x640  }
0x356: {  	[sflag:s19] =	ssyncset.done $0x0  }
0x357: {  	[sflag:s19] =	ssyncadd.s32 $0xFFFFF9C0  }
0x358: {  	_ =	swait.ge [sflag:s19], $0x640  }
0x359: {  	[sflag:s19] =	ssyncset.done $0x0  }
0x35a: {  	[sflag:s19] =	ssyncadd.s32 $0xFFFFF9C0  }
0x35b: {  	_ =	swait.ge [sflag:s19], $0x640  }
0x35c: {  	[sflag:s19] =	ssyncset.done $0x0  }
0x35d: {  	[sflag:s19] =	ssyncadd.s32 $0xFFFFF9C0  }
0x35e: {  	_ =	swait.ge [sflag:s19], $0x640  }
0x35f: {  	[sflag:s19] =	ssyncset.done $0x0  }
0x360: {  	[sflag:s19] =	ssyncadd.s32 $0xFFFFF9C0  }
0x361: {  	_ =	swait.ge [sflag:s19], $0x640  }
0x362: {  	[sflag:s19] =	ssyncset.done $0x0  }
0x363: {  	[sflag:s19] =	ssyncadd.s32 $0xFFFFF9C0  }
0x364: {  	_ =	swait.ge [sflag:s19], $0x640  }
0x365: {  	[sflag:s19] =	ssyncset.done $0x0  }
0x366: {  	[sflag:s19] =	ssyncadd.s32 $0xFFFFF9C0  }
0x367: {  	_ =	swait.ge [sflag:s19], $0x640  }
0x368: {  	[sflag:s19] =	ssyncset.done $0x0  }
0x369: {  	[sflag:s19] =	ssyncadd.s32 $0xFFFFF9C0  }
0x36a: {  	_ =	swait.ge [sflag:s19], $0x640  }
0x36b: {  	[sflag:s19] =	ssyncset.done $0x0  }
0x36c: {  	[sflag:s19] =	ssyncadd.s32 $0xFFFFF9C0  }
0x36d: {  	_ =	swait.ge [sflag:s19], $0x640  }
0x36e: {  	[sflag:s19] =	ssyncset.done $0x0  }
0x36f: {  	[sflag:s19] =	ssyncadd.s32 $0xFFFFF9C0  }
0x370: {  	_ =	swait.ge [sflag:s19], $0x640  }
0x371: {  	[sflag:s19] =	ssyncset.done $0x0  }
0x372: {  	[sflag:s19] =	ssyncadd.s32 $0xFFFFF9C0  }
0x373: {  	_ =	swait.ge [sflag:s19], $0x640  }
0x374: {  	[sflag:s19] =	ssyncset.done $0x0  }
0x375: {  	[sflag:s19] =	ssyncadd.s32 $0xFFFFF9C0  }
0x376: {  	_ =	swait.ge [sflag:s19], $0x640  }
0x377: {  	[sflag:s19] =	ssyncset.done $0x0  }
0x378: {  	[sflag:s19] =	ssyncadd.s32 $0xFFFFF9C0  }
0x379: {  	_ =	swait.ge [sflag:s19], $0x640  }
0x37a: {  	[sflag:s19] =	ssyncset.done $0x0  }
0x37b: {  	[sflag:s19] =	ssyncadd.s32 $0xFFFFF9C0  }
0x37c: {  	_ =	swait.ge [sflag:s19], $0x640  }
0x37d: {  	[sflag:s19] =	ssyncset.done $0x0  }
0x37e: {  	[sflag:s19] =	ssyncadd.s32 $0xFFFFF9C0  }
0x37f: {  	_ =	swait.ge [sflag:s19], $0x640  }
0x380: {  	[sflag:s19] =	ssyncset.done $0x0  }
0x381: {  	[sflag:s19] =	ssyncadd.s32 $0xFFFFF9C0  }
0x382: {  	_ =	swait.ge [sflag:s19], $0x640  }
0x383: {  	[sflag:s19] =	ssyncset.done $0x0  }
0x384: {  	[sflag:s19] =	ssyncadd.s32 $0xFFFFF9C0  }
0x385: {  	_ =	swait.ge [sflag:s19], $0x640  }
0x386: {  	[sflag:s19] =	ssyncset.done $0x0  }
0x387: {  	[sflag:s19] =	ssyncadd.s32 $0xFFFFF9C0  }
0x388: {  	_ =	swait.ge [sflag:s19], $0x640  }
0x389: {  	[sflag:s19] =	ssyncset.done $0x0  }
0x38a: {  	[sflag:s19] =	ssyncadd.s32 $0xFFFFF9C0  }
0x38b: {  	_ =	swait.ge [sflag:s19], $0x640  }
0x38c: {  	[sflag:s19] =	ssyncset.done $0x0  }
0x38d: {  	[sflag:s19] =	ssyncadd.s32 $0xFFFFF9C0  }
0x38e: {  	_ =	swait.ge [sflag:s19], $0x640  }
0x38f: {  	[sflag:s19] =	ssyncset.done $0x0  }
0x390: {  	[sflag:s19] =	ssyncadd.s32 $0xFFFFF9C0  }
0x391: {  	_ =	swait.ge [sflag:s19], $0x640  }
0x392: {  	[sflag:s19] =	ssyncset.done $0x0  }
0x393: {  	[sflag:s19] =	ssyncadd.s32 $0xFFFFF9C0  }
0x394: {  	_ =	swait.ge [sflag:s19], $0x640  }
0x395: {  	[sflag:s19] =	ssyncset.done $0x0  }
0x396: {  	[sflag:s19] =	ssyncadd.s32 $0xFFFFF9C0  }
0x397: {  	_ =	swait.ge [sflag:s19], $0x640  }
0x398: {  	[sflag:s19] =	ssyncset.done $0x0  }
0x399: {  	[sflag:s19] =	ssyncadd.s32 $0xFFFFF9C0  }
0x39a: {  	_ =	swait.ge [sflag:s19], $0x640  }
0x39b: {  	[sflag:s19] =	ssyncset.done $0x0  }
0x39c: {  	[sflag:s19] =	ssyncadd.s32 $0xFFFFF9C0  }
0x39d: {  	_ =	swait.ge [sflag:s19], $0x640  }
0x39e: {  	[sflag:s19] =	ssyncset.done $0x0  }
0x39f: {  	[sflag:s19] =	ssyncadd.s32 $0xFFFFF9C0  }
0x3a0: {  	_ =	swait.ge [sflag:s19], $0x640  }
0x3a1: {  	[sflag:s19] =	ssyncset.done $0x0  }
0x3a2: {  	s23 =	rddreg [dreg:$0x6];
	[sflag:s19] =	ssyncadd.s32 $0xFFFFF9C0  }
0x3a3: {  	[hbm4b:s23+s2] =	stream.linear.scatter [tilespmem:s31], [sflag:$0x5], $0xC800, $0x38;
	[tilespmem:$0x19E00] =	vst v63  }
0x3a4: {  	_ =	swait.ge [sflag:s21], $0x640  }
0x3a5: {  	[sflag:s21] =	ssyncset.done $0x0  }
0x3a6: {  	[sflag:s21] =	ssyncadd.s32 $0xFFFFF9C0  }
0x3a7: {  	_ =	swait.ge [sflag:s21], $0x640  }
0x3a8: {  	[sflag:s21] =	ssyncset.done $0x0  }
0x3a9: {  	[sflag:s21] =	ssyncadd.s32 $0xFFFFF9C0  }
0x3aa: {  	_ =	swait.ge [sflag:s21], $0x640  }
0x3ab: {  	[sflag:s21] =	ssyncset.done $0x0  }
0x3ac: {  	[sflag:s21] =	ssyncadd.s32 $0xFFFFF9C0  }
0x3ad: {  	_ =	swait.ge [sflag:s21], $0x640  }
0x3ae: {  	[sflag:s21] =	ssyncset.done $0x0  }
0x3af: {  	[sflag:s21] =	ssyncadd.s32 $0xFFFFF9C0  }
0x3b0: {  	_ =	swait.ge [sflag:s21], $0x640  }
0x3b1: {  	[sflag:s21] =	ssyncset.done $0x0  }
0x3b2: {  	[sflag:s21] =	ssyncadd.s32 $0xFFFFF9C0  }
0x3b3: {  	_ =	swait.ge [sflag:s21], $0x640  }
0x3b4: {  	[sflag:s21] =	ssyncset.done $0x0  }
0x3b5: {  	[sflag:s21] =	ssyncadd.s32 $0xFFFFF9C0  }
0x3b6: {  	_ =	swait.ge [sflag:s21], $0x640  }
0x3b7: {  	[sflag:s21] =	ssyncset.done $0x0  }
0x3b8: {  	[sflag:s21] =	ssyncadd.s32 $0xFFFFF9C0  }
0x3b9: {  	_ =	swait.ge [sflag:s21], $0x640  }
0x3ba: {  	[sflag:s21] =	ssyncset.done $0x0  }
0x3bb: {  	[sflag:s21] =	ssyncadd.s32 $0xFFFFF9C0  }
0x3bc: {  	_ =	swait.ge [sflag:s21], $0x640  }
0x3bd: {  	[sflag:s21] =	ssyncset.done $0x0  }
0x3be: {  	[sflag:s21] =	ssyncadd.s32 $0xFFFFF9C0  }
0x3bf: {  	_ =	swait.ge [sflag:s21], $0x640  }
0x3c0: {  	[sflag:s21] =	ssyncset.done $0x0  }
0x3c1: {  	[sflag:s21] =	ssyncadd.s32 $0xFFFFF9C0  }
0x3c2: {  	_ =	swait.ge [sflag:s21], $0x640  }
0x3c3: {  	[sflag:s21] =	ssyncset.done $0x0  }
0x3c4: {  	[sflag:s21] =	ssyncadd.s32 $0xFFFFF9C0  }
0x3c5: {  	_ =	swait.ge [sflag:s21], $0x640  }
0x3c6: {  	[sflag:s21] =	ssyncset.done $0x0  }
0x3c7: {  	[sflag:s21] =	ssyncadd.s32 $0xFFFFF9C0  }
0x3c8: {  	_ =	swait.ge [sflag:s21], $0x640  }
0x3c9: {  	[sflag:s21] =	ssyncset.done $0x0  }
0x3ca: {  	[sflag:s21] =	ssyncadd.s32 $0xFFFFF9C0  }
0x3cb: {  	_ =	swait.ge [sflag:s21], $0x640  }
0x3cc: {  	[sflag:s21] =	ssyncset.done $0x0  }
0x3cd: {  	[sflag:s21] =	ssyncadd.s32 $0xFFFFF9C0  }
0x3ce: {  	_ =	swait.ge [sflag:s21], $0x640  }
0x3cf: {  	[sflag:s21] =	ssyncset.done $0x0  }
0x3d0: {  	[sflag:s21] =	ssyncadd.s32 $0xFFFFF9C0  }
0x3d1: {  	_ =	swait.ge [sflag:s21], $0x640  }
0x3d2: {  	[sflag:s21] =	ssyncset.done $0x0  }
0x3d3: {  	[sflag:s21] =	ssyncadd.s32 $0xFFFFF9C0  }
0x3d4: {  	_ =	swait.ge [sflag:s21], $0x640  }
0x3d5: {  	[sflag:s21] =	ssyncset.done $0x0  }
0x3d6: {  	[sflag:s21] =	ssyncadd.s32 $0xFFFFF9C0  }
0x3d7: {  	_ =	swait.ge [sflag:s21], $0x640  }
0x3d8: {  	[sflag:s21] =	ssyncset.done $0x0  }
0x3d9: {  	[sflag:s21] =	ssyncadd.s32 $0xFFFFF9C0  }
0x3da: {  	_ =	swait.ge [sflag:s21], $0x640  }
0x3db: {  	[sflag:s21] =	ssyncset.done $0x0  }
0x3dc: {  	[sflag:s21] =	ssyncadd.s32 $0xFFFFF9C0  }
0x3dd: {  	_ =	swait.ge [sflag:s21], $0x640  }
0x3de: {  	[sflag:s21] =	ssyncset.done $0x0  }
0x3df: {  	[sflag:s21] =	ssyncadd.s32 $0xFFFFF9C0  }
0x3e0: {  	_ =	swait.ge [sflag:s21], $0x640  }
0x3e1: {  	[sflag:s21] =	ssyncset.done $0x0  }
0x3e2: {  	[sflag:s21] =	ssyncadd.s32 $0xFFFFF9C0  }
0x3e3: {  	_ =	swait.ge [sflag:s21], $0x640  }
0x3e4: {  	[sflag:s21] =	ssyncset.done $0x0  }
0x3e5: {  	[sflag:s21] =	ssyncadd.s32 $0xFFFFF9C0  }
0x3e6: {  	_ =	swait.ge [sflag:s21], $0x640  }
0x3e7: {  	[sflag:s21] =	ssyncset.done $0x0  }
0x3e8: {  	[sflag:s21] =	ssyncadd.s32 $0xFFFFF9C0  }
0x3e9: {  	_ =	swait.ge [sflag:s21], $0x640  }
0x3ea: {  	[sflag:s21] =	ssyncset.done $0x0  }
0x3eb: {  	[sflag:s21] =	ssyncadd.s32 $0xFFFFF9C0  }
0x3ec: {  	_ =	swait.ge [sflag:s21], $0x640  }
0x3ed: {  	[sflag:s21] =	ssyncset.done $0x0  }
0x3ee: {  	[sflag:s21] =	ssyncadd.s32 $0xFFFFF9C0  }
0x3ef: {  	_ =	swait.ge [sflag:s21], $0x640  }
0x3f0: {  	[sflag:s21] =	ssyncset.done $0x0  }
0x3f1: {  	[sflag:s21] =	ssyncadd.s32 $0xFFFFF9C0  }
0x3f2: {  	_ =	swait.ge [sflag:s21], $0x640  }
0x3f3: {  	[sflag:s21] =	ssyncset.done $0x0  }
0x3f4: {  	[sflag:s21] =	ssyncadd.s32 $0xFFFFF9C0  }
0x3f5: {  	_ =	swait.ge [sflag:s21], $0x640  }
0x3f6: {  	[sflag:s21] =	ssyncset.done $0x0  }
0x3f7: {  	[sflag:s21] =	ssyncadd.s32 $0xFFFFF9C0  }
0x3f8: {  	_ =	swait.ge [sflag:s21], $0x640  }
0x3f9: {  	[sflag:s21] =	ssyncset.done $0x0  }
0x3fa: {  	[sflag:s21] =	ssyncadd.s32 $0xFFFFF9C0  }
0x3fb: {  	_ =	swait.ge [sflag:s21], $0x640  }
0x3fc: {  	[sflag:s21] =	ssyncset.done $0x0  }
0x3fd: {  	[sflag:s21] =	ssyncadd.s32 $0xFFFFF9C0  }
0x3fe: {  	_ =	swait.ge [sflag:s21], $0x640  }
0x3ff: {  	[sflag:s21] =	ssyncset.done $0x0  }
0x400: {  	[sflag:s21] =	ssyncadd.s32 $0xFFFFF9C0  }
0x401: {  	_ =	swait.ge [sflag:s21], $0x640  }
0x402: {  	[sflag:s21] =	ssyncset.done $0x0  }
0x403: {  	s24 =	rddreg [dreg:$0x7];
	[sflag:s21] =	ssyncadd.s32 $0xFFFFF9C0  }
0x404: {  	[hbm4b:s24+s2] =	stream.linear.scatter [tilespmem:s28], [sflag:$0x6], $0xC800, $0x38;
	[tilespmem:$0x19E00] =	vst v63  }
0x405: {  	_ =	swait.ge [sflag:s20], $0xC800  }
0x406: {  	[sflag:s20] =	ssyncset.done $0x0  }
0x407: {  	[sflag:s20] =	ssyncadd.s32 $0xFFFF3800  }
0x408: {  	s29 =	simm.s32 $0x38;
	s30 =	simm.s32 $0x1440;
	_ =	swait.ge [sflag:s22], $0xC800  }
0x409: {  	s5 =	simm.s32 $0xA8;
	s6 =	simm.s32 $0x20C0;
	s31 =	rddreg [dreg:$0xa]  }
0x40a: {  	s7 =	simm.s32 $0xE0;
	s25 =	rddreg [dreg:$0x8];
	s31 =	sadd.s32 $0x1, s31  }
0x40b: {  	s8 =	simm.s32 $0x2700;
	s4 =	simm.s32 $0x118;
	p0 =	sne.s32 s31, s25  }
.Ltmp1:
0x40c: {  	s9 =	simm.s32 $0x2D40;
	s14 =	simm.s32 $0x150;
	(pc) =	sbr.rel @p0 .LBB2_1-.Ltmp1, $4  }
0x40d: {  	s15 =	simm.s32 $0x3380;
	s16 =	simm.s32 $0x188;
	s17 =	simm.s32 $0x39C0  }
0x40e: {  	s18 =	simm.s32 $0x1C0;
	s10 =	simm.s32 $0x4000;
	s13 =	simm.s32 $0x700  }
0x40f: {  	s0 =	simm.s32 $0x70;
	s1 =	simm.s32 $0x1A80;
	[sflag:s22] =	ssyncset.done $0x0  }
0x410: {  	s24 =	simm.s32 $0x1F8;
	[sflag:s22] =	ssyncadd.s32 $0xFFFF3800;
	s25 =	simm.s32 $0x4640  }
0x411: {  	_ =	sfence.sel $0x180000  }
0x412: {  	[bflag:$0x0] =	sbarrier.arrive $0xFFFF  }
0x413: {  	_ =	strace $0x90000047  }
0x414: {  	s0 =	stileid.u32;
	[bflag:$0x2] =	sbarrier.arrive $0xFFFF  }
0x415: {  	p0 =	sne.s32 s0, $0x0;
	s0 =	rddreg [dreg:$0x2]  }
0x416: {  	s0 =	sadd.s32 @!p0 $0x100000, s0  }
0x417: {  	[sflag:s0] =	ssyncadd.tile.s32 @!p0 $0x1;
	_ =	shalt  }
.Lfunc_end2:
_tile_overlayer_lowered:
.L_overlay_start_2:
0x418: {  	(tag) =	ssettag $0x2  }
0x419: {  	s0 =	rddreg [dreg:$0x0];
	s2 =	stileid.u32  }
0x41a: {  	s1 =	rddreg [dreg:$0x1];
	p0 =	sne.s32 s2, $0x0  }
0x41b: {  	s3 =	rddreg [dreg:$0x2];
	[bflag:$0x3] =	sbarrier.arrive $0xFFFF;
	s2 =	simm.s32 @!p0 $0x1C07  }
0x41c: {  	[timem:s3], [sflag:s2] =	dma.local @!p0 [hbm:s0], s1  }
0x41d: {  	s0 =	simm.s32 @!p0 $0x7  }
0x41e: {  	_ =	swait.ge @!p0 [sflag:s0], s1  }
0x41f: {  	s1 =	ssub.s32 @!p0 $0x0, s1;
	[sflag:s0] =	ssyncset.done @!p0 $0x0  }
0x420: {  	[sflag:s0] =	ssyncadd.s32 @!p0 s1  }
0x421: {  	[bflag:$0x3] =	sbarrier.arrive $0xFFFF  }
0x422: {  	_ =	shalt  }

// kernel: sparse-core-data-format-call.cloned.1.call-start
scs
called_computation_lowered:
.L_overlay_start_0:
0x0: {  	s2 =	sld [smem:$0x3FD9]  }
0x1: {  	s3 =	sld [smem:$0x3FFE];
	_ =	sdelay $0x1  }
0x2: {  	s1 =	srdreg.scid  }
0x3: {  	s0 =	sand.u32 $0x1, s1  }
0x4: {  	s18 =	sshll.u32 s0, $0xA;
	s2 =	sadd.s32 s3, s2  }
0x5: {  	s2 =	sadd.s32 s2, s18  }
0x6: {  	[smem:$0x3FC6] =	sst s2  }
0x7: {  	_ = 	snop  }
0x8: {  	s2 =	sld [smem:$0x3FD0];
	(tm) =	ssettm $0x1  }
0x9: {  	s19 =	sld [smem:$0x3FFB];
	_ =	sdelay $0x3  }
0xa: {  	_ =	strace s19  }
0xb: {  	s3 =	sld [smem:$0x3FFC];
	_ =	sdelay $0x3  }
0xc: {  	_ =	strace s3  }
0xd: {  	s3 =	sld [smem:$0x3FFD];
	_ =	sdelay $0x3  }
0xe: {  	_ =	strace s3  }
0xf: {  	_ =	strace $0x8FFFFFFF  }
0x10: {  	s20 =	sld [smem:$0x3FDB];
	_ =	sdelay $0x1  }
0x11: {  	s4 =	simm.s32 $_scs_section_size  }
0x12: {  	s5 =	simm.s32 $_size__tile_overlayer_lowered;
	s6 =	simm.s32 $_tile_overlayer_lowered  }
0x13: {  	s23 =	simm.s32 $0x1BFF;
	s22 =	sshll.u32 s6, $0x1;
	s3 =	sadd.s32 s4, s20  }
0x14: {  	s7 =	simm.s32 $0x0;
	s21 =	sshll.u32 s5, $0x1;
	s5 =	sadd.s32 s22, s3  }
0x15: {  	[timem:s7], [sflag:s23] =	dma.local [hbm:s5], s21  }
0x16: {  	_ =	swait.ge [sflag:s23], s21  }
0x17: {  	s4 =	ssub.s32 $0x0, s21;
	[sflag:s23] =	ssyncset.done $0x0  }
0x18: {  	[sflag:s23] =	ssyncadd.s32 s4;
	_ =	sdelay $0x1  }
0x19: {  	s24 =	simm.s32 $0x1B8B  }
0x1a: {  	_ =	swait.ge [sflag:s24], $0x1  }
0x1b: {  	[sflag:s24] =	ssyncset.done $0x0  }
0x1c: {  	s26 =	simm.s32 $0x1B8E;
	s25 =	sld [smem:$0x3FFE];
	[sflag:s24] =	ssyncadd.s32 $0xFFFFFFFF  }
0x1d: {  	s27 =	simm.s32 $execute0_lowered;
	[smem:$0x3FD2] =	sst s26  }
0x1e: {  	s5 =	sshll.u32 s27, $0x1;
	_ =	strace $0x80000049;
	[dreg:$0x1] =	wrdreg $0xFFFFFFFF  }
0x1f: {  	s28 =	simm.s32 $_size_execute0_lowered;
	s3 =	sadd.s32 s3, s5;
	[dreg:$0x0] =	wrdreg $0x0  }
0x20: {  	s5 =	sshll.u32 s28, $0x1;
	[dreg:$0x2] =	wrdreg s3  }
0x21: {  	[dreg:$0x3] =	wrdreg s5  }
0x22: {  	[dreg:$0x4] =	wrdreg $0xC0  }
0x23: {  	_ =	task [dreg:s7], $0x5FFFF  }
0x24: {  	[dreg:$0x1] =	wrdreg $0xFFFFFFFF  }
0x25: {  	[dreg:$0x0] =	wrdreg $0x60  }
0x26: {  	[dreg:$0x2] =	wrdreg s25  }
0x27: {  	[dreg:$0x3] =	wrdreg s2  }
0x28: {  	[dreg:$0x4] =	wrdreg $0x9  }
0x29: {  	_ =	task.clear_ibuf [dreg:s7], $0x5FFFF;
	_ =	strace $0x90000049  }
0x2a: {  	s29 =	simm.s32 $0x9;
	_ =	strace $0x8000004B  }
0x2b: {  	_ =	swait.ge [sflag:s29], $0x1  }
0x2c: {  	[sflag:s29] =	ssyncadd.s32 $0xFFFFFFFF  }
0x2d: {  	_ =	strace $0x9000004B  }
0x2e: {  	_ =	sfence  }
0x2f: {  	s30 =	sld [smem:$0x0];
	_ =	sdelay $0x2  }
0x30: {  	s31 =	sshll.u32 s1, $0xD;
	s1 =	sshrl.u32 s1, $0x2  }
0x31: {  	s3 =	sand.u32 $0x4000, s31;
	s1 =	sadd.s32 s1, s30  }
0x32: {  	s0 =	sor.u32 s3, s0;
	s1 =	sshll.u32 s1, $0x11  }
0x33: {  	s0 =	sor.u32 s1, s0  }
0x34: {  	s0 =	sadd.s32 $0x8F2B, s0  }
0x35: {  	[sflag:s0] =	ssyncadd.remote.s32 $0x1  }
0x36: {  	_ =	sfence.sel $0xFFFF  }
0x37: {  	[dreg:$0x0] =	wrdreg $0xFFFFFFFF;
	(pc) =	sbr.abs _section_cstart, $3  }
0x38: {  	[dreg:$0x1] =	wrdreg $0xFFFFFFFF  }
0x39: {  	_ =	task.clear_ibuf [dreg:s7], $0x2FFFF;
	_ =	strace $0x9FFFFFFF  }
0x3a: {  	(tm) =	ssettm $0x7FFFFFFF  }
0x3b: {  	_ =	shalt  }
tec
execute0_lowered:
.L_overlay_start_1:
0x0: {  	(tag) =	ssettag $0x1  }
0x1: {  	s0 =	srdreg.scid  }
0x2: {  	s1 =	sshll.u32 s0, $0x4  }
0x3: {  	s0 =	stileid.u32;
	s1 =	sand.u32 $0x10, s1  }
0x4: {  	s1 =	sor.u32 s0, s1  }
0x5: {  	s6 =	rddreg [dreg:$0x0];
	s4 =	simm.s32 $0x1;
	s2 =	sshll.u32 s1, $0x7  }
0x6: {  	s7 =	simm.s32 $0x2;
	s12 =	simm.s32 $0x0;
	s1 =	ssub.s32 $0x4000, s2  }
0x7: {  	s8 =	simm.s32 $0x20000;
	s13 =	simm.s32 $0x0;
	s3 =	sand.u32 $0xF80, s1  }
0x8: {  	s9 =	simm.s32 $0x0;
	s5 =	sshrl.u32 s1, $0xC;
	p0 =	sne.s32 s3, $0x0  }
.Ltmp0:
0x9: {  	s1 =	rddreg [dreg:$0x2];
	s4 =	simm.s32 @!p0 $0x0;
	(pc) =	sbr.rel .LBB1_1-.Ltmp0, $4  }
0xa: {  	s11 =	simm.s32 $0x0;
	s3 =	rddreg [dreg:$0x1];
	s5 =	sadd.s32 s4, s5  }
0xb: {  	_ =	strace $0x8000004A;
	s4 =	simm.s32 $0x1;
	s5 =	smul.u32 $0x32, s5  }
0xc: {  	s6 =	sadd.s32 $0xA00, s6;
	s10 =	smov.u32 s2;
	[sflag:s4] =	ssyncpa.u1 $0x0  }
0xd: {  	p0 =	por $0x0, $0x0;
	[sflag:s7] =	ssyncpa.u1 $0x0;
	s7 =	sor.u32 $0x1, s5  }
.LBB1_4:
0xe: {  	s16 =	sshll.u32 s13, $0x3;
	s17 =	sand.u32 $0x78, s13  }
0xf: {  	s30 =	sand.u32 $0xF800, s13;
	s12 =	sshll.u32 s12, $0x10;
	s16 =	sand.u32 $0x3C00, s16  }
0x10: {  	s31 =	sand.u32 $0x7, s13;
	s16 =	sor.u32 s17, s16;
	s17 =	sadd.s32 s3, s30  }
0x11: {  	s13 =	sshll.u32 s31, $0x12;
	s16 =	sshrl.u32 s16, $0x3;
	s12 =	sadd.s32 s12, s17  }
0x12: {  	[tilespmem:s15+$0x0 ss:$0x81] =	vst.msk $0xffff, v0;
	s13 =	sor.u32 $0x400, s13;
	s12 =	sadd.s32 s16, s12  }
0x13: {  	[hbm4b:s12+s13] =	stream.strided.scatter [tilespmem:s14], [sflag:$0x2], $0x1000, s8, s13, $0x20;
	[tilespmem:$0x4040] =	vst v63  }
.LBB1_5:
0x14: {  	s14 =	sadd.s32 $0x1, s9  }
0x15: {  	s12 =	sadd.s32 $0x1000, s10;
	s16 =	smov.u32 s10;
	p2 =	sgt.s32 s14, $0x31  }
0x16: {  	s16 =	smov.u32 @p2 s12  }
0x17: {  	s14 =	simm.s32 @p2 $0x0;
	p2 =	sgt.s32 s16, $0x3FFF  }
0x18: {  	s16 =	smov.u32 @p2 s2;
	p2 =	sne.s32 s11, s7  }
.Ltmp1:
0x19: {  	p1 =	slt.u32 s11, $0x2;
	(pc) =	sbr.rel @!p2 .LBB1_6-.Ltmp1, $4  }
0x1a: {  	s15 =	simm.s32 @!p1 $0x2  }
0x1b: {  	s13 =	smov.u32 s10;
	p0 =	por !p0, !p0;
	_ =	swait.ge @!p1 [sflag:s15], $0x1000  }
0x1c: {  	s12 =	smov.u32 s9;
	[sflag:s15] =	ssyncset.done @!p1 $0x0;
	s9 =	smov.u32 s14  }
0x1d: {  	s11 =	sadd.s32 $0x1, s11;
	[sflag:s15] =	ssyncadd.s32 @!p1 $0xFFFFF000;
	s10 =	smov.u32 s16  }
.LBB1_1:
0x1e: {  	p1 =	sge.u32 s11, s5  }
0x1f: {  	s14 =	sand.u32 @!p1 $0x1FFFFFF, s9  }
0x20: {  	s15 =	smulhi.u32 @!p1 $0x4924925, s14;
	_ =	sdelay $0x1  }
0x21: {  	s15 =	smul.u32 @!p1 $0x38, s15  }
0x22: {  	s16 =	sxor.u32 @!p1 $0xFFFFFFFF, s11;
	s17 =	smul.u32 @!p1 $0x380, s10  }
0x23: {  	s31 =	sadd.s32 $0xFFFFFFFF, s11;
	s16 =	sshll.u32 @!p1 s16, $0xC;
	s14 =	ssub.s32 @!p1 s14, s15  }
0x24: {  	s15 =	sand.u32 @!p1 $0x1000, s16;
	s16 =	sadd.s32 @!p1 s6, s17;
	s14 =	sshll.u32 @!p1 s14, $0x4  }
0x25: {  	s17 =	simm.s32 @!p1 $0x1C00;
	s14 =	sadd.s32 @!p1 s14, s16;
	s16 =	simm.s32 @!p1 $0x20  }
0x26: {  	[tilespmem:s15], [sflag:$0x1] =	stream.strided.gather @!p1 [hbm4b:s14+s16], $0x1000, s17, s16, $0x38;
	[tilespmem:$0x4040] =	vst v63  }
0x27: {  	p1 =	sge.u32 s31, s5  }
.Ltmp2:
0x28: {  	_ = 	snop;
	(pc) =	sbr.rel @p1 .LBB1_5-.Ltmp2, $1  }
0x29: {  	_ =	sdelay $0x3  }
0x2a: {  	s14 =	simm.s32 $0x1  }
0x2b: {  	_ =	swait.ge [sflag:s4], $0x1000;
	s14 =	simm.s32 @!p0 $0x0  }
0x2c: {  	[sflag:s4] =	ssyncset.done $0x0;
	s15 =	sshll.u32 s14, $0xC  }
0x2d: {  	[sflag:s4] =	ssyncadd.s32 $0xFFFFF000;
	s18 =	sor.u32 $0x10, s15  }
0x2e: {  	s14 =	smul.u32 $0x4080, s14;
	v1 =	vld [tilespmem:s18+$0x0]  }
0x2f: {  	s30 =	sand.u32 $0x1, s11;
	v0 =	vld [tilespmem:s18+$0xFFFFFFF0]  }
0x30: {  	s15 =	smul.u32 $0x4080, s30;
	s14 =	sshrl.u32 s14, $0x2  }
0x31: {  	s16 =	sor.u32 $0x2000, s14  }
0x32: {  	s31 =	sshrl.u32 s15, $0x2;
	s15 =	sadd.s32 $0x0, s16  }
0x33: {  	s17 =	simm.s32 $0x4;
	s18 =	sadd.s32 $0x20, s18;
	s14 =	sor.u32 $0x2000, s31;
	[tilespmem:s15+$0x810 ss:$0x81] =	vst.msk $0xffff, v1  }
.LBB1_3:
0x34: {  	v1 =	vld [tilespmem:s18+$0x0];
	p1 =	sne.s32 s17, $0x1FC;
	[tilespmem:s15+$0x0 ss:$0x81] =	vst.msk $0xffff, v0;
	s15 =	smov.u32 s17;
	s17 =	sadd.s32 $0x4, s17  }
.Ltmp3:
0x35: {  	v0 =	vld [tilespmem:s18+$0xFFFFFFF0];
	(pc) =	sbr.rel @p1 .LBB1_3-.Ltmp3, $4  }
0x36: {  	_ = 	snop  }
0x37: {  	s15 =	sshra.s32 s15, $0x2  }
0x38: {  	s15 =	sadd.s32 s15, s16  }
0x39: {  	s18 =	sadd.s32 $0x20, s18;
	[tilespmem:s15+$0x810 ss:$0x81] =	vst.msk $0xffff, v1  }
.Ltmp4:
0x3a: {  	_ = 	snop;
	(pc) =	sbr.rel .LBB1_4-.Ltmp4, $1  }
0x3b: {  	_ =	sdelay $0x3  }
.LBB1_6:
0x3c: {  	_ =	sfence.sel $0x180000  }
0x3d: {  	s2 =	simm.s32 $0x1;
	[bflag:$0x0] =	sbarrier.arrive $0xFFFF  }
0x3e: {  	s31 =	simm.s32 $0x2;
	[sflag:s2] =	ssyncpa.u1 $0x1  }
0x3f: {  	[sflag:s31] =	ssyncpa.u1 $0x1  }
0x40: {  	p0 =	sne.s32 s0, $0x0;
	_ =	strace $0x9000004A  }
0x41: {  	s0 =	sadd.s32 @!p0 $0x100000, s1;
	[bflag:$0x2] =	sbarrier.arrive $0xFFFF  }
0x42: {  	[sflag:s0] =	ssyncadd.tile.s32 @!p0 $0x1;
	_ =	shalt  }
.Lfunc_end1:
_tile_overlayer_lowered:
.L_overlay_start_2:
0x43: {  	(tag) =	ssettag $0x2  }
0x44: {  	s0 =	rddreg [dreg:$0x0];
	s2 =	stileid.u32  }
0x45: {  	s1 =	rddreg [dreg:$0x1];
	p0 =	sne.s32 s2, $0x0  }
0x46: {  	s3 =	rddreg [dreg:$0x2];
	[bflag:$0x3] =	sbarrier.arrive $0xFFFF;
	s2 =	simm.s32 @!p0 $0x1C01  }
0x47: {  	[timem:s3], [sflag:s2] =	dma.local @!p0 [hbm:s0], s1  }
0x48: {  	s0 =	simm.s32 @!p0 $0x1  }
0x49: {  	_ =	swait.ge @!p0 [sflag:s0], s1  }
0x4a: {  	s1 =	ssub.s32 @!p0 $0x0, s1;
	[sflag:s0] =	ssyncset.done @!p0 $0x0  }
0x4b: {  	[sflag:s0] =	ssyncadd.s32 @!p0 s1  }
0x4c: {  	[bflag:$0x3] =	sbarrier.arrive $0xFFFF  }
0x4d: {  	_ =	shalt  }

</sc_bundles>
